<compile_context>
chip_gen: v7x
topology: tpu7x:2x2x1
jax: 0.10.2.dev20260603
libtpu: 0.0.44.dev20260713+nightly
codegen_flags: <defaults>
</compile_context>

<pallas_src>
import jax
import jax.numpy as jnp
from jax import lax
from jax.experimental import pallas as pl
from jax.experimental.pallas import tpu as pltpu
from jax.experimental.pallas import tpu_sc as plsc

N = 10000
E = 160000
D = 256
DE = 16
H = 256
NODE_OUT = 5
EDGE_OUT = 2

NC, NS, L = 2, 16, 16
NW = NC * NS
EPW = E // NW
CH = 100
NCH = EPW // CH
NP = 4
HP = H // NP
KC = HP // L
N_PAD = 10240
SRS = N_PAD // NS
ZCH = 80



def _tables_body(x_ref, w_ref, o_ref):
    o_ref[0] = jnp.dot(x_ref[...], w_ref[0],
                       preferred_element_type=jnp.float32)


def _make_tables(x, wcat):
    bn = 2000
    return pl.pallas_call(
        _tables_body,
        grid=(N // bn, 2 * NP),
        in_specs=[
            pl.BlockSpec((bn, D), lambda i, j: (i, 0)),
            pl.BlockSpec((1, D, HP), lambda i, j: (j, 0, 0)),
        ],
        out_specs=pl.BlockSpec((1, bn, HP), lambda i, j: (j, i, 0)),
        out_shape=jax.ShapeDtypeStruct((2 * NP, N, HP), jnp.float32),
    )(x, wcat)



def _ec_body(ea_ref, w_ref, b_ref, o_ref):
    y = (jnp.dot(ea_ref[...], w_ref[0],
                 preferred_element_type=jnp.float32) + b_ref[0])
    o_ref[0] = y.reshape(o_ref.shape[1:])


def _make_ec(ea, wc, be1r):
    be = 4000
    return pl.pallas_call(
        _ec_body,
        grid=(E // be, NP),
        in_specs=[
            pl.BlockSpec((be, DE), lambda i, j: (i, 0)),
            pl.BlockSpec((1, DE, HP), lambda i, j: (j, 0, 0)),
            pl.BlockSpec((1, 1, HP), lambda i, j: (j, 0, 0)),
        ],
        out_specs=pl.BlockSpec((1, be // CH, CH, HP), lambda i, j: (j, i, 0, 0)),
        out_shape=jax.ShapeDtypeStruct((NP, E // CH, CH, HP), jnp.float32),
    )(ea, wc, be1r)



def _edge_sc(tabs, ecs4, ei4, w2t, be2p,
             ep_out, agg_out,
             src_v, dst_v, a_buf0, a_buf1, b_buf0, b_buf1, h_buf0,
             ec_buf, ep_buf, w2_v, be2_v, agg_sp,
             sem_a0, sem_a1, sem_b0, sem_b1, sem_h0):

    c = lax.axis_index("c")
    s = lax.axis_index("s")
    wid = s * NC + c

    pltpu.sync_copy(ei4.at[0].at[wid], src_v)
    pltpu.sync_copy(ei4.at[1].at[wid], dst_v)
    pltpu.sync_copy(w2t, w2_v)
    pltpu.sync_copy(be2p, be2_v)

    be2vec = be2_v[...]
    lanes = lax.iota(jnp.int32, L)
    mask15 = lanes == (L - 1)
    zeros = jnp.zeros((L,), jnp.float32)
    init0 = jnp.where(lanes == 0, be2vec, zeros)
    init1 = jnp.where(lanes == 1, be2vec, zeros)

    a_bufs = (a_buf0, a_buf1)
    b_bufs = (b_buf0, b_buf1)
    sems_a = (sem_a0, sem_a1)
    sems_b = (sem_b0, sem_b1)
    sems_h = (sem_h0,)

    for p in range(NP):
        def _zero_h(i, carry):
            for k in range(KC):
                h_buf0[i, pl.ds(k * L, L)] = zeros
            return carry
        lax.fori_loop(0, CH, _zero_h, 0)
        r0 = s * SRS
        for q in range(SRS // ZCH):
            pltpu.sync_copy(h_buf0.at[pl.ds(0, ZCH)],
                            agg_sp.at[pl.ds(r0 + q * ZCH, ZCH)])
        plsc.subcore_barrier()

        wa = [w2_v[p, 0, pl.ds(k * L, L)] for k in range(KC)]
        wb = [w2_v[p, 1, pl.ds(k * L, L)] for k in range(KC)]

        def _pair(g, carry):
            descs = []
            for par in range(2):
                ch = g * 2 + par
                descs.append((
                    pltpu.async_copy(tabs.at[p].at[src_v.at[ch]],
                                     a_bufs[par], sems_a[par]),
                    pltpu.async_copy(tabs.at[NP + p].at[dst_v.at[ch]],
                                     b_bufs[par], sems_b[par])))
            for par in range(2):
                ch = g * 2 + par
                au, bu = a_bufs[par], b_bufs[par]
                da, db = descs[par]
                da.wait()
                db.wait()
                pltpu.sync_copy(ecs4.at[p].at[wid * NCH + ch], ec_buf)

                def _edge(e, inner):
                    if p == 0:
                        acc0, acc1 = init0, init1
                    else:
                        acc0, acc1 = zeros, zeros
                    for k in range(KC):
                        sl = pl.ds(k * L, L)
                        h = jnp.maximum(au[e, sl] + bu[e, sl] + ec_buf[e, sl],
                                        0.0)
                        h_buf0[e, sl] = h
                        acc0 = acc0 + h * wa[k]
                        acc1 = acc1 + h * wb[k]
                    r0v = plsc.cumsum(acc0)
                    r1v = plsc.cumsum(acc1)
                    erow = jnp.full((L,), 0, jnp.int32) + (ch * CH + e)
                    col0 = jnp.zeros((L,), jnp.int32)
                    col1 = col0 + 1
                    if p == 0:
                        plsc.store_scatter(ep_buf, [erow, col0], r0v,
                                           mask=mask15)
                        plsc.store_scatter(ep_buf, [erow, col1], r1v,
                                           mask=mask15)
                    else:
                        old0 = plsc.load_gather(ep_buf, [erow, col0],
                                                mask=mask15)
                        old1 = plsc.load_gather(ep_buf, [erow, col1],
                                                mask=mask15)
                        plsc.store_scatter(ep_buf, [erow, col0], old0 + r0v,
                                           mask=mask15)
                        plsc.store_scatter(ep_buf, [erow, col1], old1 + r1v,
                                           mask=mask15)
                    return inner
                lax.fori_loop(0, CH, _edge, 0)
                pltpu.async_copy(h_buf0, agg_sp.at[dst_v.at[ch]],
                                 sems_h[0], add=True).wait()
            return carry
        lax.fori_loop(0, NCH // 2, _pair, 0)
        plsc.subcore_barrier()
        pltpu.sync_copy(agg_sp.at[pl.ds(s * SRS, SRS)],
                        agg_out.at[c, p, pl.ds(s * SRS, SRS)])
        plsc.subcore_barrier()

    pltpu.sync_copy(ep_buf, ep_out.at[pl.ds(wid * EPW, EPW)])


def _make_edge_call():
    mesh = plsc.VectorSubcoreMesh(core_axis_name="c", subcore_axis_name="s",
                                  num_cores=NC, num_subcores=NS)
    return pl.kernel(
        _edge_sc,
        out_type=[
            jax.ShapeDtypeStruct((E, EDGE_OUT), jnp.float32),
            jax.ShapeDtypeStruct((NC, NP, N_PAD, HP), jnp.float32),
        ],
        mesh=mesh,
        compiler_params=pltpu.CompilerParams(needs_layout_passes=False,
                                             use_tc_tiling_on_sc=False),
        scratch_types=[
            pltpu.VMEM((NCH, CH), jnp.int32),
            pltpu.VMEM((NCH, CH), jnp.int32),
            pltpu.VMEM((CH, HP), jnp.float32),
            pltpu.VMEM((CH, HP), jnp.float32),
            pltpu.VMEM((CH, HP), jnp.float32),
            pltpu.VMEM((CH, HP), jnp.float32),
            pltpu.VMEM((CH, HP), jnp.float32),
            pltpu.VMEM((CH, HP), jnp.float32),
            pltpu.VMEM((EPW, EDGE_OUT), jnp.float32),
            pltpu.VMEM((NP, EDGE_OUT, HP), jnp.float32),
            pltpu.VMEM((L,), jnp.float32),
            pltpu.VMEM_SHARED((N_PAD, HP), jnp.float32),
            pltpu.SemaphoreType.DMA,
            pltpu.SemaphoreType.DMA,
            pltpu.SemaphoreType.DMA,
            pltpu.SemaphoreType.DMA,
            pltpu.SemaphoreType.DMA,
        ],
    )



def _node_body(x_ref, p_ref, wx_ref, wa_ref, b1_ref, w2_ref, b2_ref, o_ref):
    h = jnp.dot(x_ref[...], wx_ref[...], preferred_element_type=jnp.float32)
    for q in range(NP):
        agg_q = p_ref[0, q] + p_ref[1, q]
        h = h + jnp.dot(agg_q, wa_ref[q], preferred_element_type=jnp.float32)
    h = jnp.maximum(h + b1_ref[...], 0.0)
    o_ref[...] = (jnp.dot(h, w2_ref[...], preferred_element_type=jnp.float32)
                  + b2_ref[...])


def _node_call(x, aggp, wx, wa, b1r, w2, b2r):
    bn = 2000
    return pl.pallas_call(
        _node_body,
        grid=(N // bn,),
        in_specs=[
            pl.BlockSpec((bn, D), lambda i: (i, 0)),
            pl.BlockSpec((NC, NP, bn, HP), lambda i: (0, 0, i, 0)),
            pl.BlockSpec((D, H), lambda i: (0, 0)),
            pl.BlockSpec((NP, HP, H), lambda i: (0, 0, 0)),
            pl.BlockSpec((1, H), lambda i: (0, 0)),
            pl.BlockSpec((H, NODE_OUT), lambda i: (0, 0)),
            pl.BlockSpec((1, NODE_OUT), lambda i: (0, 0)),
        ],
        out_specs=pl.BlockSpec((bn, NODE_OUT), lambda i: (i, 0)),
        out_shape=jax.ShapeDtypeStruct((N, NODE_OUT), jnp.float32),
    )(x, aggp, wx, wa, b1r, w2, b2r)


_edge_call = _make_edge_call()


def kernel(x, edge_index, edge_attr, We1, be1, We2, be2, Wn1, bn1, Wn2, bn2):
    wcat = jnp.concatenate([We1[:D], We1[D:2 * D]], axis=1)
    wcat_r = wcat.reshape(D, 2 * NP, HP).transpose(1, 0, 2)
    tabs = _make_tables(x, wcat_r)
    wc_r = We1[2 * D:].reshape(DE, NP, HP).transpose(1, 0, 2)
    ec = _make_ec(edge_attr, wc_r, be1.reshape(NP, 1, HP))

    ei4 = edge_index.reshape(2, NW, NCH, CH)
    w2t = We2.reshape(NP, HP, EDGE_OUT).transpose(0, 2, 1)
    be2p = jnp.zeros((L,), jnp.float32).at[:EDGE_OUT].set(be2)

    ep, aggp = _edge_call(tabs, ec, ei4, w2t, be2p)

    node_pred = _node_call(x, aggp, Wn1[:D],
                           Wn1[D:].reshape(NP, HP, H), bn1.reshape(1, H),
                           Wn2, bn2.reshape(1, NODE_OUT))
    return node_pred, ep

# --- scband reference (transcript-rebuilt; emitter-appended) ---
"""Pipeline reference for scband-particle-net-31945966748246 (READ-ONLY COPY).

The authoritative reference and input builder live on the scoring server;
editing this copy changes nothing except your own understanding.
"""

import jax, jax.numpy as jnp
import numpy as np

N = 10000     # n_nodes (clusters)
E = 160000    # n_edges
D = 256       # node feature dim
DE = 16       # edge feature dim
H = 256       # hidden dim
NODE_OUT = 5  # node_pred classes
EDGE_OUT = 2  # edge_pred classes (on/off edge)


def setup_inputs(seed: int = 0) -> dict:
    key = jax.random.key(seed)
    ks = jax.random.split(key, 12)
    x = jax.random.normal(ks[0], (N, D), dtype=jnp.float32)
    # int64 per spec; jax defaults to int32 without x64 which is value-equivalent here
    edge_index = jax.random.randint(ks[1], (2, E), 0, N, dtype=jnp.int32)
    edge_attr = jax.random.normal(ks[2], (E, DE), dtype=jnp.float32)
    # Learned parameters: edge MLP (MetaLayer EdgeModel) and node MLP (NodeModel)
    We1 = jax.random.normal(ks[3], (2 * D + DE, H), dtype=jnp.float32) * 0.05
    be1 = jnp.zeros((H,), dtype=jnp.float32)
    We2 = jax.random.normal(ks[4], (H, EDGE_OUT), dtype=jnp.float32) * 0.05
    be2 = jnp.zeros((EDGE_OUT,), dtype=jnp.float32)
    Wn1 = jax.random.normal(ks[5], (D + H, H), dtype=jnp.float32) * 0.05
    bn1 = jnp.zeros((H,), dtype=jnp.float32)
    Wn2 = jax.random.normal(ks[6], (H, NODE_OUT), dtype=jnp.float32) * 0.05
    bn2 = jnp.zeros((NODE_OUT,), dtype=jnp.float32)
    return {"x": x, "edge_index": edge_index, "edge_attr": edge_attr,
            "We1": We1, "be1": be1, "We2": We2, "be2": be2,
            "Wn1": Wn1, "bn1": bn1, "Wn2": Wn2, "bn2": bn2}


def reference(x, edge_index, edge_attr, We1, be1, We2, be2, Wn1, bn1, Wn2, bn2):
    # Core ParticleNet GNN pass (MetaLayer-style):
    # edge model: gather endpoint node features + geometric edge features -> MLP
    src = edge_index[0]
    dst = edge_index[1]
    e_in = jnp.concatenate([jnp.take(x, src, axis=0), jnp.take(x, dst, axis=0), edge_attr], axis=-1)
    h_e = jax.nn.relu(e_in @ We1 + be1)          # [E, H]
    edge_pred = h_e @ We2 + be2                   # [E, EDGE_OUT]
    # node model: scatter-add edge messages to destination nodes, then MLP
    agg = jax.ops.segment_sum(h_e, dst, num_segments=x.shape[0])  # [N, H]
    n_in = jnp.concatenate([x, agg], axis=-1)
    h_n = jax.nn.relu(n_in @ Wn1 + bn1)
    node_pred = h_n @ Wn2 + bn2                   # [N, NODE_OUT]
    return node_pred, edge_pred

if __name__ == "__main__":
    import jax
    _d = setup_inputs()
    print(jax.jit(kernel)(*tuple(_d.values())))

</pallas_src>

<mosaic_0001>
#map = affine_map<(d0, d1) -> (0, 0, 0)>
#map1 = affine_map<(d0, d1) -> (0, 0, 0, 0)>
#map2 = affine_map<(d0, d1) -> (0)>
#map3 = affine_map<(d0, d1) -> (0, 0)>
module attributes {stable_mosaic.version = 14 : i64} {
  func.func @_edge_sc(%arg0: i32, %arg1: i32, %arg2: memref<8x10000x64xf32, #tpu.memory_space<hbm>>, %arg3: memref<4x1600x100x64xf32, #tpu.memory_space<hbm>>, %arg4: memref<2x32x50x100xi32, #tpu.memory_space<hbm>>, %arg5: memref<4x2x64xf32, #tpu.memory_space<hbm>>, %arg6: memref<16xf32, #tpu.memory_space<hbm>>, %arg7: memref<160000x2xf32, #tpu.memory_space<hbm>>, %arg8: memref<2x4x10240x64xf32, #tpu.memory_space<hbm>>, %arg9: memref<50x100xi32, #tpu.memory_space<vmem>>, %arg10: memref<50x100xi32, #tpu.memory_space<vmem>>, %arg11: memref<100x64xf32, #tpu.memory_space<vmem>>, %arg12: memref<100x64xf32, #tpu.memory_space<vmem>>, %arg13: memref<100x64xf32, #tpu.memory_space<vmem>>, %arg14: memref<100x64xf32, #tpu.memory_space<vmem>>, %arg15: memref<100x64xf32, #tpu.memory_space<vmem>>, %arg16: memref<100x64xf32, #tpu.memory_space<vmem>>, %arg17: memref<5000x2xf32, #tpu.memory_space<vmem>>, %arg18: memref<4x2x64xf32, #tpu.memory_space<vmem>>, %arg19: memref<16xf32, #tpu.memory_space<vmem>>, %arg20: memref<10240x64xf32, #tpu.memory_space<vmem_shared>>, %arg21: memref<!tpu.dma_semaphore, #tpu.memory_space<semaphore_mem>>, %arg22: memref<!tpu.dma_semaphore, #tpu.memory_space<semaphore_mem>>, %arg23: memref<!tpu.dma_semaphore, #tpu.memory_space<semaphore_mem>>, %arg24: memref<!tpu.dma_semaphore, #tpu.memory_space<semaphore_mem>>, %arg25: memref<!tpu.dma_semaphore, #tpu.memory_space<semaphore_mem>>) attributes {dimension_semantics = [#tpu.dimension_semantics<core_parallel>, #tpu.dimension_semantics<subcore_parallel>], iteration_bounds = array<i64: 2, 16>, scalar_prefetch = 0 : i64, scratch_operands = 17 : i64, tpu.core_type = #tpu.core_type<sc_vector_subcore>, window_params = [{transform_indices = #map}, {transform_indices = #map1}, {transform_indices = #map1}, {transform_indices = #map}, {transform_indices = #map2}, {transform_indices = #map3}, {transform_indices = #map1}]} {
    %mul3A = arith.constant 2 : i32
    %mul3A_0 = arith.muli %arg1, %mul3A : i32
    %add3A = arith.addi %mul3A_0, %arg0 : i32
    %run_scoped3A = arith.constant 0 : i32
    "tpu.region"() ({
      %run_scoped3A_357 = tpu.sem_alloc : memref<!tpu.dma_semaphore, #tpu.memory_space<semaphore_mem>>
      %dma_start3A = arith.constant 0 : i32
      %dma_start3A_358 = arith.constant 0 : i32
      %dma_start3A_359 = arith.constant 0 : i32
      %dma_start3A_360 = tpu.memref_slice %arg4[%run_scoped3A, %dma_start3A, %dma_start3A_358, %dma_start3A_359] : memref<2x32x50x100xi32, #tpu.memory_space<hbm>> -> memref<1x32x50x100xi32, #tpu.memory_space<hbm>>
      %dma_start3A_361 = tpu.memref_squeeze %dma_start3A_360 : memref<1x32x50x100xi32, #tpu.memory_space<hbm>> -> memref<32x50x100xi32, #tpu.memory_space<hbm>>
      %dma_start3A_362 = arith.constant 0 : i32
      %dma_start3A_363 = arith.constant 0 : i32
      %dma_start3A_364 = tpu.memref_slice %dma_start3A_361[%add3A, %dma_start3A_362, %dma_start3A_363] : memref<32x50x100xi32, #tpu.memory_space<hbm>> -> memref<1x50x100xi32, #tpu.memory_space<hbm>>
      %dma_start3A_365 = tpu.memref_squeeze %dma_start3A_364 : memref<1x50x100xi32, #tpu.memory_space<hbm>> -> memref<50x100xi32, #tpu.memory_space<hbm>>
      %dma_start3A_366 = arith.constant 0 : i32
      %dma_start3A_367 = arith.constant 0 : i32
      %dma_start3A_368 = arith.constant 0 : i32
      %dma_start3A_369 = tpu.memref_slice %arg4[%run_scoped3A, %dma_start3A_366, %dma_start3A_367, %dma_start3A_368] : memref<2x32x50x100xi32, #tpu.memory_space<hbm>> -> memref<1x32x50x100xi32, #tpu.memory_space<hbm>>
      %dma_start3A_370 = tpu.memref_squeeze %dma_start3A_369 : memref<1x32x50x100xi32, #tpu.memory_space<hbm>> -> memref<32x50x100xi32, #tpu.memory_space<hbm>>
      %dma_start3A_371 = arith.constant 0 : i32
      %dma_start3A_372 = arith.constant 0 : i32
      %dma_start3A_373 = tpu.memref_slice %dma_start3A_370[%add3A, %dma_start3A_371, %dma_start3A_372] : memref<32x50x100xi32, #tpu.memory_space<hbm>> -> memref<1x50x100xi32, #tpu.memory_space<hbm>>
      %dma_start3A_374 = tpu.memref_squeeze %dma_start3A_373 : memref<1x50x100xi32, #tpu.memory_space<hbm>> -> memref<50x100xi32, #tpu.memory_space<hbm>>
      tpu.enqueue_dma source(%dma_start3A_374 : memref<50x100xi32, #tpu.memory_space<hbm>>) target(%arg9 : memref<50x100xi32, #tpu.memory_space<vmem>>) target_semaphore(%run_scoped3A_357 : memref<!tpu.dma_semaphore, #tpu.memory_space<semaphore_mem>>)
      %dma_wait3A = arith.constant 0 : i32
      %dma_wait3A_375 = arith.constant 0 : i32
      %dma_wait3A_376 = arith.constant 0 : i32
      %dma_wait3A_377 = tpu.memref_slice %arg4[%run_scoped3A, %dma_wait3A, %dma_wait3A_375, %dma_wait3A_376] : memref<2x32x50x100xi32, #tpu.memory_space<hbm>> -> memref<1x32x50x100xi32, #tpu.memory_space<hbm>>
      %dma_wait3A_378 = tpu.memref_squeeze %dma_wait3A_377 : memref<1x32x50x100xi32, #tpu.memory_space<hbm>> -> memref<32x50x100xi32, #tpu.memory_space<hbm>>
      %dma_wait3A_379 = arith.constant 0 : i32
      %dma_wait3A_380 = arith.constant 0 : i32
      %dma_wait3A_381 = tpu.memref_slice %dma_wait3A_378[%add3A, %dma_wait3A_379, %dma_wait3A_380] : memref<32x50x100xi32, #tpu.memory_space<hbm>> -> memref<1x50x100xi32, #tpu.memory_space<hbm>>
      %dma_wait3A_382 = tpu.memref_squeeze %dma_wait3A_381 : memref<1x50x100xi32, #tpu.memory_space<hbm>> -> memref<50x100xi32, #tpu.memory_space<hbm>>
      %dma_wait3A_383 = arith.constant 0 : i32
      %dma_wait3A_384 = arith.constant 0 : i32
      %dma_wait3A_385 = arith.constant 0 : i32
      %dma_wait3A_386 = tpu.memref_slice %arg4[%run_scoped3A, %dma_wait3A_383, %dma_wait3A_384, %dma_wait3A_385] : memref<2x32x50x100xi32, #tpu.memory_space<hbm>> -> memref<1x32x50x100xi32, #tpu.memory_space<hbm>>
      %dma_wait3A_387 = tpu.memref_squeeze %dma_wait3A_386 : memref<1x32x50x100xi32, #tpu.memory_space<hbm>> -> memref<32x50x100xi32, #tpu.memory_space<hbm>>
      %dma_wait3A_388 = arith.constant 0 : i32
      %dma_wait3A_389 = arith.constant 0 : i32
      %dma_wait3A_390 = tpu.memref_slice %dma_wait3A_387[%add3A, %dma_wait3A_388, %dma_wait3A_389] : memref<32x50x100xi32, #tpu.memory_space<hbm>> -> memref<1x50x100xi32, #tpu.memory_space<hbm>>
      %dma_wait3A_391 = tpu.memref_squeeze %dma_wait3A_390 : memref<1x50x100xi32, #tpu.memory_space<hbm>> -> memref<50x100xi32, #tpu.memory_space<hbm>>
      tpu.wait_dma2 semaphore(%run_scoped3A_357 : memref<!tpu.dma_semaphore, #tpu.memory_space<semaphore_mem>>) src(%dma_wait3A_391 : memref<50x100xi32, #tpu.memory_space<hbm>>) dst(%arg9 : memref<50x100xi32, #tpu.memory_space<vmem>>)
      tpu.yield
    }) : () -> ()
    %run_scoped3A_1 = arith.constant 1 : i32
    "tpu.region"() ({
      %run_scoped3A_357 = tpu.sem_alloc : memref<!tpu.dma_semaphore, #tpu.memory_space<semaphore_mem>>
      %dma_start3A = arith.constant 0 : i32
      %dma_start3A_358 = arith.constant 0 : i32
      %dma_start3A_359 = arith.constant 0 : i32
      %dma_start3A_360 = tpu.memref_slice %arg4[%run_scoped3A_1, %dma_start3A, %dma_start3A_358, %dma_start3A_359] : memref<2x32x50x100xi32, #tpu.memory_space<hbm>> -> memref<1x32x50x100xi32, #tpu.memory_space<hbm>>
      %dma_start3A_361 = tpu.memref_squeeze %dma_start3A_360 : memref<1x32x50x100xi32, #tpu.memory_space<hbm>> -> memref<32x50x100xi32, #tpu.memory_space<hbm>>
      %dma_start3A_362 = arith.constant 0 : i32
      %dma_start3A_363 = arith.constant 0 : i32
      %dma_start3A_364 = tpu.memref_slice %dma_start3A_361[%add3A, %dma_start3A_362, %dma_start3A_363] : memref<32x50x100xi32, #tpu.memory_space<hbm>> -> memref<1x50x100xi32, #tpu.memory_space<hbm>>
      %dma_start3A_365 = tpu.memref_squeeze %dma_start3A_364 : memref<1x50x100xi32, #tpu.memory_space<hbm>> -> memref<50x100xi32, #tpu.memory_space<hbm>>
      %dma_start3A_366 = arith.constant 0 : i32
      %dma_start3A_367 = arith.constant 0 : i32
      %dma_start3A_368 = arith.constant 0 : i32
      %dma_start3A_369 = tpu.memref_slice %arg4[%run_scoped3A_1, %dma_start3A_366, %dma_start3A_367, %dma_start3A_368] : memref<2x32x50x100xi32, #tpu.memory_space<hbm>> -> memref<1x32x50x100xi32, #tpu.memory_space<hbm>>
      %dma_start3A_370 = tpu.memref_squeeze %dma_start3A_369 : memref<1x32x50x100xi32, #tpu.memory_space<hbm>> -> memref<32x50x100xi32, #tpu.memory_space<hbm>>
      %dma_start3A_371 = arith.constant 0 : i32
      %dma_start3A_372 = arith.constant 0 : i32
      %dma_start3A_373 = tpu.memref_slice %dma_start3A_370[%add3A, %dma_start3A_371, %dma_start3A_372] : memref<32x50x100xi32, #tpu.memory_space<hbm>> -> memref<1x50x100xi32, #tpu.memory_space<hbm>>
      %dma_start3A_374 = tpu.memref_squeeze %dma_start3A_373 : memref<1x50x100xi32, #tpu.memory_space<hbm>> -> memref<50x100xi32, #tpu.memory_space<hbm>>
      tpu.enqueue_dma source(%dma_start3A_374 : memref<50x100xi32, #tpu.memory_space<hbm>>) target(%arg10 : memref<50x100xi32, #tpu.memory_space<vmem>>) target_semaphore(%run_scoped3A_357 : memref<!tpu.dma_semaphore, #tpu.memory_space<semaphore_mem>>)
      %dma_wait3A = arith.constant 0 : i32
      %dma_wait3A_375 = arith.constant 0 : i32
      %dma_wait3A_376 = arith.constant 0 : i32
      %dma_wait3A_377 = tpu.memref_slice %arg4[%run_scoped3A_1, %dma_wait3A, %dma_wait3A_375, %dma_wait3A_376] : memref<2x32x50x100xi32, #tpu.memory_space<hbm>> -> memref<1x32x50x100xi32, #tpu.memory_space<hbm>>
      %dma_wait3A_378 = tpu.memref_squeeze %dma_wait3A_377 : memref<1x32x50x100xi32, #tpu.memory_space<hbm>> -> memref<32x50x100xi32, #tpu.memory_space<hbm>>
      %dma_wait3A_379 = arith.constant 0 : i32
      %dma_wait3A_380 = arith.constant 0 : i32
      %dma_wait3A_381 = tpu.memref_slice %dma_wait3A_378[%add3A, %dma_wait3A_379, %dma_wait3A_380] : memref<32x50x100xi32, #tpu.memory_space<hbm>> -> memref<1x50x100xi32, #tpu.memory_space<hbm>>
      %dma_wait3A_382 = tpu.memref_squeeze %dma_wait3A_381 : memref<1x50x100xi32, #tpu.memory_space<hbm>> -> memref<50x100xi32, #tpu.memory_space<hbm>>
      %dma_wait3A_383 = arith.constant 0 : i32
      %dma_wait3A_384 = arith.constant 0 : i32
      %dma_wait3A_385 = arith.constant 0 : i32
      %dma_wait3A_386 = tpu.memref_slice %arg4[%run_scoped3A_1, %dma_wait3A_383, %dma_wait3A_384, %dma_wait3A_385] : memref<2x32x50x100xi32, #tpu.memory_space<hbm>> -> memref<1x32x50x100xi32, #tpu.memory_space<hbm>>
      %dma_wait3A_387 = tpu.memref_squeeze %dma_wait3A_386 : memref<1x32x50x100xi32, #tpu.memory_space<hbm>> -> memref<32x50x100xi32, #tpu.memory_space<hbm>>
      %dma_wait3A_388 = arith.constant 0 : i32
      %dma_wait3A_389 = arith.constant 0 : i32
      %dma_wait3A_390 = tpu.memref_slice %dma_wait3A_387[%add3A, %dma_wait3A_388, %dma_wait3A_389] : memref<32x50x100xi32, #tpu.memory_space<hbm>> -> memref<1x50x100xi32, #tpu.memory_space<hbm>>
      %dma_wait3A_391 = tpu.memref_squeeze %dma_wait3A_390 : memref<1x50x100xi32, #tpu.memory_space<hbm>> -> memref<50x100xi32, #tpu.memory_space<hbm>>
      tpu.wait_dma2 semaphore(%run_scoped3A_357 : memref<!tpu.dma_semaphore, #tpu.memory_space<semaphore_mem>>) src(%dma_wait3A_391 : memref<50x100xi32, #tpu.memory_space<hbm>>) dst(%arg10 : memref<50x100xi32, #tpu.memory_space<vmem>>)
      tpu.yield
    }) : () -> ()
    "tpu.region"() ({
      %run_scoped3A_357 = tpu.sem_alloc : memref<!tpu.dma_semaphore, #tpu.memory_space<semaphore_mem>>
      tpu.enqueue_dma source(%arg5 : memref<4x2x64xf32, #tpu.memory_space<hbm>>) target(%arg18 : memref<4x2x64xf32, #tpu.memory_space<vmem>>) target_semaphore(%run_scoped3A_357 : memref<!tpu.dma_semaphore, #tpu.memory_space<semaphore_mem>>)
      tpu.wait_dma2 semaphore(%run_scoped3A_357 : memref<!tpu.dma_semaphore, #tpu.memory_space<semaphore_mem>>) src(%arg5 : memref<4x2x64xf32, #tpu.memory_space<hbm>>) dst(%arg18 : memref<4x2x64xf32, #tpu.memory_space<vmem>>)
      tpu.yield
    }) : () -> ()
    "tpu.region"() ({
      %run_scoped3A_357 = tpu.sem_alloc : memref<!tpu.dma_semaphore, #tpu.memory_space<semaphore_mem>>
      tpu.enqueue_dma source(%arg6 : memref<16xf32, #tpu.memory_space<hbm>>) target(%arg19 : memref<16xf32, #tpu.memory_space<vmem>>) target_semaphore(%run_scoped3A_357 : memref<!tpu.dma_semaphore, #tpu.memory_space<semaphore_mem>>)
      tpu.wait_dma2 semaphore(%run_scoped3A_357 : memref<!tpu.dma_semaphore, #tpu.memory_space<semaphore_mem>>) src(%arg6 : memref<16xf32, #tpu.memory_space<hbm>>) dst(%arg19 : memref<16xf32, #tpu.memory_space<vmem>>)
      tpu.yield
    }) : () -> ()
    %get3A = arith.constant 0 : index
    %get3A_2 = tpu.vector_load %arg19[%get3A] {strides = array<i32>} : memref<16xf32, #tpu.memory_space<vmem>>, vector<16xf32>,
    %iota3A = tpu.iota {dimensions = array<i32: 0>} : vector<16xi32>
    %eq3A = arith.constant 15 : i32
    %eq3A_3 = vector.broadcast %eq3A : i32 to vector<16xi32>
    %eq3A_4 = arith.cmpi eq, %iota3A, %eq3A_3 : vector<16xi32>
    %broadcast_in_dim3A = arith.constant 0.000000e+00 : f32
    %broadcast_in_dim3A_5 = vector.broadcast %broadcast_in_dim3A : f32 to vector<16xf32>
    %eq3A_6 = arith.constant 0 : i32
    %eq3A_7 = vector.broadcast %eq3A_6 : i32 to vector<16xi32>
    %eq3A_8 = arith.cmpi eq, %iota3A, %eq3A_7 : vector<16xi32>
    %select_n3A = arith.select %eq3A_8, %get3A_2, %broadcast_in_dim3A_5 : vector<16xi1>, vector<16xf32>
    %eq3A_9 = arith.constant 1 : i32
    %eq3A_10 = vector.broadcast %eq3A_9 : i32 to vector<16xi32>
    %eq3A_11 = arith.cmpi eq, %iota3A, %eq3A_10 : vector<16xi32>
    %select_n3A_12 = arith.select %eq3A_11, %get3A_2, %broadcast_in_dim3A_5 : vector<16xi1>, vector<16xf32>
    %scan3A = arith.constant 0 : i32
    %scan3A_13 = arith.constant 0 : i32
    %scan3A_14 = arith.constant 100 : i32
    %scan3A_15 = arith.addi %scan3A_13, %scan3A_14 : i32
    %scan3A_16 = arith.constant 1 : i32
    scf.for %scan3A_357 = %scan3A_13 to %scan3A_15 step %scan3A_16  : i32 {
      %swap3A = arith.index_cast %scan3A_357 : i32 to index
      %swap3A_358 = arith.constant 0 : index
      %swap3A_359 = tpu.vector_load %arg15[%swap3A, %swap3A_358] {strides = array<i32>} : memref<100x64xf32, #tpu.memory_space<vmem>>, vector<16xf32>,
      tpu.vector_store %arg15[%swap3A, %swap3A_358], %broadcast_in_dim3A_5 {strides = array<i32>} : memref<100x64xf32, #tpu.memory_space<vmem>>, vector<16xf32>,
      %swap3A_360 = arith.index_cast %scan3A_357 : i32 to index
      %swap3A_361 = arith.constant 16 : index
      %swap3A_362 = tpu.vector_load %arg15[%swap3A_360, %swap3A_361] {strides = array<i32>} : memref<100x64xf32, #tpu.memory_space<vmem>>, vector<16xf32>,
      tpu.vector_store %arg15[%swap3A_360, %swap3A_361], %broadcast_in_dim3A_5 {strides = array<i32>} : memref<100x64xf32, #tpu.memory_space<vmem>>, vector<16xf32>,
      %swap3A_363 = arith.index_cast %scan3A_357 : i32 to index
      %swap3A_364 = arith.constant 32 : index
      %swap3A_365 = tpu.vector_load %arg15[%swap3A_363, %swap3A_364] {strides = array<i32>} : memref<100x64xf32, #tpu.memory_space<vmem>>, vector<16xf32>,
      tpu.vector_store %arg15[%swap3A_363, %swap3A_364], %broadcast_in_dim3A_5 {strides = array<i32>} : memref<100x64xf32, #tpu.memory_space<vmem>>, vector<16xf32>,
      %swap3A_366 = arith.index_cast %scan3A_357 : i32 to index
      %swap3A_367 = arith.constant 48 : index
      %swap3A_368 = tpu.vector_load %arg15[%swap3A_366, %swap3A_367] {strides = array<i32>} : memref<100x64xf32, #tpu.memory_space<vmem>>, vector<16xf32>,
      tpu.vector_store %arg15[%swap3A_366, %swap3A_367], %broadcast_in_dim3A_5 {strides = array<i32>} : memref<100x64xf32, #tpu.memory_space<vmem>>, vector<16xf32>,
    }
    %scan3A_17 = arith.constant 100 : i32
    %mul3A_18 = arith.constant 640 : i32
    %mul3A_19 = arith.muli %arg1, %mul3A_18 : i32
    %add3A_20 = arith.constant 0 : i32
    %add3A_21 = arith.addi %mul3A_19, %add3A_20 : i32
    "tpu.region"() ({
      %run_scoped3A_357 = tpu.sem_alloc : memref<!tpu.dma_semaphore, #tpu.memory_space<semaphore_mem>>
      %dma_start3A = arith.constant 0 : i32
      %dma_start3A_358 = arith.constant 0 : i32
      %dma_start3A_359 = tpu.memref_slice %arg15[%dma_start3A, %dma_start3A_358] : memref<100x64xf32, #tpu.memory_space<vmem>> -> memref<80x64xf32, #tpu.memory_space<vmem>>
      %dma_start3A_360 = arith.constant 0 : i32
      %dma_start3A_361 = tpu.memref_slice %arg20[%add3A_21, %dma_start3A_360] : memref<10240x64xf32, #tpu.memory_space<vmem_shared>> -> memref<80x64xf32, #tpu.memory_space<vmem_shared>>
      %dma_start3A_362 = arith.constant 0 : i32
      %dma_start3A_363 = tpu.memref_slice %arg20[%add3A_21, %dma_start3A_362] : memref<10240x64xf32, #tpu.memory_space<vmem_shared>> -> memref<80x64xf32, #tpu.memory_space<vmem_shared>>
      %dma_start3A_364 = arith.constant 0 : i32
      %dma_start3A_365 = arith.constant 0 : i32
      %dma_start3A_366 = tpu.memref_slice %arg15[%dma_start3A_364, %dma_start3A_365] : memref<100x64xf32, #tpu.memory_space<vmem>> -> memref<80x64xf32, #tpu.memory_space<vmem>>
      tpu.enqueue_dma source(%dma_start3A_366 : memref<80x64xf32, #tpu.memory_space<vmem>>) target(%dma_start3A_363 : memref<80x64xf32, #tpu.memory_space<vmem_shared>>) target_semaphore(%run_scoped3A_357 : memref<!tpu.dma_semaphore, #tpu.memory_space<semaphore_mem>>)
      %dma_wait3A = arith.constant 0 : i32
      %dma_wait3A_367 = arith.constant 0 : i32
      %dma_wait3A_368 = tpu.memref_slice %arg15[%dma_wait3A, %dma_wait3A_367] : memref<100x64xf32, #tpu.memory_space<vmem>> -> memref<80x64xf32, #tpu.memory_space<vmem>>
      %dma_wait3A_369 = arith.constant 0 : i32
      %dma_wait3A_370 = tpu.memref_slice %arg20[%add3A_21, %dma_wait3A_369] : memref<10240x64xf32, #tpu.memory_space<vmem_shared>> -> memref<80x64xf32, #tpu.memory_space<vmem_shared>>
      %dma_wait3A_371 = arith.constant 0 : i32
      %dma_wait3A_372 = tpu.memref_slice %arg20[%add3A_21, %dma_wait3A_371] : memref<10240x64xf32, #tpu.memory_space<vmem_shared>> -> memref<80x64xf32, #tpu.memory_space<vmem_shared>>
      %dma_wait3A_373 = arith.constant 0 : i32
      %dma_wait3A_374 = arith.constant 0 : i32
      %dma_wait3A_375 = tpu.memref_slice %arg15[%dma_wait3A_373, %dma_wait3A_374] : memref<100x64xf32, #tpu.memory_space<vmem>> -> memref<80x64xf32, #tpu.memory_space<vmem>>
      tpu.wait_dma2 semaphore(%run_scoped3A_357 : memref<!tpu.dma_semaphore, #tpu.memory_space<semaphore_mem>>) src(%dma_wait3A_375 : memref<80x64xf32, #tpu.memory_space<vmem>>) dst(%dma_wait3A_372 : memref<80x64xf32, #tpu.memory_space<vmem_shared>>)
      tpu.yield
    }) : () -> ()
    %add3A_22 = arith.constant 80 : i32
    %add3A_23 = arith.addi %mul3A_19, %add3A_22 : i32
    "tpu.region"() ({
      %run_scoped3A_357 = tpu.sem_alloc : memref<!tpu.dma_semaphore, #tpu.memory_space<semaphore_mem>>
      %dma_start3A = arith.constant 0 : i32
      %dma_start3A_358 = arith.constant 0 : i32
      %dma_start3A_359 = tpu.memref_slice %arg15[%dma_start3A, %dma_start3A_358] : memref<100x64xf32, #tpu.memory_space<vmem>> -> memref<80x64xf32, #tpu.memory_space<vmem>>
      %dma_start3A_360 = arith.constant 0 : i32
      %dma_start3A_361 = tpu.memref_slice %arg20[%add3A_23, %dma_start3A_360] : memref<10240x64xf32, #tpu.memory_space<vmem_shared>> -> memref<80x64xf32, #tpu.memory_space<vmem_shared>>
      %dma_start3A_362 = arith.constant 0 : i32
      %dma_start3A_363 = tpu.memref_slice %arg20[%add3A_23, %dma_start3A_362] : memref<10240x64xf32, #tpu.memory_space<vmem_shared>> -> memref<80x64xf32, #tpu.memory_space<vmem_shared>>
      %dma_start3A_364 = arith.constant 0 : i32
      %dma_start3A_365 = arith.constant 0 : i32
      %dma_start3A_366 = tpu.memref_slice %arg15[%dma_start3A_364, %dma_start3A_365] : memref<100x64xf32, #tpu.memory_space<vmem>> -> memref<80x64xf32, #tpu.memory_space<vmem>>
      tpu.enqueue_dma source(%dma_start3A_366 : memref<80x64xf32, #tpu.memory_space<vmem>>) target(%dma_start3A_363 : memref<80x64xf32, #tpu.memory_space<vmem_shared>>) target_semaphore(%run_scoped3A_357 : memref<!tpu.dma_semaphore, #tpu.memory_space<semaphore_mem>>)
      %dma_wait3A = arith.constant 0 : i32
      %dma_wait3A_367 = arith.constant 0 : i32
      %dma_wait3A_368 = tpu.memref_slice %arg15[%dma_wait3A, %dma_wait3A_367] : memref<100x64xf32, #tpu.memory_space<vmem>> -> memref<80x64xf32, #tpu.memory_space<vmem>>
      %dma_wait3A_369 = arith.constant 0 : i32
      %dma_wait3A_370 = tpu.memref_slice %arg20[%add3A_23, %dma_wait3A_369] : memref<10240x64xf32, #tpu.memory_space<vmem_shared>> -> memref<80x64xf32, #tpu.memory_space<vmem_shared>>
      %dma_wait3A_371 = arith.constant 0 : i32
      %dma_wait3A_372 = tpu.memref_slice %arg20[%add3A_23, %dma_wait3A_371] : memref<10240x64xf32, #tpu.memory_space<vmem_shared>> -> memref<80x64xf32, #tpu.memory_space<vmem_shared>>
      %dma_wait3A_373 = arith.constant 0 : i32
      %dma_wait3A_374 = arith.constant 0 : i32
      %dma_wait3A_375 = tpu.memref_slice %arg15[%dma_wait3A_373, %dma_wait3A_374] : memref<100x64xf32, #tpu.memory_space<vmem>> -> memref<80x64xf32, #tpu.memory_space<vmem>>
      tpu.wait_dma2 semaphore(%run_scoped3A_357 : memref<!tpu.dma_semaphore, #tpu.memory_space<semaphore_mem>>) src(%dma_wait3A_375 : memref<80x64xf32, #tpu.memory_space<vmem>>) dst(%dma_wait3A_372 : memref<80x64xf32, #tpu.memory_space<vmem_shared>>)
      tpu.yield
    }) : () -> ()
    %add3A_24 = arith.constant 160 : i32
    %add3A_25 = arith.addi %mul3A_19, %add3A_24 : i32
    "tpu.region"() ({
      %run_scoped3A_357 = tpu.sem_alloc : memref<!tpu.dma_semaphore, #tpu.memory_space<semaphore_mem>>
      %dma_start3A = arith.constant 0 : i32
      %dma_start3A_358 = arith.constant 0 : i32
      %dma_start3A_359 = tpu.memref_slice %arg15[%dma_start3A, %dma_start3A_358] : memref<100x64xf32, #tpu.memory_space<vmem>> -> memref<80x64xf32, #tpu.memory_space<vmem>>
      %dma_start3A_360 = arith.constant 0 : i32
      %dma_start3A_361 = tpu.memref_slice %arg20[%add3A_25, %dma_start3A_360] : memref<10240x64xf32, #tpu.memory_space<vmem_shared>> -> memref<80x64xf32, #tpu.memory_space<vmem_shared>>
      %dma_start3A_362 = arith.constant 0 : i32
      %dma_start3A_363 = tpu.memref_slice %arg20[%add3A_25, %dma_start3A_362] : memref<10240x64xf32, #tpu.memory_space<vmem_shared>> -> memref<80x64xf32, #tpu.memory_space<vmem_shared>>
      %dma_start3A_364 = arith.constant 0 : i32
      %dma_start3A_365 = arith.constant 0 : i32
      %dma_start3A_366 = tpu.memref_slice %arg15[%dma_start3A_364, %dma_start3A_365] : memref<100x64xf32, #tpu.memory_space<vmem>> -> memref<80x64xf32, #tpu.memory_space<vmem>>
      tpu.enqueue_dma source(%dma_start3A_366 : memref<80x64xf32, #tpu.memory_space<vmem>>) target(%dma_start3A_363 : memref<80x64xf32, #tpu.memory_space<vmem_shared>>) target_semaphore(%run_scoped3A_357 : memref<!tpu.dma_semaphore, #tpu.memory_space<semaphore_mem>>)
      %dma_wait3A = arith.constant 0 : i32
      %dma_wait3A_367 = arith.constant 0 : i32
      %dma_wait3A_368 = tpu.memref_slice %arg15[%dma_wait3A, %dma_wait3A_367] : memref<100x64xf32, #tpu.memory_space<vmem>> -> memref<80x64xf32, #tpu.memory_space<vmem>>
      %dma_wait3A_369 = arith.constant 0 : i32
      %dma_wait3A_370 = tpu.memref_slice %arg20[%add3A_25, %dma_wait3A_369] : memref<10240x64xf32, #tpu.memory_space<vmem_shared>> -> memref<80x64xf32, #tpu.memory_space<vmem_shared>>
      %dma_wait3A_371 = arith.constant 0 : i32
      %dma_wait3A_372 = tpu.memref_slice %arg20[%add3A_25, %dma_wait3A_371] : memref<10240x64xf32, #tpu.memory_space<vmem_shared>> -> memref<80x64xf32, #tpu.memory_space<vmem_shared>>
      %dma_wait3A_373 = arith.constant 0 : i32
      %dma_wait3A_374 = arith.constant 0 : i32
      %dma_wait3A_375 = tpu.memref_slice %arg15[%dma_wait3A_373, %dma_wait3A_374] : memref<100x64xf32, #tpu.memory_space<vmem>> -> memref<80x64xf32, #tpu.memory_space<vmem>>
      tpu.wait_dma2 semaphore(%run_scoped3A_357 : memref<!tpu.dma_semaphore, #tpu.memory_space<semaphore_mem>>) src(%dma_wait3A_375 : memref<80x64xf32, #tpu.memory_space<vmem>>) dst(%dma_wait3A_372 : memref<80x64xf32, #tpu.memory_space<vmem_shared>>)
      tpu.yield
    }) : () -> ()
    %add3A_26 = arith.constant 240 : i32
    %add3A_27 = arith.addi %mul3A_19, %add3A_26 : i32
    "tpu.region"() ({
      %run_scoped3A_357 = tpu.sem_alloc : memref<!tpu.dma_semaphore, #tpu.memory_space<semaphore_mem>>
      %dma_start3A = arith.constant 0 : i32
      %dma_start3A_358 = arith.constant 0 : i32
      %dma_start3A_359 = tpu.memref_slice %arg15[%dma_start3A, %dma_start3A_358] : memref<100x64xf32, #tpu.memory_space<vmem>> -> memref<80x64xf32, #tpu.memory_space<vmem>>
      %dma_start3A_360 = arith.constant 0 : i32
      %dma_start3A_361 = tpu.memref_slice %arg20[%add3A_27, %dma_start3A_360] : memref<10240x64xf32, #tpu.memory_space<vmem_shared>> -> memref<80x64xf32, #tpu.memory_space<vmem_shared>>
      %dma_start3A_362 = arith.constant 0 : i32
      %dma_start3A_363 = tpu.memref_slice %arg20[%add3A_27, %dma_start3A_362] : memref<10240x64xf32, #tpu.memory_space<vmem_shared>> -> memref<80x64xf32, #tpu.memory_space<vmem_shared>>
      %dma_start3A_364 = arith.constant 0 : i32
      %dma_start3A_365 = arith.constant 0 : i32
      %dma_start3A_366 = tpu.memref_slice %arg15[%dma_start3A_364, %dma_start3A_365] : memref<100x64xf32, #tpu.memory_space<vmem>> -> memref<80x64xf32, #tpu.memory_space<vmem>>
      tpu.enqueue_dma source(%dma_start3A_366 : memref<80x64xf32, #tpu.memory_space<vmem>>) target(%dma_start3A_363 : memref<80x64xf32, #tpu.memory_space<vmem_shared>>) target_semaphore(%run_scoped3A_357 : memref<!tpu.dma_semaphore, #tpu.memory_space<semaphore_mem>>)
      %dma_wait3A = arith.constant 0 : i32
      %dma_wait3A_367 = arith.constant 0 : i32
      %dma_wait3A_368 = tpu.memref_slice %arg15[%dma_wait3A, %dma_wait3A_367] : memref<100x64xf32, #tpu.memory_space<vmem>> -> memref<80x64xf32, #tpu.memory_space<vmem>>
      %dma_wait3A_369 = arith.constant 0 : i32
      %dma_wait3A_370 = tpu.memref_slice %arg20[%add3A_27, %dma_wait3A_369] : memref<10240x64xf32, #tpu.memory_space<vmem_shared>> -> memref<80x64xf32, #tpu.memory_space<vmem_shared>>
      %dma_wait3A_371 = arith.constant 0 : i32
      %dma_wait3A_372 = tpu.memref_slice %arg20[%add3A_27, %dma_wait3A_371] : memref<10240x64xf32, #tpu.memory_space<vmem_shared>> -> memref<80x64xf32, #tpu.memory_space<vmem_shared>>
      %dma_wait3A_373 = arith.constant 0 : i32
      %dma_wait3A_374 = arith.constant 0 : i32
      %dma_wait3A_375 = tpu.memref_slice %arg15[%dma_wait3A_373, %dma_wait3A_374] : memref<100x64xf32, #tpu.memory_space<vmem>> -> memref<80x64xf32, #tpu.memory_space<vmem>>
      tpu.wait_dma2 semaphore(%run_scoped3A_357 : memref<!tpu.dma_semaphore, #tpu.memory_space<semaphore_mem>>) src(%dma_wait3A_375 : memref<80x64xf32, #tpu.memory_space<vmem>>) dst(%dma_wait3A_372 : memref<80x64xf32, #tpu.memory_space<vmem_shared>>)
      tpu.yield
    }) : () -> ()
    %add3A_28 = arith.constant 320 : i32
    %add3A_29 = arith.addi %mul3A_19, %add3A_28 : i32
    "tpu.region"() ({
      %run_scoped3A_357 = tpu.sem_alloc : memref<!tpu.dma_semaphore, #tpu.memory_space<semaphore_mem>>
      %dma_start3A = arith.constant 0 : i32
      %dma_start3A_358 = arith.constant 0 : i32
      %dma_start3A_359 = tpu.memref_slice %arg15[%dma_start3A, %dma_start3A_358] : memref<100x64xf32, #tpu.memory_space<vmem>> -> memref<80x64xf32, #tpu.memory_space<vmem>>
      %dma_start3A_360 = arith.constant 0 : i32
      %dma_start3A_361 = tpu.memref_slice %arg20[%add3A_29, %dma_start3A_360] : memref<10240x64xf32, #tpu.memory_space<vmem_shared>> -> memref<80x64xf32, #tpu.memory_space<vmem_shared>>
      %dma_start3A_362 = arith.constant 0 : i32
      %dma_start3A_363 = tpu.memref_slice %arg20[%add3A_29, %dma_start3A_362] : memref<10240x64xf32, #tpu.memory_space<vmem_shared>> -> memref<80x64xf32, #tpu.memory_space<vmem_shared>>
      %dma_start3A_364 = arith.constant 0 : i32
      %dma_start3A_365 = arith.constant 0 : i32
      %dma_start3A_366 = tpu.memref_slice %arg15[%dma_start3A_364, %dma_start3A_365] : memref<100x64xf32, #tpu.memory_space<vmem>> -> memref<80x64xf32, #tpu.memory_space<vmem>>
      tpu.enqueue_dma source(%dma_start3A_366 : memref<80x64xf32, #tpu.memory_space<vmem>>) target(%dma_start3A_363 : memref<80x64xf32, #tpu.memory_space<vmem_shared>>) target_semaphore(%run_scoped3A_357 : memref<!tpu.dma_semaphore, #tpu.memory_space<semaphore_mem>>)
      %dma_wait3A = arith.constant 0 : i32
      %dma_wait3A_367 = arith.constant 0 : i32
      %dma_wait3A_368 = tpu.memref_slice %arg15[%dma_wait3A, %dma_wait3A_367] : memref<100x64xf32, #tpu.memory_space<vmem>> -> memref<80x64xf32, #tpu.memory_space<vmem>>
      %dma_wait3A_369 = arith.constant 0 : i32
      %dma_wait3A_370 = tpu.memref_slice %arg20[%add3A_29, %dma_wait3A_369] : memref<10240x64xf32, #tpu.memory_space<vmem_shared>> -> memref<80x64xf32, #tpu.memory_space<vmem_shared>>
      %dma_wait3A_371 = arith.constant 0 : i32
      %dma_wait3A_372 = tpu.memref_slice %arg20[%add3A_29, %dma_wait3A_371] : memref<10240x64xf32, #tpu.memory_space<vmem_shared>> -> memref<80x64xf32, #tpu.memory_space<vmem_shared>>
      %dma_wait3A_373 = arith.constant 0 : i32
      %dma_wait3A_374 = arith.constant 0 : i32
      %dma_wait3A_375 = tpu.memref_slice %arg15[%dma_wait3A_373, %dma_wait3A_374] : memref<100x64xf32, #tpu.memory_space<vmem>> -> memref<80x64xf32, #tpu.memory_space<vmem>>
      tpu.wait_dma2 semaphore(%run_scoped3A_357 : memref<!tpu.dma_semaphore, #tpu.memory_space<semaphore_mem>>) src(%dma_wait3A_375 : memref<80x64xf32, #tpu.memory_space<vmem>>) dst(%dma_wait3A_372 : memref<80x64xf32, #tpu.memory_space<vmem_shared>>)
      tpu.yield
    }) : () -> ()
    %add3A_30 = arith.constant 400 : i32
    %add3A_31 = arith.addi %mul3A_19, %add3A_30 : i32
    "tpu.region"() ({
      %run_scoped3A_357 = tpu.sem_alloc : memref<!tpu.dma_semaphore, #tpu.memory_space<semaphore_mem>>
      %dma_start3A = arith.constant 0 : i32
      %dma_start3A_358 = arith.constant 0 : i32
      %dma_start3A_359 = tpu.memref_slice %arg15[%dma_start3A, %dma_start3A_358] : memref<100x64xf32, #tpu.memory_space<vmem>> -> memref<80x64xf32, #tpu.memory_space<vmem>>
      %dma_start3A_360 = arith.constant 0 : i32
      %dma_start3A_361 = tpu.memref_slice %arg20[%add3A_31, %dma_start3A_360] : memref<10240x64xf32, #tpu.memory_space<vmem_shared>> -> memref<80x64xf32, #tpu.memory_space<vmem_shared>>
      %dma_start3A_362 = arith.constant 0 : i32
      %dma_start3A_363 = tpu.memref_slice %arg20[%add3A_31, %dma_start3A_362] : memref<10240x64xf32, #tpu.memory_space<vmem_shared>> -> memref<80x64xf32, #tpu.memory_space<vmem_shared>>
      %dma_start3A_364 = arith.constant 0 : i32
      %dma_start3A_365 = arith.constant 0 : i32
      %dma_start3A_366 = tpu.memref_slice %arg15[%dma_start3A_364, %dma_start3A_365] : memref<100x64xf32, #tpu.memory_space<vmem>> -> memref<80x64xf32, #tpu.memory_space<vmem>>
      tpu.enqueue_dma source(%dma_start3A_366 : memref<80x64xf32, #tpu.memory_space<vmem>>) target(%dma_start3A_363 : memref<80x64xf32, #tpu.memory_space<vmem_shared>>) target_semaphore(%run_scoped3A_357 : memref<!tpu.dma_semaphore, #tpu.memory_space<semaphore_mem>>)
      %dma_wait3A = arith.constant 0 : i32
      %dma_wait3A_367 = arith.constant 0 : i32
      %dma_wait3A_368 = tpu.memref_slice %arg15[%dma_wait3A, %dma_wait3A_367] : memref<100x64xf32, #tpu.memory_space<vmem>> -> memref<80x64xf32, #tpu.memory_space<vmem>>
      %dma_wait3A_369 = arith.constant 0 : i32
      %dma_wait3A_370 = tpu.memref_slice %arg20[%add3A_31, %dma_wait3A_369] : memref<10240x64xf32, #tpu.memory_space<vmem_shared>> -> memref<80x64xf32, #tpu.memory_space<vmem_shared>>
      %dma_wait3A_371 = arith.constant 0 : i32
      %dma_wait3A_372 = tpu.memref_slice %arg20[%add3A_31, %dma_wait3A_371] : memref<10240x64xf32, #tpu.memory_space<vmem_shared>> -> memref<80x64xf32, #tpu.memory_space<vmem_shared>>
      %dma_wait3A_373 = arith.constant 0 : i32
      %dma_wait3A_374 = arith.constant 0 : i32
      %dma_wait3A_375 = tpu.memref_slice %arg15[%dma_wait3A_373, %dma_wait3A_374] : memref<100x64xf32, #tpu.memory_space<vmem>> -> memref<80x64xf32, #tpu.memory_space<vmem>>
      tpu.wait_dma2 semaphore(%run_scoped3A_357 : memref<!tpu.dma_semaphore, #tpu.memory_space<semaphore_mem>>) src(%dma_wait3A_375 : memref<80x64xf32, #tpu.memory_space<vmem>>) dst(%dma_wait3A_372 : memref<80x64xf32, #tpu.memory_space<vmem_shared>>)
      tpu.yield
    }) : () -> ()
    %add3A_32 = arith.constant 480 : i32
    %add3A_33 = arith.addi %mul3A_19, %add3A_32 : i32
    "tpu.region"() ({
      %run_scoped3A_357 = tpu.sem_alloc : memref<!tpu.dma_semaphore, #tpu.memory_space<semaphore_mem>>
      %dma_start3A = arith.constant 0 : i32
      %dma_start3A_358 = arith.constant 0 : i32
      %dma_start3A_359 = tpu.memref_slice %arg15[%dma_start3A, %dma_start3A_358] : memref<100x64xf32, #tpu.memory_space<vmem>> -> memref<80x64xf32, #tpu.memory_space<vmem>>
      %dma_start3A_360 = arith.constant 0 : i32
      %dma_start3A_361 = tpu.memref_slice %arg20[%add3A_33, %dma_start3A_360] : memref<10240x64xf32, #tpu.memory_space<vmem_shared>> -> memref<80x64xf32, #tpu.memory_space<vmem_shared>>
      %dma_start3A_362 = arith.constant 0 : i32
      %dma_start3A_363 = tpu.memref_slice %arg20[%add3A_33, %dma_start3A_362] : memref<10240x64xf32, #tpu.memory_space<vmem_shared>> -> memref<80x64xf32, #tpu.memory_space<vmem_shared>>
      %dma_start3A_364 = arith.constant 0 : i32
      %dma_start3A_365 = arith.constant 0 : i32
      %dma_start3A_366 = tpu.memref_slice %arg15[%dma_start3A_364, %dma_start3A_365] : memref<100x64xf32, #tpu.memory_space<vmem>> -> memref<80x64xf32, #tpu.memory_space<vmem>>
      tpu.enqueue_dma source(%dma_start3A_366 : memref<80x64xf32, #tpu.memory_space<vmem>>) target(%dma_start3A_363 : memref<80x64xf32, #tpu.memory_space<vmem_shared>>) target_semaphore(%run_scoped3A_357 : memref<!tpu.dma_semaphore, #tpu.memory_space<semaphore_mem>>)
      %dma_wait3A = arith.constant 0 : i32
      %dma_wait3A_367 = arith.constant 0 : i32
      %dma_wait3A_368 = tpu.memref_slice %arg15[%dma_wait3A, %dma_wait3A_367] : memref<100x64xf32, #tpu.memory_space<vmem>> -> memref<80x64xf32, #tpu.memory_space<vmem>>
      %dma_wait3A_369 = arith.constant 0 : i32
      %dma_wait3A_370 = tpu.memref_slice %arg20[%add3A_33, %dma_wait3A_369] : memref<10240x64xf32, #tpu.memory_space<vmem_shared>> -> memref<80x64xf32, #tpu.memory_space<vmem_shared>>
      %dma_wait3A_371 = arith.constant 0 : i32
      %dma_wait3A_372 = tpu.memref_slice %arg20[%add3A_33, %dma_wait3A_371] : memref<10240x64xf32, #tpu.memory_space<vmem_shared>> -> memref<80x64xf32, #tpu.memory_space<vmem_shared>>
      %dma_wait3A_373 = arith.constant 0 : i32
      %dma_wait3A_374 = arith.constant 0 : i32
      %dma_wait3A_375 = tpu.memref_slice %arg15[%dma_wait3A_373, %dma_wait3A_374] : memref<100x64xf32, #tpu.memory_space<vmem>> -> memref<80x64xf32, #tpu.memory_space<vmem>>
      tpu.wait_dma2 semaphore(%run_scoped3A_357 : memref<!tpu.dma_semaphore, #tpu.memory_space<semaphore_mem>>) src(%dma_wait3A_375 : memref<80x64xf32, #tpu.memory_space<vmem>>) dst(%dma_wait3A_372 : memref<80x64xf32, #tpu.memory_space<vmem_shared>>)
      tpu.yield
    }) : () -> ()
    %add3A_34 = arith.constant 560 : i32
    %add3A_35 = arith.addi %mul3A_19, %add3A_34 : i32
    "tpu.region"() ({
      %run_scoped3A_357 = tpu.sem_alloc : memref<!tpu.dma_semaphore, #tpu.memory_space<semaphore_mem>>
      %dma_start3A = arith.constant 0 : i32
      %dma_start3A_358 = arith.constant 0 : i32
      %dma_start3A_359 = tpu.memref_slice %arg15[%dma_start3A, %dma_start3A_358] : memref<100x64xf32, #tpu.memory_space<vmem>> -> memref<80x64xf32, #tpu.memory_space<vmem>>
      %dma_start3A_360 = arith.constant 0 : i32
      %dma_start3A_361 = tpu.memref_slice %arg20[%add3A_35, %dma_start3A_360] : memref<10240x64xf32, #tpu.memory_space<vmem_shared>> -> memref<80x64xf32, #tpu.memory_space<vmem_shared>>
      %dma_start3A_362 = arith.constant 0 : i32
      %dma_start3A_363 = tpu.memref_slice %arg20[%add3A_35, %dma_start3A_362] : memref<10240x64xf32, #tpu.memory_space<vmem_shared>> -> memref<80x64xf32, #tpu.memory_space<vmem_shared>>
      %dma_start3A_364 = arith.constant 0 : i32
      %dma_start3A_365 = arith.constant 0 : i32
      %dma_start3A_366 = tpu.memref_slice %arg15[%dma_start3A_364, %dma_start3A_365] : memref<100x64xf32, #tpu.memory_space<vmem>> -> memref<80x64xf32, #tpu.memory_space<vmem>>
      tpu.enqueue_dma source(%dma_start3A_366 : memref<80x64xf32, #tpu.memory_space<vmem>>) target(%dma_start3A_363 : memref<80x64xf32, #tpu.memory_space<vmem_shared>>) target_semaphore(%run_scoped3A_357 : memref<!tpu.dma_semaphore, #tpu.memory_space<semaphore_mem>>)
      %dma_wait3A = arith.constant 0 : i32
      %dma_wait3A_367 = arith.constant 0 : i32
      %dma_wait3A_368 = tpu.memref_slice %arg15[%dma_wait3A, %dma_wait3A_367] : memref<100x64xf32, #tpu.memory_space<vmem>> -> memref<80x64xf32, #tpu.memory_space<vmem>>
      %dma_wait3A_369 = arith.constant 0 : i32
      %dma_wait3A_370 = tpu.memref_slice %arg20[%add3A_35, %dma_wait3A_369] : memref<10240x64xf32, #tpu.memory_space<vmem_shared>> -> memref<80x64xf32, #tpu.memory_space<vmem_shared>>
      %dma_wait3A_371 = arith.constant 0 : i32
      %dma_wait3A_372 = tpu.memref_slice %arg20[%add3A_35, %dma_wait3A_371] : memref<10240x64xf32, #tpu.memory_space<vmem_shared>> -> memref<80x64xf32, #tpu.memory_space<vmem_shared>>
      %dma_wait3A_373 = arith.constant 0 : i32
      %dma_wait3A_374 = arith.constant 0 : i32
      %dma_wait3A_375 = tpu.memref_slice %arg15[%dma_wait3A_373, %dma_wait3A_374] : memref<100x64xf32, #tpu.memory_space<vmem>> -> memref<80x64xf32, #tpu.memory_space<vmem>>
      tpu.wait_dma2 semaphore(%run_scoped3A_357 : memref<!tpu.dma_semaphore, #tpu.memory_space<semaphore_mem>>) src(%dma_wait3A_375 : memref<80x64xf32, #tpu.memory_space<vmem>>) dst(%dma_wait3A_372 : memref<80x64xf32, #tpu.memory_space<vmem_shared>>)
      tpu.yield
    }) : () -> ()
    %barrier3A = arith.constant 0 : index
    tpu.barrier barrier_id(%barrier3A)
    %get3A_36 = arith.constant 0 : i32
    %get3A_37 = arith.constant 0 : i32
    %get3A_38 = arith.index_cast %get3A_36 : i32 to index
    %get3A_39 = arith.index_cast %get3A_37 : i32 to index
    %get3A_40 = arith.constant 0 : index
    %get3A_41 = tpu.vector_load %arg18[%get3A_38, %get3A_39, %get3A_40] {strides = array<i32>} : memref<4x2x64xf32, #tpu.memory_space<vmem>>, vector<16xf32>,
    %get3A_42 = arith.constant 0 : i32
    %get3A_43 = arith.constant 0 : i32
    %get3A_44 = arith.index_cast %get3A_42 : i32 to index
    %get3A_45 = arith.index_cast %get3A_43 : i32 to index
    %get3A_46 = arith.constant 16 : index
    %get3A_47 = tpu.vector_load %arg18[%get3A_44, %get3A_45, %get3A_46] {strides = array<i32>} : memref<4x2x64xf32, #tpu.memory_space<vmem>>, vector<16xf32>,
    %get3A_48 = arith.constant 0 : i32
    %get3A_49 = arith.constant 0 : i32
    %get3A_50 = arith.index_cast %get3A_48 : i32 to index
    %get3A_51 = arith.index_cast %get3A_49 : i32 to index
    %get3A_52 = arith.constant 32 : index
    %get3A_53 = tpu.vector_load %arg18[%get3A_50, %get3A_51, %get3A_52] {strides = array<i32>} : memref<4x2x64xf32, #tpu.memory_space<vmem>>, vector<16xf32>,
    %get3A_54 = arith.constant 0 : i32
    %get3A_55 = arith.constant 0 : i32
    %get3A_56 = arith.index_cast %get3A_54 : i32 to index
    %get3A_57 = arith.index_cast %get3A_55 : i32 to index
    %get3A_58 = arith.constant 48 : index
    %get3A_59 = tpu.vector_load %arg18[%get3A_56, %get3A_57, %get3A_58] {strides = array<i32>} : memref<4x2x64xf32, #tpu.memory_space<vmem>>, vector<16xf32>,
    %get3A_60 = arith.constant 0 : i32
    %get3A_61 = arith.constant 1 : i32
    %get3A_62 = arith.index_cast %get3A_60 : i32 to index
    %get3A_63 = arith.index_cast %get3A_61 : i32 to index
    %get3A_64 = arith.constant 0 : index
    %get3A_65 = tpu.vector_load %arg18[%get3A_62, %get3A_63, %get3A_64] {strides = array<i32>} : memref<4x2x64xf32, #tpu.memory_space<vmem>>, vector<16xf32>,
    %get3A_66 = arith.constant 0 : i32
    %get3A_67 = arith.constant 1 : i32
    %get3A_68 = arith.index_cast %get3A_66 : i32 to index
    %get3A_69 = arith.index_cast %get3A_67 : i32 to index
    %get3A_70 = arith.constant 16 : index
    %get3A_71 = tpu.vector_load %arg18[%get3A_68, %get3A_69, %get3A_70] {strides = array<i32>} : memref<4x2x64xf32, #tpu.memory_space<vmem>>, vector<16xf32>,
    %get3A_72 = arith.constant 0 : i32
    %get3A_73 = arith.constant 1 : i32
    %get3A_74 = arith.index_cast %get3A_72 : i32 to index
    %get3A_75 = arith.index_cast %get3A_73 : i32 to index
    %get3A_76 = arith.constant 32 : index
    %get3A_77 = tpu.vector_load %arg18[%get3A_74, %get3A_75, %get3A_76] {strides = array<i32>} : memref<4x2x64xf32, #tpu.memory_space<vmem>>, vector<16xf32>,
    %get3A_78 = arith.constant 0 : i32
    %get3A_79 = arith.constant 1 : i32
    %get3A_80 = arith.index_cast %get3A_78 : i32 to index
    %get3A_81 = arith.index_cast %get3A_79 : i32 to index
    %get3A_82 = arith.constant 48 : index
    %get3A_83 = tpu.vector_load %arg18[%get3A_80, %get3A_81, %get3A_82] {strides = array<i32>} : memref<4x2x64xf32, #tpu.memory_space<vmem>>, vector<16xf32>,
    %scan3A_84 = arith.constant 0 : i32
    %scan3A_85 = arith.constant 0 : i32
    %scan3A_86 = arith.constant 25 : i32
    %scan3A_87 = arith.addi %scan3A_85, %scan3A_86 : i32
    %scan3A_88 = arith.constant 1 : i32
    scf.for %scan3A_357 = %scan3A_85 to %scan3A_87 step %scan3A_88  : i32 {
      %mul3A_358 = arith.constant 2 : i32
      %mul3A_359 = arith.muli %scan3A_357, %mul3A_358 : i32
      %add3A_360 = arith.constant 0 : i32
      %add3A_361 = arith.addi %mul3A_359, %add3A_360 : i32
      %dma_start3A = arith.constant 0 : i32
      %dma_start3A_362 = arith.constant 0 : i32
      %dma_start3A_363 = tpu.memref_slice %arg9[%add3A_361, %dma_start3A_362] : memref<50x100xi32, #tpu.memory_space<vmem>> -> memref<1x100xi32, #tpu.memory_space<vmem>>
      %dma_start3A_364 = tpu.memref_squeeze %dma_start3A_363 : memref<1x100xi32, #tpu.memory_space<vmem>> -> memref<100xi32, #tpu.memory_space<vmem>>
      %dma_start3A_365 = arith.constant 0 : i32
      %dma_start3A_366 = arith.constant 0 : i32
      %dma_start3A_367 = tpu.memref_slice %arg2[%dma_start3A, %dma_start3A_365, %dma_start3A_366] : memref<8x10000x64xf32, #tpu.memory_space<hbm>> -> memref<1x10000x64xf32, #tpu.memory_space<hbm>>
      %dma_start3A_368 = tpu.memref_squeeze %dma_start3A_367 : memref<1x10000x64xf32, #tpu.memory_space<hbm>> -> memref<10000x64xf32, #tpu.memory_space<hbm>>
      %dma_start3A_369 = arith.constant 0 : i32
      %dma_start3A_370 = arith.constant 0 : i32
      %dma_start3A_371 = tpu.memref_slice %dma_start3A_368[%dma_start3A_369, %dma_start3A_370] : memref<10000x64xf32, #tpu.memory_space<hbm>> -> memref<10000x64xf32, #tpu.memory_space<hbm>>
      tpu.enqueue_indirect_dma source(%dma_start3A_371 : memref<10000x64xf32, #tpu.memory_space<hbm>>) target(%arg11 : memref<100x64xf32, #tpu.memory_space<vmem>>) offsets(%dma_start3A_364 : memref<100xi32, #tpu.memory_space<vmem>>) semaphore(%arg21 : memref<!tpu.dma_semaphore, #tpu.memory_space<semaphore_mem>>)
      %dma_start3A_372 = arith.constant 4 : i32
      %dma_start3A_373 = arith.constant 0 : i32
      %dma_start3A_374 = tpu.memref_slice %arg10[%add3A_361, %dma_start3A_373] : memref<50x100xi32, #tpu.memory_space<vmem>> -> memref<1x100xi32, #tpu.memory_space<vmem>>
      %dma_start3A_375 = tpu.memref_squeeze %dma_start3A_374 : memref<1x100xi32, #tpu.memory_space<vmem>> -> memref<100xi32, #tpu.memory_space<vmem>>
      %dma_start3A_376 = arith.constant 0 : i32
      %dma_start3A_377 = arith.constant 0 : i32
      %dma_start3A_378 = tpu.memref_slice %arg2[%dma_start3A_372, %dma_start3A_376, %dma_start3A_377] : memref<8x10000x64xf32, #tpu.memory_space<hbm>> -> memref<1x10000x64xf32, #tpu.memory_space<hbm>>
      %dma_start3A_379 = tpu.memref_squeeze %dma_start3A_378 : memref<1x10000x64xf32, #tpu.memory_space<hbm>> -> memref<10000x64xf32, #tpu.memory_space<hbm>>
      %dma_start3A_380 = arith.constant 0 : i32
      %dma_start3A_381 = arith.constant 0 : i32
      %dma_start3A_382 = tpu.memref_slice %dma_start3A_379[%dma_start3A_380, %dma_start3A_381] : memref<10000x64xf32, #tpu.memory_space<hbm>> -> memref<10000x64xf32, #tpu.memory_space<hbm>>
      tpu.enqueue_indirect_dma source(%dma_start3A_382 : memref<10000x64xf32, #tpu.memory_space<hbm>>) target(%arg13 : memref<100x64xf32, #tpu.memory_space<vmem>>) offsets(%dma_start3A_375 : memref<100xi32, #tpu.memory_space<vmem>>) semaphore(%arg23 : memref<!tpu.dma_semaphore, #tpu.memory_space<semaphore_mem>>)
      %mul3A_383 = arith.constant 2 : i32
      %mul3A_384 = arith.muli %scan3A_357, %mul3A_383 : i32
      %add3A_385 = arith.constant 1 : i32
      %add3A_386 = arith.addi %mul3A_384, %add3A_385 : i32
      %dma_start3A_387 = arith.constant 0 : i32
      %dma_start3A_388 = arith.constant 0 : i32
      %dma_start3A_389 = tpu.memref_slice %arg9[%add3A_386, %dma_start3A_388] : memref<50x100xi32, #tpu.memory_space<vmem>> -> memref<1x100xi32, #tpu.memory_space<vmem>>
      %dma_start3A_390 = tpu.memref_squeeze %dma_start3A_389 : memref<1x100xi32, #tpu.memory_space<vmem>> -> memref<100xi32, #tpu.memory_space<vmem>>
      %dma_start3A_391 = arith.constant 0 : i32
      %dma_start3A_392 = arith.constant 0 : i32
      %dma_start3A_393 = tpu.memref_slice %arg2[%dma_start3A_387, %dma_start3A_391, %dma_start3A_392] : memref<8x10000x64xf32, #tpu.memory_space<hbm>> -> memref<1x10000x64xf32, #tpu.memory_space<hbm>>
      %dma_start3A_394 = tpu.memref_squeeze %dma_start3A_393 : memref<1x10000x64xf32, #tpu.memory_space<hbm>> -> memref<10000x64xf32, #tpu.memory_space<hbm>>
      %dma_start3A_395 = arith.constant 0 : i32
      %dma_start3A_396 = arith.constant 0 : i32
      %dma_start3A_397 = tpu.memref_slice %dma_start3A_394[%dma_start3A_395, %dma_start3A_396] : memref<10000x64xf32, #tpu.memory_space<hbm>> -> memref<10000x64xf32, #tpu.memory_space<hbm>>
      tpu.enqueue_indirect_dma source(%dma_start3A_397 : memref<10000x64xf32, #tpu.memory_space<hbm>>) target(%arg12 : memref<100x64xf32, #tpu.memory_space<vmem>>) offsets(%dma_start3A_390 : memref<100xi32, #tpu.memory_space<vmem>>) semaphore(%arg22 : memref<!tpu.dma_semaphore, #tpu.memory_space<semaphore_mem>>)
      %dma_start3A_398 = arith.constant 4 : i32
      %dma_start3A_399 = arith.constant 0 : i32
      %dma_start3A_400 = tpu.memref_slice %arg10[%add3A_386, %dma_start3A_399] : memref<50x100xi32, #tpu.memory_space<vmem>> -> memref<1x100xi32, #tpu.memory_space<vmem>>
      %dma_start3A_401 = tpu.memref_squeeze %dma_start3A_400 : memref<1x100xi32, #tpu.memory_space<vmem>> -> memref<100xi32, #tpu.memory_space<vmem>>
      %dma_start3A_402 = arith.constant 0 : i32
      %dma_start3A_403 = arith.constant 0 : i32
      %dma_start3A_404 = tpu.memref_slice %arg2[%dma_start3A_398, %dma_start3A_402, %dma_start3A_403] : memref<8x10000x64xf32, #tpu.memory_space<hbm>> -> memref<1x10000x64xf32, #tpu.memory_space<hbm>>
      %dma_start3A_405 = tpu.memref_squeeze %dma_start3A_404 : memref<1x10000x64xf32, #tpu.memory_space<hbm>> -> memref<10000x64xf32, #tpu.memory_space<hbm>>
      %dma_start3A_406 = arith.constant 0 : i32
      %dma_start3A_407 = arith.constant 0 : i32
      %dma_start3A_408 = tpu.memref_slice %dma_start3A_405[%dma_start3A_406, %dma_start3A_407] : memref<10000x64xf32, #tpu.memory_space<hbm>> -> memref<10000x64xf32, #tpu.memory_space<hbm>>
      tpu.enqueue_indirect_dma source(%dma_start3A_408 : memref<10000x64xf32, #tpu.memory_space<hbm>>) target(%arg14 : memref<100x64xf32, #tpu.memory_space<vmem>>) offsets(%dma_start3A_401 : memref<100xi32, #tpu.memory_space<vmem>>) semaphore(%arg24 : memref<!tpu.dma_semaphore, #tpu.memory_space<semaphore_mem>>)
      %mul3A_409 = arith.constant 2 : i32
      %mul3A_410 = arith.muli %scan3A_357, %mul3A_409 : i32
      %add3A_411 = arith.constant 0 : i32
      %add3A_412 = arith.addi %mul3A_410, %add3A_411 : i32
      %dma_wait3A = arith.constant 0 : i32
      %dma_wait3A_413 = arith.constant 0 : i32
      %dma_wait3A_414 = tpu.memref_slice %arg9[%add3A_361, %dma_wait3A_413] : memref<50x100xi32, #tpu.memory_space<vmem>> -> memref<1x100xi32, #tpu.memory_space<vmem>>
      %dma_wait3A_415 = tpu.memref_squeeze %dma_wait3A_414 : memref<1x100xi32, #tpu.memory_space<vmem>> -> memref<100xi32, #tpu.memory_space<vmem>>
      %dma_wait3A_416 = arith.constant 0 : i32
      %dma_wait3A_417 = arith.constant 0 : i32
      %dma_wait3A_418 = tpu.memref_slice %arg2[%dma_wait3A, %dma_wait3A_416, %dma_wait3A_417] : memref<8x10000x64xf32, #tpu.memory_space<hbm>> -> memref<1x10000x64xf32, #tpu.memory_space<hbm>>
      %dma_wait3A_419 = tpu.memref_squeeze %dma_wait3A_418 : memref<1x10000x64xf32, #tpu.memory_space<hbm>> -> memref<10000x64xf32, #tpu.memory_space<hbm>>
      %dma_wait3A_420 = arith.constant 0 : i32
      %dma_wait3A_421 = arith.constant 0 : i32
      %dma_wait3A_422 = tpu.memref_slice %dma_wait3A_419[%dma_wait3A_420, %dma_wait3A_421] : memref<10000x64xf32, #tpu.memory_space<hbm>> -> memref<10000x64xf32, #tpu.memory_space<hbm>>
      tpu.wait_indirect_dma semaphore(%arg21 : memref<!tpu.dma_semaphore, #tpu.memory_space<semaphore_mem>>) src(%dma_wait3A_422 : memref<10000x64xf32, #tpu.memory_space<hbm>>) dst(%arg11 : memref<100x64xf32, #tpu.memory_space<vmem>>)
      %dma_wait3A_423 = arith.constant 4 : i32
      %dma_wait3A_424 = arith.constant 0 : i32
      %dma_wait3A_425 = tpu.memref_slice %arg10[%add3A_361, %dma_wait3A_424] : memref<50x100xi32, #tpu.memory_space<vmem>> -> memref<1x100xi32, #tpu.memory_space<vmem>>
      %dma_wait3A_426 = tpu.memref_squeeze %dma_wait3A_425 : memref<1x100xi32, #tpu.memory_space<vmem>> -> memref<100xi32, #tpu.memory_space<vmem>>
      %dma_wait3A_427 = arith.constant 0 : i32
      %dma_wait3A_428 = arith.constant 0 : i32
      %dma_wait3A_429 = tpu.memref_slice %arg2[%dma_wait3A_423, %dma_wait3A_427, %dma_wait3A_428] : memref<8x10000x64xf32, #tpu.memory_space<hbm>> -> memref<1x10000x64xf32, #tpu.memory_space<hbm>>
      %dma_wait3A_430 = tpu.memref_squeeze %dma_wait3A_429 : memref<1x10000x64xf32, #tpu.memory_space<hbm>> -> memref<10000x64xf32, #tpu.memory_space<hbm>>
      %dma_wait3A_431 = arith.constant 0 : i32
      %dma_wait3A_432 = arith.constant 0 : i32
      %dma_wait3A_433 = tpu.memref_slice %dma_wait3A_430[%dma_wait3A_431, %dma_wait3A_432] : memref<10000x64xf32, #tpu.memory_space<hbm>> -> memref<10000x64xf32, #tpu.memory_space<hbm>>
      tpu.wait_indirect_dma semaphore(%arg23 : memref<!tpu.dma_semaphore, #tpu.memory_space<semaphore_mem>>) src(%dma_wait3A_433 : memref<10000x64xf32, #tpu.memory_space<hbm>>) dst(%arg13 : memref<100x64xf32, #tpu.memory_space<vmem>>)
      %mul3A_434 = arith.constant 50 : i32
      %mul3A_435 = arith.muli %add3A, %mul3A_434 : i32
      %add3A_436 = arith.addi %mul3A_435, %add3A_412 : i32
      %run_scoped3A_437 = arith.constant 0 : i32
      "tpu.region"() ({
        %run_scoped3A_504 = tpu.sem_alloc : memref<!tpu.dma_semaphore, #tpu.memory_space<semaphore_mem>>
        %dma_start3A_505 = arith.constant 0 : i32
        %dma_start3A_506 = arith.constant 0 : i32
        %dma_start3A_507 = arith.constant 0 : i32
        %dma_start3A_508 = tpu.memref_slice %arg3[%run_scoped3A_437, %dma_start3A_505, %dma_start3A_506, %dma_start3A_507] : memref<4x1600x100x64xf32, #tpu.memory_space<hbm>> -> memref<1x1600x100x64xf32, #tpu.memory_space<hbm>>
        %dma_start3A_509 = tpu.memref_squeeze %dma_start3A_508 : memref<1x1600x100x64xf32, #tpu.memory_space<hbm>> -> memref<1600x100x64xf32, #tpu.memory_space<hbm>>
        %dma_start3A_510 = arith.constant 0 : i32
        %dma_start3A_511 = arith.constant 0 : i32
        %dma_start3A_512 = tpu.memref_slice %dma_start3A_509[%add3A_436, %dma_start3A_510, %dma_start3A_511] : memref<1600x100x64xf32, #tpu.memory_space<hbm>> -> memref<1x100x64xf32, #tpu.memory_space<hbm>>
        %dma_start3A_513 = tpu.memref_squeeze %dma_start3A_512 : memref<1x100x64xf32, #tpu.memory_space<hbm>> -> memref<100x64xf32, #tpu.memory_space<hbm>>
        %dma_start3A_514 = arith.constant 0 : i32
        %dma_start3A_515 = arith.constant 0 : i32
        %dma_start3A_516 = arith.constant 0 : i32
        %dma_start3A_517 = tpu.memref_slice %arg3[%run_scoped3A_437, %dma_start3A_514, %dma_start3A_515, %dma_start3A_516] : memref<4x1600x100x64xf32, #tpu.memory_space<hbm>> -> memref<1x1600x100x64xf32, #tpu.memory_space<hbm>>
        %dma_start3A_518 = tpu.memref_squeeze %dma_start3A_517 : memref<1x1600x100x64xf32, #tpu.memory_space<hbm>> -> memref<1600x100x64xf32, #tpu.memory_space<hbm>>
        %dma_start3A_519 = arith.constant 0 : i32
        %dma_start3A_520 = arith.constant 0 : i32
        %dma_start3A_521 = tpu.memref_slice %dma_start3A_518[%add3A_436, %dma_start3A_519, %dma_start3A_520] : memref<1600x100x64xf32, #tpu.memory_space<hbm>> -> memref<1x100x64xf32, #tpu.memory_space<hbm>>
        %dma_start3A_522 = tpu.memref_squeeze %dma_start3A_521 : memref<1x100x64xf32, #tpu.memory_space<hbm>> -> memref<100x64xf32, #tpu.memory_space<hbm>>
        tpu.enqueue_dma source(%dma_start3A_522 : memref<100x64xf32, #tpu.memory_space<hbm>>) target(%arg16 : memref<100x64xf32, #tpu.memory_space<vmem>>) target_semaphore(%run_scoped3A_504 : memref<!tpu.dma_semaphore, #tpu.memory_space<semaphore_mem>>)
        %dma_wait3A_523 = arith.constant 0 : i32
        %dma_wait3A_524 = arith.constant 0 : i32
        %dma_wait3A_525 = arith.constant 0 : i32
        %dma_wait3A_526 = tpu.memref_slice %arg3[%run_scoped3A_437, %dma_wait3A_523, %dma_wait3A_524, %dma_wait3A_525] : memref<4x1600x100x64xf32, #tpu.memory_space<hbm>> -> memref<1x1600x100x64xf32, #tpu.memory_space<hbm>>
        %dma_wait3A_527 = tpu.memref_squeeze %dma_wait3A_526 : memref<1x1600x100x64xf32, #tpu.memory_space<hbm>> -> memref<1600x100x64xf32, #tpu.memory_space<hbm>>
        %dma_wait3A_528 = arith.constant 0 : i32
        %dma_wait3A_529 = arith.constant 0 : i32
        %dma_wait3A_530 = tpu.memref_slice %dma_wait3A_527[%add3A_436, %dma_wait3A_528, %dma_wait3A_529] : memref<1600x100x64xf32, #tpu.memory_space<hbm>> -> memref<1x100x64xf32, #tpu.memory_space<hbm>>
        %dma_wait3A_531 = tpu.memref_squeeze %dma_wait3A_530 : memref<1x100x64xf32, #tpu.memory_space<hbm>> -> memref<100x64xf32, #tpu.memory_space<hbm>>
        %dma_wait3A_532 = arith.constant 0 : i32
        %dma_wait3A_533 = arith.constant 0 : i32
        %dma_wait3A_534 = arith.constant 0 : i32
        %dma_wait3A_535 = tpu.memref_slice %arg3[%run_scoped3A_437, %dma_wait3A_532, %dma_wait3A_533, %dma_wait3A_534] : memref<4x1600x100x64xf32, #tpu.memory_space<hbm>> -> memref<1x1600x100x64xf32, #tpu.memory_space<hbm>>
        %dma_wait3A_536 = tpu.memref_squeeze %dma_wait3A_535 : memref<1x1600x100x64xf32, #tpu.memory_space<hbm>> -> memref<1600x100x64xf32, #tpu.memory_space<hbm>>
        %dma_wait3A_537 = arith.constant 0 : i32
        %dma_wait3A_538 = arith.constant 0 : i32
        %dma_wait3A_539 = tpu.memref_slice %dma_wait3A_536[%add3A_436, %dma_wait3A_537, %dma_wait3A_538] : memref<1600x100x64xf32, #tpu.memory_space<hbm>> -> memref<1x100x64xf32, #tpu.memory_space<hbm>>
        %dma_wait3A_540 = tpu.memref_squeeze %dma_wait3A_539 : memref<1x100x64xf32, #tpu.memory_space<hbm>> -> memref<100x64xf32, #tpu.memory_space<hbm>>
        tpu.wait_dma2 semaphore(%run_scoped3A_504 : memref<!tpu.dma_semaphore, #tpu.memory_space<semaphore_mem>>) src(%dma_wait3A_540 : memref<100x64xf32, #tpu.memory_space<hbm>>) dst(%arg16 : memref<100x64xf32, #tpu.memory_space<vmem>>)
        tpu.yield
      }) : () -> ()
      %scan3A_438 = arith.constant 0 : i32
      %scan3A_439 = arith.constant 0 : i32
      %scan3A_440 = arith.constant 100 : i32
      %scan3A_441 = arith.addi %scan3A_439, %scan3A_440 : i32
      %scan3A_442 = arith.constant 1 : i32
      scf.for %scan3A_504 = %scan3A_439 to %scan3A_441 step %scan3A_442  : i32 {
        %get3A_505 = arith.index_cast %scan3A_504 : i32 to index
        %get3A_506 = arith.constant 0 : index
        %get3A_507 = tpu.vector_load %arg11[%get3A_505, %get3A_506] {strides = array<i32>} : memref<100x64xf32, #tpu.memory_space<vmem>>, vector<16xf32>,
        %get3A_508 = arith.index_cast %scan3A_504 : i32 to index
        %get3A_509 = arith.constant 0 : index
        %get3A_510 = tpu.vector_load %arg13[%get3A_508, %get3A_509] {strides = array<i32>} : memref<100x64xf32, #tpu.memory_space<vmem>>, vector<16xf32>,
        %add3A_511 = arith.addf %get3A_507, %get3A_510 : vector<16xf32>
        %get3A_512 = arith.index_cast %scan3A_504 : i32 to index
        %get3A_513 = arith.constant 0 : index
        %get3A_514 = tpu.vector_load %arg16[%get3A_512, %get3A_513] {strides = array<i32>} : memref<100x64xf32, #tpu.memory_space<vmem>>, vector<16xf32>,
        %add3A_515 = arith.addf %add3A_511, %get3A_514 : vector<16xf32>
        %max3A = arith.constant 0.000000e+00 : f32
        %max3A_516 = vector.broadcast %max3A : f32 to vector<16xf32>
        %max3A_517 = arith.maximumf %add3A_515, %max3A_516 : vector<16xf32>
        %swap3A = arith.index_cast %scan3A_504 : i32 to index
        %swap3A_518 = arith.constant 0 : index
        %swap3A_519 = tpu.vector_load %arg15[%swap3A, %swap3A_518] {strides = array<i32>} : memref<100x64xf32, #tpu.memory_space<vmem>>, vector<16xf32>,
        tpu.vector_store %arg15[%swap3A, %swap3A_518], %max3A_517 {strides = array<i32>} : memref<100x64xf32, #tpu.memory_space<vmem>>, vector<16xf32>,
        %mul3A_520 = arith.mulf %max3A_517, %get3A_41 : vector<16xf32>
        %add3A_521 = arith.addf %select_n3A, %mul3A_520 : vector<16xf32>
        %mul3A_522 = arith.mulf %max3A_517, %get3A_65 : vector<16xf32>
        %add3A_523 = arith.addf %select_n3A_12, %mul3A_522 : vector<16xf32>
        %get3A_524 = arith.index_cast %scan3A_504 : i32 to index
        %get3A_525 = arith.constant 16 : index
        %get3A_526 = tpu.vector_load %arg11[%get3A_524, %get3A_525] {strides = array<i32>} : memref<100x64xf32, #tpu.memory_space<vmem>>, vector<16xf32>,
        %get3A_527 = arith.index_cast %scan3A_504 : i32 to index
        %get3A_528 = arith.constant 16 : index
        %get3A_529 = tpu.vector_load %arg13[%get3A_527, %get3A_528] {strides = array<i32>} : memref<100x64xf32, #tpu.memory_space<vmem>>, vector<16xf32>,
        %add3A_530 = arith.addf %get3A_526, %get3A_529 : vector<16xf32>
        %get3A_531 = arith.index_cast %scan3A_504 : i32 to index
        %get3A_532 = arith.constant 16 : index
        %get3A_533 = tpu.vector_load %arg16[%get3A_531, %get3A_532] {strides = array<i32>} : memref<100x64xf32, #tpu.memory_space<vmem>>, vector<16xf32>,
        %add3A_534 = arith.addf %add3A_530, %get3A_533 : vector<16xf32>
        %max3A_535 = arith.constant 0.000000e+00 : f32
        %max3A_536 = vector.broadcast %max3A_535 : f32 to vector<16xf32>
        %max3A_537 = arith.maximumf %add3A_534, %max3A_536 : vector<16xf32>
        %swap3A_538 = arith.index_cast %scan3A_504 : i32 to index
        %swap3A_539 = arith.constant 16 : index
        %swap3A_540 = tpu.vector_load %arg15[%swap3A_538, %swap3A_539] {strides = array<i32>} : memref<100x64xf32, #tpu.memory_space<vmem>>, vector<16xf32>,
        tpu.vector_store %arg15[%swap3A_538, %swap3A_539], %max3A_537 {strides = array<i32>} : memref<100x64xf32, #tpu.memory_space<vmem>>, vector<16xf32>,
        %mul3A_541 = arith.mulf %max3A_537, %get3A_47 : vector<16xf32>
        %add3A_542 = arith.addf %add3A_521, %mul3A_541 : vector<16xf32>
        %mul3A_543 = arith.mulf %max3A_537, %get3A_71 : vector<16xf32>
        %add3A_544 = arith.addf %add3A_523, %mul3A_543 : vector<16xf32>
        %get3A_545 = arith.index_cast %scan3A_504 : i32 to index
        %get3A_546 = arith.constant 32 : index
        %get3A_547 = tpu.vector_load %arg11[%get3A_545, %get3A_546] {strides = array<i32>} : memref<100x64xf32, #tpu.memory_space<vmem>>, vector<16xf32>,
        %get3A_548 = arith.index_cast %scan3A_504 : i32 to index
        %get3A_549 = arith.constant 32 : index
        %get3A_550 = tpu.vector_load %arg13[%get3A_548, %get3A_549] {strides = array<i32>} : memref<100x64xf32, #tpu.memory_space<vmem>>, vector<16xf32>,
        %add3A_551 = arith.addf %get3A_547, %get3A_550 : vector<16xf32>
        %get3A_552 = arith.index_cast %scan3A_504 : i32 to index
        %get3A_553 = arith.constant 32 : index
        %get3A_554 = tpu.vector_load %arg16[%get3A_552, %get3A_553] {strides = array<i32>} : memref<100x64xf32, #tpu.memory_space<vmem>>, vector<16xf32>,
        %add3A_555 = arith.addf %add3A_551, %get3A_554 : vector<16xf32>
        %max3A_556 = arith.constant 0.000000e+00 : f32
        %max3A_557 = vector.broadcast %max3A_556 : f32 to vector<16xf32>
        %max3A_558 = arith.maximumf %add3A_555, %max3A_557 : vector<16xf32>
        %swap3A_559 = arith.index_cast %scan3A_504 : i32 to index
        %swap3A_560 = arith.constant 32 : index
        %swap3A_561 = tpu.vector_load %arg15[%swap3A_559, %swap3A_560] {strides = array<i32>} : memref<100x64xf32, #tpu.memory_space<vmem>>, vector<16xf32>,
        tpu.vector_store %arg15[%swap3A_559, %swap3A_560], %max3A_558 {strides = array<i32>} : memref<100x64xf32, #tpu.memory_space<vmem>>, vector<16xf32>,
        %mul3A_562 = arith.mulf %max3A_558, %get3A_53 : vector<16xf32>
        %add3A_563 = arith.addf %add3A_542, %mul3A_562 : vector<16xf32>
        %mul3A_564 = arith.mulf %max3A_558, %get3A_77 : vector<16xf32>
        %add3A_565 = arith.addf %add3A_544, %mul3A_564 : vector<16xf32>
        %get3A_566 = arith.index_cast %scan3A_504 : i32 to index
        %get3A_567 = arith.constant 48 : index
        %get3A_568 = tpu.vector_load %arg11[%get3A_566, %get3A_567] {strides = array<i32>} : memref<100x64xf32, #tpu.memory_space<vmem>>, vector<16xf32>,
        %get3A_569 = arith.index_cast %scan3A_504 : i32 to index
        %get3A_570 = arith.constant 48 : index
        %get3A_571 = tpu.vector_load %arg13[%get3A_569, %get3A_570] {strides = array<i32>} : memref<100x64xf32, #tpu.memory_space<vmem>>, vector<16xf32>,
        %add3A_572 = arith.addf %get3A_568, %get3A_571 : vector<16xf32>
        %get3A_573 = arith.index_cast %scan3A_504 : i32 to index
        %get3A_574 = arith.constant 48 : index
        %get3A_575 = tpu.vector_load %arg16[%get3A_573, %get3A_574] {strides = array<i32>} : memref<100x64xf32, #tpu.memory_space<vmem>>, vector<16xf32>,
        %add3A_576 = arith.addf %add3A_572, %get3A_575 : vector<16xf32>
        %max3A_577 = arith.constant 0.000000e+00 : f32
        %max3A_578 = vector.broadcast %max3A_577 : f32 to vector<16xf32>
        %max3A_579 = arith.maximumf %add3A_576, %max3A_578 : vector<16xf32>
        %swap3A_580 = arith.index_cast %scan3A_504 : i32 to index
        %swap3A_581 = arith.constant 48 : index
        %swap3A_582 = tpu.vector_load %arg15[%swap3A_580, %swap3A_581] {strides = array<i32>} : memref<100x64xf32, #tpu.memory_space<vmem>>, vector<16xf32>,
        tpu.vector_store %arg15[%swap3A_580, %swap3A_581], %max3A_579 {strides = array<i32>} : memref<100x64xf32, #tpu.memory_space<vmem>>, vector<16xf32>,
        %mul3A_583 = arith.mulf %max3A_579, %get3A_59 : vector<16xf32>
        %add3A_584 = arith.addf %add3A_563, %mul3A_583 : vector<16xf32>
        %mul3A_585 = arith.mulf %max3A_579, %get3A_83 : vector<16xf32>
        %add3A_586 = arith.addf %add3A_565, %mul3A_585 : vector<16xf32>
        %broadcast_in_dim3A_587 = arith.constant true
        %broadcast_in_dim3A_588 = vector.broadcast %broadcast_in_dim3A_587 : i1 to vector<16xi1>
        %masked_cumsum3A = tpu.scan <sum>, %add3A_584 masked %broadcast_in_dim3A_588 : vector<16xf32>, vector<16xi1> -> vector<16xf32>
        %broadcast_in_dim3A_589 = arith.constant true
        %broadcast_in_dim3A_590 = vector.broadcast %broadcast_in_dim3A_589 : i1 to vector<16xi1>
        %masked_cumsum3A_591 = tpu.scan <sum>, %add3A_586 masked %broadcast_in_dim3A_590 : vector<16xf32>, vector<16xi1> -> vector<16xf32>
        %broadcast_in_dim3A_592 = arith.constant 0 : i32
        %broadcast_in_dim3A_593 = vector.broadcast %broadcast_in_dim3A_592 : i32 to vector<16xi32>
        %mul3A_594 = arith.constant 100 : i32
        %mul3A_595 = arith.muli %add3A_412, %mul3A_594 : i32
        %add3A_596 = arith.addi %mul3A_595, %scan3A_504 : i32
        %add3A_597 = vector.broadcast %add3A_596 : i32 to vector<16xi32>
        %add3A_598 = arith.addi %broadcast_in_dim3A_593, %add3A_597 : vector<16xi32>
        %broadcast_in_dim3A_599 = arith.constant 0 : i32
        %broadcast_in_dim3A_600 = vector.broadcast %broadcast_in_dim3A_599 : i32 to vector<16xi32>
        %add3A_601 = arith.constant 1 : i32
        %add3A_602 = vector.broadcast %add3A_601 : i32 to vector<16xi32>
        %add3A_603 = arith.addi %broadcast_in_dim3A_600, %add3A_602 : vector<16xi32>
        tpu.vector_store_idx %arg17[%add3A_598, %broadcast_in_dim3A_600], %masked_cumsum3A masked %eq3A_4 : memref<5000x2xf32, #tpu.memory_space<vmem>>[vector<16xi32>, vector<16xi32>], vector<16xf32>, vector<16xi1>
        tpu.vector_store_idx %arg17[%add3A_598, %add3A_603], %masked_cumsum3A_591 masked %eq3A_4 : memref<5000x2xf32, #tpu.memory_space<vmem>>[vector<16xi32>, vector<16xi32>], vector<16xf32>, vector<16xi1>
      }
      %scan3A_443 = arith.constant 100 : i32
      %dma_start3A_444 = arith.constant 0 : i32
      %dma_start3A_445 = tpu.memref_slice %arg10[%add3A_412, %dma_start3A_444] : memref<50x100xi32, #tpu.memory_space<vmem>> -> memref<1x100xi32, #tpu.memory_space<vmem>>
      %dma_start3A_446 = tpu.memref_squeeze %dma_start3A_445 : memref<1x100xi32, #tpu.memory_space<vmem>> -> memref<100xi32, #tpu.memory_space<vmem>>
      %dma_start3A_447 = arith.constant 0 : i32
      %dma_start3A_448 = arith.constant 0 : i32
      %dma_start3A_449 = tpu.memref_slice %arg20[%dma_start3A_447, %dma_start3A_448] : memref<10240x64xf32, #tpu.memory_space<vmem_shared>> -> memref<10240x64xf32, #tpu.memory_space<vmem_shared>>
      tpu.enqueue_indirect_dma source(%arg15 : memref<100x64xf32, #tpu.memory_space<vmem>>) target(%dma_start3A_449 : memref<10240x64xf32, #tpu.memory_space<vmem_shared>>) offsets(%dma_start3A_446 : memref<100xi32, #tpu.memory_space<vmem>>) semaphore(%arg25 : memref<!tpu.dma_semaphore, #tpu.memory_space<semaphore_mem>>) {add = true}
      %dma_wait3A_450 = arith.constant 0 : i32
      %dma_wait3A_451 = tpu.memref_slice %arg10[%add3A_412, %dma_wait3A_450] : memref<50x100xi32, #tpu.memory_space<vmem>> -> memref<1x100xi32, #tpu.memory_space<vmem>>
      %dma_wait3A_452 = tpu.memref_squeeze %dma_wait3A_451 : memref<1x100xi32, #tpu.memory_space<vmem>> -> memref<100xi32, #tpu.memory_space<vmem>>
      %dma_wait3A_453 = arith.constant 0 : i32
      %dma_wait3A_454 = arith.constant 0 : i32
      %dma_wait3A_455 = tpu.memref_slice %arg20[%dma_wait3A_453, %dma_wait3A_454] : memref<10240x64xf32, #tpu.memory_space<vmem_shared>> -> memref<10240x64xf32, #tpu.memory_space<vmem_shared>>
      tpu.wait_indirect_dma semaphore(%arg25 : memref<!tpu.dma_semaphore, #tpu.memory_space<semaphore_mem>>) src(%arg15 : memref<100x64xf32, #tpu.memory_space<vmem>>) dst(%dma_wait3A_455 : memref<10240x64xf32, #tpu.memory_space<vmem_shared>>)
      %mul3A_456 = arith.constant 2 : i32
      %mul3A_457 = arith.muli %scan3A_357, %mul3A_456 : i32
      %add3A_458 = arith.constant 1 : i32
      %add3A_459 = arith.addi %mul3A_457, %add3A_458 : i32
      %dma_wait3A_460 = arith.constant 0 : i32
      %dma_wait3A_461 = arith.constant 0 : i32
      %dma_wait3A_462 = tpu.memref_slice %arg9[%add3A_386, %dma_wait3A_461] : memref<50x100xi32, #tpu.memory_space<vmem>> -> memref<1x100xi32, #tpu.memory_space<vmem>>
      %dma_wait3A_463 = tpu.memref_squeeze %dma_wait3A_462 : memref<1x100xi32, #tpu.memory_space<vmem>> -> memref<100xi32, #tpu.memory_space<vmem>>
      %dma_wait3A_464 = arith.constant 0 : i32
      %dma_wait3A_465 = arith.constant 0 : i32
      %dma_wait3A_466 = tpu.memref_slice %arg2[%dma_wait3A_460, %dma_wait3A_464, %dma_wait3A_465] : memref<8x10000x64xf32, #tpu.memory_space<hbm>> -> memref<1x10000x64xf32, #tpu.memory_space<hbm>>
      %dma_wait3A_467 = tpu.memref_squeeze %dma_wait3A_466 : memref<1x10000x64xf32, #tpu.memory_space<hbm>> -> memref<10000x64xf32, #tpu.memory_space<hbm>>
      %dma_wait3A_468 = arith.constant 0 : i32
      %dma_wait3A_469 = arith.constant 0 : i32
      %dma_wait3A_470 = tpu.memref_slice %dma_wait3A_467[%dma_wait3A_468, %dma_wait3A_469] : memref<10000x64xf32, #tpu.memory_space<hbm>> -> memref<10000x64xf32, #tpu.memory_space<hbm>>
      tpu.wait_indirect_dma semaphore(%arg22 : memref<!tpu.dma_semaphore, #tpu.memory_space<semaphore_mem>>) src(%dma_wait3A_470 : memref<10000x64xf32, #tpu.memory_space<hbm>>) dst(%arg12 : memref<100x64xf32, #tpu.memory_space<vmem>>)
      %dma_wait3A_471 = arith.constant 4 : i32
      %dma_wait3A_472 = arith.constant 0 : i32
      %dma_wait3A_473 = tpu.memref_slice %arg10[%add3A_386, %dma_wait3A_472] : memref<50x100xi32, #tpu.memory_space<vmem>> -> memref<1x100xi32, #tpu.memory_space<vmem>>
      %dma_wait3A_474 = tpu.memref_squeeze %dma_wait3A_473 : memref<1x100xi32, #tpu.memory_space<vmem>> -> memref<100xi32, #tpu.memory_space<vmem>>
      %dma_wait3A_475 = arith.constant 0 : i32
      %dma_wait3A_476 = arith.constant 0 : i32
      %dma_wait3A_477 = tpu.memref_slice %arg2[%dma_wait3A_471, %dma_wait3A_475, %dma_wait3A_476] : memref<8x10000x64xf32, #tpu.memory_space<hbm>> -> memref<1x10000x64xf32, #tpu.memory_space<hbm>>
      %dma_wait3A_478 = tpu.memref_squeeze %dma_wait3A_477 : memref<1x10000x64xf32, #tpu.memory_space<hbm>> -> memref<10000x64xf32, #tpu.memory_space<hbm>>
      %dma_wait3A_479 = arith.constant 0 : i32
      %dma_wait3A_480 = arith.constant 0 : i32
      %dma_wait3A_481 = tpu.memref_slice %dma_wait3A_478[%dma_wait3A_479, %dma_wait3A_480] : memref<10000x64xf32, #tpu.memory_space<hbm>> -> memref<10000x64xf32, #tpu.memory_space<hbm>>
      tpu.wait_indirect_dma semaphore(%arg24 : memref<!tpu.dma_semaphore, #tpu.memory_space<semaphore_mem>>) src(%dma_wait3A_481 : memref<10000x64xf32, #tpu.memory_space<hbm>>) dst(%arg14 : memref<100x64xf32, #tpu.memory_space<vmem>>)
      %mul3A_482 = arith.constant 50 : i32
      %mul3A_483 = arith.muli %add3A, %mul3A_482 : i32
      %add3A_484 = arith.addi %mul3A_483, %add3A_459 : i32
      %run_scoped3A_485 = arith.constant 0 : i32
      "tpu.region"() ({
        %run_scoped3A_504 = tpu.sem_alloc : memref<!tpu.dma_semaphore, #tpu.memory_space<semaphore_mem>>
        %dma_start3A_505 = arith.constant 0 : i32
        %dma_start3A_506 = arith.constant 0 : i32
        %dma_start3A_507 = arith.constant 0 : i32
        %dma_start3A_508 = tpu.memref_slice %arg3[%run_scoped3A_485, %dma_start3A_505, %dma_start3A_506, %dma_start3A_507] : memref<4x1600x100x64xf32, #tpu.memory_space<hbm>> -> memref<1x1600x100x64xf32, #tpu.memory_space<hbm>>
        %dma_start3A_509 = tpu.memref_squeeze %dma_start3A_508 : memref<1x1600x100x64xf32, #tpu.memory_space<hbm>> -> memref<1600x100x64xf32, #tpu.memory_space<hbm>>
        %dma_start3A_510 = arith.constant 0 : i32
        %dma_start3A_511 = arith.constant 0 : i32
        %dma_start3A_512 = tpu.memref_slice %dma_start3A_509[%add3A_484, %dma_start3A_510, %dma_start3A_511] : memref<1600x100x64xf32, #tpu.memory_space<hbm>> -> memref<1x100x64xf32, #tpu.memory_space<hbm>>
        %dma_start3A_513 = tpu.memref_squeeze %dma_start3A_512 : memref<1x100x64xf32, #tpu.memory_space<hbm>> -> memref<100x64xf32, #tpu.memory_space<hbm>>
        %dma_start3A_514 = arith.constant 0 : i32
        %dma_start3A_515 = arith.constant 0 : i32
        %dma_start3A_516 = arith.constant 0 : i32
        %dma_start3A_517 = tpu.memref_slice %arg3[%run_scoped3A_485, %dma_start3A_514, %dma_start3A_515, %dma_start3A_516] : memref<4x1600x100x64xf32, #tpu.memory_space<hbm>> -> memref<1x1600x100x64xf32, #tpu.memory_space<hbm>>
        %dma_start3A_518 = tpu.memref_squeeze %dma_start3A_517 : memref<1x1600x100x64xf32, #tpu.memory_space<hbm>> -> memref<1600x100x64xf32, #tpu.memory_space<hbm>>
        %dma_start3A_519 = arith.constant 0 : i32
        %dma_start3A_520 = arith.constant 0 : i32
        %dma_start3A_521 = tpu.memref_slice %dma_start3A_518[%add3A_484, %dma_start3A_519, %dma_start3A_520] : memref<1600x100x64xf32, #tpu.memory_space<hbm>> -> memref<1x100x64xf32, #tpu.memory_space<hbm>>
        %dma_start3A_522 = tpu.memref_squeeze %dma_start3A_521 : memref<1x100x64xf32, #tpu.memory_space<hbm>> -> memref<100x64xf32, #tpu.memory_space<hbm>>
        tpu.enqueue_dma source(%dma_start3A_522 : memref<100x64xf32, #tpu.memory_space<hbm>>) target(%arg16 : memref<100x64xf32, #tpu.memory_space<vmem>>) target_semaphore(%run_scoped3A_504 : memref<!tpu.dma_semaphore, #tpu.memory_space<semaphore_mem>>)
        %dma_wait3A_523 = arith.constant 0 : i32
        %dma_wait3A_524 = arith.constant 0 : i32
        %dma_wait3A_525 = arith.constant 0 : i32
        %dma_wait3A_526 = tpu.memref_slice %arg3[%run_scoped3A_485, %dma_wait3A_523, %dma_wait3A_524, %dma_wait3A_525] : memref<4x1600x100x64xf32, #tpu.memory_space<hbm>> -> memref<1x1600x100x64xf32, #tpu.memory_space<hbm>>
        %dma_wait3A_527 = tpu.memref_squeeze %dma_wait3A_526 : memref<1x1600x100x64xf32, #tpu.memory_space<hbm>> -> memref<1600x100x64xf32, #tpu.memory_space<hbm>>
        %dma_wait3A_528 = arith.constant 0 : i32
        %dma_wait3A_529 = arith.constant 0 : i32
        %dma_wait3A_530 = tpu.memref_slice %dma_wait3A_527[%add3A_484, %dma_wait3A_528, %dma_wait3A_529] : memref<1600x100x64xf32, #tpu.memory_space<hbm>> -> memref<1x100x64xf32, #tpu.memory_space<hbm>>
        %dma_wait3A_531 = tpu.memref_squeeze %dma_wait3A_530 : memref<1x100x64xf32, #tpu.memory_space<hbm>> -> memref<100x64xf32, #tpu.memory_space<hbm>>
        %dma_wait3A_532 = arith.constant 0 : i32
        %dma_wait3A_533 = arith.constant 0 : i32
        %dma_wait3A_534 = arith.constant 0 : i32
        %dma_wait3A_535 = tpu.memref_slice %arg3[%run_scoped3A_485, %dma_wait3A_532, %dma_wait3A_533, %dma_wait3A_534] : memref<4x1600x100x64xf32, #tpu.memory_space<hbm>> -> memref<1x1600x100x64xf32, #tpu.memory_space<hbm>>
        %dma_wait3A_536 = tpu.memref_squeeze %dma_wait3A_535 : memref<1x1600x100x64xf32, #tpu.memory_space<hbm>> -> memref<1600x100x64xf32, #tpu.memory_space<hbm>>
        %dma_wait3A_537 = arith.constant 0 : i32
        %dma_wait3A_538 = arith.constant 0 : i32
        %dma_wait3A_539 = tpu.memref_slice %dma_wait3A_536[%add3A_484, %dma_wait3A_537, %dma_wait3A_538] : memref<1600x100x64xf32, #tpu.memory_space<hbm>> -> memref<1x100x64xf32, #tpu.memory_space<hbm>>
        %dma_wait3A_540 = tpu.memref_squeeze %dma_wait3A_539 : memref<1x100x64xf32, #tpu.memory_space<hbm>> -> memref<100x64xf32, #tpu.memory_space<hbm>>
        tpu.wait_dma2 semaphore(%run_scoped3A_504 : memref<!tpu.dma_semaphore, #tpu.memory_space<semaphore_mem>>) src(%dma_wait3A_540 : memref<100x64xf32, #tpu.memory_space<hbm>>) dst(%arg16 : memref<100x64xf32, #tpu.memory_space<vmem>>)
        tpu.yield
      }) : () -> ()
      %scan3A_486 = arith.constant 0 : i32
      %scan3A_487 = arith.constant 0 : i32
      %scan3A_488 = arith.constant 100 : i32
      %scan3A_489 = arith.addi %scan3A_487, %scan3A_488 : i32
      %scan3A_490 = arith.constant 1 : i32
      scf.for %scan3A_504 = %scan3A_487 to %scan3A_489 step %scan3A_490  : i32 {
        %get3A_505 = arith.index_cast %scan3A_504 : i32 to index
        %get3A_506 = arith.constant 0 : index
        %get3A_507 = tpu.vector_load %arg12[%get3A_505, %get3A_506] {strides = array<i32>} : memref<100x64xf32, #tpu.memory_space<vmem>>, vector<16xf32>,
        %get3A_508 = arith.index_cast %scan3A_504 : i32 to index
        %get3A_509 = arith.constant 0 : index
        %get3A_510 = tpu.vector_load %arg14[%get3A_508, %get3A_509] {strides = array<i32>} : memref<100x64xf32, #tpu.memory_space<vmem>>, vector<16xf32>,
        %add3A_511 = arith.addf %get3A_507, %get3A_510 : vector<16xf32>
        %get3A_512 = arith.index_cast %scan3A_504 : i32 to index
        %get3A_513 = arith.constant 0 : index
        %get3A_514 = tpu.vector_load %arg16[%get3A_512, %get3A_513] {strides = array<i32>} : memref<100x64xf32, #tpu.memory_space<vmem>>, vector<16xf32>,
        %add3A_515 = arith.addf %add3A_511, %get3A_514 : vector<16xf32>
        %max3A = arith.constant 0.000000e+00 : f32
        %max3A_516 = vector.broadcast %max3A : f32 to vector<16xf32>
        %max3A_517 = arith.maximumf %add3A_515, %max3A_516 : vector<16xf32>
        %swap3A = arith.index_cast %scan3A_504 : i32 to index
        %swap3A_518 = arith.constant 0 : index
        %swap3A_519 = tpu.vector_load %arg15[%swap3A, %swap3A_518] {strides = array<i32>} : memref<100x64xf32, #tpu.memory_space<vmem>>, vector<16xf32>,
        tpu.vector_store %arg15[%swap3A, %swap3A_518], %max3A_517 {strides = array<i32>} : memref<100x64xf32, #tpu.memory_space<vmem>>, vector<16xf32>,
        %mul3A_520 = arith.mulf %max3A_517, %get3A_41 : vector<16xf32>
        %add3A_521 = arith.addf %select_n3A, %mul3A_520 : vector<16xf32>
        %mul3A_522 = arith.mulf %max3A_517, %get3A_65 : vector<16xf32>
        %add3A_523 = arith.addf %select_n3A_12, %mul3A_522 : vector<16xf32>
        %get3A_524 = arith.index_cast %scan3A_504 : i32 to index
        %get3A_525 = arith.constant 16 : index
        %get3A_526 = tpu.vector_load %arg12[%get3A_524, %get3A_525] {strides = array<i32>} : memref<100x64xf32, #tpu.memory_space<vmem>>, vector<16xf32>,
        %get3A_527 = arith.index_cast %scan3A_504 : i32 to index
        %get3A_528 = arith.constant 16 : index
        %get3A_529 = tpu.vector_load %arg14[%get3A_527, %get3A_528] {strides = array<i32>} : memref<100x64xf32, #tpu.memory_space<vmem>>, vector<16xf32>,
        %add3A_530 = arith.addf %get3A_526, %get3A_529 : vector<16xf32>
        %get3A_531 = arith.index_cast %scan3A_504 : i32 to index
        %get3A_532 = arith.constant 16 : index
        %get3A_533 = tpu.vector_load %arg16[%get3A_531, %get3A_532] {strides = array<i32>} : memref<100x64xf32, #tpu.memory_space<vmem>>, vector<16xf32>,
        %add3A_534 = arith.addf %add3A_530, %get3A_533 : vector<16xf32>
        %max3A_535 = arith.constant 0.000000e+00 : f32
        %max3A_536 = vector.broadcast %max3A_535 : f32 to vector<16xf32>
        %max3A_537 = arith.maximumf %add3A_534, %max3A_536 : vector<16xf32>
        %swap3A_538 = arith.index_cast %scan3A_504 : i32 to index
        %swap3A_539 = arith.constant 16 : index
        %swap3A_540 = tpu.vector_load %arg15[%swap3A_538, %swap3A_539] {strides = array<i32>} : memref<100x64xf32, #tpu.memory_space<vmem>>, vector<16xf32>,
        tpu.vector_store %arg15[%swap3A_538, %swap3A_539], %max3A_537 {strides = array<i32>} : memref<100x64xf32, #tpu.memory_space<vmem>>, vector<16xf32>,
        %mul3A_541 = arith.mulf %max3A_537, %get3A_47 : vector<16xf32>
        %add3A_542 = arith.addf %add3A_521, %mul3A_541 : vector<16xf32>
        %mul3A_543 = arith.mulf %max3A_537, %get3A_71 : vector<16xf32>
        %add3A_544 = arith.addf %add3A_523, %mul3A_543 : vector<16xf32>
        %get3A_545 = arith.index_cast %scan3A_504 : i32 to index
        %get3A_546 = arith.constant 32 : index
        %get3A_547 = tpu.vector_load %arg12[%get3A_545, %get3A_546] {strides = array<i32>} : memref<100x64xf32, #tpu.memory_space<vmem>>, vector<16xf32>,
        %get3A_548 = arith.index_cast %scan3A_504 : i32 to index
        %get3A_549 = arith.constant 32 : index
        %get3A_550 = tpu.vector_load %arg14[%get3A_548, %get3A_549] {strides = array<i32>} : memref<100x64xf32, #tpu.memory_space<vmem>>, vector<16xf32>,
        %add3A_551 = arith.addf %get3A_547, %get3A_550 : vector<16xf32>
        %get3A_552 = arith.index_cast %scan3A_504 : i32 to index
        %get3A_553 = arith.constant 32 : index
        %get3A_554 = tpu.vector_load %arg16[%get3A_552, %get3A_553] {strides = array<i32>} : memref<100x64xf32, #tpu.memory_space<vmem>>, vector<16xf32>,
        %add3A_555 = arith.addf %add3A_551, %get3A_554 : vector<16xf32>
        %max3A_556 = arith.constant 0.000000e+00 : f32
        %max3A_557 = vector.broadcast %max3A_556 : f32 to vector<16xf32>
        %max3A_558 = arith.maximumf %add3A_555, %max3A_557 : vector<16xf32>
        %swap3A_559 = arith.index_cast %scan3A_504 : i32 to index
        %swap3A_560 = arith.constant 32 : index
        %swap3A_561 = tpu.vector_load %arg15[%swap3A_559, %swap3A_560] {strides = array<i32>} : memref<100x64xf32, #tpu.memory_space<vmem>>, vector<16xf32>,
        tpu.vector_store %arg15[%swap3A_559, %swap3A_560], %max3A_558 {strides = array<i32>} : memref<100x64xf32, #tpu.memory_space<vmem>>, vector<16xf32>,
        %mul3A_562 = arith.mulf %max3A_558, %get3A_53 : vector<16xf32>
        %add3A_563 = arith.addf %add3A_542, %mul3A_562 : vector<16xf32>
        %mul3A_564 = arith.mulf %max3A_558, %get3A_77 : vector<16xf32>
        %add3A_565 = arith.addf %add3A_544, %mul3A_564 : vector<16xf32>
        %get3A_566 = arith.index_cast %scan3A_504 : i32 to index
        %get3A_567 = arith.constant 48 : index
        %get3A_568 = tpu.vector_load %arg12[%get3A_566, %get3A_567] {strides = array<i32>} : memref<100x64xf32, #tpu.memory_space<vmem>>, vector<16xf32>,
        %get3A_569 = arith.index_cast %scan3A_504 : i32 to index
        %get3A_570 = arith.constant 48 : index
        %get3A_571 = tpu.vector_load %arg14[%get3A_569, %get3A_570] {strides = array<i32>} : memref<100x64xf32, #tpu.memory_space<vmem>>, vector<16xf32>,
        %add3A_572 = arith.addf %get3A_568, %get3A_571 : vector<16xf32>
        %get3A_573 = arith.index_cast %scan3A_504 : i32 to index
        %get3A_574 = arith.constant 48 : index
        %get3A_575 = tpu.vector_load %arg16[%get3A_573, %get3A_574] {strides = array<i32>} : memref<100x64xf32, #tpu.memory_space<vmem>>, vector<16xf32>,
        %add3A_576 = arith.addf %add3A_572, %get3A_575 : vector<16xf32>
        %max3A_577 = arith.constant 0.000000e+00 : f32
        %max3A_578 = vector.broadcast %max3A_577 : f32 to vector<16xf32>
        %max3A_579 = arith.maximumf %add3A_576, %max3A_578 : vector<16xf32>
        %swap3A_580 = arith.index_cast %scan3A_504 : i32 to index
        %swap3A_581 = arith.constant 48 : index
        %swap3A_582 = tpu.vector_load %arg15[%swap3A_580, %swap3A_581] {strides = array<i32>} : memref<100x64xf32, #tpu.memory_space<vmem>>, vector<16xf32>,
        tpu.vector_store %arg15[%swap3A_580, %swap3A_581], %max3A_579 {strides = array<i32>} : memref<100x64xf32, #tpu.memory_space<vmem>>, vector<16xf32>,
        %mul3A_583 = arith.mulf %max3A_579, %get3A_59 : vector<16xf32>
        %add3A_584 = arith.addf %add3A_563, %mul3A_583 : vector<16xf32>
        %mul3A_585 = arith.mulf %max3A_579, %get3A_83 : vector<16xf32>
        %add3A_586 = arith.addf %add3A_565, %mul3A_585 : vector<16xf32>
        %broadcast_in_dim3A_587 = arith.constant true
        %broadcast_in_dim3A_588 = vector.broadcast %broadcast_in_dim3A_587 : i1 to vector<16xi1>
        %masked_cumsum3A = tpu.scan <sum>, %add3A_584 masked %broadcast_in_dim3A_588 : vector<16xf32>, vector<16xi1> -> vector<16xf32>
        %broadcast_in_dim3A_589 = arith.constant true
        %broadcast_in_dim3A_590 = vector.broadcast %broadcast_in_dim3A_589 : i1 to vector<16xi1>
        %masked_cumsum3A_591 = tpu.scan <sum>, %add3A_586 masked %broadcast_in_dim3A_590 : vector<16xf32>, vector<16xi1> -> vector<16xf32>
        %broadcast_in_dim3A_592 = arith.constant 0 : i32
        %broadcast_in_dim3A_593 = vector.broadcast %broadcast_in_dim3A_592 : i32 to vector<16xi32>
        %mul3A_594 = arith.constant 100 : i32
        %mul3A_595 = arith.muli %add3A_459, %mul3A_594 : i32
        %add3A_596 = arith.addi %mul3A_595, %scan3A_504 : i32
        %add3A_597 = vector.broadcast %add3A_596 : i32 to vector<16xi32>
        %add3A_598 = arith.addi %broadcast_in_dim3A_593, %add3A_597 : vector<16xi32>
        %broadcast_in_dim3A_599 = arith.constant 0 : i32
        %broadcast_in_dim3A_600 = vector.broadcast %broadcast_in_dim3A_599 : i32 to vector<16xi32>
        %add3A_601 = arith.constant 1 : i32
        %add3A_602 = vector.broadcast %add3A_601 : i32 to vector<16xi32>
        %add3A_603 = arith.addi %broadcast_in_dim3A_600, %add3A_602 : vector<16xi32>
        tpu.vector_store_idx %arg17[%add3A_598, %broadcast_in_dim3A_600], %masked_cumsum3A masked %eq3A_4 : memref<5000x2xf32, #tpu.memory_space<vmem>>[vector<16xi32>, vector<16xi32>], vector<16xf32>, vector<16xi1>
        tpu.vector_store_idx %arg17[%add3A_598, %add3A_603], %masked_cumsum3A_591 masked %eq3A_4 : memref<5000x2xf32, #tpu.memory_space<vmem>>[vector<16xi32>, vector<16xi32>], vector<16xf32>, vector<16xi1>
      }
      %scan3A_491 = arith.constant 100 : i32
      %dma_start3A_492 = arith.constant 0 : i32
      %dma_start3A_493 = tpu.memref_slice %arg10[%add3A_459, %dma_start3A_492] : memref<50x100xi32, #tpu.memory_space<vmem>> -> memref<1x100xi32, #tpu.memory_space<vmem>>
      %dma_start3A_494 = tpu.memref_squeeze %dma_start3A_493 : memref<1x100xi32, #tpu.memory_space<vmem>> -> memref<100xi32, #tpu.memory_space<vmem>>
      %dma_start3A_495 = arith.constant 0 : i32
      %dma_start3A_496 = arith.constant 0 : i32
      %dma_start3A_497 = tpu.memref_slice %arg20[%dma_start3A_495, %dma_start3A_496] : memref<10240x64xf32, #tpu.memory_space<vmem_shared>> -> memref<10240x64xf32, #tpu.memory_space<vmem_shared>>
      tpu.enqueue_indirect_dma source(%arg15 : memref<100x64xf32, #tpu.memory_space<vmem>>) target(%dma_start3A_497 : memref<10240x64xf32, #tpu.memory_space<vmem_shared>>) offsets(%dma_start3A_494 : memref<100xi32, #tpu.memory_space<vmem>>) semaphore(%arg25 : memref<!tpu.dma_semaphore, #tpu.memory_space<semaphore_mem>>) {add = true}
      %dma_wait3A_498 = arith.constant 0 : i32
      %dma_wait3A_499 = tpu.memref_slice %arg10[%add3A_459, %dma_wait3A_498] : memref<50x100xi32, #tpu.memory_space<vmem>> -> memref<1x100xi32, #tpu.memory_space<vmem>>
      %dma_wait3A_500 = tpu.memref_squeeze %dma_wait3A_499 : memref<1x100xi32, #tpu.memory_space<vmem>> -> memref<100xi32, #tpu.memory_space<vmem>>
      %dma_wait3A_501 = arith.constant 0 : i32
      %dma_wait3A_502 = arith.constant 0 : i32
      %dma_wait3A_503 = tpu.memref_slice %arg20[%dma_wait3A_501, %dma_wait3A_502] : memref<10240x64xf32, #tpu.memory_space<vmem_shared>> -> memref<10240x64xf32, #tpu.memory_space<vmem_shared>>
      tpu.wait_indirect_dma semaphore(%arg25 : memref<!tpu.dma_semaphore, #tpu.memory_space<semaphore_mem>>) src(%arg15 : memref<100x64xf32, #tpu.memory_space<vmem>>) dst(%dma_wait3A_503 : memref<10240x64xf32, #tpu.memory_space<vmem_shared>>)
    }
    %scan3A_89 = arith.constant 25 : i32
    %barrier3A_90 = arith.constant 0 : index
    tpu.barrier barrier_id(%barrier3A_90)
    %mul3A_91 = arith.constant 640 : i32
    %mul3A_92 = arith.muli %arg1, %mul3A_91 : i32
    %mul3A_93 = arith.constant 640 : i32
    %mul3A_94 = arith.muli %arg1, %mul3A_93 : i32
    %run_scoped3A_95 = arith.constant 0 : i32
    "tpu.region"() ({
      %run_scoped3A_357 = tpu.sem_alloc : memref<!tpu.dma_semaphore, #tpu.memory_space<semaphore_mem>>
      %dma_start3A = arith.constant 0 : i32
      %dma_start3A_358 = tpu.memref_slice %arg8[%arg0, %run_scoped3A_95, %mul3A_94, %dma_start3A] : memref<2x4x10240x64xf32, #tpu.memory_space<hbm>> -> memref<1x1x640x64xf32, #tpu.memory_space<hbm>>
      %dma_start3A_359 = tpu.memref_squeeze %dma_start3A_358 : memref<1x1x640x64xf32, #tpu.memory_space<hbm>> -> memref<640x64xf32, #tpu.memory_space<hbm>>
      %dma_start3A_360 = arith.constant 0 : i32
      %dma_start3A_361 = tpu.memref_slice %arg20[%mul3A_92, %dma_start3A_360] : memref<10240x64xf32, #tpu.memory_space<vmem_shared>> -> memref<640x64xf32, #tpu.memory_space<vmem_shared>>
      tpu.enqueue_dma source(%dma_start3A_361 : memref<640x64xf32, #tpu.memory_space<vmem_shared>>) target(%dma_start3A_359 : memref<640x64xf32, #tpu.memory_space<hbm>>) target_semaphore(%run_scoped3A_357 : memref<!tpu.dma_semaphore, #tpu.memory_space<semaphore_mem>>)
      %dma_wait3A = arith.constant 0 : i32
      %dma_wait3A_362 = tpu.memref_slice %arg8[%arg0, %run_scoped3A_95, %mul3A_94, %dma_wait3A] : memref<2x4x10240x64xf32, #tpu.memory_space<hbm>> -> memref<1x1x640x64xf32, #tpu.memory_space<hbm>>
      %dma_wait3A_363 = tpu.memref_squeeze %dma_wait3A_362 : memref<1x1x640x64xf32, #tpu.memory_space<hbm>> -> memref<640x64xf32, #tpu.memory_space<hbm>>
      %dma_wait3A_364 = arith.constant 0 : i32
      %dma_wait3A_365 = tpu.memref_slice %arg20[%mul3A_92, %dma_wait3A_364] : memref<10240x64xf32, #tpu.memory_space<vmem_shared>> -> memref<640x64xf32, #tpu.memory_space<vmem_shared>>
      tpu.wait_dma2 semaphore(%run_scoped3A_357 : memref<!tpu.dma_semaphore, #tpu.memory_space<semaphore_mem>>) src(%dma_wait3A_365 : memref<640x64xf32, #tpu.memory_space<vmem_shared>>) dst(%dma_wait3A_363 : memref<640x64xf32, #tpu.memory_space<hbm>>)
      tpu.yield
    }) : () -> ()
    %barrier3A_96 = arith.constant 0 : index
    tpu.barrier barrier_id(%barrier3A_96)
    %scan3A_97 = arith.constant 0 : i32
    %scan3A_98 = arith.constant 0 : i32
    %scan3A_99 = arith.constant 100 : i32
    %scan3A_100 = arith.addi %scan3A_98, %scan3A_99 : i32
    %scan3A_101 = arith.constant 1 : i32
    scf.for %scan3A_357 = %scan3A_98 to %scan3A_100 step %scan3A_101  : i32 {
      %swap3A = arith.index_cast %scan3A_357 : i32 to index
      %swap3A_358 = arith.constant 0 : index
      %swap3A_359 = tpu.vector_load %arg15[%swap3A, %swap3A_358] {strides = array<i32>} : memref<100x64xf32, #tpu.memory_space<vmem>>, vector<16xf32>,
      tpu.vector_store %arg15[%swap3A, %swap3A_358], %broadcast_in_dim3A_5 {strides = array<i32>} : memref<100x64xf32, #tpu.memory_space<vmem>>, vector<16xf32>,
      %swap3A_360 = arith.index_cast %scan3A_357 : i32 to index
      %swap3A_361 = arith.constant 16 : index
      %swap3A_362 = tpu.vector_load %arg15[%swap3A_360, %swap3A_361] {strides = array<i32>} : memref<100x64xf32, #tpu.memory_space<vmem>>, vector<16xf32>,
      tpu.vector_store %arg15[%swap3A_360, %swap3A_361], %broadcast_in_dim3A_5 {strides = array<i32>} : memref<100x64xf32, #tpu.memory_space<vmem>>, vector<16xf32>,
      %swap3A_363 = arith.index_cast %scan3A_357 : i32 to index
      %swap3A_364 = arith.constant 32 : index
      %swap3A_365 = tpu.vector_load %arg15[%swap3A_363, %swap3A_364] {strides = array<i32>} : memref<100x64xf32, #tpu.memory_space<vmem>>, vector<16xf32>,
      tpu.vector_store %arg15[%swap3A_363, %swap3A_364], %broadcast_in_dim3A_5 {strides = array<i32>} : memref<100x64xf32, #tpu.memory_space<vmem>>, vector<16xf32>,
      %swap3A_366 = arith.index_cast %scan3A_357 : i32 to index
      %swap3A_367 = arith.constant 48 : index
      %swap3A_368 = tpu.vector_load %arg15[%swap3A_366, %swap3A_367] {strides = array<i32>} : memref<100x64xf32, #tpu.memory_space<vmem>>, vector<16xf32>,
      tpu.vector_store %arg15[%swap3A_366, %swap3A_367], %broadcast_in_dim3A_5 {strides = array<i32>} : memref<100x64xf32, #tpu.memory_space<vmem>>, vector<16xf32>,
    }
    %scan3A_102 = arith.constant 100 : i32
    %mul3A_103 = arith.constant 640 : i32
    %mul3A_104 = arith.muli %arg1, %mul3A_103 : i32
    %add3A_105 = arith.constant 0 : i32
    %add3A_106 = arith.addi %mul3A_104, %add3A_105 : i32
    "tpu.region"() ({
      %run_scoped3A_357 = tpu.sem_alloc : memref<!tpu.dma_semaphore, #tpu.memory_space<semaphore_mem>>
      %dma_start3A = arith.constant 0 : i32
      %dma_start3A_358 = arith.constant 0 : i32
      %dma_start3A_359 = tpu.memref_slice %arg15[%dma_start3A, %dma_start3A_358] : memref<100x64xf32, #tpu.memory_space<vmem>> -> memref<80x64xf32, #tpu.memory_space<vmem>>
      %dma_start3A_360 = arith.constant 0 : i32
      %dma_start3A_361 = tpu.memref_slice %arg20[%add3A_106, %dma_start3A_360] : memref<10240x64xf32, #tpu.memory_space<vmem_shared>> -> memref<80x64xf32, #tpu.memory_space<vmem_shared>>
      %dma_start3A_362 = arith.constant 0 : i32
      %dma_start3A_363 = tpu.memref_slice %arg20[%add3A_106, %dma_start3A_362] : memref<10240x64xf32, #tpu.memory_space<vmem_shared>> -> memref<80x64xf32, #tpu.memory_space<vmem_shared>>
      %dma_start3A_364 = arith.constant 0 : i32
      %dma_start3A_365 = arith.constant 0 : i32
      %dma_start3A_366 = tpu.memref_slice %arg15[%dma_start3A_364, %dma_start3A_365] : memref<100x64xf32, #tpu.memory_space<vmem>> -> memref<80x64xf32, #tpu.memory_space<vmem>>
      tpu.enqueue_dma source(%dma_start3A_366 : memref<80x64xf32, #tpu.memory_space<vmem>>) target(%dma_start3A_363 : memref<80x64xf32, #tpu.memory_space<vmem_shared>>) target_semaphore(%run_scoped3A_357 : memref<!tpu.dma_semaphore, #tpu.memory_space<semaphore_mem>>)
      %dma_wait3A = arith.constant 0 : i32
      %dma_wait3A_367 = arith.constant 0 : i32
      %dma_wait3A_368 = tpu.memref_slice %arg15[%dma_wait3A, %dma_wait3A_367] : memref<100x64xf32, #tpu.memory_space<vmem>> -> memref<80x64xf32, #tpu.memory_space<vmem>>
      %dma_wait3A_369 = arith.constant 0 : i32
      %dma_wait3A_370 = tpu.memref_slice %arg20[%add3A_106, %dma_wait3A_369] : memref<10240x64xf32, #tpu.memory_space<vmem_shared>> -> memref<80x64xf32, #tpu.memory_space<vmem_shared>>
      %dma_wait3A_371 = arith.constant 0 : i32
      %dma_wait3A_372 = tpu.memref_slice %arg20[%add3A_106, %dma_wait3A_371] : memref<10240x64xf32, #tpu.memory_space<vmem_shared>> -> memref<80x64xf32, #tpu.memory_space<vmem_shared>>
      %dma_wait3A_373 = arith.constant 0 : i32
      %dma_wait3A_374 = arith.constant 0 : i32
      %dma_wait3A_375 = tpu.memref_slice %arg15[%dma_wait3A_373, %dma_wait3A_374] : memref<100x64xf32, #tpu.memory_space<vmem>> -> memref<80x64xf32, #tpu.memory_space<vmem>>
      tpu.wait_dma2 semaphore(%run_scoped3A_357 : memref<!tpu.dma_semaphore, #tpu.memory_space<semaphore_mem>>) src(%dma_wait3A_375 : memref<80x64xf32, #tpu.memory_space<vmem>>) dst(%dma_wait3A_372 : memref<80x64xf32, #tpu.memory_space<vmem_shared>>)
      tpu.yield
    }) : () -> ()
    %add3A_107 = arith.constant 80 : i32
    %add3A_108 = arith.addi %mul3A_104, %add3A_107 : i32
    "tpu.region"() ({
      %run_scoped3A_357 = tpu.sem_alloc : memref<!tpu.dma_semaphore, #tpu.memory_space<semaphore_mem>>
      %dma_start3A = arith.constant 0 : i32
      %dma_start3A_358 = arith.constant 0 : i32
      %dma_start3A_359 = tpu.memref_slice %arg15[%dma_start3A, %dma_start3A_358] : memref<100x64xf32, #tpu.memory_space<vmem>> -> memref<80x64xf32, #tpu.memory_space<vmem>>
      %dma_start3A_360 = arith.constant 0 : i32
      %dma_start3A_361 = tpu.memref_slice %arg20[%add3A_108, %dma_start3A_360] : memref<10240x64xf32, #tpu.memory_space<vmem_shared>> -> memref<80x64xf32, #tpu.memory_space<vmem_shared>>
      %dma_start3A_362 = arith.constant 0 : i32
      %dma_start3A_363 = tpu.memref_slice %arg20[%add3A_108, %dma_start3A_362] : memref<10240x64xf32, #tpu.memory_space<vmem_shared>> -> memref<80x64xf32, #tpu.memory_space<vmem_shared>>
      %dma_start3A_364 = arith.constant 0 : i32
      %dma_start3A_365 = arith.constant 0 : i32
      %dma_start3A_366 = tpu.memref_slice %arg15[%dma_start3A_364, %dma_start3A_365] : memref<100x64xf32, #tpu.memory_space<vmem>> -> memref<80x64xf32, #tpu.memory_space<vmem>>
      tpu.enqueue_dma source(%dma_start3A_366 : memref<80x64xf32, #tpu.memory_space<vmem>>) target(%dma_start3A_363 : memref<80x64xf32, #tpu.memory_space<vmem_shared>>) target_semaphore(%run_scoped3A_357 : memref<!tpu.dma_semaphore, #tpu.memory_space<semaphore_mem>>)
      %dma_wait3A = arith.constant 0 : i32
      %dma_wait3A_367 = arith.constant 0 : i32
      %dma_wait3A_368 = tpu.memref_slice %arg15[%dma_wait3A, %dma_wait3A_367] : memref<100x64xf32, #tpu.memory_space<vmem>> -> memref<80x64xf32, #tpu.memory_space<vmem>>
      %dma_wait3A_369 = arith.constant 0 : i32
      %dma_wait3A_370 = tpu.memref_slice %arg20[%add3A_108, %dma_wait3A_369] : memref<10240x64xf32, #tpu.memory_space<vmem_shared>> -> memref<80x64xf32, #tpu.memory_space<vmem_shared>>
      %dma_wait3A_371 = arith.constant 0 : i32
      %dma_wait3A_372 = tpu.memref_slice %arg20[%add3A_108, %dma_wait3A_371] : memref<10240x64xf32, #tpu.memory_space<vmem_shared>> -> memref<80x64xf32, #tpu.memory_space<vmem_shared>>
      %dma_wait3A_373 = arith.constant 0 : i32
      %dma_wait3A_374 = arith.constant 0 : i32
      %dma_wait3A_375 = tpu.memref_slice %arg15[%dma_wait3A_373, %dma_wait3A_374] : memref<100x64xf32, #tpu.memory_space<vmem>> -> memref<80x64xf32, #tpu.memory_space<vmem>>
      tpu.wait_dma2 semaphore(%run_scoped3A_357 : memref<!tpu.dma_semaphore, #tpu.memory_space<semaphore_mem>>) src(%dma_wait3A_375 : memref<80x64xf32, #tpu.memory_space<vmem>>) dst(%dma_wait3A_372 : memref<80x64xf32, #tpu.memory_space<vmem_shared>>)
      tpu.yield
    }) : () -> ()
    %add3A_109 = arith.constant 160 : i32
    %add3A_110 = arith.addi %mul3A_104, %add3A_109 : i32
    "tpu.region"() ({
      %run_scoped3A_357 = tpu.sem_alloc : memref<!tpu.dma_semaphore, #tpu.memory_space<semaphore_mem>>
      %dma_start3A = arith.constant 0 : i32
      %dma_start3A_358 = arith.constant 0 : i32
      %dma_start3A_359 = tpu.memref_slice %arg15[%dma_start3A, %dma_start3A_358] : memref<100x64xf32, #tpu.memory_space<vmem>> -> memref<80x64xf32, #tpu.memory_space<vmem>>
      %dma_start3A_360 = arith.constant 0 : i32
      %dma_start3A_361 = tpu.memref_slice %arg20[%add3A_110, %dma_start3A_360] : memref<10240x64xf32, #tpu.memory_space<vmem_shared>> -> memref<80x64xf32, #tpu.memory_space<vmem_shared>>
      %dma_start3A_362 = arith.constant 0 : i32
      %dma_start3A_363 = tpu.memref_slice %arg20[%add3A_110, %dma_start3A_362] : memref<10240x64xf32, #tpu.memory_space<vmem_shared>> -> memref<80x64xf32, #tpu.memory_space<vmem_shared>>
      %dma_start3A_364 = arith.constant 0 : i32
      %dma_start3A_365 = arith.constant 0 : i32
      %dma_start3A_366 = tpu.memref_slice %arg15[%dma_start3A_364, %dma_start3A_365] : memref<100x64xf32, #tpu.memory_space<vmem>> -> memref<80x64xf32, #tpu.memory_space<vmem>>
      tpu.enqueue_dma source(%dma_start3A_366 : memref<80x64xf32, #tpu.memory_space<vmem>>) target(%dma_start3A_363 : memref<80x64xf32, #tpu.memory_space<vmem_shared>>) target_semaphore(%run_scoped3A_357 : memref<!tpu.dma_semaphore, #tpu.memory_space<semaphore_mem>>)
      %dma_wait3A = arith.constant 0 : i32
      %dma_wait3A_367 = arith.constant 0 : i32
      %dma_wait3A_368 = tpu.memref_slice %arg15[%dma_wait3A, %dma_wait3A_367] : memref<100x64xf32, #tpu.memory_space<vmem>> -> memref<80x64xf32, #tpu.memory_space<vmem>>
      %dma_wait3A_369 = arith.constant 0 : i32
      %dma_wait3A_370 = tpu.memref_slice %arg20[%add3A_110, %dma_wait3A_369] : memref<10240x64xf32, #tpu.memory_space<vmem_shared>> -> memref<80x64xf32, #tpu.memory_space<vmem_shared>>
      %dma_wait3A_371 = arith.constant 0 : i32
      %dma_wait3A_372 = tpu.memref_slice %arg20[%add3A_110, %dma_wait3A_371] : memref<10240x64xf32, #tpu.memory_space<vmem_shared>> -> memref<80x64xf32, #tpu.memory_space<vmem_shared>>
      %dma_wait3A_373 = arith.constant 0 : i32
      %dma_wait3A_374 = arith.constant 0 : i32
      %dma_wait3A_375 = tpu.memref_slice %arg15[%dma_wait3A_373, %dma_wait3A_374] : memref<100x64xf32, #tpu.memory_space<vmem>> -> memref<80x64xf32, #tpu.memory_space<vmem>>
      tpu.wait_dma2 semaphore(%run_scoped3A_357 : memref<!tpu.dma_semaphore, #tpu.memory_space<semaphore_mem>>) src(%dma_wait3A_375 : memref<80x64xf32, #tpu.memory_space<vmem>>) dst(%dma_wait3A_372 : memref<80x64xf32, #tpu.memory_space<vmem_shared>>)
      tpu.yield
    }) : () -> ()
    %add3A_111 = arith.constant 240 : i32
    %add3A_112 = arith.addi %mul3A_104, %add3A_111 : i32
    "tpu.region"() ({
      %run_scoped3A_357 = tpu.sem_alloc : memref<!tpu.dma_semaphore, #tpu.memory_space<semaphore_mem>>
      %dma_start3A = arith.constant 0 : i32
      %dma_start3A_358 = arith.constant 0 : i32
      %dma_start3A_359 = tpu.memref_slice %arg15[%dma_start3A, %dma_start3A_358] : memref<100x64xf32, #tpu.memory_space<vmem>> -> memref<80x64xf32, #tpu.memory_space<vmem>>
      %dma_start3A_360 = arith.constant 0 : i32
      %dma_start3A_361 = tpu.memref_slice %arg20[%add3A_112, %dma_start3A_360] : memref<10240x64xf32, #tpu.memory_space<vmem_shared>> -> memref<80x64xf32, #tpu.memory_space<vmem_shared>>
      %dma_start3A_362 = arith.constant 0 : i32
      %dma_start3A_363 = tpu.memref_slice %arg20[%add3A_112, %dma_start3A_362] : memref<10240x64xf32, #tpu.memory_space<vmem_shared>> -> memref<80x64xf32, #tpu.memory_space<vmem_shared>>
      %dma_start3A_364 = arith.constant 0 : i32
      %dma_start3A_365 = arith.constant 0 : i32
      %dma_start3A_366 = tpu.memref_slice %arg15[%dma_start3A_364, %dma_start3A_365] : memref<100x64xf32, #tpu.memory_space<vmem>> -> memref<80x64xf32, #tpu.memory_space<vmem>>
      tpu.enqueue_dma source(%dma_start3A_366 : memref<80x64xf32, #tpu.memory_space<vmem>>) target(%dma_start3A_363 : memref<80x64xf32, #tpu.memory_space<vmem_shared>>) target_semaphore(%run_scoped3A_357 : memref<!tpu.dma_semaphore, #tpu.memory_space<semaphore_mem>>)
      %dma_wait3A = arith.constant 0 : i32
      %dma_wait3A_367 = arith.constant 0 : i32
      %dma_wait3A_368 = tpu.memref_slice %arg15[%dma_wait3A, %dma_wait3A_367] : memref<100x64xf32, #tpu.memory_space<vmem>> -> memref<80x64xf32, #tpu.memory_space<vmem>>
      %dma_wait3A_369 = arith.constant 0 : i32
      %dma_wait3A_370 = tpu.memref_slice %arg20[%add3A_112, %dma_wait3A_369] : memref<10240x64xf32, #tpu.memory_space<vmem_shared>> -> memref<80x64xf32, #tpu.memory_space<vmem_shared>>
      %dma_wait3A_371 = arith.constant 0 : i32
      %dma_wait3A_372 = tpu.memref_slice %arg20[%add3A_112, %dma_wait3A_371] : memref<10240x64xf32, #tpu.memory_space<vmem_shared>> -> memref<80x64xf32, #tpu.memory_space<vmem_shared>>
      %dma_wait3A_373 = arith.constant 0 : i32
      %dma_wait3A_374 = arith.constant 0 : i32
      %dma_wait3A_375 = tpu.memref_slice %arg15[%dma_wait3A_373, %dma_wait3A_374] : memref<100x64xf32, #tpu.memory_space<vmem>> -> memref<80x64xf32, #tpu.memory_space<vmem>>
      tpu.wait_dma2 semaphore(%run_scoped3A_357 : memref<!tpu.dma_semaphore, #tpu.memory_space<semaphore_mem>>) src(%dma_wait3A_375 : memref<80x64xf32, #tpu.memory_space<vmem>>) dst(%dma_wait3A_372 : memref<80x64xf32, #tpu.memory_space<vmem_shared>>)
      tpu.yield
    }) : () -> ()
    %add3A_113 = arith.constant 320 : i32
    %add3A_114 = arith.addi %mul3A_104, %add3A_113 : i32
    "tpu.region"() ({
      %run_scoped3A_357 = tpu.sem_alloc : memref<!tpu.dma_semaphore, #tpu.memory_space<semaphore_mem>>
      %dma_start3A = arith.constant 0 : i32
      %dma_start3A_358 = arith.constant 0 : i32
      %dma_start3A_359 = tpu.memref_slice %arg15[%dma_start3A, %dma_start3A_358] : memref<100x64xf32, #tpu.memory_space<vmem>> -> memref<80x64xf32, #tpu.memory_space<vmem>>
      %dma_start3A_360 = arith.constant 0 : i32
      %dma_start3A_361 = tpu.memref_slice %arg20[%add3A_114, %dma_start3A_360] : memref<10240x64xf32, #tpu.memory_space<vmem_shared>> -> memref<80x64xf32, #tpu.memory_space<vmem_shared>>
      %dma_start3A_362 = arith.constant 0 : i32
      %dma_start3A_363 = tpu.memref_slice %arg20[%add3A_114, %dma_start3A_362] : memref<10240x64xf32, #tpu.memory_space<vmem_shared>> -> memref<80x64xf32, #tpu.memory_space<vmem_shared>>
      %dma_start3A_364 = arith.constant 0 : i32
      %dma_start3A_365 = arith.constant 0 : i32
      %dma_start3A_366 = tpu.memref_slice %arg15[%dma_start3A_364, %dma_start3A_365] : memref<100x64xf32, #tpu.memory_space<vmem>> -> memref<80x64xf32, #tpu.memory_space<vmem>>
      tpu.enqueue_dma source(%dma_start3A_366 : memref<80x64xf32, #tpu.memory_space<vmem>>) target(%dma_start3A_363 : memref<80x64xf32, #tpu.memory_space<vmem_shared>>) target_semaphore(%run_scoped3A_357 : memref<!tpu.dma_semaphore, #tpu.memory_space<semaphore_mem>>)
      %dma_wait3A = arith.constant 0 : i32
      %dma_wait3A_367 = arith.constant 0 : i32
      %dma_wait3A_368 = tpu.memref_slice %arg15[%dma_wait3A, %dma_wait3A_367] : memref<100x64xf32, #tpu.memory_space<vmem>> -> memref<80x64xf32, #tpu.memory_space<vmem>>
      %dma_wait3A_369 = arith.constant 0 : i32
      %dma_wait3A_370 = tpu.memref_slice %arg20[%add3A_114, %dma_wait3A_369] : memref<10240x64xf32, #tpu.memory_space<vmem_shared>> -> memref<80x64xf32, #tpu.memory_space<vmem_shared>>
      %dma_wait3A_371 = arith.constant 0 : i32
      %dma_wait3A_372 = tpu.memref_slice %arg20[%add3A_114, %dma_wait3A_371] : memref<10240x64xf32, #tpu.memory_space<vmem_shared>> -> memref<80x64xf32, #tpu.memory_space<vmem_shared>>
      %dma_wait3A_373 = arith.constant 0 : i32
      %dma_wait3A_374 = arith.constant 0 : i32
      %dma_wait3A_375 = tpu.memref_slice %arg15[%dma_wait3A_373, %dma_wait3A_374] : memref<100x64xf32, #tpu.memory_space<vmem>> -> memref<80x64xf32, #tpu.memory_space<vmem>>
      tpu.wait_dma2 semaphore(%run_scoped3A_357 : memref<!tpu.dma_semaphore, #tpu.memory_space<semaphore_mem>>) src(%dma_wait3A_375 : memref<80x64xf32, #tpu.memory_space<vmem>>) dst(%dma_wait3A_372 : memref<80x64xf32, #tpu.memory_space<vmem_shared>>)
      tpu.yield
    }) : () -> ()
    %add3A_115 = arith.constant 400 : i32
    %add3A_116 = arith.addi %mul3A_104, %add3A_115 : i32
    "tpu.region"() ({
      %run_scoped3A_357 = tpu.sem_alloc : memref<!tpu.dma_semaphore, #tpu.memory_space<semaphore_mem>>
      %dma_start3A = arith.constant 0 : i32
      %dma_start3A_358 = arith.constant 0 : i32
      %dma_start3A_359 = tpu.memref_slice %arg15[%dma_start3A, %dma_start3A_358] : memref<100x64xf32, #tpu.memory_space<vmem>> -> memref<80x64xf32, #tpu.memory_space<vmem>>
      %dma_start3A_360 = arith.constant 0 : i32
      %dma_start3A_361 = tpu.memref_slice %arg20[%add3A_116, %dma_start3A_360] : memref<10240x64xf32, #tpu.memory_space<vmem_shared>> -> memref<80x64xf32, #tpu.memory_space<vmem_shared>>
      %dma_start3A_362 = arith.constant 0 : i32
      %dma_start3A_363 = tpu.memref_slice %arg20[%add3A_116, %dma_start3A_362] : memref<10240x64xf32, #tpu.memory_space<vmem_shared>> -> memref<80x64xf32, #tpu.memory_space<vmem_shared>>
      %dma_start3A_364 = arith.constant 0 : i32
      %dma_start3A_365 = arith.constant 0 : i32
      %dma_start3A_366 = tpu.memref_slice %arg15[%dma_start3A_364, %dma_start3A_365] : memref<100x64xf32, #tpu.memory_space<vmem>> -> memref<80x64xf32, #tpu.memory_space<vmem>>
      tpu.enqueue_dma source(%dma_start3A_366 : memref<80x64xf32, #tpu.memory_space<vmem>>) target(%dma_start3A_363 : memref<80x64xf32, #tpu.memory_space<vmem_shared>>) target_semaphore(%run_scoped3A_357 : memref<!tpu.dma_semaphore, #tpu.memory_space<semaphore_mem>>)
      %dma_wait3A = arith.constant 0 : i32
      %dma_wait3A_367 = arith.constant 0 : i32
      %dma_wait3A_368 = tpu.memref_slice %arg15[%dma_wait3A, %dma_wait3A_367] : memref<100x64xf32, #tpu.memory_space<vmem>> -> memref<80x64xf32, #tpu.memory_space<vmem>>
      %dma_wait3A_369 = arith.constant 0 : i32
      %dma_wait3A_370 = tpu.memref_slice %arg20[%add3A_116, %dma_wait3A_369] : memref<10240x64xf32, #tpu.memory_space<vmem_shared>> -> memref<80x64xf32, #tpu.memory_space<vmem_shared>>
      %dma_wait3A_371 = arith.constant 0 : i32
      %dma_wait3A_372 = tpu.memref_slice %arg20[%add3A_116, %dma_wait3A_371] : memref<10240x64xf32, #tpu.memory_space<vmem_shared>> -> memref<80x64xf32, #tpu.memory_space<vmem_shared>>
      %dma_wait3A_373 = arith.constant 0 : i32
      %dma_wait3A_374 = arith.constant 0 : i32
      %dma_wait3A_375 = tpu.memref_slice %arg15[%dma_wait3A_373, %dma_wait3A_374] : memref<100x64xf32, #tpu.memory_space<vmem>> -> memref<80x64xf32, #tpu.memory_space<vmem>>
      tpu.wait_dma2 semaphore(%run_scoped3A_357 : memref<!tpu.dma_semaphore, #tpu.memory_space<semaphore_mem>>) src(%dma_wait3A_375 : memref<80x64xf32, #tpu.memory_space<vmem>>) dst(%dma_wait3A_372 : memref<80x64xf32, #tpu.memory_space<vmem_shared>>)
      tpu.yield
    }) : () -> ()
    %add3A_117 = arith.constant 480 : i32
    %add3A_118 = arith.addi %mul3A_104, %add3A_117 : i32
    "tpu.region"() ({
      %run_scoped3A_357 = tpu.sem_alloc : memref<!tpu.dma_semaphore, #tpu.memory_space<semaphore_mem>>
      %dma_start3A = arith.constant 0 : i32
      %dma_start3A_358 = arith.constant 0 : i32
      %dma_start3A_359 = tpu.memref_slice %arg15[%dma_start3A, %dma_start3A_358] : memref<100x64xf32, #tpu.memory_space<vmem>> -> memref<80x64xf32, #tpu.memory_space<vmem>>
      %dma_start3A_360 = arith.constant 0 : i32
      %dma_start3A_361 = tpu.memref_slice %arg20[%add3A_118, %dma_start3A_360] : memref<10240x64xf32, #tpu.memory_space<vmem_shared>> -> memref<80x64xf32, #tpu.memory_space<vmem_shared>>
      %dma_start3A_362 = arith.constant 0 : i32
      %dma_start3A_363 = tpu.memref_slice %arg20[%add3A_118, %dma_start3A_362] : memref<10240x64xf32, #tpu.memory_space<vmem_shared>> -> memref<80x64xf32, #tpu.memory_space<vmem_shared>>
      %dma_start3A_364 = arith.constant 0 : i32
      %dma_start3A_365 = arith.constant 0 : i32
      %dma_start3A_366 = tpu.memref_slice %arg15[%dma_start3A_364, %dma_start3A_365] : memref<100x64xf32, #tpu.memory_space<vmem>> -> memref<80x64xf32, #tpu.memory_space<vmem>>
      tpu.enqueue_dma source(%dma_start3A_366 : memref<80x64xf32, #tpu.memory_space<vmem>>) target(%dma_start3A_363 : memref<80x64xf32, #tpu.memory_space<vmem_shared>>) target_semaphore(%run_scoped3A_357 : memref<!tpu.dma_semaphore, #tpu.memory_space<semaphore_mem>>)
      %dma_wait3A = arith.constant 0 : i32
      %dma_wait3A_367 = arith.constant 0 : i32
      %dma_wait3A_368 = tpu.memref_slice %arg15[%dma_wait3A, %dma_wait3A_367] : memref<100x64xf32, #tpu.memory_space<vmem>> -> memref<80x64xf32, #tpu.memory_space<vmem>>
      %dma_wait3A_369 = arith.constant 0 : i32
      %dma_wait3A_370 = tpu.memref_slice %arg20[%add3A_118, %dma_wait3A_369] : memref<10240x64xf32, #tpu.memory_space<vmem_shared>> -> memref<80x64xf32, #tpu.memory_space<vmem_shared>>
      %dma_wait3A_371 = arith.constant 0 : i32
      %dma_wait3A_372 = tpu.memref_slice %arg20[%add3A_118, %dma_wait3A_371] : memref<10240x64xf32, #tpu.memory_space<vmem_shared>> -> memref<80x64xf32, #tpu.memory_space<vmem_shared>>
      %dma_wait3A_373 = arith.constant 0 : i32
      %dma_wait3A_374 = arith.constant 0 : i32
      %dma_wait3A_375 = tpu.memref_slice %arg15[%dma_wait3A_373, %dma_wait3A_374] : memref<100x64xf32, #tpu.memory_space<vmem>> -> memref<80x64xf32, #tpu.memory_space<vmem>>
      tpu.wait_dma2 semaphore(%run_scoped3A_357 : memref<!tpu.dma_semaphore, #tpu.memory_space<semaphore_mem>>) src(%dma_wait3A_375 : memref<80x64xf32, #tpu.memory_space<vmem>>) dst(%dma_wait3A_372 : memref<80x64xf32, #tpu.memory_space<vmem_shared>>)
      tpu.yield
    }) : () -> ()
    %add3A_119 = arith.constant 560 : i32
    %add3A_120 = arith.addi %mul3A_104, %add3A_119 : i32
    "tpu.region"() ({
      %run_scoped3A_357 = tpu.sem_alloc : memref<!tpu.dma_semaphore, #tpu.memory_space<semaphore_mem>>
      %dma_start3A = arith.constant 0 : i32
      %dma_start3A_358 = arith.constant 0 : i32
      %dma_start3A_359 = tpu.memref_slice %arg15[%dma_start3A, %dma_start3A_358] : memref<100x64xf32, #tpu.memory_space<vmem>> -> memref<80x64xf32, #tpu.memory_space<vmem>>
      %dma_start3A_360 = arith.constant 0 : i32
      %dma_start3A_361 = tpu.memref_slice %arg20[%add3A_120, %dma_start3A_360] : memref<10240x64xf32, #tpu.memory_space<vmem_shared>> -> memref<80x64xf32, #tpu.memory_space<vmem_shared>>
      %dma_start3A_362 = arith.constant 0 : i32
      %dma_start3A_363 = tpu.memref_slice %arg20[%add3A_120, %dma_start3A_362] : memref<10240x64xf32, #tpu.memory_space<vmem_shared>> -> memref<80x64xf32, #tpu.memory_space<vmem_shared>>
      %dma_start3A_364 = arith.constant 0 : i32
      %dma_start3A_365 = arith.constant 0 : i32
      %dma_start3A_366 = tpu.memref_slice %arg15[%dma_start3A_364, %dma_start3A_365] : memref<100x64xf32, #tpu.memory_space<vmem>> -> memref<80x64xf32, #tpu.memory_space<vmem>>
      tpu.enqueue_dma source(%dma_start3A_366 : memref<80x64xf32, #tpu.memory_space<vmem>>) target(%dma_start3A_363 : memref<80x64xf32, #tpu.memory_space<vmem_shared>>) target_semaphore(%run_scoped3A_357 : memref<!tpu.dma_semaphore, #tpu.memory_space<semaphore_mem>>)
      %dma_wait3A = arith.constant 0 : i32
      %dma_wait3A_367 = arith.constant 0 : i32
      %dma_wait3A_368 = tpu.memref_slice %arg15[%dma_wait3A, %dma_wait3A_367] : memref<100x64xf32, #tpu.memory_space<vmem>> -> memref<80x64xf32, #tpu.memory_space<vmem>>
      %dma_wait3A_369 = arith.constant 0 : i32
      %dma_wait3A_370 = tpu.memref_slice %arg20[%add3A_120, %dma_wait3A_369] : memref<10240x64xf32, #tpu.memory_space<vmem_shared>> -> memref<80x64xf32, #tpu.memory_space<vmem_shared>>
      %dma_wait3A_371 = arith.constant 0 : i32
      %dma_wait3A_372 = tpu.memref_slice %arg20[%add3A_120, %dma_wait3A_371] : memref<10240x64xf32, #tpu.memory_space<vmem_shared>> -> memref<80x64xf32, #tpu.memory_space<vmem_shared>>
      %dma_wait3A_373 = arith.constant 0 : i32
      %dma_wait3A_374 = arith.constant 0 : i32
      %dma_wait3A_375 = tpu.memref_slice %arg15[%dma_wait3A_373, %dma_wait3A_374] : memref<100x64xf32, #tpu.memory_space<vmem>> -> memref<80x64xf32, #tpu.memory_space<vmem>>
      tpu.wait_dma2 semaphore(%run_scoped3A_357 : memref<!tpu.dma_semaphore, #tpu.memory_space<semaphore_mem>>) src(%dma_wait3A_375 : memref<80x64xf32, #tpu.memory_space<vmem>>) dst(%dma_wait3A_372 : memref<80x64xf32, #tpu.memory_space<vmem_shared>>)
      tpu.yield
    }) : () -> ()
    %barrier3A_121 = arith.constant 0 : index
    tpu.barrier barrier_id(%barrier3A_121)
    %get3A_122 = arith.constant 1 : i32
    %get3A_123 = arith.constant 0 : i32
    %get3A_124 = arith.index_cast %get3A_122 : i32 to index
    %get3A_125 = arith.index_cast %get3A_123 : i32 to index
    %get3A_126 = arith.constant 0 : index
    %get3A_127 = tpu.vector_load %arg18[%get3A_124, %get3A_125, %get3A_126] {strides = array<i32>} : memref<4x2x64xf32, #tpu.memory_space<vmem>>, vector<16xf32>,
    %get3A_128 = arith.constant 1 : i32
    %get3A_129 = arith.constant 0 : i32
    %get3A_130 = arith.index_cast %get3A_128 : i32 to index
    %get3A_131 = arith.index_cast %get3A_129 : i32 to index
    %get3A_132 = arith.constant 16 : index
    %get3A_133 = tpu.vector_load %arg18[%get3A_130, %get3A_131, %get3A_132] {strides = array<i32>} : memref<4x2x64xf32, #tpu.memory_space<vmem>>, vector<16xf32>,
    %get3A_134 = arith.constant 1 : i32
    %get3A_135 = arith.constant 0 : i32
    %get3A_136 = arith.index_cast %get3A_134 : i32 to index
    %get3A_137 = arith.index_cast %get3A_135 : i32 to index
    %get3A_138 = arith.constant 32 : index
    %get3A_139 = tpu.vector_load %arg18[%get3A_136, %get3A_137, %get3A_138] {strides = array<i32>} : memref<4x2x64xf32, #tpu.memory_space<vmem>>, vector<16xf32>,
    %get3A_140 = arith.constant 1 : i32
    %get3A_141 = arith.constant 0 : i32
    %get3A_142 = arith.index_cast %get3A_140 : i32 to index
    %get3A_143 = arith.index_cast %get3A_141 : i32 to index
    %get3A_144 = arith.constant 48 : index
    %get3A_145 = tpu.vector_load %arg18[%get3A_142, %get3A_143, %get3A_144] {strides = array<i32>} : memref<4x2x64xf32, #tpu.memory_space<vmem>>, vector<16xf32>,
    %get3A_146 = arith.constant 1 : i32
    %get3A_147 = arith.constant 1 : i32
    %get3A_148 = arith.index_cast %get3A_146 : i32 to index
    %get3A_149 = arith.index_cast %get3A_147 : i32 to index
    %get3A_150 = arith.constant 0 : index
    %get3A_151 = tpu.vector_load %arg18[%get3A_148, %get3A_149, %get3A_150] {strides = array<i32>} : memref<4x2x64xf32, #tpu.memory_space<vmem>>, vector<16xf32>,
    %get3A_152 = arith.constant 1 : i32
    %get3A_153 = arith.constant 1 : i32
    %get3A_154 = arith.index_cast %get3A_152 : i32 to index
    %get3A_155 = arith.index_cast %get3A_153 : i32 to index
    %get3A_156 = arith.constant 16 : index
    %get3A_157 = tpu.vector_load %arg18[%get3A_154, %get3A_155, %get3A_156] {strides = array<i32>} : memref<4x2x64xf32, #tpu.memory_space<vmem>>, vector<16xf32>,
    %get3A_158 = arith.constant 1 : i32
    %get3A_159 = arith.constant 1 : i32
    %get3A_160 = arith.index_cast %get3A_158 : i32 to index
    %get3A_161 = arith.index_cast %get3A_159 : i32 to index
    %get3A_162 = arith.constant 32 : index
    %get3A_163 = tpu.vector_load %arg18[%get3A_160, %get3A_161, %get3A_162] {strides = array<i32>} : memref<4x2x64xf32, #tpu.memory_space<vmem>>, vector<16xf32>,
    %get3A_164 = arith.constant 1 : i32
    %get3A_165 = arith.constant 1 : i32
    %get3A_166 = arith.index_cast %get3A_164 : i32 to index
    %get3A_167 = arith.index_cast %get3A_165 : i32 to index
    %get3A_168 = arith.constant 48 : index
    %get3A_169 = tpu.vector_load %arg18[%get3A_166, %get3A_167, %get3A_168] {strides = array<i32>} : memref<4x2x64xf32, #tpu.memory_space<vmem>>, vector<16xf32>,
    %scan3A_170 = arith.constant 0 : i32
    %scan3A_171 = arith.constant 0 : i32
    %scan3A_172 = arith.constant 25 : i32
    %scan3A_173 = arith.addi %scan3A_171, %scan3A_172 : i32
    %scan3A_174 = arith.constant 1 : i32
    scf.for %scan3A_357 = %scan3A_171 to %scan3A_173 step %scan3A_174  : i32 {
      %mul3A_358 = arith.constant 2 : i32
      %mul3A_359 = arith.muli %scan3A_357, %mul3A_358 : i32
      %add3A_360 = arith.constant 0 : i32
      %add3A_361 = arith.addi %mul3A_359, %add3A_360 : i32
      %dma_start3A = arith.constant 1 : i32
      %dma_start3A_362 = arith.constant 0 : i32
      %dma_start3A_363 = tpu.memref_slice %arg9[%add3A_361, %dma_start3A_362] : memref<50x100xi32, #tpu.memory_space<vmem>> -> memref<1x100xi32, #tpu.memory_space<vmem>>
      %dma_start3A_364 = tpu.memref_squeeze %dma_start3A_363 : memref<1x100xi32, #tpu.memory_space<vmem>> -> memref<100xi32, #tpu.memory_space<vmem>>
      %dma_start3A_365 = arith.constant 0 : i32
      %dma_start3A_366 = arith.constant 0 : i32
      %dma_start3A_367 = tpu.memref_slice %arg2[%dma_start3A, %dma_start3A_365, %dma_start3A_366] : memref<8x10000x64xf32, #tpu.memory_space<hbm>> -> memref<1x10000x64xf32, #tpu.memory_space<hbm>>
      %dma_start3A_368 = tpu.memref_squeeze %dma_start3A_367 : memref<1x10000x64xf32, #tpu.memory_space<hbm>> -> memref<10000x64xf32, #tpu.memory_space<hbm>>
      %dma_start3A_369 = arith.constant 0 : i32
      %dma_start3A_370 = arith.constant 0 : i32
      %dma_start3A_371 = tpu.memref_slice %dma_start3A_368[%dma_start3A_369, %dma_start3A_370] : memref<10000x64xf32, #tpu.memory_space<hbm>> -> memref<10000x64xf32, #tpu.memory_space<hbm>>
      tpu.enqueue_indirect_dma source(%dma_start3A_371 : memref<10000x64xf32, #tpu.memory_space<hbm>>) target(%arg11 : memref<100x64xf32, #tpu.memory_space<vmem>>) offsets(%dma_start3A_364 : memref<100xi32, #tpu.memory_space<vmem>>) semaphore(%arg21 : memref<!tpu.dma_semaphore, #tpu.memory_space<semaphore_mem>>)
      %dma_start3A_372 = arith.constant 5 : i32
      %dma_start3A_373 = arith.constant 0 : i32
      %dma_start3A_374 = tpu.memref_slice %arg10[%add3A_361, %dma_start3A_373] : memref<50x100xi32, #tpu.memory_space<vmem>> -> memref<1x100xi32, #tpu.memory_space<vmem>>
      %dma_start3A_375 = tpu.memref_squeeze %dma_start3A_374 : memref<1x100xi32, #tpu.memory_space<vmem>> -> memref<100xi32, #tpu.memory_space<vmem>>
      %dma_start3A_376 = arith.constant 0 : i32
      %dma_start3A_377 = arith.constant 0 : i32
      %dma_start3A_378 = tpu.memref_slice %arg2[%dma_start3A_372, %dma_start3A_376, %dma_start3A_377] : memref<8x10000x64xf32, #tpu.memory_space<hbm>> -> memref<1x10000x64xf32, #tpu.memory_space<hbm>>
      %dma_start3A_379 = tpu.memref_squeeze %dma_start3A_378 : memref<1x10000x64xf32, #tpu.memory_space<hbm>> -> memref<10000x64xf32, #tpu.memory_space<hbm>>
      %dma_start3A_380 = arith.constant 0 : i32
      %dma_start3A_381 = arith.constant 0 : i32
      %dma_start3A_382 = tpu.memref_slice %dma_start3A_379[%dma_start3A_380, %dma_start3A_381] : memref<10000x64xf32, #tpu.memory_space<hbm>> -> memref<10000x64xf32, #tpu.memory_space<hbm>>
      tpu.enqueue_indirect_dma source(%dma_start3A_382 : memref<10000x64xf32, #tpu.memory_space<hbm>>) target(%arg13 : memref<100x64xf32, #tpu.memory_space<vmem>>) offsets(%dma_start3A_375 : memref<100xi32, #tpu.memory_space<vmem>>) semaphore(%arg23 : memref<!tpu.dma_semaphore, #tpu.memory_space<semaphore_mem>>)
      %mul3A_383 = arith.constant 2 : i32
      %mul3A_384 = arith.muli %scan3A_357, %mul3A_383 : i32
      %add3A_385 = arith.constant 1 : i32
      %add3A_386 = arith.addi %mul3A_384, %add3A_385 : i32
      %dma_start3A_387 = arith.constant 1 : i32
      %dma_start3A_388 = arith.constant 0 : i32
      %dma_start3A_389 = tpu.memref_slice %arg9[%add3A_386, %dma_start3A_388] : memref<50x100xi32, #tpu.memory_space<vmem>> -> memref<1x100xi32, #tpu.memory_space<vmem>>
      %dma_start3A_390 = tpu.memref_squeeze %dma_start3A_389 : memref<1x100xi32, #tpu.memory_space<vmem>> -> memref<100xi32, #tpu.memory_space<vmem>>
      %dma_start3A_391 = arith.constant 0 : i32
      %dma_start3A_392 = arith.constant 0 : i32
      %dma_start3A_393 = tpu.memref_slice %arg2[%dma_start3A_387, %dma_start3A_391, %dma_start3A_392] : memref<8x10000x64xf32, #tpu.memory_space<hbm>> -> memref<1x10000x64xf32, #tpu.memory_space<hbm>>
      %dma_start3A_394 = tpu.memref_squeeze %dma_start3A_393 : memref<1x10000x64xf32, #tpu.memory_space<hbm>> -> memref<10000x64xf32, #tpu.memory_space<hbm>>
      %dma_start3A_395 = arith.constant 0 : i32
      %dma_start3A_396 = arith.constant 0 : i32
      %dma_start3A_397 = tpu.memref_slice %dma_start3A_394[%dma_start3A_395, %dma_start3A_396] : memref<10000x64xf32, #tpu.memory_space<hbm>> -> memref<10000x64xf32, #tpu.memory_space<hbm>>
      tpu.enqueue_indirect_dma source(%dma_start3A_397 : memref<10000x64xf32, #tpu.memory_space<hbm>>) target(%arg12 : memref<100x64xf32, #tpu.memory_space<vmem>>) offsets(%dma_start3A_390 : memref<100xi32, #tpu.memory_space<vmem>>) semaphore(%arg22 : memref<!tpu.dma_semaphore, #tpu.memory_space<semaphore_mem>>)
      %dma_start3A_398 = arith.constant 5 : i32
      %dma_start3A_399 = arith.constant 0 : i32
      %dma_start3A_400 = tpu.memref_slice %arg10[%add3A_386, %dma_start3A_399] : memref<50x100xi32, #tpu.memory_space<vmem>> -> memref<1x100xi32, #tpu.memory_space<vmem>>
      %dma_start3A_401 = tpu.memref_squeeze %dma_start3A_400 : memref<1x100xi32, #tpu.memory_space<vmem>> -> memref<100xi32, #tpu.memory_space<vmem>>
      %dma_start3A_402 = arith.constant 0 : i32
      %dma_start3A_403 = arith.constant 0 : i32
      %dma_start3A_404 = tpu.memref_slice %arg2[%dma_start3A_398, %dma_start3A_402, %dma_start3A_403] : memref<8x10000x64xf32, #tpu.memory_space<hbm>> -> memref<1x10000x64xf32, #tpu.memory_space<hbm>>
      %dma_start3A_405 = tpu.memref_squeeze %dma_start3A_404 : memref<1x10000x64xf32, #tpu.memory_space<hbm>> -> memref<10000x64xf32, #tpu.memory_space<hbm>>
      %dma_start3A_406 = arith.constant 0 : i32
      %dma_start3A_407 = arith.constant 0 : i32
      %dma_start3A_408 = tpu.memref_slice %dma_start3A_405[%dma_start3A_406, %dma_start3A_407] : memref<10000x64xf32, #tpu.memory_space<hbm>> -> memref<10000x64xf32, #tpu.memory_space<hbm>>
      tpu.enqueue_indirect_dma source(%dma_start3A_408 : memref<10000x64xf32, #tpu.memory_space<hbm>>) target(%arg14 : memref<100x64xf32, #tpu.memory_space<vmem>>) offsets(%dma_start3A_401 : memref<100xi32, #tpu.memory_space<vmem>>) semaphore(%arg24 : memref<!tpu.dma_semaphore, #tpu.memory_space<semaphore_mem>>)
      %mul3A_409 = arith.constant 2 : i32
      %mul3A_410 = arith.muli %scan3A_357, %mul3A_409 : i32
      %add3A_411 = arith.constant 0 : i32
      %add3A_412 = arith.addi %mul3A_410, %add3A_411 : i32
      %dma_wait3A = arith.constant 1 : i32
      %dma_wait3A_413 = arith.constant 0 : i32
      %dma_wait3A_414 = tpu.memref_slice %arg9[%add3A_361, %dma_wait3A_413] : memref<50x100xi32, #tpu.memory_space<vmem>> -> memref<1x100xi32, #tpu.memory_space<vmem>>
      %dma_wait3A_415 = tpu.memref_squeeze %dma_wait3A_414 : memref<1x100xi32, #tpu.memory_space<vmem>> -> memref<100xi32, #tpu.memory_space<vmem>>
      %dma_wait3A_416 = arith.constant 0 : i32
      %dma_wait3A_417 = arith.constant 0 : i32
      %dma_wait3A_418 = tpu.memref_slice %arg2[%dma_wait3A, %dma_wait3A_416, %dma_wait3A_417] : memref<8x10000x64xf32, #tpu.memory_space<hbm>> -> memref<1x10000x64xf32, #tpu.memory_space<hbm>>
      %dma_wait3A_419 = tpu.memref_squeeze %dma_wait3A_418 : memref<1x10000x64xf32, #tpu.memory_space<hbm>> -> memref<10000x64xf32, #tpu.memory_space<hbm>>
      %dma_wait3A_420 = arith.constant 0 : i32
      %dma_wait3A_421 = arith.constant 0 : i32
      %dma_wait3A_422 = tpu.memref_slice %dma_wait3A_419[%dma_wait3A_420, %dma_wait3A_421] : memref<10000x64xf32, #tpu.memory_space<hbm>> -> memref<10000x64xf32, #tpu.memory_space<hbm>>
      tpu.wait_indirect_dma semaphore(%arg21 : memref<!tpu.dma_semaphore, #tpu.memory_space<semaphore_mem>>) src(%dma_wait3A_422 : memref<10000x64xf32, #tpu.memory_space<hbm>>) dst(%arg11 : memref<100x64xf32, #tpu.memory_space<vmem>>)
      %dma_wait3A_423 = arith.constant 5 : i32
      %dma_wait3A_424 = arith.constant 0 : i32
      %dma_wait3A_425 = tpu.memref_slice %arg10[%add3A_361, %dma_wait3A_424] : memref<50x100xi32, #tpu.memory_space<vmem>> -> memref<1x100xi32, #tpu.memory_space<vmem>>
      %dma_wait3A_426 = tpu.memref_squeeze %dma_wait3A_425 : memref<1x100xi32, #tpu.memory_space<vmem>> -> memref<100xi32, #tpu.memory_space<vmem>>
      %dma_wait3A_427 = arith.constant 0 : i32
      %dma_wait3A_428 = arith.constant 0 : i32
      %dma_wait3A_429 = tpu.memref_slice %arg2[%dma_wait3A_423, %dma_wait3A_427, %dma_wait3A_428] : memref<8x10000x64xf32, #tpu.memory_space<hbm>> -> memref<1x10000x64xf32, #tpu.memory_space<hbm>>
      %dma_wait3A_430 = tpu.memref_squeeze %dma_wait3A_429 : memref<1x10000x64xf32, #tpu.memory_space<hbm>> -> memref<10000x64xf32, #tpu.memory_space<hbm>>
      %dma_wait3A_431 = arith.constant 0 : i32
      %dma_wait3A_432 = arith.constant 0 : i32
      %dma_wait3A_433 = tpu.memref_slice %dma_wait3A_430[%dma_wait3A_431, %dma_wait3A_432] : memref<10000x64xf32, #tpu.memory_space<hbm>> -> memref<10000x64xf32, #tpu.memory_space<hbm>>
      tpu.wait_indirect_dma semaphore(%arg23 : memref<!tpu.dma_semaphore, #tpu.memory_space<semaphore_mem>>) src(%dma_wait3A_433 : memref<10000x64xf32, #tpu.memory_space<hbm>>) dst(%arg13 : memref<100x64xf32, #tpu.memory_space<vmem>>)
      %mul3A_434 = arith.constant 50 : i32
      %mul3A_435 = arith.muli %add3A, %mul3A_434 : i32
      %add3A_436 = arith.addi %mul3A_435, %add3A_412 : i32
      %run_scoped3A_437 = arith.constant 1 : i32
      "tpu.region"() ({
        %run_scoped3A_504 = tpu.sem_alloc : memref<!tpu.dma_semaphore, #tpu.memory_space<semaphore_mem>>
        %dma_start3A_505 = arith.constant 0 : i32
        %dma_start3A_506 = arith.constant 0 : i32
        %dma_start3A_507 = arith.constant 0 : i32
        %dma_start3A_508 = tpu.memref_slice %arg3[%run_scoped3A_437, %dma_start3A_505, %dma_start3A_506, %dma_start3A_507] : memref<4x1600x100x64xf32, #tpu.memory_space<hbm>> -> memref<1x1600x100x64xf32, #tpu.memory_space<hbm>>
        %dma_start3A_509 = tpu.memref_squeeze %dma_start3A_508 : memref<1x1600x100x64xf32, #tpu.memory_space<hbm>> -> memref<1600x100x64xf32, #tpu.memory_space<hbm>>
        %dma_start3A_510 = arith.constant 0 : i32
        %dma_start3A_511 = arith.constant 0 : i32
        %dma_start3A_512 = tpu.memref_slice %dma_start3A_509[%add3A_436, %dma_start3A_510, %dma_start3A_511] : memref<1600x100x64xf32, #tpu.memory_space<hbm>> -> memref<1x100x64xf32, #tpu.memory_space<hbm>>
        %dma_start3A_513 = tpu.memref_squeeze %dma_start3A_512 : memref<1x100x64xf32, #tpu.memory_space<hbm>> -> memref<100x64xf32, #tpu.memory_space<hbm>>
        %dma_start3A_514 = arith.constant 0 : i32
        %dma_start3A_515 = arith.constant 0 : i32
        %dma_start3A_516 = arith.constant 0 : i32
        %dma_start3A_517 = tpu.memref_slice %arg3[%run_scoped3A_437, %dma_start3A_514, %dma_start3A_515, %dma_start3A_516] : memref<4x1600x100x64xf32, #tpu.memory_space<hbm>> -> memref<1x1600x100x64xf32, #tpu.memory_space<hbm>>
        %dma_start3A_518 = tpu.memref_squeeze %dma_start3A_517 : memref<1x1600x100x64xf32, #tpu.memory_space<hbm>> -> memref<1600x100x64xf32, #tpu.memory_space<hbm>>
        %dma_start3A_519 = arith.constant 0 : i32
        %dma_start3A_520 = arith.constant 0 : i32
        %dma_start3A_521 = tpu.memref_slice %dma_start3A_518[%add3A_436, %dma_start3A_519, %dma_start3A_520] : memref<1600x100x64xf32, #tpu.memory_space<hbm>> -> memref<1x100x64xf32, #tpu.memory_space<hbm>>
        %dma_start3A_522 = tpu.memref_squeeze %dma_start3A_521 : memref<1x100x64xf32, #tpu.memory_space<hbm>> -> memref<100x64xf32, #tpu.memory_space<hbm>>
        tpu.enqueue_dma source(%dma_start3A_522 : memref<100x64xf32, #tpu.memory_space<hbm>>) target(%arg16 : memref<100x64xf32, #tpu.memory_space<vmem>>) target_semaphore(%run_scoped3A_504 : memref<!tpu.dma_semaphore, #tpu.memory_space<semaphore_mem>>)
        %dma_wait3A_523 = arith.constant 0 : i32
        %dma_wait3A_524 = arith.constant 0 : i32
        %dma_wait3A_525 = arith.constant 0 : i32
        %dma_wait3A_526 = tpu.memref_slice %arg3[%run_scoped3A_437, %dma_wait3A_523, %dma_wait3A_524, %dma_wait3A_525] : memref<4x1600x100x64xf32, #tpu.memory_space<hbm>> -> memref<1x1600x100x64xf32, #tpu.memory_space<hbm>>
        %dma_wait3A_527 = tpu.memref_squeeze %dma_wait3A_526 : memref<1x1600x100x64xf32, #tpu.memory_space<hbm>> -> memref<1600x100x64xf32, #tpu.memory_space<hbm>>
        %dma_wait3A_528 = arith.constant 0 : i32
        %dma_wait3A_529 = arith.constant 0 : i32
        %dma_wait3A_530 = tpu.memref_slice %dma_wait3A_527[%add3A_436, %dma_wait3A_528, %dma_wait3A_529] : memref<1600x100x64xf32, #tpu.memory_space<hbm>> -> memref<1x100x64xf32, #tpu.memory_space<hbm>>
        %dma_wait3A_531 = tpu.memref_squeeze %dma_wait3A_530 : memref<1x100x64xf32, #tpu.memory_space<hbm>> -> memref<100x64xf32, #tpu.memory_space<hbm>>
        %dma_wait3A_532 = arith.constant 0 : i32
        %dma_wait3A_533 = arith.constant 0 : i32
        %dma_wait3A_534 = arith.constant 0 : i32
        %dma_wait3A_535 = tpu.memref_slice %arg3[%run_scoped3A_437, %dma_wait3A_532, %dma_wait3A_533, %dma_wait3A_534] : memref<4x1600x100x64xf32, #tpu.memory_space<hbm>> -> memref<1x1600x100x64xf32, #tpu.memory_space<hbm>>
        %dma_wait3A_536 = tpu.memref_squeeze %dma_wait3A_535 : memref<1x1600x100x64xf32, #tpu.memory_space<hbm>> -> memref<1600x100x64xf32, #tpu.memory_space<hbm>>
        %dma_wait3A_537 = arith.constant 0 : i32
        %dma_wait3A_538 = arith.constant 0 : i32
        %dma_wait3A_539 = tpu.memref_slice %dma_wait3A_536[%add3A_436, %dma_wait3A_537, %dma_wait3A_538] : memref<1600x100x64xf32, #tpu.memory_space<hbm>> -> memref<1x100x64xf32, #tpu.memory_space<hbm>>
        %dma_wait3A_540 = tpu.memref_squeeze %dma_wait3A_539 : memref<1x100x64xf32, #tpu.memory_space<hbm>> -> memref<100x64xf32, #tpu.memory_space<hbm>>
        tpu.wait_dma2 semaphore(%run_scoped3A_504 : memref<!tpu.dma_semaphore, #tpu.memory_space<semaphore_mem>>) src(%dma_wait3A_540 : memref<100x64xf32, #tpu.memory_space<hbm>>) dst(%arg16 : memref<100x64xf32, #tpu.memory_space<vmem>>)
        tpu.yield
      }) : () -> ()
      %scan3A_438 = arith.constant 0 : i32
      %scan3A_439 = arith.constant 0 : i32
      %scan3A_440 = arith.constant 100 : i32
      %scan3A_441 = arith.addi %scan3A_439, %scan3A_440 : i32
      %scan3A_442 = arith.constant 1 : i32
      scf.for %scan3A_504 = %scan3A_439 to %scan3A_441 step %scan3A_442  : i32 {
        %get3A_505 = arith.index_cast %scan3A_504 : i32 to index
        %get3A_506 = arith.constant 0 : index
        %get3A_507 = tpu.vector_load %arg11[%get3A_505, %get3A_506] {strides = array<i32>} : memref<100x64xf32, #tpu.memory_space<vmem>>, vector<16xf32>,
        %get3A_508 = arith.index_cast %scan3A_504 : i32 to index
        %get3A_509 = arith.constant 0 : index
        %get3A_510 = tpu.vector_load %arg13[%get3A_508, %get3A_509] {strides = array<i32>} : memref<100x64xf32, #tpu.memory_space<vmem>>, vector<16xf32>,
        %add3A_511 = arith.addf %get3A_507, %get3A_510 : vector<16xf32>
        %get3A_512 = arith.index_cast %scan3A_504 : i32 to index
        %get3A_513 = arith.constant 0 : index
        %get3A_514 = tpu.vector_load %arg16[%get3A_512, %get3A_513] {strides = array<i32>} : memref<100x64xf32, #tpu.memory_space<vmem>>, vector<16xf32>,
        %add3A_515 = arith.addf %add3A_511, %get3A_514 : vector<16xf32>
        %max3A = arith.constant 0.000000e+00 : f32
        %max3A_516 = vector.broadcast %max3A : f32 to vector<16xf32>
        %max3A_517 = arith.maximumf %add3A_515, %max3A_516 : vector<16xf32>
        %swap3A = arith.index_cast %scan3A_504 : i32 to index
        %swap3A_518 = arith.constant 0 : index
        %swap3A_519 = tpu.vector_load %arg15[%swap3A, %swap3A_518] {strides = array<i32>} : memref<100x64xf32, #tpu.memory_space<vmem>>, vector<16xf32>,
        tpu.vector_store %arg15[%swap3A, %swap3A_518], %max3A_517 {strides = array<i32>} : memref<100x64xf32, #tpu.memory_space<vmem>>, vector<16xf32>,
        %mul3A_520 = arith.mulf %max3A_517, %get3A_127 : vector<16xf32>
        %add3A_521 = arith.addf %broadcast_in_dim3A_5, %mul3A_520 : vector<16xf32>
        %mul3A_522 = arith.mulf %max3A_517, %get3A_151 : vector<16xf32>
        %add3A_523 = arith.addf %broadcast_in_dim3A_5, %mul3A_522 : vector<16xf32>
        %get3A_524 = arith.index_cast %scan3A_504 : i32 to index
        %get3A_525 = arith.constant 16 : index
        %get3A_526 = tpu.vector_load %arg11[%get3A_524, %get3A_525] {strides = array<i32>} : memref<100x64xf32, #tpu.memory_space<vmem>>, vector<16xf32>,
        %get3A_527 = arith.index_cast %scan3A_504 : i32 to index
        %get3A_528 = arith.constant 16 : index
        %get3A_529 = tpu.vector_load %arg13[%get3A_527, %get3A_528] {strides = array<i32>} : memref<100x64xf32, #tpu.memory_space<vmem>>, vector<16xf32>,
        %add3A_530 = arith.addf %get3A_526, %get3A_529 : vector<16xf32>
        %get3A_531 = arith.index_cast %scan3A_504 : i32 to index
        %get3A_532 = arith.constant 16 : index
        %get3A_533 = tpu.vector_load %arg16[%get3A_531, %get3A_532] {strides = array<i32>} : memref<100x64xf32, #tpu.memory_space<vmem>>, vector<16xf32>,
        %add3A_534 = arith.addf %add3A_530, %get3A_533 : vector<16xf32>
        %max3A_535 = arith.constant 0.000000e+00 : f32
        %max3A_536 = vector.broadcast %max3A_535 : f32 to vector<16xf32>
        %max3A_537 = arith.maximumf %add3A_534, %max3A_536 : vector<16xf32>
        %swap3A_538 = arith.index_cast %scan3A_504 : i32 to index
        %swap3A_539 = arith.constant 16 : index
        %swap3A_540 = tpu.vector_load %arg15[%swap3A_538, %swap3A_539] {strides = array<i32>} : memref<100x64xf32, #tpu.memory_space<vmem>>, vector<16xf32>,
        tpu.vector_store %arg15[%swap3A_538, %swap3A_539], %max3A_537 {strides = array<i32>} : memref<100x64xf32, #tpu.memory_space<vmem>>, vector<16xf32>,
        %mul3A_541 = arith.mulf %max3A_537, %get3A_133 : vector<16xf32>
        %add3A_542 = arith.addf %add3A_521, %mul3A_541 : vector<16xf32>
        %mul3A_543 = arith.mulf %max3A_537, %get3A_157 : vector<16xf32>
        %add3A_544 = arith.addf %add3A_523, %mul3A_543 : vector<16xf32>
        %get3A_545 = arith.index_cast %scan3A_504 : i32 to index
        %get3A_546 = arith.constant 32 : index
        %get3A_547 = tpu.vector_load %arg11[%get3A_545, %get3A_546] {strides = array<i32>} : memref<100x64xf32, #tpu.memory_space<vmem>>, vector<16xf32>,
        %get3A_548 = arith.index_cast %scan3A_504 : i32 to index
        %get3A_549 = arith.constant 32 : index
        %get3A_550 = tpu.vector_load %arg13[%get3A_548, %get3A_549] {strides = array<i32>} : memref<100x64xf32, #tpu.memory_space<vmem>>, vector<16xf32>,
        %add3A_551 = arith.addf %get3A_547, %get3A_550 : vector<16xf32>
        %get3A_552 = arith.index_cast %scan3A_504 : i32 to index
        %get3A_553 = arith.constant 32 : index
        %get3A_554 = tpu.vector_load %arg16[%get3A_552, %get3A_553] {strides = array<i32>} : memref<100x64xf32, #tpu.memory_space<vmem>>, vector<16xf32>,
        %add3A_555 = arith.addf %add3A_551, %get3A_554 : vector<16xf32>
        %max3A_556 = arith.constant 0.000000e+00 : f32
        %max3A_557 = vector.broadcast %max3A_556 : f32 to vector<16xf32>
        %max3A_558 = arith.maximumf %add3A_555, %max3A_557 : vector<16xf32>
        %swap3A_559 = arith.index_cast %scan3A_504 : i32 to index
        %swap3A_560 = arith.constant 32 : index
        %swap3A_561 = tpu.vector_load %arg15[%swap3A_559, %swap3A_560] {strides = array<i32>} : memref<100x64xf32, #tpu.memory_space<vmem>>, vector<16xf32>,
        tpu.vector_store %arg15[%swap3A_559, %swap3A_560], %max3A_558 {strides = array<i32>} : memref<100x64xf32, #tpu.memory_space<vmem>>, vector<16xf32>,
        %mul3A_562 = arith.mulf %max3A_558, %get3A_139 : vector<16xf32>
        %add3A_563 = arith.addf %add3A_542, %mul3A_562 : vector<16xf32>
        %mul3A_564 = arith.mulf %max3A_558, %get3A_163 : vector<16xf32>
        %add3A_565 = arith.addf %add3A_544, %mul3A_564 : vector<16xf32>
        %get3A_566 = arith.index_cast %scan3A_504 : i32 to index
        %get3A_567 = arith.constant 48 : index
        %get3A_568 = tpu.vector_load %arg11[%get3A_566, %get3A_567] {strides = array<i32>} : memref<100x64xf32, #tpu.memory_space<vmem>>, vector<16xf32>,
        %get3A_569 = arith.index_cast %scan3A_504 : i32 to index
        %get3A_570 = arith.constant 48 : index
        %get3A_571 = tpu.vector_load %arg13[%get3A_569, %get3A_570] {strides = array<i32>} : memref<100x64xf32, #tpu.memory_space<vmem>>, vector<16xf32>,
        %add3A_572 = arith.addf %get3A_568, %get3A_571 : vector<16xf32>
        %get3A_573 = arith.index_cast %scan3A_504 : i32 to index
        %get3A_574 = arith.constant 48 : index
        %get3A_575 = tpu.vector_load %arg16[%get3A_573, %get3A_574] {strides = array<i32>} : memref<100x64xf32, #tpu.memory_space<vmem>>, vector<16xf32>,
        %add3A_576 = arith.addf %add3A_572, %get3A_575 : vector<16xf32>
        %max3A_577 = arith.constant 0.000000e+00 : f32
        %max3A_578 = vector.broadcast %max3A_577 : f32 to vector<16xf32>
        %max3A_579 = arith.maximumf %add3A_576, %max3A_578 : vector<16xf32>
        %swap3A_580 = arith.index_cast %scan3A_504 : i32 to index
        %swap3A_581 = arith.constant 48 : index
        %swap3A_582 = tpu.vector_load %arg15[%swap3A_580, %swap3A_581] {strides = array<i32>} : memref<100x64xf32, #tpu.memory_space<vmem>>, vector<16xf32>,
        tpu.vector_store %arg15[%swap3A_580, %swap3A_581], %max3A_579 {strides = array<i32>} : memref<100x64xf32, #tpu.memory_space<vmem>>, vector<16xf32>,
        %mul3A_583 = arith.mulf %max3A_579, %get3A_145 : vector<16xf32>
        %add3A_584 = arith.addf %add3A_563, %mul3A_583 : vector<16xf32>
        %mul3A_585 = arith.mulf %max3A_579, %get3A_169 : vector<16xf32>
        %add3A_586 = arith.addf %add3A_565, %mul3A_585 : vector<16xf32>
        %broadcast_in_dim3A_587 = arith.constant true
        %broadcast_in_dim3A_588 = vector.broadcast %broadcast_in_dim3A_587 : i1 to vector<16xi1>
        %masked_cumsum3A = tpu.scan <sum>, %add3A_584 masked %broadcast_in_dim3A_588 : vector<16xf32>, vector<16xi1> -> vector<16xf32>
        %broadcast_in_dim3A_589 = arith.constant true
        %broadcast_in_dim3A_590 = vector.broadcast %broadcast_in_dim3A_589 : i1 to vector<16xi1>
        %masked_cumsum3A_591 = tpu.scan <sum>, %add3A_586 masked %broadcast_in_dim3A_590 : vector<16xf32>, vector<16xi1> -> vector<16xf32>
        %broadcast_in_dim3A_592 = arith.constant 0 : i32
        %broadcast_in_dim3A_593 = vector.broadcast %broadcast_in_dim3A_592 : i32 to vector<16xi32>
        %mul3A_594 = arith.constant 100 : i32
        %mul3A_595 = arith.muli %add3A_412, %mul3A_594 : i32
        %add3A_596 = arith.addi %mul3A_595, %scan3A_504 : i32
        %add3A_597 = vector.broadcast %add3A_596 : i32 to vector<16xi32>
        %add3A_598 = arith.addi %broadcast_in_dim3A_593, %add3A_597 : vector<16xi32>
        %broadcast_in_dim3A_599 = arith.constant 0 : i32
        %broadcast_in_dim3A_600 = vector.broadcast %broadcast_in_dim3A_599 : i32 to vector<16xi32>
        %add3A_601 = arith.constant 1 : i32
        %add3A_602 = vector.broadcast %add3A_601 : i32 to vector<16xi32>
        %add3A_603 = arith.addi %broadcast_in_dim3A_600, %add3A_602 : vector<16xi32>
        %gather3A = tpu.vector_load_idx %arg17[%add3A_598, %broadcast_in_dim3A_600] masked %eq3A_4 : memref<5000x2xf32, #tpu.memory_space<vmem>>[vector<16xi32>, vector<16xi32>], vector<16xf32>, vector<16xi1>
        %gather3A_604 = tpu.vector_load_idx %arg17[%add3A_598, %add3A_603] masked %eq3A_4 : memref<5000x2xf32, #tpu.memory_space<vmem>>[vector<16xi32>, vector<16xi32>], vector<16xf32>, vector<16xi1>
        %add3A_605 = arith.addf %gather3A, %masked_cumsum3A : vector<16xf32>
        tpu.vector_store_idx %arg17[%add3A_598, %broadcast_in_dim3A_600], %add3A_605 masked %eq3A_4 : memref<5000x2xf32, #tpu.memory_space<vmem>>[vector<16xi32>, vector<16xi32>], vector<16xf32>, vector<16xi1>
        %add3A_606 = arith.addf %gather3A_604, %masked_cumsum3A_591 : vector<16xf32>
        tpu.vector_store_idx %arg17[%add3A_598, %add3A_603], %add3A_606 masked %eq3A_4 : memref<5000x2xf32, #tpu.memory_space<vmem>>[vector<16xi32>, vector<16xi32>], vector<16xf32>, vector<16xi1>
      }
      %scan3A_443 = arith.constant 100 : i32
      %dma_start3A_444 = arith.constant 0 : i32
      %dma_start3A_445 = tpu.memref_slice %arg10[%add3A_412, %dma_start3A_444] : memref<50x100xi32, #tpu.memory_space<vmem>> -> memref<1x100xi32, #tpu.memory_space<vmem>>
      %dma_start3A_446 = tpu.memref_squeeze %dma_start3A_445 : memref<1x100xi32, #tpu.memory_space<vmem>> -> memref<100xi32, #tpu.memory_space<vmem>>
      %dma_start3A_447 = arith.constant 0 : i32
      %dma_start3A_448 = arith.constant 0 : i32
      %dma_start3A_449 = tpu.memref_slice %arg20[%dma_start3A_447, %dma_start3A_448] : memref<10240x64xf32, #tpu.memory_space<vmem_shared>> -> memref<10240x64xf32, #tpu.memory_space<vmem_shared>>
      tpu.enqueue_indirect_dma source(%arg15 : memref<100x64xf32, #tpu.memory_space<vmem>>) target(%dma_start3A_449 : memref<10240x64xf32, #tpu.memory_space<vmem_shared>>) offsets(%dma_start3A_446 : memref<100xi32, #tpu.memory_space<vmem>>) semaphore(%arg25 : memref<!tpu.dma_semaphore, #tpu.memory_space<semaphore_mem>>) {add = true}
      %dma_wait3A_450 = arith.constant 0 : i32
      %dma_wait3A_451 = tpu.memref_slice %arg10[%add3A_412, %dma_wait3A_450] : memref<50x100xi32, #tpu.memory_space<vmem>> -> memref<1x100xi32, #tpu.memory_space<vmem>>
      %dma_wait3A_452 = tpu.memref_squeeze %dma_wait3A_451 : memref<1x100xi32, #tpu.memory_space<vmem>> -> memref<100xi32, #tpu.memory_space<vmem>>
      %dma_wait3A_453 = arith.constant 0 : i32
      %dma_wait3A_454 = arith.constant 0 : i32
      %dma_wait3A_455 = tpu.memref_slice %arg20[%dma_wait3A_453, %dma_wait3A_454] : memref<10240x64xf32, #tpu.memory_space<vmem_shared>> -> memref<10240x64xf32, #tpu.memory_space<vmem_shared>>
      tpu.wait_indirect_dma semaphore(%arg25 : memref<!tpu.dma_semaphore, #tpu.memory_space<semaphore_mem>>) src(%arg15 : memref<100x64xf32, #tpu.memory_space<vmem>>) dst(%dma_wait3A_455 : memref<10240x64xf32, #tpu.memory_space<vmem_shared>>)
      %mul3A_456 = arith.constant 2 : i32
      %mul3A_457 = arith.muli %scan3A_357, %mul3A_456 : i32
      %add3A_458 = arith.constant 1 : i32
      %add3A_459 = arith.addi %mul3A_457, %add3A_458 : i32
      %dma_wait3A_460 = arith.constant 1 : i32
      %dma_wait3A_461 = arith.constant 0 : i32
      %dma_wait3A_462 = tpu.memref_slice %arg9[%add3A_386, %dma_wait3A_461] : memref<50x100xi32, #tpu.memory_space<vmem>> -> memref<1x100xi32, #tpu.memory_space<vmem>>
      %dma_wait3A_463 = tpu.memref_squeeze %dma_wait3A_462 : memref<1x100xi32, #tpu.memory_space<vmem>> -> memref<100xi32, #tpu.memory_space<vmem>>
      %dma_wait3A_464 = arith.constant 0 : i32
      %dma_wait3A_465 = arith.constant 0 : i32
      %dma_wait3A_466 = tpu.memref_slice %arg2[%dma_wait3A_460, %dma_wait3A_464, %dma_wait3A_465] : memref<8x10000x64xf32, #tpu.memory_space<hbm>> -> memref<1x10000x64xf32, #tpu.memory_space<hbm>>
      %dma_wait3A_467 = tpu.memref_squeeze %dma_wait3A_466 : memref<1x10000x64xf32, #tpu.memory_space<hbm>> -> memref<10000x64xf32, #tpu.memory_space<hbm>>
      %dma_wait3A_468 = arith.constant 0 : i32
      %dma_wait3A_469 = arith.constant 0 : i32
      %dma_wait3A_470 = tpu.memref_slice %dma_wait3A_467[%dma_wait3A_468, %dma_wait3A_469] : memref<10000x64xf32, #tpu.memory_space<hbm>> -> memref<10000x64xf32, #tpu.memory_space<hbm>>
      tpu.wait_indirect_dma semaphore(%arg22 : memref<!tpu.dma_semaphore, #tpu.memory_space<semaphore_mem>>) src(%dma_wait3A_470 : memref<10000x64xf32, #tpu.memory_space<hbm>>) dst(%arg12 : memref<100x64xf32, #tpu.memory_space<vmem>>)
      %dma_wait3A_471 = arith.constant 5 : i32
      %dma_wait3A_472 = arith.constant 0 : i32
      %dma_wait3A_473 = tpu.memref_slice %arg10[%add3A_386, %dma_wait3A_472] : memref<50x100xi32, #tpu.memory_space<vmem>> -> memref<1x100xi32, #tpu.memory_space<vmem>>
      %dma_wait3A_474 = tpu.memref_squeeze %dma_wait3A_473 : memref<1x100xi32, #tpu.memory_space<vmem>> -> memref<100xi32, #tpu.memory_space<vmem>>
      %dma_wait3A_475 = arith.constant 0 : i32
      %dma_wait3A_476 = arith.constant 0 : i32
      %dma_wait3A_477 = tpu.memref_slice %arg2[%dma_wait3A_471, %dma_wait3A_475, %dma_wait3A_476] : memref<8x10000x64xf32, #tpu.memory_space<hbm>> -> memref<1x10000x64xf32, #tpu.memory_space<hbm>>
      %dma_wait3A_478 = tpu.memref_squeeze %dma_wait3A_477 : memref<1x10000x64xf32, #tpu.memory_space<hbm>> -> memref<10000x64xf32, #tpu.memory_space<hbm>>
      %dma_wait3A_479 = arith.constant 0 : i32
      %dma_wait3A_480 = arith.constant 0 : i32
      %dma_wait3A_481 = tpu.memref_slice %dma_wait3A_478[%dma_wait3A_479, %dma_wait3A_480] : memref<10000x64xf32, #tpu.memory_space<hbm>> -> memref<10000x64xf32, #tpu.memory_space<hbm>>
      tpu.wait_indirect_dma semaphore(%arg24 : memref<!tpu.dma_semaphore, #tpu.memory_space<semaphore_mem>>) src(%dma_wait3A_481 : memref<10000x64xf32, #tpu.memory_space<hbm>>) dst(%arg14 : memref<100x64xf32, #tpu.memory_space<vmem>>)
      %mul3A_482 = arith.constant 50 : i32
      %mul3A_483 = arith.muli %add3A, %mul3A_482 : i32
      %add3A_484 = arith.addi %mul3A_483, %add3A_459 : i32
      %run_scoped3A_485 = arith.constant 1 : i32
      "tpu.region"() ({
        %run_scoped3A_504 = tpu.sem_alloc : memref<!tpu.dma_semaphore, #tpu.memory_space<semaphore_mem>>
        %dma_start3A_505 = arith.constant 0 : i32
        %dma_start3A_506 = arith.constant 0 : i32
        %dma_start3A_507 = arith.constant 0 : i32
        %dma_start3A_508 = tpu.memref_slice %arg3[%run_scoped3A_485, %dma_start3A_505, %dma_start3A_506, %dma_start3A_507] : memref<4x1600x100x64xf32, #tpu.memory_space<hbm>> -> memref<1x1600x100x64xf32, #tpu.memory_space<hbm>>
        %dma_start3A_509 = tpu.memref_squeeze %dma_start3A_508 : memref<1x1600x100x64xf32, #tpu.memory_space<hbm>> -> memref<1600x100x64xf32, #tpu.memory_space<hbm>>
        %dma_start3A_510 = arith.constant 0 : i32
        %dma_start3A_511 = arith.constant 0 : i32
        %dma_start3A_512 = tpu.memref_slice %dma_start3A_509[%add3A_484, %dma_start3A_510, %dma_start3A_511] : memref<1600x100x64xf32, #tpu.memory_space<hbm>> -> memref<1x100x64xf32, #tpu.memory_space<hbm>>
        %dma_start3A_513 = tpu.memref_squeeze %dma_start3A_512 : memref<1x100x64xf32, #tpu.memory_space<hbm>> -> memref<100x64xf32, #tpu.memory_space<hbm>>
        %dma_start3A_514 = arith.constant 0 : i32
        %dma_start3A_515 = arith.constant 0 : i32
        %dma_start3A_516 = arith.constant 0 : i32
        %dma_start3A_517 = tpu.memref_slice %arg3[%run_scoped3A_485, %dma_start3A_514, %dma_start3A_515, %dma_start3A_516] : memref<4x1600x100x64xf32, #tpu.memory_space<hbm>> -> memref<1x1600x100x64xf32, #tpu.memory_space<hbm>>
        %dma_start3A_518 = tpu.memref_squeeze %dma_start3A_517 : memref<1x1600x100x64xf32, #tpu.memory_space<hbm>> -> memref<1600x100x64xf32, #tpu.memory_space<hbm>>
        %dma_start3A_519 = arith.constant 0 : i32
        %dma_start3A_520 = arith.constant 0 : i32
        %dma_start3A_521 = tpu.memref_slice %dma_start3A_518[%add3A_484, %dma_start3A_519, %dma_start3A_520] : memref<1600x100x64xf32, #tpu.memory_space<hbm>> -> memref<1x100x64xf32, #tpu.memory_space<hbm>>
        %dma_start3A_522 = tpu.memref_squeeze %dma_start3A_521 : memref<1x100x64xf32, #tpu.memory_space<hbm>> -> memref<100x64xf32, #tpu.memory_space<hbm>>
        tpu.enqueue_dma source(%dma_start3A_522 : memref<100x64xf32, #tpu.memory_space<hbm>>) target(%arg16 : memref<100x64xf32, #tpu.memory_space<vmem>>) target_semaphore(%run_scoped3A_504 : memref<!tpu.dma_semaphore, #tpu.memory_space<semaphore_mem>>)
        %dma_wait3A_523 = arith.constant 0 : i32
        %dma_wait3A_524 = arith.constant 0 : i32
        %dma_wait3A_525 = arith.constant 0 : i32
        %dma_wait3A_526 = tpu.memref_slice %arg3[%run_scoped3A_485, %dma_wait3A_523, %dma_wait3A_524, %dma_wait3A_525] : memref<4x1600x100x64xf32, #tpu.memory_space<hbm>> -> memref<1x1600x100x64xf32, #tpu.memory_space<hbm>>
        %dma_wait3A_527 = tpu.memref_squeeze %dma_wait3A_526 : memref<1x1600x100x64xf32, #tpu.memory_space<hbm>> -> memref<1600x100x64xf32, #tpu.memory_space<hbm>>
        %dma_wait3A_528 = arith.constant 0 : i32
        %dma_wait3A_529 = arith.constant 0 : i32
        %dma_wait3A_530 = tpu.memref_slice %dma_wait3A_527[%add3A_484, %dma_wait3A_528, %dma_wait3A_529] : memref<1600x100x64xf32, #tpu.memory_space<hbm>> -> memref<1x100x64xf32, #tpu.memory_space<hbm>>
        %dma_wait3A_531 = tpu.memref_squeeze %dma_wait3A_530 : memref<1x100x64xf32, #tpu.memory_space<hbm>> -> memref<100x64xf32, #tpu.memory_space<hbm>>
        %dma_wait3A_532 = arith.constant 0 : i32
        %dma_wait3A_533 = arith.constant 0 : i32
        %dma_wait3A_534 = arith.constant 0 : i32
        %dma_wait3A_535 = tpu.memref_slice %arg3[%run_scoped3A_485, %dma_wait3A_532, %dma_wait3A_533, %dma_wait3A_534] : memref<4x1600x100x64xf32, #tpu.memory_space<hbm>> -> memref<1x1600x100x64xf32, #tpu.memory_space<hbm>>
        %dma_wait3A_536 = tpu.memref_squeeze %dma_wait3A_535 : memref<1x1600x100x64xf32, #tpu.memory_space<hbm>> -> memref<1600x100x64xf32, #tpu.memory_space<hbm>>
        %dma_wait3A_537 = arith.constant 0 : i32
        %dma_wait3A_538 = arith.constant 0 : i32
        %dma_wait3A_539 = tpu.memref_slice %dma_wait3A_536[%add3A_484, %dma_wait3A_537, %dma_wait3A_538] : memref<1600x100x64xf32, #tpu.memory_space<hbm>> -> memref<1x100x64xf32, #tpu.memory_space<hbm>>
        %dma_wait3A_540 = tpu.memref_squeeze %dma_wait3A_539 : memref<1x100x64xf32, #tpu.memory_space<hbm>> -> memref<100x64xf32, #tpu.memory_space<hbm>>
        tpu.wait_dma2 semaphore(%run_scoped3A_504 : memref<!tpu.dma_semaphore, #tpu.memory_space<semaphore_mem>>) src(%dma_wait3A_540 : memref<100x64xf32, #tpu.memory_space<hbm>>) dst(%arg16 : memref<100x64xf32, #tpu.memory_space<vmem>>)
        tpu.yield
      }) : () -> ()
      %scan3A_486 = arith.constant 0 : i32
      %scan3A_487 = arith.constant 0 : i32
      %scan3A_488 = arith.constant 100 : i32
      %scan3A_489 = arith.addi %scan3A_487, %scan3A_488 : i32
      %scan3A_490 = arith.constant 1 : i32
      scf.for %scan3A_504 = %scan3A_487 to %scan3A_489 step %scan3A_490  : i32 {
        %get3A_505 = arith.index_cast %scan3A_504 : i32 to index
        %get3A_506 = arith.constant 0 : index
        %get3A_507 = tpu.vector_load %arg12[%get3A_505, %get3A_506] {strides = array<i32>} : memref<100x64xf32, #tpu.memory_space<vmem>>, vector<16xf32>,
        %get3A_508 = arith.index_cast %scan3A_504 : i32 to index
        %get3A_509 = arith.constant 0 : index
        %get3A_510 = tpu.vector_load %arg14[%get3A_508, %get3A_509] {strides = array<i32>} : memref<100x64xf32, #tpu.memory_space<vmem>>, vector<16xf32>,
        %add3A_511 = arith.addf %get3A_507, %get3A_510 : vector<16xf32>
        %get3A_512 = arith.index_cast %scan3A_504 : i32 to index
        %get3A_513 = arith.constant 0 : index
        %get3A_514 = tpu.vector_load %arg16[%get3A_512, %get3A_513] {strides = array<i32>} : memref<100x64xf32, #tpu.memory_space<vmem>>, vector<16xf32>,
        %add3A_515 = arith.addf %add3A_511, %get3A_514 : vector<16xf32>
        %max3A = arith.constant 0.000000e+00 : f32
        %max3A_516 = vector.broadcast %max3A : f32 to vector<16xf32>
        %max3A_517 = arith.maximumf %add3A_515, %max3A_516 : vector<16xf32>
        %swap3A = arith.index_cast %scan3A_504 : i32 to index
        %swap3A_518 = arith.constant 0 : index
        %swap3A_519 = tpu.vector_load %arg15[%swap3A, %swap3A_518] {strides = array<i32>} : memref<100x64xf32, #tpu.memory_space<vmem>>, vector<16xf32>,
        tpu.vector_store %arg15[%swap3A, %swap3A_518], %max3A_517 {strides = array<i32>} : memref<100x64xf32, #tpu.memory_space<vmem>>, vector<16xf32>,
        %mul3A_520 = arith.mulf %max3A_517, %get3A_127 : vector<16xf32>
        %add3A_521 = arith.addf %broadcast_in_dim3A_5, %mul3A_520 : vector<16xf32>
        %mul3A_522 = arith.mulf %max3A_517, %get3A_151 : vector<16xf32>
        %add3A_523 = arith.addf %broadcast_in_dim3A_5, %mul3A_522 : vector<16xf32>
        %get3A_524 = arith.index_cast %scan3A_504 : i32 to index
        %get3A_525 = arith.constant 16 : index
        %get3A_526 = tpu.vector_load %arg12[%get3A_524, %get3A_525] {strides = array<i32>} : memref<100x64xf32, #tpu.memory_space<vmem>>, vector<16xf32>,
        %get3A_527 = arith.index_cast %scan3A_504 : i32 to index
        %get3A_528 = arith.constant 16 : index
        %get3A_529 = tpu.vector_load %arg14[%get3A_527, %get3A_528] {strides = array<i32>} : memref<100x64xf32, #tpu.memory_space<vmem>>, vector<16xf32>,
        %add3A_530 = arith.addf %get3A_526, %get3A_529 : vector<16xf32>
        %get3A_531 = arith.index_cast %scan3A_504 : i32 to index
        %get3A_532 = arith.constant 16 : index
        %get3A_533 = tpu.vector_load %arg16[%get3A_531, %get3A_532] {strides = array<i32>} : memref<100x64xf32, #tpu.memory_space<vmem>>, vector<16xf32>,
        %add3A_534 = arith.addf %add3A_530, %get3A_533 : vector<16xf32>
        %max3A_535 = arith.constant 0.000000e+00 : f32
        %max3A_536 = vector.broadcast %max3A_535 : f32 to vector<16xf32>
        %max3A_537 = arith.maximumf %add3A_534, %max3A_536 : vector<16xf32>
        %swap3A_538 = arith.index_cast %scan3A_504 : i32 to index
        %swap3A_539 = arith.constant 16 : index
        %swap3A_540 = tpu.vector_load %arg15[%swap3A_538, %swap3A_539] {strides = array<i32>} : memref<100x64xf32, #tpu.memory_space<vmem>>, vector<16xf32>,
        tpu.vector_store %arg15[%swap3A_538, %swap3A_539], %max3A_537 {strides = array<i32>} : memref<100x64xf32, #tpu.memory_space<vmem>>, vector<16xf32>,
        %mul3A_541 = arith.mulf %max3A_537, %get3A_133 : vector<16xf32>
        %add3A_542 = arith.addf %add3A_521, %mul3A_541 : vector<16xf32>
        %mul3A_543 = arith.mulf %max3A_537, %get3A_157 : vector<16xf32>
        %add3A_544 = arith.addf %add3A_523, %mul3A_543 : vector<16xf32>
        %get3A_545 = arith.index_cast %scan3A_504 : i32 to index
        %get3A_546 = arith.constant 32 : index
        %get3A_547 = tpu.vector_load %arg12[%get3A_545, %get3A_546] {strides = array<i32>} : memref<100x64xf32, #tpu.memory_space<vmem>>, vector<16xf32>,
        %get3A_548 = arith.index_cast %scan3A_504 : i32 to index
        %get3A_549 = arith.constant 32 : index
        %get3A_550 = tpu.vector_load %arg14[%get3A_548, %get3A_549] {strides = array<i32>} : memref<100x64xf32, #tpu.memory_space<vmem>>, vector<16xf32>,
        %add3A_551 = arith.addf %get3A_547, %get3A_550 : vector<16xf32>
        %get3A_552 = arith.index_cast %scan3A_504 : i32 to index
        %get3A_553 = arith.constant 32 : index
        %get3A_554 = tpu.vector_load %arg16[%get3A_552, %get3A_553] {strides = array<i32>} : memref<100x64xf32, #tpu.memory_space<vmem>>, vector<16xf32>,
        %add3A_555 = arith.addf %add3A_551, %get3A_554 : vector<16xf32>
        %max3A_556 = arith.constant 0.000000e+00 : f32
        %max3A_557 = vector.broadcast %max3A_556 : f32 to vector<16xf32>
        %max3A_558 = arith.maximumf %add3A_555, %max3A_557 : vector<16xf32>
        %swap3A_559 = arith.index_cast %scan3A_504 : i32 to index
        %swap3A_560 = arith.constant 32 : index
        %swap3A_561 = tpu.vector_load %arg15[%swap3A_559, %swap3A_560] {strides = array<i32>} : memref<100x64xf32, #tpu.memory_space<vmem>>, vector<16xf32>,
        tpu.vector_store %arg15[%swap3A_559, %swap3A_560], %max3A_558 {strides = array<i32>} : memref<100x64xf32, #tpu.memory_space<vmem>>, vector<16xf32>,
        %mul3A_562 = arith.mulf %max3A_558, %get3A_139 : vector<16xf32>
        %add3A_563 = arith.addf %add3A_542, %mul3A_562 : vector<16xf32>
        %mul3A_564 = arith.mulf %max3A_558, %get3A_163 : vector<16xf32>
        %add3A_565 = arith.addf %add3A_544, %mul3A_564 : vector<16xf32>
        %get3A_566 = arith.index_cast %scan3A_504 : i32 to index
        %get3A_567 = arith.constant 48 : index
        %get3A_568 = tpu.vector_load %arg12[%get3A_566, %get3A_567] {strides = array<i32>} : memref<100x64xf32, #tpu.memory_space<vmem>>, vector<16xf32>,
        %get3A_569 = arith.index_cast %scan3A_504 : i32 to index
        %get3A_570 = arith.constant 48 : index
        %get3A_571 = tpu.vector_load %arg14[%get3A_569, %get3A_570] {strides = array<i32>} : memref<100x64xf32, #tpu.memory_space<vmem>>, vector<16xf32>,
        %add3A_572 = arith.addf %get3A_568, %get3A_571 : vector<16xf32>
        %get3A_573 = arith.index_cast %scan3A_504 : i32 to index
        %get3A_574 = arith.constant 48 : index
        %get3A_575 = tpu.vector_load %arg16[%get3A_573, %get3A_574] {strides = array<i32>} : memref<100x64xf32, #tpu.memory_space<vmem>>, vector<16xf32>,
        %add3A_576 = arith.addf %add3A_572, %get3A_575 : vector<16xf32>
        %max3A_577 = arith.constant 0.000000e+00 : f32
        %max3A_578 = vector.broadcast %max3A_577 : f32 to vector<16xf32>
        %max3A_579 = arith.maximumf %add3A_576, %max3A_578 : vector<16xf32>
        %swap3A_580 = arith.index_cast %scan3A_504 : i32 to index
        %swap3A_581 = arith.constant 48 : index
        %swap3A_582 = tpu.vector_load %arg15[%swap3A_580, %swap3A_581] {strides = array<i32>} : memref<100x64xf32, #tpu.memory_space<vmem>>, vector<16xf32>,
        tpu.vector_store %arg15[%swap3A_580, %swap3A_581], %max3A_579 {strides = array<i32>} : memref<100x64xf32, #tpu.memory_space<vmem>>, vector<16xf32>,
        %mul3A_583 = arith.mulf %max3A_579, %get3A_145 : vector<16xf32>
        %add3A_584 = arith.addf %add3A_563, %mul3A_583 : vector<16xf32>
        %mul3A_585 = arith.mulf %max3A_579, %get3A_169 : vector<16xf32>
        %add3A_586 = arith.addf %add3A_565, %mul3A_585 : vector<16xf32>
        %broadcast_in_dim3A_587 = arith.constant true
        %broadcast_in_dim3A_588 = vector.broadcast %broadcast_in_dim3A_587 : i1 to vector<16xi1>
        %masked_cumsum3A = tpu.scan <sum>, %add3A_584 masked %broadcast_in_dim3A_588 : vector<16xf32>, vector<16xi1> -> vector<16xf32>
        %broadcast_in_dim3A_589 = arith.constant true
        %broadcast_in_dim3A_590 = vector.broadcast %broadcast_in_dim3A_589 : i1 to vector<16xi1>
        %masked_cumsum3A_591 = tpu.scan <sum>, %add3A_586 masked %broadcast_in_dim3A_590 : vector<16xf32>, vector<16xi1> -> vector<16xf32>
        %broadcast_in_dim3A_592 = arith.constant 0 : i32
        %broadcast_in_dim3A_593 = vector.broadcast %broadcast_in_dim3A_592 : i32 to vector<16xi32>
        %mul3A_594 = arith.constant 100 : i32
        %mul3A_595 = arith.muli %add3A_459, %mul3A_594 : i32
        %add3A_596 = arith.addi %mul3A_595, %scan3A_504 : i32
        %add3A_597 = vector.broadcast %add3A_596 : i32 to vector<16xi32>
        %add3A_598 = arith.addi %broadcast_in_dim3A_593, %add3A_597 : vector<16xi32>
        %broadcast_in_dim3A_599 = arith.constant 0 : i32
        %broadcast_in_dim3A_600 = vector.broadcast %broadcast_in_dim3A_599 : i32 to vector<16xi32>
        %add3A_601 = arith.constant 1 : i32
        %add3A_602 = vector.broadcast %add3A_601 : i32 to vector<16xi32>
        %add3A_603 = arith.addi %broadcast_in_dim3A_600, %add3A_602 : vector<16xi32>
        %gather3A = tpu.vector_load_idx %arg17[%add3A_598, %broadcast_in_dim3A_600] masked %eq3A_4 : memref<5000x2xf32, #tpu.memory_space<vmem>>[vector<16xi32>, vector<16xi32>], vector<16xf32>, vector<16xi1>
        %gather3A_604 = tpu.vector_load_idx %arg17[%add3A_598, %add3A_603] masked %eq3A_4 : memref<5000x2xf32, #tpu.memory_space<vmem>>[vector<16xi32>, vector<16xi32>], vector<16xf32>, vector<16xi1>
        %add3A_605 = arith.addf %gather3A, %masked_cumsum3A : vector<16xf32>
        tpu.vector_store_idx %arg17[%add3A_598, %broadcast_in_dim3A_600], %add3A_605 masked %eq3A_4 : memref<5000x2xf32, #tpu.memory_space<vmem>>[vector<16xi32>, vector<16xi32>], vector<16xf32>, vector<16xi1>
        %add3A_606 = arith.addf %gather3A_604, %masked_cumsum3A_591 : vector<16xf32>
        tpu.vector_store_idx %arg17[%add3A_598, %add3A_603], %add3A_606 masked %eq3A_4 : memref<5000x2xf32, #tpu.memory_space<vmem>>[vector<16xi32>, vector<16xi32>], vector<16xf32>, vector<16xi1>
      }
      %scan3A_491 = arith.constant 100 : i32
      %dma_start3A_492 = arith.constant 0 : i32
      %dma_start3A_493 = tpu.memref_slice %arg10[%add3A_459, %dma_start3A_492] : memref<50x100xi32, #tpu.memory_space<vmem>> -> memref<1x100xi32, #tpu.memory_space<vmem>>
      %dma_start3A_494 = tpu.memref_squeeze %dma_start3A_493 : memref<1x100xi32, #tpu.memory_space<vmem>> -> memref<100xi32, #tpu.memory_space<vmem>>
      %dma_start3A_495 = arith.constant 0 : i32
      %dma_start3A_496 = arith.constant 0 : i32
      %dma_start3A_497 = tpu.memref_slice %arg20[%dma_start3A_495, %dma_start3A_496] : memref<10240x64xf32, #tpu.memory_space<vmem_shared>> -> memref<10240x64xf32, #tpu.memory_space<vmem_shared>>
      tpu.enqueue_indirect_dma source(%arg15 : memref<100x64xf32, #tpu.memory_space<vmem>>) target(%dma_start3A_497 : memref<10240x64xf32, #tpu.memory_space<vmem_shared>>) offsets(%dma_start3A_494 : memref<100xi32, #tpu.memory_space<vmem>>) semaphore(%arg25 : memref<!tpu.dma_semaphore, #tpu.memory_space<semaphore_mem>>) {add = true}
      %dma_wait3A_498 = arith.constant 0 : i32
      %dma_wait3A_499 = tpu.memref_slice %arg10[%add3A_459, %dma_wait3A_498] : memref<50x100xi32, #tpu.memory_space<vmem>> -> memref<1x100xi32, #tpu.memory_space<vmem>>
      %dma_wait3A_500 = tpu.memref_squeeze %dma_wait3A_499 : memref<1x100xi32, #tpu.memory_space<vmem>> -> memref<100xi32, #tpu.memory_space<vmem>>
      %dma_wait3A_501 = arith.constant 0 : i32
      %dma_wait3A_502 = arith.constant 0 : i32
      %dma_wait3A_503 = tpu.memref_slice %arg20[%dma_wait3A_501, %dma_wait3A_502] : memref<10240x64xf32, #tpu.memory_space<vmem_shared>> -> memref<10240x64xf32, #tpu.memory_space<vmem_shared>>
      tpu.wait_indirect_dma semaphore(%arg25 : memref<!tpu.dma_semaphore, #tpu.memory_space<semaphore_mem>>) src(%arg15 : memref<100x64xf32, #tpu.memory_space<vmem>>) dst(%dma_wait3A_503 : memref<10240x64xf32, #tpu.memory_space<vmem_shared>>)
    }
    %scan3A_175 = arith.constant 25 : i32
    %barrier3A_176 = arith.constant 0 : index
    tpu.barrier barrier_id(%barrier3A_176)
    %mul3A_177 = arith.constant 640 : i32
    %mul3A_178 = arith.muli %arg1, %mul3A_177 : i32
    %mul3A_179 = arith.constant 640 : i32
    %mul3A_180 = arith.muli %arg1, %mul3A_179 : i32
    %run_scoped3A_181 = arith.constant 1 : i32
    "tpu.region"() ({
      %run_scoped3A_357 = tpu.sem_alloc : memref<!tpu.dma_semaphore, #tpu.memory_space<semaphore_mem>>
      %dma_start3A = arith.constant 0 : i32
      %dma_start3A_358 = tpu.memref_slice %arg8[%arg0, %run_scoped3A_181, %mul3A_180, %dma_start3A] : memref<2x4x10240x64xf32, #tpu.memory_space<hbm>> -> memref<1x1x640x64xf32, #tpu.memory_space<hbm>>
      %dma_start3A_359 = tpu.memref_squeeze %dma_start3A_358 : memref<1x1x640x64xf32, #tpu.memory_space<hbm>> -> memref<640x64xf32, #tpu.memory_space<hbm>>
      %dma_start3A_360 = arith.constant 0 : i32
      %dma_start3A_361 = tpu.memref_slice %arg20[%mul3A_178, %dma_start3A_360] : memref<10240x64xf32, #tpu.memory_space<vmem_shared>> -> memref<640x64xf32, #tpu.memory_space<vmem_shared>>
      tpu.enqueue_dma source(%dma_start3A_361 : memref<640x64xf32, #tpu.memory_space<vmem_shared>>) target(%dma_start3A_359 : memref<640x64xf32, #tpu.memory_space<hbm>>) target_semaphore(%run_scoped3A_357 : memref<!tpu.dma_semaphore, #tpu.memory_space<semaphore_mem>>)
      %dma_wait3A = arith.constant 0 : i32
      %dma_wait3A_362 = tpu.memref_slice %arg8[%arg0, %run_scoped3A_181, %mul3A_180, %dma_wait3A] : memref<2x4x10240x64xf32, #tpu.memory_space<hbm>> -> memref<1x1x640x64xf32, #tpu.memory_space<hbm>>
      %dma_wait3A_363 = tpu.memref_squeeze %dma_wait3A_362 : memref<1x1x640x64xf32, #tpu.memory_space<hbm>> -> memref<640x64xf32, #tpu.memory_space<hbm>>
      %dma_wait3A_364 = arith.constant 0 : i32
      %dma_wait3A_365 = tpu.memref_slice %arg20[%mul3A_178, %dma_wait3A_364] : memref<10240x64xf32, #tpu.memory_space<vmem_shared>> -> memref<640x64xf32, #tpu.memory_space<vmem_shared>>
      tpu.wait_dma2 semaphore(%run_scoped3A_357 : memref<!tpu.dma_semaphore, #tpu.memory_space<semaphore_mem>>) src(%dma_wait3A_365 : memref<640x64xf32, #tpu.memory_space<vmem_shared>>) dst(%dma_wait3A_363 : memref<640x64xf32, #tpu.memory_space<hbm>>)
      tpu.yield
    }) : () -> ()
    %barrier3A_182 = arith.constant 0 : index
    tpu.barrier barrier_id(%barrier3A_182)
    %scan3A_183 = arith.constant 0 : i32
    %scan3A_184 = arith.constant 0 : i32
    %scan3A_185 = arith.constant 100 : i32
    %scan3A_186 = arith.addi %scan3A_184, %scan3A_185 : i32
    %scan3A_187 = arith.constant 1 : i32
    scf.for %scan3A_357 = %scan3A_184 to %scan3A_186 step %scan3A_187  : i32 {
      %swap3A = arith.index_cast %scan3A_357 : i32 to index
      %swap3A_358 = arith.constant 0 : index
      %swap3A_359 = tpu.vector_load %arg15[%swap3A, %swap3A_358] {strides = array<i32>} : memref<100x64xf32, #tpu.memory_space<vmem>>, vector<16xf32>,
      tpu.vector_store %arg15[%swap3A, %swap3A_358], %broadcast_in_dim3A_5 {strides = array<i32>} : memref<100x64xf32, #tpu.memory_space<vmem>>, vector<16xf32>,
      %swap3A_360 = arith.index_cast %scan3A_357 : i32 to index
      %swap3A_361 = arith.constant 16 : index
      %swap3A_362 = tpu.vector_load %arg15[%swap3A_360, %swap3A_361] {strides = array<i32>} : memref<100x64xf32, #tpu.memory_space<vmem>>, vector<16xf32>,
      tpu.vector_store %arg15[%swap3A_360, %swap3A_361], %broadcast_in_dim3A_5 {strides = array<i32>} : memref<100x64xf32, #tpu.memory_space<vmem>>, vector<16xf32>,
      %swap3A_363 = arith.index_cast %scan3A_357 : i32 to index
      %swap3A_364 = arith.constant 32 : index
      %swap3A_365 = tpu.vector_load %arg15[%swap3A_363, %swap3A_364] {strides = array<i32>} : memref<100x64xf32, #tpu.memory_space<vmem>>, vector<16xf32>,
      tpu.vector_store %arg15[%swap3A_363, %swap3A_364], %broadcast_in_dim3A_5 {strides = array<i32>} : memref<100x64xf32, #tpu.memory_space<vmem>>, vector<16xf32>,
      %swap3A_366 = arith.index_cast %scan3A_357 : i32 to index
      %swap3A_367 = arith.constant 48 : index
      %swap3A_368 = tpu.vector_load %arg15[%swap3A_366, %swap3A_367] {strides = array<i32>} : memref<100x64xf32, #tpu.memory_space<vmem>>, vector<16xf32>,
      tpu.vector_store %arg15[%swap3A_366, %swap3A_367], %broadcast_in_dim3A_5 {strides = array<i32>} : memref<100x64xf32, #tpu.memory_space<vmem>>, vector<16xf32>,
    }
    %scan3A_188 = arith.constant 100 : i32
    %mul3A_189 = arith.constant 640 : i32
    %mul3A_190 = arith.muli %arg1, %mul3A_189 : i32
    %add3A_191 = arith.constant 0 : i32
    %add3A_192 = arith.addi %mul3A_190, %add3A_191 : i32
    "tpu.region"() ({
      %run_scoped3A_357 = tpu.sem_alloc : memref<!tpu.dma_semaphore, #tpu.memory_space<semaphore_mem>>
      %dma_start3A = arith.constant 0 : i32
      %dma_start3A_358 = arith.constant 0 : i32
      %dma_start3A_359 = tpu.memref_slice %arg15[%dma_start3A, %dma_start3A_358] : memref<100x64xf32, #tpu.memory_space<vmem>> -> memref<80x64xf32, #tpu.memory_space<vmem>>
      %dma_start3A_360 = arith.constant 0 : i32
      %dma_start3A_361 = tpu.memref_slice %arg20[%add3A_192, %dma_start3A_360] : memref<10240x64xf32, #tpu.memory_space<vmem_shared>> -> memref<80x64xf32, #tpu.memory_space<vmem_shared>>
      %dma_start3A_362 = arith.constant 0 : i32
      %dma_start3A_363 = tpu.memref_slice %arg20[%add3A_192, %dma_start3A_362] : memref<10240x64xf32, #tpu.memory_space<vmem_shared>> -> memref<80x64xf32, #tpu.memory_space<vmem_shared>>
      %dma_start3A_364 = arith.constant 0 : i32
      %dma_start3A_365 = arith.constant 0 : i32
      %dma_start3A_366 = tpu.memref_slice %arg15[%dma_start3A_364, %dma_start3A_365] : memref<100x64xf32, #tpu.memory_space<vmem>> -> memref<80x64xf32, #tpu.memory_space<vmem>>
      tpu.enqueue_dma source(%dma_start3A_366 : memref<80x64xf32, #tpu.memory_space<vmem>>) target(%dma_start3A_363 : memref<80x64xf32, #tpu.memory_space<vmem_shared>>) target_semaphore(%run_scoped3A_357 : memref<!tpu.dma_semaphore, #tpu.memory_space<semaphore_mem>>)
      %dma_wait3A = arith.constant 0 : i32
      %dma_wait3A_367 = arith.constant 0 : i32
      %dma_wait3A_368 = tpu.memref_slice %arg15[%dma_wait3A, %dma_wait3A_367] : memref<100x64xf32, #tpu.memory_space<vmem>> -> memref<80x64xf32, #tpu.memory_space<vmem>>
      %dma_wait3A_369 = arith.constant 0 : i32
      %dma_wait3A_370 = tpu.memref_slice %arg20[%add3A_192, %dma_wait3A_369] : memref<10240x64xf32, #tpu.memory_space<vmem_shared>> -> memref<80x64xf32, #tpu.memory_space<vmem_shared>>
      %dma_wait3A_371 = arith.constant 0 : i32
      %dma_wait3A_372 = tpu.memref_slice %arg20[%add3A_192, %dma_wait3A_371] : memref<10240x64xf32, #tpu.memory_space<vmem_shared>> -> memref<80x64xf32, #tpu.memory_space<vmem_shared>>
      %dma_wait3A_373 = arith.constant 0 : i32
      %dma_wait3A_374 = arith.constant 0 : i32
      %dma_wait3A_375 = tpu.memref_slice %arg15[%dma_wait3A_373, %dma_wait3A_374] : memref<100x64xf32, #tpu.memory_space<vmem>> -> memref<80x64xf32, #tpu.memory_space<vmem>>
      tpu.wait_dma2 semaphore(%run_scoped3A_357 : memref<!tpu.dma_semaphore, #tpu.memory_space<semaphore_mem>>) src(%dma_wait3A_375 : memref<80x64xf32, #tpu.memory_space<vmem>>) dst(%dma_wait3A_372 : memref<80x64xf32, #tpu.memory_space<vmem_shared>>)
      tpu.yield
    }) : () -> ()
    %add3A_193 = arith.constant 80 : i32
    %add3A_194 = arith.addi %mul3A_190, %add3A_193 : i32
    "tpu.region"() ({
      %run_scoped3A_357 = tpu.sem_alloc : memref<!tpu.dma_semaphore, #tpu.memory_space<semaphore_mem>>
      %dma_start3A = arith.constant 0 : i32
      %dma_start3A_358 = arith.constant 0 : i32
      %dma_start3A_359 = tpu.memref_slice %arg15[%dma_start3A, %dma_start3A_358] : memref<100x64xf32, #tpu.memory_space<vmem>> -> memref<80x64xf32, #tpu.memory_space<vmem>>
      %dma_start3A_360 = arith.constant 0 : i32
      %dma_start3A_361 = tpu.memref_slice %arg20[%add3A_194, %dma_start3A_360] : memref<10240x64xf32, #tpu.memory_space<vmem_shared>> -> memref<80x64xf32, #tpu.memory_space<vmem_shared>>
      %dma_start3A_362 = arith.constant 0 : i32
      %dma_start3A_363 = tpu.memref_slice %arg20[%add3A_194, %dma_start3A_362] : memref<10240x64xf32, #tpu.memory_space<vmem_shared>> -> memref<80x64xf32, #tpu.memory_space<vmem_shared>>
      %dma_start3A_364 = arith.constant 0 : i32
      %dma_start3A_365 = arith.constant 0 : i32
      %dma_start3A_366 = tpu.memref_slice %arg15[%dma_start3A_364, %dma_start3A_365] : memref<100x64xf32, #tpu.memory_space<vmem>> -> memref<80x64xf32, #tpu.memory_space<vmem>>
      tpu.enqueue_dma source(%dma_start3A_366 : memref<80x64xf32, #tpu.memory_space<vmem>>) target(%dma_start3A_363 : memref<80x64xf32, #tpu.memory_space<vmem_shared>>) target_semaphore(%run_scoped3A_357 : memref<!tpu.dma_semaphore, #tpu.memory_space<semaphore_mem>>)
      %dma_wait3A = arith.constant 0 : i32
      %dma_wait3A_367 = arith.constant 0 : i32
      %dma_wait3A_368 = tpu.memref_slice %arg15[%dma_wait3A, %dma_wait3A_367] : memref<100x64xf32, #tpu.memory_space<vmem>> -> memref<80x64xf32, #tpu.memory_space<vmem>>
      %dma_wait3A_369 = arith.constant 0 : i32
      %dma_wait3A_370 = tpu.memref_slice %arg20[%add3A_194, %dma_wait3A_369] : memref<10240x64xf32, #tpu.memory_space<vmem_shared>> -> memref<80x64xf32, #tpu.memory_space<vmem_shared>>
      %dma_wait3A_371 = arith.constant 0 : i32
      %dma_wait3A_372 = tpu.memref_slice %arg20[%add3A_194, %dma_wait3A_371] : memref<10240x64xf32, #tpu.memory_space<vmem_shared>> -> memref<80x64xf32, #tpu.memory_space<vmem_shared>>
      %dma_wait3A_373 = arith.constant 0 : i32
      %dma_wait3A_374 = arith.constant 0 : i32
      %dma_wait3A_375 = tpu.memref_slice %arg15[%dma_wait3A_373, %dma_wait3A_374] : memref<100x64xf32, #tpu.memory_space<vmem>> -> memref<80x64xf32, #tpu.memory_space<vmem>>
      tpu.wait_dma2 semaphore(%run_scoped3A_357 : memref<!tpu.dma_semaphore, #tpu.memory_space<semaphore_mem>>) src(%dma_wait3A_375 : memref<80x64xf32, #tpu.memory_space<vmem>>) dst(%dma_wait3A_372 : memref<80x64xf32, #tpu.memory_space<vmem_shared>>)
      tpu.yield
    }) : () -> ()
    %add3A_195 = arith.constant 160 : i32
    %add3A_196 = arith.addi %mul3A_190, %add3A_195 : i32
    "tpu.region"() ({
      %run_scoped3A_357 = tpu.sem_alloc : memref<!tpu.dma_semaphore, #tpu.memory_space<semaphore_mem>>
      %dma_start3A = arith.constant 0 : i32
      %dma_start3A_358 = arith.constant 0 : i32
      %dma_start3A_359 = tpu.memref_slice %arg15[%dma_start3A, %dma_start3A_358] : memref<100x64xf32, #tpu.memory_space<vmem>> -> memref<80x64xf32, #tpu.memory_space<vmem>>
      %dma_start3A_360 = arith.constant 0 : i32
      %dma_start3A_361 = tpu.memref_slice %arg20[%add3A_196, %dma_start3A_360] : memref<10240x64xf32, #tpu.memory_space<vmem_shared>> -> memref<80x64xf32, #tpu.memory_space<vmem_shared>>
      %dma_start3A_362 = arith.constant 0 : i32
      %dma_start3A_363 = tpu.memref_slice %arg20[%add3A_196, %dma_start3A_362] : memref<10240x64xf32, #tpu.memory_space<vmem_shared>> -> memref<80x64xf32, #tpu.memory_space<vmem_shared>>
      %dma_start3A_364 = arith.constant 0 : i32
      %dma_start3A_365 = arith.constant 0 : i32
      %dma_start3A_366 = tpu.memref_slice %arg15[%dma_start3A_364, %dma_start3A_365] : memref<100x64xf32, #tpu.memory_space<vmem>> -> memref<80x64xf32, #tpu.memory_space<vmem>>
      tpu.enqueue_dma source(%dma_start3A_366 : memref<80x64xf32, #tpu.memory_space<vmem>>) target(%dma_start3A_363 : memref<80x64xf32, #tpu.memory_space<vmem_shared>>) target_semaphore(%run_scoped3A_357 : memref<!tpu.dma_semaphore, #tpu.memory_space<semaphore_mem>>)
      %dma_wait3A = arith.constant 0 : i32
      %dma_wait3A_367 = arith.constant 0 : i32
      %dma_wait3A_368 = tpu.memref_slice %arg15[%dma_wait3A, %dma_wait3A_367] : memref<100x64xf32, #tpu.memory_space<vmem>> -> memref<80x64xf32, #tpu.memory_space<vmem>>
      %dma_wait3A_369 = arith.constant 0 : i32
      %dma_wait3A_370 = tpu.memref_slice %arg20[%add3A_196, %dma_wait3A_369] : memref<10240x64xf32, #tpu.memory_space<vmem_shared>> -> memref<80x64xf32, #tpu.memory_space<vmem_shared>>
      %dma_wait3A_371 = arith.constant 0 : i32
      %dma_wait3A_372 = tpu.memref_slice %arg20[%add3A_196, %dma_wait3A_371] : memref<10240x64xf32, #tpu.memory_space<vmem_shared>> -> memref<80x64xf32, #tpu.memory_space<vmem_shared>>
      %dma_wait3A_373 = arith.constant 0 : i32
      %dma_wait3A_374 = arith.constant 0 : i32
      %dma_wait3A_375 = tpu.memref_slice %arg15[%dma_wait3A_373, %dma_wait3A_374] : memref<100x64xf32, #tpu.memory_space<vmem>> -> memref<80x64xf32, #tpu.memory_space<vmem>>
      tpu.wait_dma2 semaphore(%run_scoped3A_357 : memref<!tpu.dma_semaphore, #tpu.memory_space<semaphore_mem>>) src(%dma_wait3A_375 : memref<80x64xf32, #tpu.memory_space<vmem>>) dst(%dma_wait3A_372 : memref<80x64xf32, #tpu.memory_space<vmem_shared>>)
      tpu.yield
    }) : () -> ()
    %add3A_197 = arith.constant 240 : i32
    %add3A_198 = arith.addi %mul3A_190, %add3A_197 : i32
    "tpu.region"() ({
      %run_scoped3A_357 = tpu.sem_alloc : memref<!tpu.dma_semaphore, #tpu.memory_space<semaphore_mem>>
      %dma_start3A = arith.constant 0 : i32
      %dma_start3A_358 = arith.constant 0 : i32
      %dma_start3A_359 = tpu.memref_slice %arg15[%dma_start3A, %dma_start3A_358] : memref<100x64xf32, #tpu.memory_space<vmem>> -> memref<80x64xf32, #tpu.memory_space<vmem>>
      %dma_start3A_360 = arith.constant 0 : i32
      %dma_start3A_361 = tpu.memref_slice %arg20[%add3A_198, %dma_start3A_360] : memref<10240x64xf32, #tpu.memory_space<vmem_shared>> -> memref<80x64xf32, #tpu.memory_space<vmem_shared>>
      %dma_start3A_362 = arith.constant 0 : i32
      %dma_start3A_363 = tpu.memref_slice %arg20[%add3A_198, %dma_start3A_362] : memref<10240x64xf32, #tpu.memory_space<vmem_shared>> -> memref<80x64xf32, #tpu.memory_space<vmem_shared>>
      %dma_start3A_364 = arith.constant 0 : i32
      %dma_start3A_365 = arith.constant 0 : i32
      %dma_start3A_366 = tpu.memref_slice %arg15[%dma_start3A_364, %dma_start3A_365] : memref<100x64xf32, #tpu.memory_space<vmem>> -> memref<80x64xf32, #tpu.memory_space<vmem>>
      tpu.enqueue_dma source(%dma_start3A_366 : memref<80x64xf32, #tpu.memory_space<vmem>>) target(%dma_start3A_363 : memref<80x64xf32, #tpu.memory_space<vmem_shared>>) target_semaphore(%run_scoped3A_357 : memref<!tpu.dma_semaphore, #tpu.memory_space<semaphore_mem>>)
      %dma_wait3A = arith.constant 0 : i32
      %dma_wait3A_367 = arith.constant 0 : i32
      %dma_wait3A_368 = tpu.memref_slice %arg15[%dma_wait3A, %dma_wait3A_367] : memref<100x64xf32, #tpu.memory_space<vmem>> -> memref<80x64xf32, #tpu.memory_space<vmem>>
      %dma_wait3A_369 = arith.constant 0 : i32
      %dma_wait3A_370 = tpu.memref_slice %arg20[%add3A_198, %dma_wait3A_369] : memref<10240x64xf32, #tpu.memory_space<vmem_shared>> -> memref<80x64xf32, #tpu.memory_space<vmem_shared>>
      %dma_wait3A_371 = arith.constant 0 : i32
      %dma_wait3A_372 = tpu.memref_slice %arg20[%add3A_198, %dma_wait3A_371] : memref<10240x64xf32, #tpu.memory_space<vmem_shared>> -> memref<80x64xf32, #tpu.memory_space<vmem_shared>>
      %dma_wait3A_373 = arith.constant 0 : i32
      %dma_wait3A_374 = arith.constant 0 : i32
      %dma_wait3A_375 = tpu.memref_slice %arg15[%dma_wait3A_373, %dma_wait3A_374] : memref<100x64xf32, #tpu.memory_space<vmem>> -> memref<80x64xf32, #tpu.memory_space<vmem>>
      tpu.wait_dma2 semaphore(%run_scoped3A_357 : memref<!tpu.dma_semaphore, #tpu.memory_space<semaphore_mem>>) src(%dma_wait3A_375 : memref<80x64xf32, #tpu.memory_space<vmem>>) dst(%dma_wait3A_372 : memref<80x64xf32, #tpu.memory_space<vmem_shared>>)
      tpu.yield
    }) : () -> ()
    %add3A_199 = arith.constant 320 : i32
    %add3A_200 = arith.addi %mul3A_190, %add3A_199 : i32
    "tpu.region"() ({
      %run_scoped3A_357 = tpu.sem_alloc : memref<!tpu.dma_semaphore, #tpu.memory_space<semaphore_mem>>
      %dma_start3A = arith.constant 0 : i32
      %dma_start3A_358 = arith.constant 0 : i32
      %dma_start3A_359 = tpu.memref_slice %arg15[%dma_start3A, %dma_start3A_358] : memref<100x64xf32, #tpu.memory_space<vmem>> -> memref<80x64xf32, #tpu.memory_space<vmem>>
      %dma_start3A_360 = arith.constant 0 : i32
      %dma_start3A_361 = tpu.memref_slice %arg20[%add3A_200, %dma_start3A_360] : memref<10240x64xf32, #tpu.memory_space<vmem_shared>> -> memref<80x64xf32, #tpu.memory_space<vmem_shared>>
      %dma_start3A_362 = arith.constant 0 : i32
      %dma_start3A_363 = tpu.memref_slice %arg20[%add3A_200, %dma_start3A_362] : memref<10240x64xf32, #tpu.memory_space<vmem_shared>> -> memref<80x64xf32, #tpu.memory_space<vmem_shared>>
      %dma_start3A_364 = arith.constant 0 : i32
      %dma_start3A_365 = arith.constant 0 : i32
      %dma_start3A_366 = tpu.memref_slice %arg15[%dma_start3A_364, %dma_start3A_365] : memref<100x64xf32, #tpu.memory_space<vmem>> -> memref<80x64xf32, #tpu.memory_space<vmem>>
      tpu.enqueue_dma source(%dma_start3A_366 : memref<80x64xf32, #tpu.memory_space<vmem>>) target(%dma_start3A_363 : memref<80x64xf32, #tpu.memory_space<vmem_shared>>) target_semaphore(%run_scoped3A_357 : memref<!tpu.dma_semaphore, #tpu.memory_space<semaphore_mem>>)
      %dma_wait3A = arith.constant 0 : i32
      %dma_wait3A_367 = arith.constant 0 : i32
      %dma_wait3A_368 = tpu.memref_slice %arg15[%dma_wait3A, %dma_wait3A_367] : memref<100x64xf32, #tpu.memory_space<vmem>> -> memref<80x64xf32, #tpu.memory_space<vmem>>
      %dma_wait3A_369 = arith.constant 0 : i32
      %dma_wait3A_370 = tpu.memref_slice %arg20[%add3A_200, %dma_wait3A_369] : memref<10240x64xf32, #tpu.memory_space<vmem_shared>> -> memref<80x64xf32, #tpu.memory_space<vmem_shared>>
      %dma_wait3A_371 = arith.constant 0 : i32
      %dma_wait3A_372 = tpu.memref_slice %arg20[%add3A_200, %dma_wait3A_371] : memref<10240x64xf32, #tpu.memory_space<vmem_shared>> -> memref<80x64xf32, #tpu.memory_space<vmem_shared>>
      %dma_wait3A_373 = arith.constant 0 : i32
      %dma_wait3A_374 = arith.constant 0 : i32
      %dma_wait3A_375 = tpu.memref_slice %arg15[%dma_wait3A_373, %dma_wait3A_374] : memref<100x64xf32, #tpu.memory_space<vmem>> -> memref<80x64xf32, #tpu.memory_space<vmem>>
      tpu.wait_dma2 semaphore(%run_scoped3A_357 : memref<!tpu.dma_semaphore, #tpu.memory_space<semaphore_mem>>) src(%dma_wait3A_375 : memref<80x64xf32, #tpu.memory_space<vmem>>) dst(%dma_wait3A_372 : memref<80x64xf32, #tpu.memory_space<vmem_shared>>)
      tpu.yield
    }) : () -> ()
    %add3A_201 = arith.constant 400 : i32
    %add3A_202 = arith.addi %mul3A_190, %add3A_201 : i32
    "tpu.region"() ({
      %run_scoped3A_357 = tpu.sem_alloc : memref<!tpu.dma_semaphore, #tpu.memory_space<semaphore_mem>>
      %dma_start3A = arith.constant 0 : i32
      %dma_start3A_358 = arith.constant 0 : i32
      %dma_start3A_359 = tpu.memref_slice %arg15[%dma_start3A, %dma_start3A_358] : memref<100x64xf32, #tpu.memory_space<vmem>> -> memref<80x64xf32, #tpu.memory_space<vmem>>
      %dma_start3A_360 = arith.constant 0 : i32
      %dma_start3A_361 = tpu.memref_slice %arg20[%add3A_202, %dma_start3A_360] : memref<10240x64xf32, #tpu.memory_space<vmem_shared>> -> memref<80x64xf32, #tpu.memory_space<vmem_shared>>
      %dma_start3A_362 = arith.constant 0 : i32
      %dma_start3A_363 = tpu.memref_slice %arg20[%add3A_202, %dma_start3A_362] : memref<10240x64xf32, #tpu.memory_space<vmem_shared>> -> memref<80x64xf32, #tpu.memory_space<vmem_shared>>
      %dma_start3A_364 = arith.constant 0 : i32
      %dma_start3A_365 = arith.constant 0 : i32
      %dma_start3A_366 = tpu.memref_slice %arg15[%dma_start3A_364, %dma_start3A_365] : memref<100x64xf32, #tpu.memory_space<vmem>> -> memref<80x64xf32, #tpu.memory_space<vmem>>
      tpu.enqueue_dma source(%dma_start3A_366 : memref<80x64xf32, #tpu.memory_space<vmem>>) target(%dma_start3A_363 : memref<80x64xf32, #tpu.memory_space<vmem_shared>>) target_semaphore(%run_scoped3A_357 : memref<!tpu.dma_semaphore, #tpu.memory_space<semaphore_mem>>)
      %dma_wait3A = arith.constant 0 : i32
      %dma_wait3A_367 = arith.constant 0 : i32
      %dma_wait3A_368 = tpu.memref_slice %arg15[%dma_wait3A, %dma_wait3A_367] : memref<100x64xf32, #tpu.memory_space<vmem>> -> memref<80x64xf32, #tpu.memory_space<vmem>>
      %dma_wait3A_369 = arith.constant 0 : i32
      %dma_wait3A_370 = tpu.memref_slice %arg20[%add3A_202, %dma_wait3A_369] : memref<10240x64xf32, #tpu.memory_space<vmem_shared>> -> memref<80x64xf32, #tpu.memory_space<vmem_shared>>
      %dma_wait3A_371 = arith.constant 0 : i32
      %dma_wait3A_372 = tpu.memref_slice %arg20[%add3A_202, %dma_wait3A_371] : memref<10240x64xf32, #tpu.memory_space<vmem_shared>> -> memref<80x64xf32, #tpu.memory_space<vmem_shared>>
      %dma_wait3A_373 = arith.constant 0 : i32
      %dma_wait3A_374 = arith.constant 0 : i32
      %dma_wait3A_375 = tpu.memref_slice %arg15[%dma_wait3A_373, %dma_wait3A_374] : memref<100x64xf32, #tpu.memory_space<vmem>> -> memref<80x64xf32, #tpu.memory_space<vmem>>
      tpu.wait_dma2 semaphore(%run_scoped3A_357 : memref<!tpu.dma_semaphore, #tpu.memory_space<semaphore_mem>>) src(%dma_wait3A_375 : memref<80x64xf32, #tpu.memory_space<vmem>>) dst(%dma_wait3A_372 : memref<80x64xf32, #tpu.memory_space<vmem_shared>>)
      tpu.yield
    }) : () -> ()
    %add3A_203 = arith.constant 480 : i32
    %add3A_204 = arith.addi %mul3A_190, %add3A_203 : i32
    "tpu.region"() ({
      %run_scoped3A_357 = tpu.sem_alloc : memref<!tpu.dma_semaphore, #tpu.memory_space<semaphore_mem>>
      %dma_start3A = arith.constant 0 : i32
      %dma_start3A_358 = arith.constant 0 : i32
      %dma_start3A_359 = tpu.memref_slice %arg15[%dma_start3A, %dma_start3A_358] : memref<100x64xf32, #tpu.memory_space<vmem>> -> memref<80x64xf32, #tpu.memory_space<vmem>>
      %dma_start3A_360 = arith.constant 0 : i32
      %dma_start3A_361 = tpu.memref_slice %arg20[%add3A_204, %dma_start3A_360] : memref<10240x64xf32, #tpu.memory_space<vmem_shared>> -> memref<80x64xf32, #tpu.memory_space<vmem_shared>>
      %dma_start3A_362 = arith.constant 0 : i32
      %dma_start3A_363 = tpu.memref_slice %arg20[%add3A_204, %dma_start3A_362] : memref<10240x64xf32, #tpu.memory_space<vmem_shared>> -> memref<80x64xf32, #tpu.memory_space<vmem_shared>>
      %dma_start3A_364 = arith.constant 0 : i32
      %dma_start3A_365 = arith.constant 0 : i32
      %dma_start3A_366 = tpu.memref_slice %arg15[%dma_start3A_364, %dma_start3A_365] : memref<100x64xf32, #tpu.memory_space<vmem>> -> memref<80x64xf32, #tpu.memory_space<vmem>>
      tpu.enqueue_dma source(%dma_start3A_366 : memref<80x64xf32, #tpu.memory_space<vmem>>) target(%dma_start3A_363 : memref<80x64xf32, #tpu.memory_space<vmem_shared>>) target_semaphore(%run_scoped3A_357 : memref<!tpu.dma_semaphore, #tpu.memory_space<semaphore_mem>>)
      %dma_wait3A = arith.constant 0 : i32
      %dma_wait3A_367 = arith.constant 0 : i32
      %dma_wait3A_368 = tpu.memref_slice %arg15[%dma_wait3A, %dma_wait3A_367] : memref<100x64xf32, #tpu.memory_space<vmem>> -> memref<80x64xf32, #tpu.memory_space<vmem>>
      %dma_wait3A_369 = arith.constant 0 : i32
      %dma_wait3A_370 = tpu.memref_slice %arg20[%add3A_204, %dma_wait3A_369] : memref<10240x64xf32, #tpu.memory_space<vmem_shared>> -> memref<80x64xf32, #tpu.memory_space<vmem_shared>>
      %dma_wait3A_371 = arith.constant 0 : i32
      %dma_wait3A_372 = tpu.memref_slice %arg20[%add3A_204, %dma_wait3A_371] : memref<10240x64xf32, #tpu.memory_space<vmem_shared>> -> memref<80x64xf32, #tpu.memory_space<vmem_shared>>
      %dma_wait3A_373 = arith.constant 0 : i32
      %dma_wait3A_374 = arith.constant 0 : i32
      %dma_wait3A_375 = tpu.memref_slice %arg15[%dma_wait3A_373, %dma_wait3A_374] : memref<100x64xf32, #tpu.memory_space<vmem>> -> memref<80x64xf32, #tpu.memory_space<vmem>>
      tpu.wait_dma2 semaphore(%run_scoped3A_357 : memref<!tpu.dma_semaphore, #tpu.memory_space<semaphore_mem>>) src(%dma_wait3A_375 : memref<80x64xf32, #tpu.memory_space<vmem>>) dst(%dma_wait3A_372 : memref<80x64xf32, #tpu.memory_space<vmem_shared>>)
      tpu.yield
    }) : () -> ()
    %add3A_205 = arith.constant 560 : i32
    %add3A_206 = arith.addi %mul3A_190, %add3A_205 : i32
    "tpu.region"() ({
      %run_scoped3A_357 = tpu.sem_alloc : memref<!tpu.dma_semaphore, #tpu.memory_space<semaphore_mem>>
      %dma_start3A = arith.constant 0 : i32
      %dma_start3A_358 = arith.constant 0 : i32
      %dma_start3A_359 = tpu.memref_slice %arg15[%dma_start3A, %dma_start3A_358] : memref<100x64xf32, #tpu.memory_space<vmem>> -> memref<80x64xf32, #tpu.memory_space<vmem>>
      %dma_start3A_360 = arith.constant 0 : i32
      %dma_start3A_361 = tpu.memref_slice %arg20[%add3A_206, %dma_start3A_360] : memref<10240x64xf32, #tpu.memory_space<vmem_shared>> -> memref<80x64xf32, #tpu.memory_space<vmem_shared>>
      %dma_start3A_362 = arith.constant 0 : i32
      %dma_start3A_363 = tpu.memref_slice %arg20[%add3A_206, %dma_start3A_362] : memref<10240x64xf32, #tpu.memory_space<vmem_shared>> -> memref<80x64xf32, #tpu.memory_space<vmem_shared>>
      %dma_start3A_364 = arith.constant 0 : i32
      %dma_start3A_365 = arith.constant 0 : i32
      %dma_start3A_366 = tpu.memref_slice %arg15[%dma_start3A_364, %dma_start3A_365] : memref<100x64xf32, #tpu.memory_space<vmem>> -> memref<80x64xf32, #tpu.memory_space<vmem>>
      tpu.enqueue_dma source(%dma_start3A_366 : memref<80x64xf32, #tpu.memory_space<vmem>>) target(%dma_start3A_363 : memref<80x64xf32, #tpu.memory_space<vmem_shared>>) target_semaphore(%run_scoped3A_357 : memref<!tpu.dma_semaphore, #tpu.memory_space<semaphore_mem>>)
      %dma_wait3A = arith.constant 0 : i32
      %dma_wait3A_367 = arith.constant 0 : i32
      %dma_wait3A_368 = tpu.memref_slice %arg15[%dma_wait3A, %dma_wait3A_367] : memref<100x64xf32, #tpu.memory_space<vmem>> -> memref<80x64xf32, #tpu.memory_space<vmem>>
      %dma_wait3A_369 = arith.constant 0 : i32
      %dma_wait3A_370 = tpu.memref_slice %arg20[%add3A_206, %dma_wait3A_369] : memref<10240x64xf32, #tpu.memory_space<vmem_shared>> -> memref<80x64xf32, #tpu.memory_space<vmem_shared>>
      %dma_wait3A_371 = arith.constant 0 : i32
      %dma_wait3A_372 = tpu.memref_slice %arg20[%add3A_206, %dma_wait3A_371] : memref<10240x64xf32, #tpu.memory_space<vmem_shared>> -> memref<80x64xf32, #tpu.memory_space<vmem_shared>>
      %dma_wait3A_373 = arith.constant 0 : i32
      %dma_wait3A_374 = arith.constant 0 : i32
      %dma_wait3A_375 = tpu.memref_slice %arg15[%dma_wait3A_373, %dma_wait3A_374] : memref<100x64xf32, #tpu.memory_space<vmem>> -> memref<80x64xf32, #tpu.memory_space<vmem>>
      tpu.wait_dma2 semaphore(%run_scoped3A_357 : memref<!tpu.dma_semaphore, #tpu.memory_space<semaphore_mem>>) src(%dma_wait3A_375 : memref<80x64xf32, #tpu.memory_space<vmem>>) dst(%dma_wait3A_372 : memref<80x64xf32, #tpu.memory_space<vmem_shared>>)
      tpu.yield
    }) : () -> ()
    %barrier3A_207 = arith.constant 0 : index
    tpu.barrier barrier_id(%barrier3A_207)
    %get3A_208 = arith.constant 2 : i32
    %get3A_209 = arith.constant 0 : i32
    %get3A_210 = arith.index_cast %get3A_208 : i32 to index
    %get3A_211 = arith.index_cast %get3A_209 : i32 to index
    %get3A_212 = arith.constant 0 : index
    %get3A_213 = tpu.vector_load %arg18[%get3A_210, %get3A_211, %get3A_212] {strides = array<i32>} : memref<4x2x64xf32, #tpu.memory_space<vmem>>, vector<16xf32>,
    %get3A_214 = arith.constant 2 : i32
    %get3A_215 = arith.constant 0 : i32
    %get3A_216 = arith.index_cast %get3A_214 : i32 to index
    %get3A_217 = arith.index_cast %get3A_215 : i32 to index
    %get3A_218 = arith.constant 16 : index
    %get3A_219 = tpu.vector_load %arg18[%get3A_216, %get3A_217, %get3A_218] {strides = array<i32>} : memref<4x2x64xf32, #tpu.memory_space<vmem>>, vector<16xf32>,
    %get3A_220 = arith.constant 2 : i32
    %get3A_221 = arith.constant 0 : i32
    %get3A_222 = arith.index_cast %get3A_220 : i32 to index
    %get3A_223 = arith.index_cast %get3A_221 : i32 to index
    %get3A_224 = arith.constant 32 : index
    %get3A_225 = tpu.vector_load %arg18[%get3A_222, %get3A_223, %get3A_224] {strides = array<i32>} : memref<4x2x64xf32, #tpu.memory_space<vmem>>, vector<16xf32>,
    %get3A_226 = arith.constant 2 : i32
    %get3A_227 = arith.constant 0 : i32
    %get3A_228 = arith.index_cast %get3A_226 : i32 to index
    %get3A_229 = arith.index_cast %get3A_227 : i32 to index
    %get3A_230 = arith.constant 48 : index
    %get3A_231 = tpu.vector_load %arg18[%get3A_228, %get3A_229, %get3A_230] {strides = array<i32>} : memref<4x2x64xf32, #tpu.memory_space<vmem>>, vector<16xf32>,
    %get3A_232 = arith.constant 2 : i32
    %get3A_233 = arith.constant 1 : i32
    %get3A_234 = arith.index_cast %get3A_232 : i32 to index
    %get3A_235 = arith.index_cast %get3A_233 : i32 to index
    %get3A_236 = arith.constant 0 : index
    %get3A_237 = tpu.vector_load %arg18[%get3A_234, %get3A_235, %get3A_236] {strides = array<i32>} : memref<4x2x64xf32, #tpu.memory_space<vmem>>, vector<16xf32>,
    %get3A_238 = arith.constant 2 : i32
    %get3A_239 = arith.constant 1 : i32
    %get3A_240 = arith.index_cast %get3A_238 : i32 to index
    %get3A_241 = arith.index_cast %get3A_239 : i32 to index
    %get3A_242 = arith.constant 16 : index
    %get3A_243 = tpu.vector_load %arg18[%get3A_240, %get3A_241, %get3A_242] {strides = array<i32>} : memref<4x2x64xf32, #tpu.memory_space<vmem>>, vector<16xf32>,
    %get3A_244 = arith.constant 2 : i32
    %get3A_245 = arith.constant 1 : i32
    %get3A_246 = arith.index_cast %get3A_244 : i32 to index
    %get3A_247 = arith.index_cast %get3A_245 : i32 to index
    %get3A_248 = arith.constant 32 : index
    %get3A_249 = tpu.vector_load %arg18[%get3A_246, %get3A_247, %get3A_248] {strides = array<i32>} : memref<4x2x64xf32, #tpu.memory_space<vmem>>, vector<16xf32>,
    %get3A_250 = arith.constant 2 : i32
    %get3A_251 = arith.constant 1 : i32
    %get3A_252 = arith.index_cast %get3A_250 : i32 to index
    %get3A_253 = arith.index_cast %get3A_251 : i32 to index
    %get3A_254 = arith.constant 48 : index
    %get3A_255 = tpu.vector_load %arg18[%get3A_252, %get3A_253, %get3A_254] {strides = array<i32>} : memref<4x2x64xf32, #tpu.memory_space<vmem>>, vector<16xf32>,
    %scan3A_256 = arith.constant 0 : i32
    %scan3A_257 = arith.constant 0 : i32
    %scan3A_258 = arith.constant 25 : i32
    %scan3A_259 = arith.addi %scan3A_257, %scan3A_258 : i32
    %scan3A_260 = arith.constant 1 : i32
    scf.for %scan3A_357 = %scan3A_257 to %scan3A_259 step %scan3A_260  : i32 {
      %mul3A_358 = arith.constant 2 : i32
      %mul3A_359 = arith.muli %scan3A_357, %mul3A_358 : i32
      %add3A_360 = arith.constant 0 : i32
      %add3A_361 = arith.addi %mul3A_359, %add3A_360 : i32
      %dma_start3A = arith.constant 2 : i32
      %dma_start3A_362 = arith.constant 0 : i32
      %dma_start3A_363 = tpu.memref_slice %arg9[%add3A_361, %dma_start3A_362] : memref<50x100xi32, #tpu.memory_space<vmem>> -> memref<1x100xi32, #tpu.memory_space<vmem>>
      %dma_start3A_364 = tpu.memref_squeeze %dma_start3A_363 : memref<1x100xi32, #tpu.memory_space<vmem>> -> memref<100xi32, #tpu.memory_space<vmem>>
      %dma_start3A_365 = arith.constant 0 : i32
      %dma_start3A_366 = arith.constant 0 : i32
      %dma_start3A_367 = tpu.memref_slice %arg2[%dma_start3A, %dma_start3A_365, %dma_start3A_366] : memref<8x10000x64xf32, #tpu.memory_space<hbm>> -> memref<1x10000x64xf32, #tpu.memory_space<hbm>>
      %dma_start3A_368 = tpu.memref_squeeze %dma_start3A_367 : memref<1x10000x64xf32, #tpu.memory_space<hbm>> -> memref<10000x64xf32, #tpu.memory_space<hbm>>
      %dma_start3A_369 = arith.constant 0 : i32
      %dma_start3A_370 = arith.constant 0 : i32
      %dma_start3A_371 = tpu.memref_slice %dma_start3A_368[%dma_start3A_369, %dma_start3A_370] : memref<10000x64xf32, #tpu.memory_space<hbm>> -> memref<10000x64xf32, #tpu.memory_space<hbm>>
      tpu.enqueue_indirect_dma source(%dma_start3A_371 : memref<10000x64xf32, #tpu.memory_space<hbm>>) target(%arg11 : memref<100x64xf32, #tpu.memory_space<vmem>>) offsets(%dma_start3A_364 : memref<100xi32, #tpu.memory_space<vmem>>) semaphore(%arg21 : memref<!tpu.dma_semaphore, #tpu.memory_space<semaphore_mem>>)
      %dma_start3A_372 = arith.constant 6 : i32
      %dma_start3A_373 = arith.constant 0 : i32
      %dma_start3A_374 = tpu.memref_slice %arg10[%add3A_361, %dma_start3A_373] : memref<50x100xi32, #tpu.memory_space<vmem>> -> memref<1x100xi32, #tpu.memory_space<vmem>>
      %dma_start3A_375 = tpu.memref_squeeze %dma_start3A_374 : memref<1x100xi32, #tpu.memory_space<vmem>> -> memref<100xi32, #tpu.memory_space<vmem>>
      %dma_start3A_376 = arith.constant 0 : i32
      %dma_start3A_377 = arith.constant 0 : i32
      %dma_start3A_378 = tpu.memref_slice %arg2[%dma_start3A_372, %dma_start3A_376, %dma_start3A_377] : memref<8x10000x64xf32, #tpu.memory_space<hbm>> -> memref<1x10000x64xf32, #tpu.memory_space<hbm>>
      %dma_start3A_379 = tpu.memref_squeeze %dma_start3A_378 : memref<1x10000x64xf32, #tpu.memory_space<hbm>> -> memref<10000x64xf32, #tpu.memory_space<hbm>>
      %dma_start3A_380 = arith.constant 0 : i32
      %dma_start3A_381 = arith.constant 0 : i32
      %dma_start3A_382 = tpu.memref_slice %dma_start3A_379[%dma_start3A_380, %dma_start3A_381] : memref<10000x64xf32, #tpu.memory_space<hbm>> -> memref<10000x64xf32, #tpu.memory_space<hbm>>
      tpu.enqueue_indirect_dma source(%dma_start3A_382 : memref<10000x64xf32, #tpu.memory_space<hbm>>) target(%arg13 : memref<100x64xf32, #tpu.memory_space<vmem>>) offsets(%dma_start3A_375 : memref<100xi32, #tpu.memory_space<vmem>>) semaphore(%arg23 : memref<!tpu.dma_semaphore, #tpu.memory_space<semaphore_mem>>)
      %mul3A_383 = arith.constant 2 : i32
      %mul3A_384 = arith.muli %scan3A_357, %mul3A_383 : i32
      %add3A_385 = arith.constant 1 : i32
      %add3A_386 = arith.addi %mul3A_384, %add3A_385 : i32
      %dma_start3A_387 = arith.constant 2 : i32
      %dma_start3A_388 = arith.constant 0 : i32
      %dma_start3A_389 = tpu.memref_slice %arg9[%add3A_386, %dma_start3A_388] : memref<50x100xi32, #tpu.memory_space<vmem>> -> memref<1x100xi32, #tpu.memory_space<vmem>>
      %dma_start3A_390 = tpu.memref_squeeze %dma_start3A_389 : memref<1x100xi32, #tpu.memory_space<vmem>> -> memref<100xi32, #tpu.memory_space<vmem>>
      %dma_start3A_391 = arith.constant 0 : i32
      %dma_start3A_392 = arith.constant 0 : i32
      %dma_start3A_393 = tpu.memref_slice %arg2[%dma_start3A_387, %dma_start3A_391, %dma_start3A_392] : memref<8x10000x64xf32, #tpu.memory_space<hbm>> -> memref<1x10000x64xf32, #tpu.memory_space<hbm>>
      %dma_start3A_394 = tpu.memref_squeeze %dma_start3A_393 : memref<1x10000x64xf32, #tpu.memory_space<hbm>> -> memref<10000x64xf32, #tpu.memory_space<hbm>>
      %dma_start3A_395 = arith.constant 0 : i32
      %dma_start3A_396 = arith.constant 0 : i32
      %dma_start3A_397 = tpu.memref_slice %dma_start3A_394[%dma_start3A_395, %dma_start3A_396] : memref<10000x64xf32, #tpu.memory_space<hbm>> -> memref<10000x64xf32, #tpu.memory_space<hbm>>
      tpu.enqueue_indirect_dma source(%dma_start3A_397 : memref<10000x64xf32, #tpu.memory_space<hbm>>) target(%arg12 : memref<100x64xf32, #tpu.memory_space<vmem>>) offsets(%dma_start3A_390 : memref<100xi32, #tpu.memory_space<vmem>>) semaphore(%arg22 : memref<!tpu.dma_semaphore, #tpu.memory_space<semaphore_mem>>)
      %dma_start3A_398 = arith.constant 6 : i32
      %dma_start3A_399 = arith.constant 0 : i32
      %dma_start3A_400 = tpu.memref_slice %arg10[%add3A_386, %dma_start3A_399] : memref<50x100xi32, #tpu.memory_space<vmem>> -> memref<1x100xi32, #tpu.memory_space<vmem>>
      %dma_start3A_401 = tpu.memref_squeeze %dma_start3A_400 : memref<1x100xi32, #tpu.memory_space<vmem>> -> memref<100xi32, #tpu.memory_space<vmem>>
      %dma_start3A_402 = arith.constant 0 : i32
      %dma_start3A_403 = arith.constant 0 : i32
      %dma_start3A_404 = tpu.memref_slice %arg2[%dma_start3A_398, %dma_start3A_402, %dma_start3A_403] : memref<8x10000x64xf32, #tpu.memory_space<hbm>> -> memref<1x10000x64xf32, #tpu.memory_space<hbm>>
      %dma_start3A_405 = tpu.memref_squeeze %dma_start3A_404 : memref<1x10000x64xf32, #tpu.memory_space<hbm>> -> memref<10000x64xf32, #tpu.memory_space<hbm>>
      %dma_start3A_406 = arith.constant 0 : i32
      %dma_start3A_407 = arith.constant 0 : i32
      %dma_start3A_408 = tpu.memref_slice %dma_start3A_405[%dma_start3A_406, %dma_start3A_407] : memref<10000x64xf32, #tpu.memory_space<hbm>> -> memref<10000x64xf32, #tpu.memory_space<hbm>>
      tpu.enqueue_indirect_dma source(%dma_start3A_408 : memref<10000x64xf32, #tpu.memory_space<hbm>>) target(%arg14 : memref<100x64xf32, #tpu.memory_space<vmem>>) offsets(%dma_start3A_401 : memref<100xi32, #tpu.memory_space<vmem>>) semaphore(%arg24 : memref<!tpu.dma_semaphore, #tpu.memory_space<semaphore_mem>>)
      %mul3A_409 = arith.constant 2 : i32
      %mul3A_410 = arith.muli %scan3A_357, %mul3A_409 : i32
      %add3A_411 = arith.constant 0 : i32
      %add3A_412 = arith.addi %mul3A_410, %add3A_411 : i32
      %dma_wait3A = arith.constant 2 : i32
      %dma_wait3A_413 = arith.constant 0 : i32
      %dma_wait3A_414 = tpu.memref_slice %arg9[%add3A_361, %dma_wait3A_413] : memref<50x100xi32, #tpu.memory_space<vmem>> -> memref<1x100xi32, #tpu.memory_space<vmem>>
      %dma_wait3A_415 = tpu.memref_squeeze %dma_wait3A_414 : memref<1x100xi32, #tpu.memory_space<vmem>> -> memref<100xi32, #tpu.memory_space<vmem>>
      %dma_wait3A_416 = arith.constant 0 : i32
      %dma_wait3A_417 = arith.constant 0 : i32
      %dma_wait3A_418 = tpu.memref_slice %arg2[%dma_wait3A, %dma_wait3A_416, %dma_wait3A_417] : memref<8x10000x64xf32, #tpu.memory_space<hbm>> -> memref<1x10000x64xf32, #tpu.memory_space<hbm>>
      %dma_wait3A_419 = tpu.memref_squeeze %dma_wait3A_418 : memref<1x10000x64xf32, #tpu.memory_space<hbm>> -> memref<10000x64xf32, #tpu.memory_space<hbm>>
      %dma_wait3A_420 = arith.constant 0 : i32
      %dma_wait3A_421 = arith.constant 0 : i32
      %dma_wait3A_422 = tpu.memref_slice %dma_wait3A_419[%dma_wait3A_420, %dma_wait3A_421] : memref<10000x64xf32, #tpu.memory_space<hbm>> -> memref<10000x64xf32, #tpu.memory_space<hbm>>
      tpu.wait_indirect_dma semaphore(%arg21 : memref<!tpu.dma_semaphore, #tpu.memory_space<semaphore_mem>>) src(%dma_wait3A_422 : memref<10000x64xf32, #tpu.memory_space<hbm>>) dst(%arg11 : memref<100x64xf32, #tpu.memory_space<vmem>>)
      %dma_wait3A_423 = arith.constant 6 : i32
      %dma_wait3A_424 = arith.constant 0 : i32
      %dma_wait3A_425 = tpu.memref_slice %arg10[%add3A_361, %dma_wait3A_424] : memref<50x100xi32, #tpu.memory_space<vmem>> -> memref<1x100xi32, #tpu.memory_space<vmem>>
      %dma_wait3A_426 = tpu.memref_squeeze %dma_wait3A_425 : memref<1x100xi32, #tpu.memory_space<vmem>> -> memref<100xi32, #tpu.memory_space<vmem>>
      %dma_wait3A_427 = arith.constant 0 : i32
      %dma_wait3A_428 = arith.constant 0 : i32
      %dma_wait3A_429 = tpu.memref_slice %arg2[%dma_wait3A_423, %dma_wait3A_427, %dma_wait3A_428] : memref<8x10000x64xf32, #tpu.memory_space<hbm>> -> memref<1x10000x64xf32, #tpu.memory_space<hbm>>
      %dma_wait3A_430 = tpu.memref_squeeze %dma_wait3A_429 : memref<1x10000x64xf32, #tpu.memory_space<hbm>> -> memref<10000x64xf32, #tpu.memory_space<hbm>>
      %dma_wait3A_431 = arith.constant 0 : i32
      %dma_wait3A_432 = arith.constant 0 : i32
      %dma_wait3A_433 = tpu.memref_slice %dma_wait3A_430[%dma_wait3A_431, %dma_wait3A_432] : memref<10000x64xf32, #tpu.memory_space<hbm>> -> memref<10000x64xf32, #tpu.memory_space<hbm>>
      tpu.wait_indirect_dma semaphore(%arg23 : memref<!tpu.dma_semaphore, #tpu.memory_space<semaphore_mem>>) src(%dma_wait3A_433 : memref<10000x64xf32, #tpu.memory_space<hbm>>) dst(%arg13 : memref<100x64xf32, #tpu.memory_space<vmem>>)
      %mul3A_434 = arith.constant 50 : i32
      %mul3A_435 = arith.muli %add3A, %mul3A_434 : i32
      %add3A_436 = arith.addi %mul3A_435, %add3A_412 : i32
      %run_scoped3A_437 = arith.constant 2 : i32
      "tpu.region"() ({
        %run_scoped3A_504 = tpu.sem_alloc : memref<!tpu.dma_semaphore, #tpu.memory_space<semaphore_mem>>
        %dma_start3A_505 = arith.constant 0 : i32
        %dma_start3A_506 = arith.constant 0 : i32
        %dma_start3A_507 = arith.constant 0 : i32
        %dma_start3A_508 = tpu.memref_slice %arg3[%run_scoped3A_437, %dma_start3A_505, %dma_start3A_506, %dma_start3A_507] : memref<4x1600x100x64xf32, #tpu.memory_space<hbm>> -> memref<1x1600x100x64xf32, #tpu.memory_space<hbm>>
        %dma_start3A_509 = tpu.memref_squeeze %dma_start3A_508 : memref<1x1600x100x64xf32, #tpu.memory_space<hbm>> -> memref<1600x100x64xf32, #tpu.memory_space<hbm>>
        %dma_start3A_510 = arith.constant 0 : i32
        %dma_start3A_511 = arith.constant 0 : i32
        %dma_start3A_512 = tpu.memref_slice %dma_start3A_509[%add3A_436, %dma_start3A_510, %dma_start3A_511] : memref<1600x100x64xf32, #tpu.memory_space<hbm>> -> memref<1x100x64xf32, #tpu.memory_space<hbm>>
        %dma_start3A_513 = tpu.memref_squeeze %dma_start3A_512 : memref<1x100x64xf32, #tpu.memory_space<hbm>> -> memref<100x64xf32, #tpu.memory_space<hbm>>
        %dma_start3A_514 = arith.constant 0 : i32
        %dma_start3A_515 = arith.constant 0 : i32
        %dma_start3A_516 = arith.constant 0 : i32
        %dma_start3A_517 = tpu.memref_slice %arg3[%run_scoped3A_437, %dma_start3A_514, %dma_start3A_515, %dma_start3A_516] : memref<4x1600x100x64xf32, #tpu.memory_space<hbm>> -> memref<1x1600x100x64xf32, #tpu.memory_space<hbm>>
        %dma_start3A_518 = tpu.memref_squeeze %dma_start3A_517 : memref<1x1600x100x64xf32, #tpu.memory_space<hbm>> -> memref<1600x100x64xf32, #tpu.memory_space<hbm>>
        %dma_start3A_519 = arith.constant 0 : i32
        %dma_start3A_520 = arith.constant 0 : i32
        %dma_start3A_521 = tpu.memref_slice %dma_start3A_518[%add3A_436, %dma_start3A_519, %dma_start3A_520] : memref<1600x100x64xf32, #tpu.memory_space<hbm>> -> memref<1x100x64xf32, #tpu.memory_space<hbm>>
        %dma_start3A_522 = tpu.memref_squeeze %dma_start3A_521 : memref<1x100x64xf32, #tpu.memory_space<hbm>> -> memref<100x64xf32, #tpu.memory_space<hbm>>
        tpu.enqueue_dma source(%dma_start3A_522 : memref<100x64xf32, #tpu.memory_space<hbm>>) target(%arg16 : memref<100x64xf32, #tpu.memory_space<vmem>>) target_semaphore(%run_scoped3A_504 : memref<!tpu.dma_semaphore, #tpu.memory_space<semaphore_mem>>)
        %dma_wait3A_523 = arith.constant 0 : i32
        %dma_wait3A_524 = arith.constant 0 : i32
        %dma_wait3A_525 = arith.constant 0 : i32
        %dma_wait3A_526 = tpu.memref_slice %arg3[%run_scoped3A_437, %dma_wait3A_523, %dma_wait3A_524, %dma_wait3A_525] : memref<4x1600x100x64xf32, #tpu.memory_space<hbm>> -> memref<1x1600x100x64xf32, #tpu.memory_space<hbm>>
        %dma_wait3A_527 = tpu.memref_squeeze %dma_wait3A_526 : memref<1x1600x100x64xf32, #tpu.memory_space<hbm>> -> memref<1600x100x64xf32, #tpu.memory_space<hbm>>
        %dma_wait3A_528 = arith.constant 0 : i32
        %dma_wait3A_529 = arith.constant 0 : i32
        %dma_wait3A_530 = tpu.memref_slice %dma_wait3A_527[%add3A_436, %dma_wait3A_528, %dma_wait3A_529] : memref<1600x100x64xf32, #tpu.memory_space<hbm>> -> memref<1x100x64xf32, #tpu.memory_space<hbm>>
        %dma_wait3A_531 = tpu.memref_squeeze %dma_wait3A_530 : memref<1x100x64xf32, #tpu.memory_space<hbm>> -> memref<100x64xf32, #tpu.memory_space<hbm>>
        %dma_wait3A_532 = arith.constant 0 : i32
        %dma_wait3A_533 = arith.constant 0 : i32
        %dma_wait3A_534 = arith.constant 0 : i32
        %dma_wait3A_535 = tpu.memref_slice %arg3[%run_scoped3A_437, %dma_wait3A_532, %dma_wait3A_533, %dma_wait3A_534] : memref<4x1600x100x64xf32, #tpu.memory_space<hbm>> -> memref<1x1600x100x64xf32, #tpu.memory_space<hbm>>
        %dma_wait3A_536 = tpu.memref_squeeze %dma_wait3A_535 : memref<1x1600x100x64xf32, #tpu.memory_space<hbm>> -> memref<1600x100x64xf32, #tpu.memory_space<hbm>>
        %dma_wait3A_537 = arith.constant 0 : i32
        %dma_wait3A_538 = arith.constant 0 : i32
        %dma_wait3A_539 = tpu.memref_slice %dma_wait3A_536[%add3A_436, %dma_wait3A_537, %dma_wait3A_538] : memref<1600x100x64xf32, #tpu.memory_space<hbm>> -> memref<1x100x64xf32, #tpu.memory_space<hbm>>
        %dma_wait3A_540 = tpu.memref_squeeze %dma_wait3A_539 : memref<1x100x64xf32, #tpu.memory_space<hbm>> -> memref<100x64xf32, #tpu.memory_space<hbm>>
        tpu.wait_dma2 semaphore(%run_scoped3A_504 : memref<!tpu.dma_semaphore, #tpu.memory_space<semaphore_mem>>) src(%dma_wait3A_540 : memref<100x64xf32, #tpu.memory_space<hbm>>) dst(%arg16 : memref<100x64xf32, #tpu.memory_space<vmem>>)
        tpu.yield
      }) : () -> ()
      %scan3A_438 = arith.constant 0 : i32
      %scan3A_439 = arith.constant 0 : i32
      %scan3A_440 = arith.constant 100 : i32
      %scan3A_441 = arith.addi %scan3A_439, %scan3A_440 : i32
      %scan3A_442 = arith.constant 1 : i32
      scf.for %scan3A_504 = %scan3A_439 to %scan3A_441 step %scan3A_442  : i32 {
        %get3A_505 = arith.index_cast %scan3A_504 : i32 to index
        %get3A_506 = arith.constant 0 : index
        %get3A_507 = tpu.vector_load %arg11[%get3A_505, %get3A_506] {strides = array<i32>} : memref<100x64xf32, #tpu.memory_space<vmem>>, vector<16xf32>,
        %get3A_508 = arith.index_cast %scan3A_504 : i32 to index
        %get3A_509 = arith.constant 0 : index
        %get3A_510 = tpu.vector_load %arg13[%get3A_508, %get3A_509] {strides = array<i32>} : memref<100x64xf32, #tpu.memory_space<vmem>>, vector<16xf32>,
        %add3A_511 = arith.addf %get3A_507, %get3A_510 : vector<16xf32>
        %get3A_512 = arith.index_cast %scan3A_504 : i32 to index
        %get3A_513 = arith.constant 0 : index
        %get3A_514 = tpu.vector_load %arg16[%get3A_512, %get3A_513] {strides = array<i32>} : memref<100x64xf32, #tpu.memory_space<vmem>>, vector<16xf32>,
        %add3A_515 = arith.addf %add3A_511, %get3A_514 : vector<16xf32>
        %max3A = arith.constant 0.000000e+00 : f32
        %max3A_516 = vector.broadcast %max3A : f32 to vector<16xf32>
        %max3A_517 = arith.maximumf %add3A_515, %max3A_516 : vector<16xf32>
        %swap3A = arith.index_cast %scan3A_504 : i32 to index
        %swap3A_518 = arith.constant 0 : index
        %swap3A_519 = tpu.vector_load %arg15[%swap3A, %swap3A_518] {strides = array<i32>} : memref<100x64xf32, #tpu.memory_space<vmem>>, vector<16xf32>,
        tpu.vector_store %arg15[%swap3A, %swap3A_518], %max3A_517 {strides = array<i32>} : memref<100x64xf32, #tpu.memory_space<vmem>>, vector<16xf32>,
        %mul3A_520 = arith.mulf %max3A_517, %get3A_213 : vector<16xf32>
        %add3A_521 = arith.addf %broadcast_in_dim3A_5, %mul3A_520 : vector<16xf32>
        %mul3A_522 = arith.mulf %max3A_517, %get3A_237 : vector<16xf32>
        %add3A_523 = arith.addf %broadcast_in_dim3A_5, %mul3A_522 : vector<16xf32>
        %get3A_524 = arith.index_cast %scan3A_504 : i32 to index
        %get3A_525 = arith.constant 16 : index
        %get3A_526 = tpu.vector_load %arg11[%get3A_524, %get3A_525] {strides = array<i32>} : memref<100x64xf32, #tpu.memory_space<vmem>>, vector<16xf32>,
        %get3A_527 = arith.index_cast %scan3A_504 : i32 to index
        %get3A_528 = arith.constant 16 : index
        %get3A_529 = tpu.vector_load %arg13[%get3A_527, %get3A_528] {strides = array<i32>} : memref<100x64xf32, #tpu.memory_space<vmem>>, vector<16xf32>,
        %add3A_530 = arith.addf %get3A_526, %get3A_529 : vector<16xf32>
        %get3A_531 = arith.index_cast %scan3A_504 : i32 to index
        %get3A_532 = arith.constant 16 : index
        %get3A_533 = tpu.vector_load %arg16[%get3A_531, %get3A_532] {strides = array<i32>} : memref<100x64xf32, #tpu.memory_space<vmem>>, vector<16xf32>,
        %add3A_534 = arith.addf %add3A_530, %get3A_533 : vector<16xf32>
        %max3A_535 = arith.constant 0.000000e+00 : f32
        %max3A_536 = vector.broadcast %max3A_535 : f32 to vector<16xf32>
        %max3A_537 = arith.maximumf %add3A_534, %max3A_536 : vector<16xf32>
        %swap3A_538 = arith.index_cast %scan3A_504 : i32 to index
        %swap3A_539 = arith.constant 16 : index
        %swap3A_540 = tpu.vector_load %arg15[%swap3A_538, %swap3A_539] {strides = array<i32>} : memref<100x64xf32, #tpu.memory_space<vmem>>, vector<16xf32>,
        tpu.vector_store %arg15[%swap3A_538, %swap3A_539], %max3A_537 {strides = array<i32>} : memref<100x64xf32, #tpu.memory_space<vmem>>, vector<16xf32>,
        %mul3A_541 = arith.mulf %max3A_537, %get3A_219 : vector<16xf32>
        %add3A_542 = arith.addf %add3A_521, %mul3A_541 : vector<16xf32>
        %mul3A_543 = arith.mulf %max3A_537, %get3A_243 : vector<16xf32>
        %add3A_544 = arith.addf %add3A_523, %mul3A_543 : vector<16xf32>
        %get3A_545 = arith.index_cast %scan3A_504 : i32 to index
        %get3A_546 = arith.constant 32 : index
        %get3A_547 = tpu.vector_load %arg11[%get3A_545, %get3A_546] {strides = array<i32>} : memref<100x64xf32, #tpu.memory_space<vmem>>, vector<16xf32>,
        %get3A_548 = arith.index_cast %scan3A_504 : i32 to index
        %get3A_549 = arith.constant 32 : index
        %get3A_550 = tpu.vector_load %arg13[%get3A_548, %get3A_549] {strides = array<i32>} : memref<100x64xf32, #tpu.memory_space<vmem>>, vector<16xf32>,
        %add3A_551 = arith.addf %get3A_547, %get3A_550 : vector<16xf32>
        %get3A_552 = arith.index_cast %scan3A_504 : i32 to index
        %get3A_553 = arith.constant 32 : index
        %get3A_554 = tpu.vector_load %arg16[%get3A_552, %get3A_553] {strides = array<i32>} : memref<100x64xf32, #tpu.memory_space<vmem>>, vector<16xf32>,
        %add3A_555 = arith.addf %add3A_551, %get3A_554 : vector<16xf32>
        %max3A_556 = arith.constant 0.000000e+00 : f32
        %max3A_557 = vector.broadcast %max3A_556 : f32 to vector<16xf32>
        %max3A_558 = arith.maximumf %add3A_555, %max3A_557 : vector<16xf32>
        %swap3A_559 = arith.index_cast %scan3A_504 : i32 to index
        %swap3A_560 = arith.constant 32 : index
        %swap3A_561 = tpu.vector_load %arg15[%swap3A_559, %swap3A_560] {strides = array<i32>} : memref<100x64xf32, #tpu.memory_space<vmem>>, vector<16xf32>,
        tpu.vector_store %arg15[%swap3A_559, %swap3A_560], %max3A_558 {strides = array<i32>} : memref<100x64xf32, #tpu.memory_space<vmem>>, vector<16xf32>,
        %mul3A_562 = arith.mulf %max3A_558, %get3A_225 : vector<16xf32>
        %add3A_563 = arith.addf %add3A_542, %mul3A_562 : vector<16xf32>
        %mul3A_564 = arith.mulf %max3A_558, %get3A_249 : vector<16xf32>
        %add3A_565 = arith.addf %add3A_544, %mul3A_564 : vector<16xf32>
        %get3A_566 = arith.index_cast %scan3A_504 : i32 to index
        %get3A_567 = arith.constant 48 : index
        %get3A_568 = tpu.vector_load %arg11[%get3A_566, %get3A_567] {strides = array<i32>} : memref<100x64xf32, #tpu.memory_space<vmem>>, vector<16xf32>,
        %get3A_569 = arith.index_cast %scan3A_504 : i32 to index
        %get3A_570 = arith.constant 48 : index
        %get3A_571 = tpu.vector_load %arg13[%get3A_569, %get3A_570] {strides = array<i32>} : memref<100x64xf32, #tpu.memory_space<vmem>>, vector<16xf32>,
        %add3A_572 = arith.addf %get3A_568, %get3A_571 : vector<16xf32>
        %get3A_573 = arith.index_cast %scan3A_504 : i32 to index
        %get3A_574 = arith.constant 48 : index
        %get3A_575 = tpu.vector_load %arg16[%get3A_573, %get3A_574] {strides = array<i32>} : memref<100x64xf32, #tpu.memory_space<vmem>>, vector<16xf32>,
        %add3A_576 = arith.addf %add3A_572, %get3A_575 : vector<16xf32>
        %max3A_577 = arith.constant 0.000000e+00 : f32
        %max3A_578 = vector.broadcast %max3A_577 : f32 to vector<16xf32>
        %max3A_579 = arith.maximumf %add3A_576, %max3A_578 : vector<16xf32>
        %swap3A_580 = arith.index_cast %scan3A_504 : i32 to index
        %swap3A_581 = arith.constant 48 : index
        %swap3A_582 = tpu.vector_load %arg15[%swap3A_580, %swap3A_581] {strides = array<i32>} : memref<100x64xf32, #tpu.memory_space<vmem>>, vector<16xf32>,
        tpu.vector_store %arg15[%swap3A_580, %swap3A_581], %max3A_579 {strides = array<i32>} : memref<100x64xf32, #tpu.memory_space<vmem>>, vector<16xf32>,
        %mul3A_583 = arith.mulf %max3A_579, %get3A_231 : vector<16xf32>
        %add3A_584 = arith.addf %add3A_563, %mul3A_583 : vector<16xf32>
        %mul3A_585 = arith.mulf %max3A_579, %get3A_255 : vector<16xf32>
        %add3A_586 = arith.addf %add3A_565, %mul3A_585 : vector<16xf32>
        %broadcast_in_dim3A_587 = arith.constant true
        %broadcast_in_dim3A_588 = vector.broadcast %broadcast_in_dim3A_587 : i1 to vector<16xi1>
        %masked_cumsum3A = tpu.scan <sum>, %add3A_584 masked %broadcast_in_dim3A_588 : vector<16xf32>, vector<16xi1> -> vector<16xf32>
        %broadcast_in_dim3A_589 = arith.constant true
        %broadcast_in_dim3A_590 = vector.broadcast %broadcast_in_dim3A_589 : i1 to vector<16xi1>
        %masked_cumsum3A_591 = tpu.scan <sum>, %add3A_586 masked %broadcast_in_dim3A_590 : vector<16xf32>, vector<16xi1> -> vector<16xf32>
        %broadcast_in_dim3A_592 = arith.constant 0 : i32
        %broadcast_in_dim3A_593 = vector.broadcast %broadcast_in_dim3A_592 : i32 to vector<16xi32>
        %mul3A_594 = arith.constant 100 : i32
        %mul3A_595 = arith.muli %add3A_412, %mul3A_594 : i32
        %add3A_596 = arith.addi %mul3A_595, %scan3A_504 : i32
        %add3A_597 = vector.broadcast %add3A_596 : i32 to vector<16xi32>
        %add3A_598 = arith.addi %broadcast_in_dim3A_593, %add3A_597 : vector<16xi32>
        %broadcast_in_dim3A_599 = arith.constant 0 : i32
        %broadcast_in_dim3A_600 = vector.broadcast %broadcast_in_dim3A_599 : i32 to vector<16xi32>
        %add3A_601 = arith.constant 1 : i32
        %add3A_602 = vector.broadcast %add3A_601 : i32 to vector<16xi32>
        %add3A_603 = arith.addi %broadcast_in_dim3A_600, %add3A_602 : vector<16xi32>
        %gather3A = tpu.vector_load_idx %arg17[%add3A_598, %broadcast_in_dim3A_600] masked %eq3A_4 : memref<5000x2xf32, #tpu.memory_space<vmem>>[vector<16xi32>, vector<16xi32>], vector<16xf32>, vector<16xi1>
        %gather3A_604 = tpu.vector_load_idx %arg17[%add3A_598, %add3A_603] masked %eq3A_4 : memref<5000x2xf32, #tpu.memory_space<vmem>>[vector<16xi32>, vector<16xi32>], vector<16xf32>, vector<16xi1>
        %add3A_605 = arith.addf %gather3A, %masked_cumsum3A : vector<16xf32>
        tpu.vector_store_idx %arg17[%add3A_598, %broadcast_in_dim3A_600], %add3A_605 masked %eq3A_4 : memref<5000x2xf32, #tpu.memory_space<vmem>>[vector<16xi32>, vector<16xi32>], vector<16xf32>, vector<16xi1>
        %add3A_606 = arith.addf %gather3A_604, %masked_cumsum3A_591 : vector<16xf32>
        tpu.vector_store_idx %arg17[%add3A_598, %add3A_603], %add3A_606 masked %eq3A_4 : memref<5000x2xf32, #tpu.memory_space<vmem>>[vector<16xi32>, vector<16xi32>], vector<16xf32>, vector<16xi1>
      }
      %scan3A_443 = arith.constant 100 : i32
      %dma_start3A_444 = arith.constant 0 : i32
      %dma_start3A_445 = tpu.memref_slice %arg10[%add3A_412, %dma_start3A_444] : memref<50x100xi32, #tpu.memory_space<vmem>> -> memref<1x100xi32, #tpu.memory_space<vmem>>
      %dma_start3A_446 = tpu.memref_squeeze %dma_start3A_445 : memref<1x100xi32, #tpu.memory_space<vmem>> -> memref<100xi32, #tpu.memory_space<vmem>>
      %dma_start3A_447 = arith.constant 0 : i32
      %dma_start3A_448 = arith.constant 0 : i32
      %dma_start3A_449 = tpu.memref_slice %arg20[%dma_start3A_447, %dma_start3A_448] : memref<10240x64xf32, #tpu.memory_space<vmem_shared>> -> memref<10240x64xf32, #tpu.memory_space<vmem_shared>>
      tpu.enqueue_indirect_dma source(%arg15 : memref<100x64xf32, #tpu.memory_space<vmem>>) target(%dma_start3A_449 : memref<10240x64xf32, #tpu.memory_space<vmem_shared>>) offsets(%dma_start3A_446 : memref<100xi32, #tpu.memory_space<vmem>>) semaphore(%arg25 : memref<!tpu.dma_semaphore, #tpu.memory_space<semaphore_mem>>) {add = true}
      %dma_wait3A_450 = arith.constant 0 : i32
      %dma_wait3A_451 = tpu.memref_slice %arg10[%add3A_412, %dma_wait3A_450] : memref<50x100xi32, #tpu.memory_space<vmem>> -> memref<1x100xi32, #tpu.memory_space<vmem>>
      %dma_wait3A_452 = tpu.memref_squeeze %dma_wait3A_451 : memref<1x100xi32, #tpu.memory_space<vmem>> -> memref<100xi32, #tpu.memory_space<vmem>>
      %dma_wait3A_453 = arith.constant 0 : i32
      %dma_wait3A_454 = arith.constant 0 : i32
      %dma_wait3A_455 = tpu.memref_slice %arg20[%dma_wait3A_453, %dma_wait3A_454] : memref<10240x64xf32, #tpu.memory_space<vmem_shared>> -> memref<10240x64xf32, #tpu.memory_space<vmem_shared>>
      tpu.wait_indirect_dma semaphore(%arg25 : memref<!tpu.dma_semaphore, #tpu.memory_space<semaphore_mem>>) src(%arg15 : memref<100x64xf32, #tpu.memory_space<vmem>>) dst(%dma_wait3A_455 : memref<10240x64xf32, #tpu.memory_space<vmem_shared>>)
      %mul3A_456 = arith.constant 2 : i32
      %mul3A_457 = arith.muli %scan3A_357, %mul3A_456 : i32
      %add3A_458 = arith.constant 1 : i32
      %add3A_459 = arith.addi %mul3A_457, %add3A_458 : i32
      %dma_wait3A_460 = arith.constant 2 : i32
      %dma_wait3A_461 = arith.constant 0 : i32
      %dma_wait3A_462 = tpu.memref_slice %arg9[%add3A_386, %dma_wait3A_461] : memref<50x100xi32, #tpu.memory_space<vmem>> -> memref<1x100xi32, #tpu.memory_space<vmem>>
      %dma_wait3A_463 = tpu.memref_squeeze %dma_wait3A_462 : memref<1x100xi32, #tpu.memory_space<vmem>> -> memref<100xi32, #tpu.memory_space<vmem>>
      %dma_wait3A_464 = arith.constant 0 : i32
      %dma_wait3A_465 = arith.constant 0 : i32
      %dma_wait3A_466 = tpu.memref_slice %arg2[%dma_wait3A_460, %dma_wait3A_464, %dma_wait3A_465] : memref<8x10000x64xf32, #tpu.memory_space<hbm>> -> memref<1x10000x64xf32, #tpu.memory_space<hbm>>
      %dma_wait3A_467 = tpu.memref_squeeze %dma_wait3A_466 : memref<1x10000x64xf32, #tpu.memory_space<hbm>> -> memref<10000x64xf32, #tpu.memory_space<hbm>>
      %dma_wait3A_468 = arith.constant 0 : i32
      %dma_wait3A_469 = arith.constant 0 : i32
      %dma_wait3A_470 = tpu.memref_slice %dma_wait3A_467[%dma_wait3A_468, %dma_wait3A_469] : memref<10000x64xf32, #tpu.memory_space<hbm>> -> memref<10000x64xf32, #tpu.memory_space<hbm>>
      tpu.wait_indirect_dma semaphore(%arg22 : memref<!tpu.dma_semaphore, #tpu.memory_space<semaphore_mem>>) src(%dma_wait3A_470 : memref<10000x64xf32, #tpu.memory_space<hbm>>) dst(%arg12 : memref<100x64xf32, #tpu.memory_space<vmem>>)
      %dma_wait3A_471 = arith.constant 6 : i32
      %dma_wait3A_472 = arith.constant 0 : i32
      %dma_wait3A_473 = tpu.memref_slice %arg10[%add3A_386, %dma_wait3A_472] : memref<50x100xi32, #tpu.memory_space<vmem>> -> memref<1x100xi32, #tpu.memory_space<vmem>>
      %dma_wait3A_474 = tpu.memref_squeeze %dma_wait3A_473 : memref<1x100xi32, #tpu.memory_space<vmem>> -> memref<100xi32, #tpu.memory_space<vmem>>
      %dma_wait3A_475 = arith.constant 0 : i32
      %dma_wait3A_476 = arith.constant 0 : i32
      %dma_wait3A_477 = tpu.memref_slice %arg2[%dma_wait3A_471, %dma_wait3A_475, %dma_wait3A_476] : memref<8x10000x64xf32, #tpu.memory_space<hbm>> -> memref<1x10000x64xf32, #tpu.memory_space<hbm>>
      %dma_wait3A_478 = tpu.memref_squeeze %dma_wait3A_477 : memref<1x10000x64xf32, #tpu.memory_space<hbm>> -> memref<10000x64xf32, #tpu.memory_space<hbm>>
      %dma_wait3A_479 = arith.constant 0 : i32
      %dma_wait3A_480 = arith.constant 0 : i32
      %dma_wait3A_481 = tpu.memref_slice %dma_wait3A_478[%dma_wait3A_479, %dma_wait3A_480] : memref<10000x64xf32, #tpu.memory_space<hbm>> -> memref<10000x64xf32, #tpu.memory_space<hbm>>
      tpu.wait_indirect_dma semaphore(%arg24 : memref<!tpu.dma_semaphore, #tpu.memory_space<semaphore_mem>>) src(%dma_wait3A_481 : memref<10000x64xf32, #tpu.memory_space<hbm>>) dst(%arg14 : memref<100x64xf32, #tpu.memory_space<vmem>>)
      %mul3A_482 = arith.constant 50 : i32
      %mul3A_483 = arith.muli %add3A, %mul3A_482 : i32
      %add3A_484 = arith.addi %mul3A_483, %add3A_459 : i32
      %run_scoped3A_485 = arith.constant 2 : i32
      "tpu.region"() ({
        %run_scoped3A_504 = tpu.sem_alloc : memref<!tpu.dma_semaphore, #tpu.memory_space<semaphore_mem>>
        %dma_start3A_505 = arith.constant 0 : i32
        %dma_start3A_506 = arith.constant 0 : i32
        %dma_start3A_507 = arith.constant 0 : i32
        %dma_start3A_508 = tpu.memref_slice %arg3[%run_scoped3A_485, %dma_start3A_505, %dma_start3A_506, %dma_start3A_507] : memref<4x1600x100x64xf32, #tpu.memory_space<hbm>> -> memref<1x1600x100x64xf32, #tpu.memory_space<hbm>>
        %dma_start3A_509 = tpu.memref_squeeze %dma_start3A_508 : memref<1x1600x100x64xf32, #tpu.memory_space<hbm>> -> memref<1600x100x64xf32, #tpu.memory_space<hbm>>
        %dma_start3A_510 = arith.constant 0 : i32
        %dma_start3A_511 = arith.constant 0 : i32
        %dma_start3A_512 = tpu.memref_slice %dma_start3A_509[%add3A_484, %dma_start3A_510, %dma_start3A_511] : memref<1600x100x64xf32, #tpu.memory_space<hbm>> -> memref<1x100x64xf32, #tpu.memory_space<hbm>>
        %dma_start3A_513 = tpu.memref_squeeze %dma_start3A_512 : memref<1x100x64xf32, #tpu.memory_space<hbm>> -> memref<100x64xf32, #tpu.memory_space<hbm>>
        %dma_start3A_514 = arith.constant 0 : i32
        %dma_start3A_515 = arith.constant 0 : i32
        %dma_start3A_516 = arith.constant 0 : i32
        %dma_start3A_517 = tpu.memref_slice %arg3[%run_scoped3A_485, %dma_start3A_514, %dma_start3A_515, %dma_start3A_516] : memref<4x1600x100x64xf32, #tpu.memory_space<hbm>> -> memref<1x1600x100x64xf32, #tpu.memory_space<hbm>>
        %dma_start3A_518 = tpu.memref_squeeze %dma_start3A_517 : memref<1x1600x100x64xf32, #tpu.memory_space<hbm>> -> memref<1600x100x64xf32, #tpu.memory_space<hbm>>
        %dma_start3A_519 = arith.constant 0 : i32
        %dma_start3A_520 = arith.constant 0 : i32
        %dma_start3A_521 = tpu.memref_slice %dma_start3A_518[%add3A_484, %dma_start3A_519, %dma_start3A_520] : memref<1600x100x64xf32, #tpu.memory_space<hbm>> -> memref<1x100x64xf32, #tpu.memory_space<hbm>>
        %dma_start3A_522 = tpu.memref_squeeze %dma_start3A_521 : memref<1x100x64xf32, #tpu.memory_space<hbm>> -> memref<100x64xf32, #tpu.memory_space<hbm>>
        tpu.enqueue_dma source(%dma_start3A_522 : memref<100x64xf32, #tpu.memory_space<hbm>>) target(%arg16 : memref<100x64xf32, #tpu.memory_space<vmem>>) target_semaphore(%run_scoped3A_504 : memref<!tpu.dma_semaphore, #tpu.memory_space<semaphore_mem>>)
        %dma_wait3A_523 = arith.constant 0 : i32
        %dma_wait3A_524 = arith.constant 0 : i32
        %dma_wait3A_525 = arith.constant 0 : i32
        %dma_wait3A_526 = tpu.memref_slice %arg3[%run_scoped3A_485, %dma_wait3A_523, %dma_wait3A_524, %dma_wait3A_525] : memref<4x1600x100x64xf32, #tpu.memory_space<hbm>> -> memref<1x1600x100x64xf32, #tpu.memory_space<hbm>>
        %dma_wait3A_527 = tpu.memref_squeeze %dma_wait3A_526 : memref<1x1600x100x64xf32, #tpu.memory_space<hbm>> -> memref<1600x100x64xf32, #tpu.memory_space<hbm>>
        %dma_wait3A_528 = arith.constant 0 : i32
        %dma_wait3A_529 = arith.constant 0 : i32
        %dma_wait3A_530 = tpu.memref_slice %dma_wait3A_527[%add3A_484, %dma_wait3A_528, %dma_wait3A_529] : memref<1600x100x64xf32, #tpu.memory_space<hbm>> -> memref<1x100x64xf32, #tpu.memory_space<hbm>>
        %dma_wait3A_531 = tpu.memref_squeeze %dma_wait3A_530 : memref<1x100x64xf32, #tpu.memory_space<hbm>> -> memref<100x64xf32, #tpu.memory_space<hbm>>
        %dma_wait3A_532 = arith.constant 0 : i32
        %dma_wait3A_533 = arith.constant 0 : i32
        %dma_wait3A_534 = arith.constant 0 : i32
        %dma_wait3A_535 = tpu.memref_slice %arg3[%run_scoped3A_485, %dma_wait3A_532, %dma_wait3A_533, %dma_wait3A_534] : memref<4x1600x100x64xf32, #tpu.memory_space<hbm>> -> memref<1x1600x100x64xf32, #tpu.memory_space<hbm>>
        %dma_wait3A_536 = tpu.memref_squeeze %dma_wait3A_535 : memref<1x1600x100x64xf32, #tpu.memory_space<hbm>> -> memref<1600x100x64xf32, #tpu.memory_space<hbm>>
        %dma_wait3A_537 = arith.constant 0 : i32
        %dma_wait3A_538 = arith.constant 0 : i32
        %dma_wait3A_539 = tpu.memref_slice %dma_wait3A_536[%add3A_484, %dma_wait3A_537, %dma_wait3A_538] : memref<1600x100x64xf32, #tpu.memory_space<hbm>> -> memref<1x100x64xf32, #tpu.memory_space<hbm>>
        %dma_wait3A_540 = tpu.memref_squeeze %dma_wait3A_539 : memref<1x100x64xf32, #tpu.memory_space<hbm>> -> memref<100x64xf32, #tpu.memory_space<hbm>>
        tpu.wait_dma2 semaphore(%run_scoped3A_504 : memref<!tpu.dma_semaphore, #tpu.memory_space<semaphore_mem>>) src(%dma_wait3A_540 : memref<100x64xf32, #tpu.memory_space<hbm>>) dst(%arg16 : memref<100x64xf32, #tpu.memory_space<vmem>>)
        tpu.yield
      }) : () -> ()
      %scan3A_486 = arith.constant 0 : i32
      %scan3A_487 = arith.constant 0 : i32
      %scan3A_488 = arith.constant 100 : i32
      %scan3A_489 = arith.addi %scan3A_487, %scan3A_488 : i32
      %scan3A_490 = arith.constant 1 : i32
      scf.for %scan3A_504 = %scan3A_487 to %scan3A_489 step %scan3A_490  : i32 {
        %get3A_505 = arith.index_cast %scan3A_504 : i32 to index
        %get3A_506 = arith.constant 0 : index
        %get3A_507 = tpu.vector_load %arg12[%get3A_505, %get3A_506] {strides = array<i32>} : memref<100x64xf32, #tpu.memory_space<vmem>>, vector<16xf32>,
        %get3A_508 = arith.index_cast %scan3A_504 : i32 to index
        %get3A_509 = arith.constant 0 : index
        %get3A_510 = tpu.vector_load %arg14[%get3A_508, %get3A_509] {strides = array<i32>} : memref<100x64xf32, #tpu.memory_space<vmem>>, vector<16xf32>,
        %add3A_511 = arith.addf %get3A_507, %get3A_510 : vector<16xf32>
        %get3A_512 = arith.index_cast %scan3A_504 : i32 to index
        %get3A_513 = arith.constant 0 : index
        %get3A_514 = tpu.vector_load %arg16[%get3A_512, %get3A_513] {strides = array<i32>} : memref<100x64xf32, #tpu.memory_space<vmem>>, vector<16xf32>,
        %add3A_515 = arith.addf %add3A_511, %get3A_514 : vector<16xf32>
        %max3A = arith.constant 0.000000e+00 : f32
        %max3A_516 = vector.broadcast %max3A : f32 to vector<16xf32>
        %max3A_517 = arith.maximumf %add3A_515, %max3A_516 : vector<16xf32>
        %swap3A = arith.index_cast %scan3A_504 : i32 to index
        %swap3A_518 = arith.constant 0 : index
        %swap3A_519 = tpu.vector_load %arg15[%swap3A, %swap3A_518] {strides = array<i32>} : memref<100x64xf32, #tpu.memory_space<vmem>>, vector<16xf32>,
        tpu.vector_store %arg15[%swap3A, %swap3A_518], %max3A_517 {strides = array<i32>} : memref<100x64xf32, #tpu.memory_space<vmem>>, vector<16xf32>,
        %mul3A_520 = arith.mulf %max3A_517, %get3A_213 : vector<16xf32>
        %add3A_521 = arith.addf %broadcast_in_dim3A_5, %mul3A_520 : vector<16xf32>
        %mul3A_522 = arith.mulf %max3A_517, %get3A_237 : vector<16xf32>
        %add3A_523 = arith.addf %broadcast_in_dim3A_5, %mul3A_522 : vector<16xf32>
        %get3A_524 = arith.index_cast %scan3A_504 : i32 to index
        %get3A_525 = arith.constant 16 : index
        %get3A_526 = tpu.vector_load %arg12[%get3A_524, %get3A_525] {strides = array<i32>} : memref<100x64xf32, #tpu.memory_space<vmem>>, vector<16xf32>,
        %get3A_527 = arith.index_cast %scan3A_504 : i32 to index
        %get3A_528 = arith.constant 16 : index
        %get3A_529 = tpu.vector_load %arg14[%get3A_527, %get3A_528] {strides = array<i32>} : memref<100x64xf32, #tpu.memory_space<vmem>>, vector<16xf32>,
        %add3A_530 = arith.addf %get3A_526, %get3A_529 : vector<16xf32>
        %get3A_531 = arith.index_cast %scan3A_504 : i32 to index
        %get3A_532 = arith.constant 16 : index
        %get3A_533 = tpu.vector_load %arg16[%get3A_531, %get3A_532] {strides = array<i32>} : memref<100x64xf32, #tpu.memory_space<vmem>>, vector<16xf32>,
        %add3A_534 = arith.addf %add3A_530, %get3A_533 : vector<16xf32>
        %max3A_535 = arith.constant 0.000000e+00 : f32
        %max3A_536 = vector.broadcast %max3A_535 : f32 to vector<16xf32>
        %max3A_537 = arith.maximumf %add3A_534, %max3A_536 : vector<16xf32>
        %swap3A_538 = arith.index_cast %scan3A_504 : i32 to index
        %swap3A_539 = arith.constant 16 : index
        %swap3A_540 = tpu.vector_load %arg15[%swap3A_538, %swap3A_539] {strides = array<i32>} : memref<100x64xf32, #tpu.memory_space<vmem>>, vector<16xf32>,
        tpu.vector_store %arg15[%swap3A_538, %swap3A_539], %max3A_537 {strides = array<i32>} : memref<100x64xf32, #tpu.memory_space<vmem>>, vector<16xf32>,
        %mul3A_541 = arith.mulf %max3A_537, %get3A_219 : vector<16xf32>
        %add3A_542 = arith.addf %add3A_521, %mul3A_541 : vector<16xf32>
        %mul3A_543 = arith.mulf %max3A_537, %get3A_243 : vector<16xf32>
        %add3A_544 = arith.addf %add3A_523, %mul3A_543 : vector<16xf32>
        %get3A_545 = arith.index_cast %scan3A_504 : i32 to index
        %get3A_546 = arith.constant 32 : index
        %get3A_547 = tpu.vector_load %arg12[%get3A_545, %get3A_546] {strides = array<i32>} : memref<100x64xf32, #tpu.memory_space<vmem>>, vector<16xf32>,
        %get3A_548 = arith.index_cast %scan3A_504 : i32 to index
        %get3A_549 = arith.constant 32 : index
        %get3A_550 = tpu.vector_load %arg14[%get3A_548, %get3A_549] {strides = array<i32>} : memref<100x64xf32, #tpu.memory_space<vmem>>, vector<16xf32>,
        %add3A_551 = arith.addf %get3A_547, %get3A_550 : vector<16xf32>
        %get3A_552 = arith.index_cast %scan3A_504 : i32 to index
        %get3A_553 = arith.constant 32 : index
        %get3A_554 = tpu.vector_load %arg16[%get3A_552, %get3A_553] {strides = array<i32>} : memref<100x64xf32, #tpu.memory_space<vmem>>, vector<16xf32>,
        %add3A_555 = arith.addf %add3A_551, %get3A_554 : vector<16xf32>
        %max3A_556 = arith.constant 0.000000e+00 : f32
        %max3A_557 = vector.broadcast %max3A_556 : f32 to vector<16xf32>
        %max3A_558 = arith.maximumf %add3A_555, %max3A_557 : vector<16xf32>
        %swap3A_559 = arith.index_cast %scan3A_504 : i32 to index
        %swap3A_560 = arith.constant 32 : index
        %swap3A_561 = tpu.vector_load %arg15[%swap3A_559, %swap3A_560] {strides = array<i32>} : memref<100x64xf32, #tpu.memory_space<vmem>>, vector<16xf32>,
        tpu.vector_store %arg15[%swap3A_559, %swap3A_560], %max3A_558 {strides = array<i32>} : memref<100x64xf32, #tpu.memory_space<vmem>>, vector<16xf32>,
        %mul3A_562 = arith.mulf %max3A_558, %get3A_225 : vector<16xf32>
        %add3A_563 = arith.addf %add3A_542, %mul3A_562 : vector<16xf32>
        %mul3A_564 = arith.mulf %max3A_558, %get3A_249 : vector<16xf32>
        %add3A_565 = arith.addf %add3A_544, %mul3A_564 : vector<16xf32>
        %get3A_566 = arith.index_cast %scan3A_504 : i32 to index
        %get3A_567 = arith.constant 48 : index
        %get3A_568 = tpu.vector_load %arg12[%get3A_566, %get3A_567] {strides = array<i32>} : memref<100x64xf32, #tpu.memory_space<vmem>>, vector<16xf32>,
        %get3A_569 = arith.index_cast %scan3A_504 : i32 to index
        %get3A_570 = arith.constant 48 : index
        %get3A_571 = tpu.vector_load %arg14[%get3A_569, %get3A_570] {strides = array<i32>} : memref<100x64xf32, #tpu.memory_space<vmem>>, vector<16xf32>,
        %add3A_572 = arith.addf %get3A_568, %get3A_571 : vector<16xf32>
        %get3A_573 = arith.index_cast %scan3A_504 : i32 to index
        %get3A_574 = arith.constant 48 : index
        %get3A_575 = tpu.vector_load %arg16[%get3A_573, %get3A_574] {strides = array<i32>} : memref<100x64xf32, #tpu.memory_space<vmem>>, vector<16xf32>,
        %add3A_576 = arith.addf %add3A_572, %get3A_575 : vector<16xf32>
        %max3A_577 = arith.constant 0.000000e+00 : f32
        %max3A_578 = vector.broadcast %max3A_577 : f32 to vector<16xf32>
        %max3A_579 = arith.maximumf %add3A_576, %max3A_578 : vector<16xf32>
        %swap3A_580 = arith.index_cast %scan3A_504 : i32 to index
        %swap3A_581 = arith.constant 48 : index
        %swap3A_582 = tpu.vector_load %arg15[%swap3A_580, %swap3A_581] {strides = array<i32>} : memref<100x64xf32, #tpu.memory_space<vmem>>, vector<16xf32>,
        tpu.vector_store %arg15[%swap3A_580, %swap3A_581], %max3A_579 {strides = array<i32>} : memref<100x64xf32, #tpu.memory_space<vmem>>, vector<16xf32>,
        %mul3A_583 = arith.mulf %max3A_579, %get3A_231 : vector<16xf32>
        %add3A_584 = arith.addf %add3A_563, %mul3A_583 : vector<16xf32>
        %mul3A_585 = arith.mulf %max3A_579, %get3A_255 : vector<16xf32>
        %add3A_586 = arith.addf %add3A_565, %mul3A_585 : vector<16xf32>
        %broadcast_in_dim3A_587 = arith.constant true
        %broadcast_in_dim3A_588 = vector.broadcast %broadcast_in_dim3A_587 : i1 to vector<16xi1>
        %masked_cumsum3A = tpu.scan <sum>, %add3A_584 masked %broadcast_in_dim3A_588 : vector<16xf32>, vector<16xi1> -> vector<16xf32>
        %broadcast_in_dim3A_589 = arith.constant true
        %broadcast_in_dim3A_590 = vector.broadcast %broadcast_in_dim3A_589 : i1 to vector<16xi1>
        %masked_cumsum3A_591 = tpu.scan <sum>, %add3A_586 masked %broadcast_in_dim3A_590 : vector<16xf32>, vector<16xi1> -> vector<16xf32>
        %broadcast_in_dim3A_592 = arith.constant 0 : i32
        %broadcast_in_dim3A_593 = vector.broadcast %broadcast_in_dim3A_592 : i32 to vector<16xi32>
        %mul3A_594 = arith.constant 100 : i32
        %mul3A_595 = arith.muli %add3A_459, %mul3A_594 : i32
        %add3A_596 = arith.addi %mul3A_595, %scan3A_504 : i32
        %add3A_597 = vector.broadcast %add3A_596 : i32 to vector<16xi32>
        %add3A_598 = arith.addi %broadcast_in_dim3A_593, %add3A_597 : vector<16xi32>
        %broadcast_in_dim3A_599 = arith.constant 0 : i32
        %broadcast_in_dim3A_600 = vector.broadcast %broadcast_in_dim3A_599 : i32 to vector<16xi32>
        %add3A_601 = arith.constant 1 : i32
        %add3A_602 = vector.broadcast %add3A_601 : i32 to vector<16xi32>
        %add3A_603 = arith.addi %broadcast_in_dim3A_600, %add3A_602 : vector<16xi32>
        %gather3A = tpu.vector_load_idx %arg17[%add3A_598, %broadcast_in_dim3A_600] masked %eq3A_4 : memref<5000x2xf32, #tpu.memory_space<vmem>>[vector<16xi32>, vector<16xi32>], vector<16xf32>, vector<16xi1>
        %gather3A_604 = tpu.vector_load_idx %arg17[%add3A_598, %add3A_603] masked %eq3A_4 : memref<5000x2xf32, #tpu.memory_space<vmem>>[vector<16xi32>, vector<16xi32>], vector<16xf32>, vector<16xi1>
        %add3A_605 = arith.addf %gather3A, %masked_cumsum3A : vector<16xf32>
        tpu.vector_store_idx %arg17[%add3A_598, %broadcast_in_dim3A_600], %add3A_605 masked %eq3A_4 : memref<5000x2xf32, #tpu.memory_space<vmem>>[vector<16xi32>, vector<16xi32>], vector<16xf32>, vector<16xi1>
        %add3A_606 = arith.addf %gather3A_604, %masked_cumsum3A_591 : vector<16xf32>
        tpu.vector_store_idx %arg17[%add3A_598, %add3A_603], %add3A_606 masked %eq3A_4 : memref<5000x2xf32, #tpu.memory_space<vmem>>[vector<16xi32>, vector<16xi32>], vector<16xf32>, vector<16xi1>
      }
      %scan3A_491 = arith.constant 100 : i32
      %dma_start3A_492 = arith.constant 0 : i32
      %dma_start3A_493 = tpu.memref_slice %arg10[%add3A_459, %dma_start3A_492] : memref<50x100xi32, #tpu.memory_space<vmem>> -> memref<1x100xi32, #tpu.memory_space<vmem>>
      %dma_start3A_494 = tpu.memref_squeeze %dma_start3A_493 : memref<1x100xi32, #tpu.memory_space<vmem>> -> memref<100xi32, #tpu.memory_space<vmem>>
      %dma_start3A_495 = arith.constant 0 : i32
      %dma_start3A_496 = arith.constant 0 : i32
      %dma_start3A_497 = tpu.memref_slice %arg20[%dma_start3A_495, %dma_start3A_496] : memref<10240x64xf32, #tpu.memory_space<vmem_shared>> -> memref<10240x64xf32, #tpu.memory_space<vmem_shared>>
      tpu.enqueue_indirect_dma source(%arg15 : memref<100x64xf32, #tpu.memory_space<vmem>>) target(%dma_start3A_497 : memref<10240x64xf32, #tpu.memory_space<vmem_shared>>) offsets(%dma_start3A_494 : memref<100xi32, #tpu.memory_space<vmem>>) semaphore(%arg25 : memref<!tpu.dma_semaphore, #tpu.memory_space<semaphore_mem>>) {add = true}
      %dma_wait3A_498 = arith.constant 0 : i32
      %dma_wait3A_499 = tpu.memref_slice %arg10[%add3A_459, %dma_wait3A_498] : memref<50x100xi32, #tpu.memory_space<vmem>> -> memref<1x100xi32, #tpu.memory_space<vmem>>
      %dma_wait3A_500 = tpu.memref_squeeze %dma_wait3A_499 : memref<1x100xi32, #tpu.memory_space<vmem>> -> memref<100xi32, #tpu.memory_space<vmem>>
      %dma_wait3A_501 = arith.constant 0 : i32
      %dma_wait3A_502 = arith.constant 0 : i32
      %dma_wait3A_503 = tpu.memref_slice %arg20[%dma_wait3A_501, %dma_wait3A_502] : memref<10240x64xf32, #tpu.memory_space<vmem_shared>> -> memref<10240x64xf32, #tpu.memory_space<vmem_shared>>
      tpu.wait_indirect_dma semaphore(%arg25 : memref<!tpu.dma_semaphore, #tpu.memory_space<semaphore_mem>>) src(%arg15 : memref<100x64xf32, #tpu.memory_space<vmem>>) dst(%dma_wait3A_503 : memref<10240x64xf32, #tpu.memory_space<vmem_shared>>)
    }
    %scan3A_261 = arith.constant 25 : i32
    %barrier3A_262 = arith.constant 0 : index
    tpu.barrier barrier_id(%barrier3A_262)
    %mul3A_263 = arith.constant 640 : i32
    %mul3A_264 = arith.muli %arg1, %mul3A_263 : i32
    %mul3A_265 = arith.constant 640 : i32
    %mul3A_266 = arith.muli %arg1, %mul3A_265 : i32
    %run_scoped3A_267 = arith.constant 2 : i32
    "tpu.region"() ({
      %run_scoped3A_357 = tpu.sem_alloc : memref<!tpu.dma_semaphore, #tpu.memory_space<semaphore_mem>>
      %dma_start3A = arith.constant 0 : i32
      %dma_start3A_358 = tpu.memref_slice %arg8[%arg0, %run_scoped3A_267, %mul3A_266, %dma_start3A] : memref<2x4x10240x64xf32, #tpu.memory_space<hbm>> -> memref<1x1x640x64xf32, #tpu.memory_space<hbm>>
      %dma_start3A_359 = tpu.memref_squeeze %dma_start3A_358 : memref<1x1x640x64xf32, #tpu.memory_space<hbm>> -> memref<640x64xf32, #tpu.memory_space<hbm>>
      %dma_start3A_360 = arith.constant 0 : i32
      %dma_start3A_361 = tpu.memref_slice %arg20[%mul3A_264, %dma_start3A_360] : memref<10240x64xf32, #tpu.memory_space<vmem_shared>> -> memref<640x64xf32, #tpu.memory_space<vmem_shared>>
      tpu.enqueue_dma source(%dma_start3A_361 : memref<640x64xf32, #tpu.memory_space<vmem_shared>>) target(%dma_start3A_359 : memref<640x64xf32, #tpu.memory_space<hbm>>) target_semaphore(%run_scoped3A_357 : memref<!tpu.dma_semaphore, #tpu.memory_space<semaphore_mem>>)
      %dma_wait3A = arith.constant 0 : i32
      %dma_wait3A_362 = tpu.memref_slice %arg8[%arg0, %run_scoped3A_267, %mul3A_266, %dma_wait3A] : memref<2x4x10240x64xf32, #tpu.memory_space<hbm>> -> memref<1x1x640x64xf32, #tpu.memory_space<hbm>>
      %dma_wait3A_363 = tpu.memref_squeeze %dma_wait3A_362 : memref<1x1x640x64xf32, #tpu.memory_space<hbm>> -> memref<640x64xf32, #tpu.memory_space<hbm>>
      %dma_wait3A_364 = arith.constant 0 : i32
      %dma_wait3A_365 = tpu.memref_slice %arg20[%mul3A_264, %dma_wait3A_364] : memref<10240x64xf32, #tpu.memory_space<vmem_shared>> -> memref<640x64xf32, #tpu.memory_space<vmem_shared>>
      tpu.wait_dma2 semaphore(%run_scoped3A_357 : memref<!tpu.dma_semaphore, #tpu.memory_space<semaphore_mem>>) src(%dma_wait3A_365 : memref<640x64xf32, #tpu.memory_space<vmem_shared>>) dst(%dma_wait3A_363 : memref<640x64xf32, #tpu.memory_space<hbm>>)
      tpu.yield
    }) : () -> ()
    %barrier3A_268 = arith.constant 0 : index
    tpu.barrier barrier_id(%barrier3A_268)
    %scan3A_269 = arith.constant 0 : i32
    %scan3A_270 = arith.constant 0 : i32
    %scan3A_271 = arith.constant 100 : i32
    %scan3A_272 = arith.addi %scan3A_270, %scan3A_271 : i32
    %scan3A_273 = arith.constant 1 : i32
    scf.for %scan3A_357 = %scan3A_270 to %scan3A_272 step %scan3A_273  : i32 {
      %swap3A = arith.index_cast %scan3A_357 : i32 to index
      %swap3A_358 = arith.constant 0 : index
      %swap3A_359 = tpu.vector_load %arg15[%swap3A, %swap3A_358] {strides = array<i32>} : memref<100x64xf32, #tpu.memory_space<vmem>>, vector<16xf32>,
      tpu.vector_store %arg15[%swap3A, %swap3A_358], %broadcast_in_dim3A_5 {strides = array<i32>} : memref<100x64xf32, #tpu.memory_space<vmem>>, vector<16xf32>,
      %swap3A_360 = arith.index_cast %scan3A_357 : i32 to index
      %swap3A_361 = arith.constant 16 : index
      %swap3A_362 = tpu.vector_load %arg15[%swap3A_360, %swap3A_361] {strides = array<i32>} : memref<100x64xf32, #tpu.memory_space<vmem>>, vector<16xf32>,
      tpu.vector_store %arg15[%swap3A_360, %swap3A_361], %broadcast_in_dim3A_5 {strides = array<i32>} : memref<100x64xf32, #tpu.memory_space<vmem>>, vector<16xf32>,
      %swap3A_363 = arith.index_cast %scan3A_357 : i32 to index
      %swap3A_364 = arith.constant 32 : index
      %swap3A_365 = tpu.vector_load %arg15[%swap3A_363, %swap3A_364] {strides = array<i32>} : memref<100x64xf32, #tpu.memory_space<vmem>>, vector<16xf32>,
      tpu.vector_store %arg15[%swap3A_363, %swap3A_364], %broadcast_in_dim3A_5 {strides = array<i32>} : memref<100x64xf32, #tpu.memory_space<vmem>>, vector<16xf32>,
      %swap3A_366 = arith.index_cast %scan3A_357 : i32 to index
      %swap3A_367 = arith.constant 48 : index
      %swap3A_368 = tpu.vector_load %arg15[%swap3A_366, %swap3A_367] {strides = array<i32>} : memref<100x64xf32, #tpu.memory_space<vmem>>, vector<16xf32>,
      tpu.vector_store %arg15[%swap3A_366, %swap3A_367], %broadcast_in_dim3A_5 {strides = array<i32>} : memref<100x64xf32, #tpu.memory_space<vmem>>, vector<16xf32>,
    }
    %scan3A_274 = arith.constant 100 : i32
    %mul3A_275 = arith.constant 640 : i32
    %mul3A_276 = arith.muli %arg1, %mul3A_275 : i32
    %add3A_277 = arith.constant 0 : i32
    %add3A_278 = arith.addi %mul3A_276, %add3A_277 : i32
    "tpu.region"() ({
      %run_scoped3A_357 = tpu.sem_alloc : memref<!tpu.dma_semaphore, #tpu.memory_space<semaphore_mem>>
      %dma_start3A = arith.constant 0 : i32
      %dma_start3A_358 = arith.constant 0 : i32
      %dma_start3A_359 = tpu.memref_slice %arg15[%dma_start3A, %dma_start3A_358] : memref<100x64xf32, #tpu.memory_space<vmem>> -> memref<80x64xf32, #tpu.memory_space<vmem>>
      %dma_start3A_360 = arith.constant 0 : i32
      %dma_start3A_361 = tpu.memref_slice %arg20[%add3A_278, %dma_start3A_360] : memref<10240x64xf32, #tpu.memory_space<vmem_shared>> -> memref<80x64xf32, #tpu.memory_space<vmem_shared>>
      %dma_start3A_362 = arith.constant 0 : i32
      %dma_start3A_363 = tpu.memref_slice %arg20[%add3A_278, %dma_start3A_362] : memref<10240x64xf32, #tpu.memory_space<vmem_shared>> -> memref<80x64xf32, #tpu.memory_space<vmem_shared>>
      %dma_start3A_364 = arith.constant 0 : i32
      %dma_start3A_365 = arith.constant 0 : i32
      %dma_start3A_366 = tpu.memref_slice %arg15[%dma_start3A_364, %dma_start3A_365] : memref<100x64xf32, #tpu.memory_space<vmem>> -> memref<80x64xf32, #tpu.memory_space<vmem>>
      tpu.enqueue_dma source(%dma_start3A_366 : memref<80x64xf32, #tpu.memory_space<vmem>>) target(%dma_start3A_363 : memref<80x64xf32, #tpu.memory_space<vmem_shared>>) target_semaphore(%run_scoped3A_357 : memref<!tpu.dma_semaphore, #tpu.memory_space<semaphore_mem>>)
      %dma_wait3A = arith.constant 0 : i32
      %dma_wait3A_367 = arith.constant 0 : i32
      %dma_wait3A_368 = tpu.memref_slice %arg15[%dma_wait3A, %dma_wait3A_367] : memref<100x64xf32, #tpu.memory_space<vmem>> -> memref<80x64xf32, #tpu.memory_space<vmem>>
      %dma_wait3A_369 = arith.constant 0 : i32
      %dma_wait3A_370 = tpu.memref_slice %arg20[%add3A_278, %dma_wait3A_369] : memref<10240x64xf32, #tpu.memory_space<vmem_shared>> -> memref<80x64xf32, #tpu.memory_space<vmem_shared>>
      %dma_wait3A_371 = arith.constant 0 : i32
      %dma_wait3A_372 = tpu.memref_slice %arg20[%add3A_278, %dma_wait3A_371] : memref<10240x64xf32, #tpu.memory_space<vmem_shared>> -> memref<80x64xf32, #tpu.memory_space<vmem_shared>>
      %dma_wait3A_373 = arith.constant 0 : i32
      %dma_wait3A_374 = arith.constant 0 : i32
      %dma_wait3A_375 = tpu.memref_slice %arg15[%dma_wait3A_373, %dma_wait3A_374] : memref<100x64xf32, #tpu.memory_space<vmem>> -> memref<80x64xf32, #tpu.memory_space<vmem>>
      tpu.wait_dma2 semaphore(%run_scoped3A_357 : memref<!tpu.dma_semaphore, #tpu.memory_space<semaphore_mem>>) src(%dma_wait3A_375 : memref<80x64xf32, #tpu.memory_space<vmem>>) dst(%dma_wait3A_372 : memref<80x64xf32, #tpu.memory_space<vmem_shared>>)
      tpu.yield
    }) : () -> ()
    %add3A_279 = arith.constant 80 : i32
    %add3A_280 = arith.addi %mul3A_276, %add3A_279 : i32
    "tpu.region"() ({
      %run_scoped3A_357 = tpu.sem_alloc : memref<!tpu.dma_semaphore, #tpu.memory_space<semaphore_mem>>
      %dma_start3A = arith.constant 0 : i32
      %dma_start3A_358 = arith.constant 0 : i32
      %dma_start3A_359 = tpu.memref_slice %arg15[%dma_start3A, %dma_start3A_358] : memref<100x64xf32, #tpu.memory_space<vmem>> -> memref<80x64xf32, #tpu.memory_space<vmem>>
      %dma_start3A_360 = arith.constant 0 : i32
      %dma_start3A_361 = tpu.memref_slice %arg20[%add3A_280, %dma_start3A_360] : memref<10240x64xf32, #tpu.memory_space<vmem_shared>> -> memref<80x64xf32, #tpu.memory_space<vmem_shared>>
      %dma_start3A_362 = arith.constant 0 : i32
      %dma_start3A_363 = tpu.memref_slice %arg20[%add3A_280, %dma_start3A_362] : memref<10240x64xf32, #tpu.memory_space<vmem_shared>> -> memref<80x64xf32, #tpu.memory_space<vmem_shared>>
      %dma_start3A_364 = arith.constant 0 : i32
      %dma_start3A_365 = arith.constant 0 : i32
      %dma_start3A_366 = tpu.memref_slice %arg15[%dma_start3A_364, %dma_start3A_365] : memref<100x64xf32, #tpu.memory_space<vmem>> -> memref<80x64xf32, #tpu.memory_space<vmem>>
      tpu.enqueue_dma source(%dma_start3A_366 : memref<80x64xf32, #tpu.memory_space<vmem>>) target(%dma_start3A_363 : memref<80x64xf32, #tpu.memory_space<vmem_shared>>) target_semaphore(%run_scoped3A_357 : memref<!tpu.dma_semaphore, #tpu.memory_space<semaphore_mem>>)
      %dma_wait3A = arith.constant 0 : i32
      %dma_wait3A_367 = arith.constant 0 : i32
      %dma_wait3A_368 = tpu.memref_slice %arg15[%dma_wait3A, %dma_wait3A_367] : memref<100x64xf32, #tpu.memory_space<vmem>> -> memref<80x64xf32, #tpu.memory_space<vmem>>
      %dma_wait3A_369 = arith.constant 0 : i32
      %dma_wait3A_370 = tpu.memref_slice %arg20[%add3A_280, %dma_wait3A_369] : memref<10240x64xf32, #tpu.memory_space<vmem_shared>> -> memref<80x64xf32, #tpu.memory_space<vmem_shared>>
      %dma_wait3A_371 = arith.constant 0 : i32
      %dma_wait3A_372 = tpu.memref_slice %arg20[%add3A_280, %dma_wait3A_371] : memref<10240x64xf32, #tpu.memory_space<vmem_shared>> -> memref<80x64xf32, #tpu.memory_space<vmem_shared>>
      %dma_wait3A_373 = arith.constant 0 : i32
      %dma_wait3A_374 = arith.constant 0 : i32
      %dma_wait3A_375 = tpu.memref_slice %arg15[%dma_wait3A_373, %dma_wait3A_374] : memref<100x64xf32, #tpu.memory_space<vmem>> -> memref<80x64xf32, #tpu.memory_space<vmem>>
      tpu.wait_dma2 semaphore(%run_scoped3A_357 : memref<!tpu.dma_semaphore, #tpu.memory_space<semaphore_mem>>) src(%dma_wait3A_375 : memref<80x64xf32, #tpu.memory_space<vmem>>) dst(%dma_wait3A_372 : memref<80x64xf32, #tpu.memory_space<vmem_shared>>)
      tpu.yield
    }) : () -> ()
    %add3A_281 = arith.constant 160 : i32
    %add3A_282 = arith.addi %mul3A_276, %add3A_281 : i32
    "tpu.region"() ({
      %run_scoped3A_357 = tpu.sem_alloc : memref<!tpu.dma_semaphore, #tpu.memory_space<semaphore_mem>>
      %dma_start3A = arith.constant 0 : i32
      %dma_start3A_358 = arith.constant 0 : i32
      %dma_start3A_359 = tpu.memref_slice %arg15[%dma_start3A, %dma_start3A_358] : memref<100x64xf32, #tpu.memory_space<vmem>> -> memref<80x64xf32, #tpu.memory_space<vmem>>
      %dma_start3A_360 = arith.constant 0 : i32
      %dma_start3A_361 = tpu.memref_slice %arg20[%add3A_282, %dma_start3A_360] : memref<10240x64xf32, #tpu.memory_space<vmem_shared>> -> memref<80x64xf32, #tpu.memory_space<vmem_shared>>
      %dma_start3A_362 = arith.constant 0 : i32
      %dma_start3A_363 = tpu.memref_slice %arg20[%add3A_282, %dma_start3A_362] : memref<10240x64xf32, #tpu.memory_space<vmem_shared>> -> memref<80x64xf32, #tpu.memory_space<vmem_shared>>
      %dma_start3A_364 = arith.constant 0 : i32
      %dma_start3A_365 = arith.constant 0 : i32
      %dma_start3A_366 = tpu.memref_slice %arg15[%dma_start3A_364, %dma_start3A_365] : memref<100x64xf32, #tpu.memory_space<vmem>> -> memref<80x64xf32, #tpu.memory_space<vmem>>
      tpu.enqueue_dma source(%dma_start3A_366 : memref<80x64xf32, #tpu.memory_space<vmem>>) target(%dma_start3A_363 : memref<80x64xf32, #tpu.memory_space<vmem_shared>>) target_semaphore(%run_scoped3A_357 : memref<!tpu.dma_semaphore, #tpu.memory_space<semaphore_mem>>)
      %dma_wait3A = arith.constant 0 : i32
      %dma_wait3A_367 = arith.constant 0 : i32
      %dma_wait3A_368 = tpu.memref_slice %arg15[%dma_wait3A, %dma_wait3A_367] : memref<100x64xf32, #tpu.memory_space<vmem>> -> memref<80x64xf32, #tpu.memory_space<vmem>>
      %dma_wait3A_369 = arith.constant 0 : i32
      %dma_wait3A_370 = tpu.memref_slice %arg20[%add3A_282, %dma_wait3A_369] : memref<10240x64xf32, #tpu.memory_space<vmem_shared>> -> memref<80x64xf32, #tpu.memory_space<vmem_shared>>
      %dma_wait3A_371 = arith.constant 0 : i32
      %dma_wait3A_372 = tpu.memref_slice %arg20[%add3A_282, %dma_wait3A_371] : memref<10240x64xf32, #tpu.memory_space<vmem_shared>> -> memref<80x64xf32, #tpu.memory_space<vmem_shared>>
      %dma_wait3A_373 = arith.constant 0 : i32
      %dma_wait3A_374 = arith.constant 0 : i32
      %dma_wait3A_375 = tpu.memref_slice %arg15[%dma_wait3A_373, %dma_wait3A_374] : memref<100x64xf32, #tpu.memory_space<vmem>> -> memref<80x64xf32, #tpu.memory_space<vmem>>
      tpu.wait_dma2 semaphore(%run_scoped3A_357 : memref<!tpu.dma_semaphore, #tpu.memory_space<semaphore_mem>>) src(%dma_wait3A_375 : memref<80x64xf32, #tpu.memory_space<vmem>>) dst(%dma_wait3A_372 : memref<80x64xf32, #tpu.memory_space<vmem_shared>>)
      tpu.yield
    }) : () -> ()
    %add3A_283 = arith.constant 240 : i32
    %add3A_284 = arith.addi %mul3A_276, %add3A_283 : i32
    "tpu.region"() ({
      %run_scoped3A_357 = tpu.sem_alloc : memref<!tpu.dma_semaphore, #tpu.memory_space<semaphore_mem>>
      %dma_start3A = arith.constant 0 : i32
      %dma_start3A_358 = arith.constant 0 : i32
      %dma_start3A_359 = tpu.memref_slice %arg15[%dma_start3A, %dma_start3A_358] : memref<100x64xf32, #tpu.memory_space<vmem>> -> memref<80x64xf32, #tpu.memory_space<vmem>>
      %dma_start3A_360 = arith.constant 0 : i32
      %dma_start3A_361 = tpu.memref_slice %arg20[%add3A_284, %dma_start3A_360] : memref<10240x64xf32, #tpu.memory_space<vmem_shared>> -> memref<80x64xf32, #tpu.memory_space<vmem_shared>>
      %dma_start3A_362 = arith.constant 0 : i32
      %dma_start3A_363 = tpu.memref_slice %arg20[%add3A_284, %dma_start3A_362] : memref<10240x64xf32, #tpu.memory_space<vmem_shared>> -> memref<80x64xf32, #tpu.memory_space<vmem_shared>>
      %dma_start3A_364 = arith.constant 0 : i32
      %dma_start3A_365 = arith.constant 0 : i32
      %dma_start3A_366 = tpu.memref_slice %arg15[%dma_start3A_364, %dma_start3A_365] : memref<100x64xf32, #tpu.memory_space<vmem>> -> memref<80x64xf32, #tpu.memory_space<vmem>>
      tpu.enqueue_dma source(%dma_start3A_366 : memref<80x64xf32, #tpu.memory_space<vmem>>) target(%dma_start3A_363 : memref<80x64xf32, #tpu.memory_space<vmem_shared>>) target_semaphore(%run_scoped3A_357 : memref<!tpu.dma_semaphore, #tpu.memory_space<semaphore_mem>>)
      %dma_wait3A = arith.constant 0 : i32
      %dma_wait3A_367 = arith.constant 0 : i32
      %dma_wait3A_368 = tpu.memref_slice %arg15[%dma_wait3A, %dma_wait3A_367] : memref<100x64xf32, #tpu.memory_space<vmem>> -> memref<80x64xf32, #tpu.memory_space<vmem>>
      %dma_wait3A_369 = arith.constant 0 : i32
      %dma_wait3A_370 = tpu.memref_slice %arg20[%add3A_284, %dma_wait3A_369] : memref<10240x64xf32, #tpu.memory_space<vmem_shared>> -> memref<80x64xf32, #tpu.memory_space<vmem_shared>>
      %dma_wait3A_371 = arith.constant 0 : i32
      %dma_wait3A_372 = tpu.memref_slice %arg20[%add3A_284, %dma_wait3A_371] : memref<10240x64xf32, #tpu.memory_space<vmem_shared>> -> memref<80x64xf32, #tpu.memory_space<vmem_shared>>
      %dma_wait3A_373 = arith.constant 0 : i32
      %dma_wait3A_374 = arith.constant 0 : i32
      %dma_wait3A_375 = tpu.memref_slice %arg15[%dma_wait3A_373, %dma_wait3A_374] : memref<100x64xf32, #tpu.memory_space<vmem>> -> memref<80x64xf32, #tpu.memory_space<vmem>>
      tpu.wait_dma2 semaphore(%run_scoped3A_357 : memref<!tpu.dma_semaphore, #tpu.memory_space<semaphore_mem>>) src(%dma_wait3A_375 : memref<80x64xf32, #tpu.memory_space<vmem>>) dst(%dma_wait3A_372 : memref<80x64xf32, #tpu.memory_space<vmem_shared>>)
      tpu.yield
    }) : () -> ()
    %add3A_285 = arith.constant 320 : i32
    %add3A_286 = arith.addi %mul3A_276, %add3A_285 : i32
    "tpu.region"() ({
      %run_scoped3A_357 = tpu.sem_alloc : memref<!tpu.dma_semaphore, #tpu.memory_space<semaphore_mem>>
      %dma_start3A = arith.constant 0 : i32
      %dma_start3A_358 = arith.constant 0 : i32
      %dma_start3A_359 = tpu.memref_slice %arg15[%dma_start3A, %dma_start3A_358] : memref<100x64xf32, #tpu.memory_space<vmem>> -> memref<80x64xf32, #tpu.memory_space<vmem>>
      %dma_start3A_360 = arith.constant 0 : i32
      %dma_start3A_361 = tpu.memref_slice %arg20[%add3A_286, %dma_start3A_360] : memref<10240x64xf32, #tpu.memory_space<vmem_shared>> -> memref<80x64xf32, #tpu.memory_space<vmem_shared>>
      %dma_start3A_362 = arith.constant 0 : i32
      %dma_start3A_363 = tpu.memref_slice %arg20[%add3A_286, %dma_start3A_362] : memref<10240x64xf32, #tpu.memory_space<vmem_shared>> -> memref<80x64xf32, #tpu.memory_space<vmem_shared>>
      %dma_start3A_364 = arith.constant 0 : i32
      %dma_start3A_365 = arith.constant 0 : i32
      %dma_start3A_366 = tpu.memref_slice %arg15[%dma_start3A_364, %dma_start3A_365] : memref<100x64xf32, #tpu.memory_space<vmem>> -> memref<80x64xf32, #tpu.memory_space<vmem>>
      tpu.enqueue_dma source(%dma_start3A_366 : memref<80x64xf32, #tpu.memory_space<vmem>>) target(%dma_start3A_363 : memref<80x64xf32, #tpu.memory_space<vmem_shared>>) target_semaphore(%run_scoped3A_357 : memref<!tpu.dma_semaphore, #tpu.memory_space<semaphore_mem>>)
      %dma_wait3A = arith.constant 0 : i32
      %dma_wait3A_367 = arith.constant 0 : i32
      %dma_wait3A_368 = tpu.memref_slice %arg15[%dma_wait3A, %dma_wait3A_367] : memref<100x64xf32, #tpu.memory_space<vmem>> -> memref<80x64xf32, #tpu.memory_space<vmem>>
      %dma_wait3A_369 = arith.constant 0 : i32
      %dma_wait3A_370 = tpu.memref_slice %arg20[%add3A_286, %dma_wait3A_369] : memref<10240x64xf32, #tpu.memory_space<vmem_shared>> -> memref<80x64xf32, #tpu.memory_space<vmem_shared>>
      %dma_wait3A_371 = arith.constant 0 : i32
      %dma_wait3A_372 = tpu.memref_slice %arg20[%add3A_286, %dma_wait3A_371] : memref<10240x64xf32, #tpu.memory_space<vmem_shared>> -> memref<80x64xf32, #tpu.memory_space<vmem_shared>>
      %dma_wait3A_373 = arith.constant 0 : i32
      %dma_wait3A_374 = arith.constant 0 : i32
      %dma_wait3A_375 = tpu.memref_slice %arg15[%dma_wait3A_373, %dma_wait3A_374] : memref<100x64xf32, #tpu.memory_space<vmem>> -> memref<80x64xf32, #tpu.memory_space<vmem>>
      tpu.wait_dma2 semaphore(%run_scoped3A_357 : memref<!tpu.dma_semaphore, #tpu.memory_space<semaphore_mem>>) src(%dma_wait3A_375 : memref<80x64xf32, #tpu.memory_space<vmem>>) dst(%dma_wait3A_372 : memref<80x64xf32, #tpu.memory_space<vmem_shared>>)
      tpu.yield
    }) : () -> ()
    %add3A_287 = arith.constant 400 : i32
    %add3A_288 = arith.addi %mul3A_276, %add3A_287 : i32
    "tpu.region"() ({
      %run_scoped3A_357 = tpu.sem_alloc : memref<!tpu.dma_semaphore, #tpu.memory_space<semaphore_mem>>
      %dma_start3A = arith.constant 0 : i32
      %dma_start3A_358 = arith.constant 0 : i32
      %dma_start3A_359 = tpu.memref_slice %arg15[%dma_start3A, %dma_start3A_358] : memref<100x64xf32, #tpu.memory_space<vmem>> -> memref<80x64xf32, #tpu.memory_space<vmem>>
      %dma_start3A_360 = arith.constant 0 : i32
      %dma_start3A_361 = tpu.memref_slice %arg20[%add3A_288, %dma_start3A_360] : memref<10240x64xf32, #tpu.memory_space<vmem_shared>> -> memref<80x64xf32, #tpu.memory_space<vmem_shared>>
      %dma_start3A_362 = arith.constant 0 : i32
      %dma_start3A_363 = tpu.memref_slice %arg20[%add3A_288, %dma_start3A_362] : memref<10240x64xf32, #tpu.memory_space<vmem_shared>> -> memref<80x64xf32, #tpu.memory_space<vmem_shared>>
      %dma_start3A_364 = arith.constant 0 : i32
      %dma_start3A_365 = arith.constant 0 : i32
      %dma_start3A_366 = tpu.memref_slice %arg15[%dma_start3A_364, %dma_start3A_365] : memref<100x64xf32, #tpu.memory_space<vmem>> -> memref<80x64xf32, #tpu.memory_space<vmem>>
      tpu.enqueue_dma source(%dma_start3A_366 : memref<80x64xf32, #tpu.memory_space<vmem>>) target(%dma_start3A_363 : memref<80x64xf32, #tpu.memory_space<vmem_shared>>) target_semaphore(%run_scoped3A_357 : memref<!tpu.dma_semaphore, #tpu.memory_space<semaphore_mem>>)
      %dma_wait3A = arith.constant 0 : i32
      %dma_wait3A_367 = arith.constant 0 : i32
      %dma_wait3A_368 = tpu.memref_slice %arg15[%dma_wait3A, %dma_wait3A_367] : memref<100x64xf32, #tpu.memory_space<vmem>> -> memref<80x64xf32, #tpu.memory_space<vmem>>
      %dma_wait3A_369 = arith.constant 0 : i32
      %dma_wait3A_370 = tpu.memref_slice %arg20[%add3A_288, %dma_wait3A_369] : memref<10240x64xf32, #tpu.memory_space<vmem_shared>> -> memref<80x64xf32, #tpu.memory_space<vmem_shared>>
      %dma_wait3A_371 = arith.constant 0 : i32
      %dma_wait3A_372 = tpu.memref_slice %arg20[%add3A_288, %dma_wait3A_371] : memref<10240x64xf32, #tpu.memory_space<vmem_shared>> -> memref<80x64xf32, #tpu.memory_space<vmem_shared>>
      %dma_wait3A_373 = arith.constant 0 : i32
      %dma_wait3A_374 = arith.constant 0 : i32
      %dma_wait3A_375 = tpu.memref_slice %arg15[%dma_wait3A_373, %dma_wait3A_374] : memref<100x64xf32, #tpu.memory_space<vmem>> -> memref<80x64xf32, #tpu.memory_space<vmem>>
      tpu.wait_dma2 semaphore(%run_scoped3A_357 : memref<!tpu.dma_semaphore, #tpu.memory_space<semaphore_mem>>) src(%dma_wait3A_375 : memref<80x64xf32, #tpu.memory_space<vmem>>) dst(%dma_wait3A_372 : memref<80x64xf32, #tpu.memory_space<vmem_shared>>)
      tpu.yield
    }) : () -> ()
    %add3A_289 = arith.constant 480 : i32
    %add3A_290 = arith.addi %mul3A_276, %add3A_289 : i32
    "tpu.region"() ({
      %run_scoped3A_357 = tpu.sem_alloc : memref<!tpu.dma_semaphore, #tpu.memory_space<semaphore_mem>>
      %dma_start3A = arith.constant 0 : i32
      %dma_start3A_358 = arith.constant 0 : i32
      %dma_start3A_359 = tpu.memref_slice %arg15[%dma_start3A, %dma_start3A_358] : memref<100x64xf32, #tpu.memory_space<vmem>> -> memref<80x64xf32, #tpu.memory_space<vmem>>
      %dma_start3A_360 = arith.constant 0 : i32
      %dma_start3A_361 = tpu.memref_slice %arg20[%add3A_290, %dma_start3A_360] : memref<10240x64xf32, #tpu.memory_space<vmem_shared>> -> memref<80x64xf32, #tpu.memory_space<vmem_shared>>
      %dma_start3A_362 = arith.constant 0 : i32
      %dma_start3A_363 = tpu.memref_slice %arg20[%add3A_290, %dma_start3A_362] : memref<10240x64xf32, #tpu.memory_space<vmem_shared>> -> memref<80x64xf32, #tpu.memory_space<vmem_shared>>
      %dma_start3A_364 = arith.constant 0 : i32
      %dma_start3A_365 = arith.constant 0 : i32
      %dma_start3A_366 = tpu.memref_slice %arg15[%dma_start3A_364, %dma_start3A_365] : memref<100x64xf32, #tpu.memory_space<vmem>> -> memref<80x64xf32, #tpu.memory_space<vmem>>
      tpu.enqueue_dma source(%dma_start3A_366 : memref<80x64xf32, #tpu.memory_space<vmem>>) target(%dma_start3A_363 : memref<80x64xf32, #tpu.memory_space<vmem_shared>>) target_semaphore(%run_scoped3A_357 : memref<!tpu.dma_semaphore, #tpu.memory_space<semaphore_mem>>)
      %dma_wait3A = arith.constant 0 : i32
      %dma_wait3A_367 = arith.constant 0 : i32
      %dma_wait3A_368 = tpu.memref_slice %arg15[%dma_wait3A, %dma_wait3A_367] : memref<100x64xf32, #tpu.memory_space<vmem>> -> memref<80x64xf32, #tpu.memory_space<vmem>>
      %dma_wait3A_369 = arith.constant 0 : i32
      %dma_wait3A_370 = tpu.memref_slice %arg20[%add3A_290, %dma_wait3A_369] : memref<10240x64xf32, #tpu.memory_space<vmem_shared>> -> memref<80x64xf32, #tpu.memory_space<vmem_shared>>
      %dma_wait3A_371 = arith.constant 0 : i32
      %dma_wait3A_372 = tpu.memref_slice %arg20[%add3A_290, %dma_wait3A_371] : memref<10240x64xf32, #tpu.memory_space<vmem_shared>> -> memref<80x64xf32, #tpu.memory_space<vmem_shared>>
      %dma_wait3A_373 = arith.constant 0 : i32
      %dma_wait3A_374 = arith.constant 0 : i32
      %dma_wait3A_375 = tpu.memref_slice %arg15[%dma_wait3A_373, %dma_wait3A_374] : memref<100x64xf32, #tpu.memory_space<vmem>> -> memref<80x64xf32, #tpu.memory_space<vmem>>
      tpu.wait_dma2 semaphore(%run_scoped3A_357 : memref<!tpu.dma_semaphore, #tpu.memory_space<semaphore_mem>>) src(%dma_wait3A_375 : memref<80x64xf32, #tpu.memory_space<vmem>>) dst(%dma_wait3A_372 : memref<80x64xf32, #tpu.memory_space<vmem_shared>>)
      tpu.yield
    }) : () -> ()
    %add3A_291 = arith.constant 560 : i32
    %add3A_292 = arith.addi %mul3A_276, %add3A_291 : i32
    "tpu.region"() ({
      %run_scoped3A_357 = tpu.sem_alloc : memref<!tpu.dma_semaphore, #tpu.memory_space<semaphore_mem>>
      %dma_start3A = arith.constant 0 : i32
      %dma_start3A_358 = arith.constant 0 : i32
      %dma_start3A_359 = tpu.memref_slice %arg15[%dma_start3A, %dma_start3A_358] : memref<100x64xf32, #tpu.memory_space<vmem>> -> memref<80x64xf32, #tpu.memory_space<vmem>>
      %dma_start3A_360 = arith.constant 0 : i32
      %dma_start3A_361 = tpu.memref_slice %arg20[%add3A_292, %dma_start3A_360] : memref<10240x64xf32, #tpu.memory_space<vmem_shared>> -> memref<80x64xf32, #tpu.memory_space<vmem_shared>>
      %dma_start3A_362 = arith.constant 0 : i32
      %dma_start3A_363 = tpu.memref_slice %arg20[%add3A_292, %dma_start3A_362] : memref<10240x64xf32, #tpu.memory_space<vmem_shared>> -> memref<80x64xf32, #tpu.memory_space<vmem_shared>>
      %dma_start3A_364 = arith.constant 0 : i32
      %dma_start3A_365 = arith.constant 0 : i32
      %dma_start3A_366 = tpu.memref_slice %arg15[%dma_start3A_364, %dma_start3A_365] : memref<100x64xf32, #tpu.memory_space<vmem>> -> memref<80x64xf32, #tpu.memory_space<vmem>>
      tpu.enqueue_dma source(%dma_start3A_366 : memref<80x64xf32, #tpu.memory_space<vmem>>) target(%dma_start3A_363 : memref<80x64xf32, #tpu.memory_space<vmem_shared>>) target_semaphore(%run_scoped3A_357 : memref<!tpu.dma_semaphore, #tpu.memory_space<semaphore_mem>>)
      %dma_wait3A = arith.constant 0 : i32
      %dma_wait3A_367 = arith.constant 0 : i32
      %dma_wait3A_368 = tpu.memref_slice %arg15[%dma_wait3A, %dma_wait3A_367] : memref<100x64xf32, #tpu.memory_space<vmem>> -> memref<80x64xf32, #tpu.memory_space<vmem>>
      %dma_wait3A_369 = arith.constant 0 : i32
      %dma_wait3A_370 = tpu.memref_slice %arg20[%add3A_292, %dma_wait3A_369] : memref<10240x64xf32, #tpu.memory_space<vmem_shared>> -> memref<80x64xf32, #tpu.memory_space<vmem_shared>>
      %dma_wait3A_371 = arith.constant 0 : i32
      %dma_wait3A_372 = tpu.memref_slice %arg20[%add3A_292, %dma_wait3A_371] : memref<10240x64xf32, #tpu.memory_space<vmem_shared>> -> memref<80x64xf32, #tpu.memory_space<vmem_shared>>
      %dma_wait3A_373 = arith.constant 0 : i32
      %dma_wait3A_374 = arith.constant 0 : i32
      %dma_wait3A_375 = tpu.memref_slice %arg15[%dma_wait3A_373, %dma_wait3A_374] : memref<100x64xf32, #tpu.memory_space<vmem>> -> memref<80x64xf32, #tpu.memory_space<vmem>>
      tpu.wait_dma2 semaphore(%run_scoped3A_357 : memref<!tpu.dma_semaphore, #tpu.memory_space<semaphore_mem>>) src(%dma_wait3A_375 : memref<80x64xf32, #tpu.memory_space<vmem>>) dst(%dma_wait3A_372 : memref<80x64xf32, #tpu.memory_space<vmem_shared>>)
      tpu.yield
    }) : () -> ()
    %barrier3A_293 = arith.constant 0 : index
    tpu.barrier barrier_id(%barrier3A_293)
    %get3A_294 = arith.constant 3 : i32
    %get3A_295 = arith.constant 0 : i32
    %get3A_296 = arith.index_cast %get3A_294 : i32 to index
    %get3A_297 = arith.index_cast %get3A_295 : i32 to index
    %get3A_298 = arith.constant 0 : index
    %get3A_299 = tpu.vector_load %arg18[%get3A_296, %get3A_297, %get3A_298] {strides = array<i32>} : memref<4x2x64xf32, #tpu.memory_space<vmem>>, vector<16xf32>,
    %get3A_300 = arith.constant 3 : i32
    %get3A_301 = arith.constant 0 : i32
    %get3A_302 = arith.index_cast %get3A_300 : i32 to index
    %get3A_303 = arith.index_cast %get3A_301 : i32 to index
    %get3A_304 = arith.constant 16 : index
    %get3A_305 = tpu.vector_load %arg18[%get3A_302, %get3A_303, %get3A_304] {strides = array<i32>} : memref<4x2x64xf32, #tpu.memory_space<vmem>>, vector<16xf32>,
    %get3A_306 = arith.constant 3 : i32
    %get3A_307 = arith.constant 0 : i32
    %get3A_308 = arith.index_cast %get3A_306 : i32 to index
    %get3A_309 = arith.index_cast %get3A_307 : i32 to index
    %get3A_310 = arith.constant 32 : index
    %get3A_311 = tpu.vector_load %arg18[%get3A_308, %get3A_309, %get3A_310] {strides = array<i32>} : memref<4x2x64xf32, #tpu.memory_space<vmem>>, vector<16xf32>,
    %get3A_312 = arith.constant 3 : i32
    %get3A_313 = arith.constant 0 : i32
    %get3A_314 = arith.index_cast %get3A_312 : i32 to index
    %get3A_315 = arith.index_cast %get3A_313 : i32 to index
    %get3A_316 = arith.constant 48 : index
    %get3A_317 = tpu.vector_load %arg18[%get3A_314, %get3A_315, %get3A_316] {strides = array<i32>} : memref<4x2x64xf32, #tpu.memory_space<vmem>>, vector<16xf32>,
    %get3A_318 = arith.constant 3 : i32
    %get3A_319 = arith.constant 1 : i32
    %get3A_320 = arith.index_cast %get3A_318 : i32 to index
    %get3A_321 = arith.index_cast %get3A_319 : i32 to index
    %get3A_322 = arith.constant 0 : index
    %get3A_323 = tpu.vector_load %arg18[%get3A_320, %get3A_321, %get3A_322] {strides = array<i32>} : memref<4x2x64xf32, #tpu.memory_space<vmem>>, vector<16xf32>,
    %get3A_324 = arith.constant 3 : i32
    %get3A_325 = arith.constant 1 : i32
    %get3A_326 = arith.index_cast %get3A_324 : i32 to index
    %get3A_327 = arith.index_cast %get3A_325 : i32 to index
    %get3A_328 = arith.constant 16 : index
    %get3A_329 = tpu.vector_load %arg18[%get3A_326, %get3A_327, %get3A_328] {strides = array<i32>} : memref<4x2x64xf32, #tpu.memory_space<vmem>>, vector<16xf32>,
    %get3A_330 = arith.constant 3 : i32
    %get3A_331 = arith.constant 1 : i32
    %get3A_332 = arith.index_cast %get3A_330 : i32 to index
    %get3A_333 = arith.index_cast %get3A_331 : i32 to index
    %get3A_334 = arith.constant 32 : index
    %get3A_335 = tpu.vector_load %arg18[%get3A_332, %get3A_333, %get3A_334] {strides = array<i32>} : memref<4x2x64xf32, #tpu.memory_space<vmem>>, vector<16xf32>,
    %get3A_336 = arith.constant 3 : i32
    %get3A_337 = arith.constant 1 : i32
    %get3A_338 = arith.index_cast %get3A_336 : i32 to index
    %get3A_339 = arith.index_cast %get3A_337 : i32 to index
    %get3A_340 = arith.constant 48 : index
    %get3A_341 = tpu.vector_load %arg18[%get3A_338, %get3A_339, %get3A_340] {strides = array<i32>} : memref<4x2x64xf32, #tpu.memory_space<vmem>>, vector<16xf32>,
    %scan3A_342 = arith.constant 0 : i32
    %scan3A_343 = arith.constant 0 : i32
    %scan3A_344 = arith.constant 25 : i32
    %scan3A_345 = arith.addi %scan3A_343, %scan3A_344 : i32
    %scan3A_346 = arith.constant 1 : i32
    scf.for %scan3A_357 = %scan3A_343 to %scan3A_345 step %scan3A_346  : i32 {
      %mul3A_358 = arith.constant 2 : i32
      %mul3A_359 = arith.muli %scan3A_357, %mul3A_358 : i32
      %add3A_360 = arith.constant 0 : i32
      %add3A_361 = arith.addi %mul3A_359, %add3A_360 : i32
      %dma_start3A = arith.constant 3 : i32
      %dma_start3A_362 = arith.constant 0 : i32
      %dma_start3A_363 = tpu.memref_slice %arg9[%add3A_361, %dma_start3A_362] : memref<50x100xi32, #tpu.memory_space<vmem>> -> memref<1x100xi32, #tpu.memory_space<vmem>>
      %dma_start3A_364 = tpu.memref_squeeze %dma_start3A_363 : memref<1x100xi32, #tpu.memory_space<vmem>> -> memref<100xi32, #tpu.memory_space<vmem>>
      %dma_start3A_365 = arith.constant 0 : i32
      %dma_start3A_366 = arith.constant 0 : i32
      %dma_start3A_367 = tpu.memref_slice %arg2[%dma_start3A, %dma_start3A_365, %dma_start3A_366] : memref<8x10000x64xf32, #tpu.memory_space<hbm>> -> memref<1x10000x64xf32, #tpu.memory_space<hbm>>
      %dma_start3A_368 = tpu.memref_squeeze %dma_start3A_367 : memref<1x10000x64xf32, #tpu.memory_space<hbm>> -> memref<10000x64xf32, #tpu.memory_space<hbm>>
      %dma_start3A_369 = arith.constant 0 : i32
      %dma_start3A_370 = arith.constant 0 : i32
      %dma_start3A_371 = tpu.memref_slice %dma_start3A_368[%dma_start3A_369, %dma_start3A_370] : memref<10000x64xf32, #tpu.memory_space<hbm>> -> memref<10000x64xf32, #tpu.memory_space<hbm>>
      tpu.enqueue_indirect_dma source(%dma_start3A_371 : memref<10000x64xf32, #tpu.memory_space<hbm>>) target(%arg11 : memref<100x64xf32, #tpu.memory_space<vmem>>) offsets(%dma_start3A_364 : memref<100xi32, #tpu.memory_space<vmem>>) semaphore(%arg21 : memref<!tpu.dma_semaphore, #tpu.memory_space<semaphore_mem>>)
      %dma_start3A_372 = arith.constant 7 : i32
      %dma_start3A_373 = arith.constant 0 : i32
      %dma_start3A_374 = tpu.memref_slice %arg10[%add3A_361, %dma_start3A_373] : memref<50x100xi32, #tpu.memory_space<vmem>> -> memref<1x100xi32, #tpu.memory_space<vmem>>
      %dma_start3A_375 = tpu.memref_squeeze %dma_start3A_374 : memref<1x100xi32, #tpu.memory_space<vmem>> -> memref<100xi32, #tpu.memory_space<vmem>>
      %dma_start3A_376 = arith.constant 0 : i32
      %dma_start3A_377 = arith.constant 0 : i32
      %dma_start3A_378 = tpu.memref_slice %arg2[%dma_start3A_372, %dma_start3A_376, %dma_start3A_377] : memref<8x10000x64xf32, #tpu.memory_space<hbm>> -> memref<1x10000x64xf32, #tpu.memory_space<hbm>>
      %dma_start3A_379 = tpu.memref_squeeze %dma_start3A_378 : memref<1x10000x64xf32, #tpu.memory_space<hbm>> -> memref<10000x64xf32, #tpu.memory_space<hbm>>
      %dma_start3A_380 = arith.constant 0 : i32
      %dma_start3A_381 = arith.constant 0 : i32
      %dma_start3A_382 = tpu.memref_slice %dma_start3A_379[%dma_start3A_380, %dma_start3A_381] : memref<10000x64xf32, #tpu.memory_space<hbm>> -> memref<10000x64xf32, #tpu.memory_space<hbm>>
      tpu.enqueue_indirect_dma source(%dma_start3A_382 : memref<10000x64xf32, #tpu.memory_space<hbm>>) target(%arg13 : memref<100x64xf32, #tpu.memory_space<vmem>>) offsets(%dma_start3A_375 : memref<100xi32, #tpu.memory_space<vmem>>) semaphore(%arg23 : memref<!tpu.dma_semaphore, #tpu.memory_space<semaphore_mem>>)
      %mul3A_383 = arith.constant 2 : i32
      %mul3A_384 = arith.muli %scan3A_357, %mul3A_383 : i32
      %add3A_385 = arith.constant 1 : i32
      %add3A_386 = arith.addi %mul3A_384, %add3A_385 : i32
      %dma_start3A_387 = arith.constant 3 : i32
      %dma_start3A_388 = arith.constant 0 : i32
      %dma_start3A_389 = tpu.memref_slice %arg9[%add3A_386, %dma_start3A_388] : memref<50x100xi32, #tpu.memory_space<vmem>> -> memref<1x100xi32, #tpu.memory_space<vmem>>
      %dma_start3A_390 = tpu.memref_squeeze %dma_start3A_389 : memref<1x100xi32, #tpu.memory_space<vmem>> -> memref<100xi32, #tpu.memory_space<vmem>>
      %dma_start3A_391 = arith.constant 0 : i32
      %dma_start3A_392 = arith.constant 0 : i32
      %dma_start3A_393 = tpu.memref_slice %arg2[%dma_start3A_387, %dma_start3A_391, %dma_start3A_392] : memref<8x10000x64xf32, #tpu.memory_space<hbm>> -> memref<1x10000x64xf32, #tpu.memory_space<hbm>>
      %dma_start3A_394 = tpu.memref_squeeze %dma_start3A_393 : memref<1x10000x64xf32, #tpu.memory_space<hbm>> -> memref<10000x64xf32, #tpu.memory_space<hbm>>
      %dma_start3A_395 = arith.constant 0 : i32
      %dma_start3A_396 = arith.constant 0 : i32
      %dma_start3A_397 = tpu.memref_slice %dma_start3A_394[%dma_start3A_395, %dma_start3A_396] : memref<10000x64xf32, #tpu.memory_space<hbm>> -> memref<10000x64xf32, #tpu.memory_space<hbm>>
      tpu.enqueue_indirect_dma source(%dma_start3A_397 : memref<10000x64xf32, #tpu.memory_space<hbm>>) target(%arg12 : memref<100x64xf32, #tpu.memory_space<vmem>>) offsets(%dma_start3A_390 : memref<100xi32, #tpu.memory_space<vmem>>) semaphore(%arg22 : memref<!tpu.dma_semaphore, #tpu.memory_space<semaphore_mem>>)
      %dma_start3A_398 = arith.constant 7 : i32
      %dma_start3A_399 = arith.constant 0 : i32
      %dma_start3A_400 = tpu.memref_slice %arg10[%add3A_386, %dma_start3A_399] : memref<50x100xi32, #tpu.memory_space<vmem>> -> memref<1x100xi32, #tpu.memory_space<vmem>>
      %dma_start3A_401 = tpu.memref_squeeze %dma_start3A_400 : memref<1x100xi32, #tpu.memory_space<vmem>> -> memref<100xi32, #tpu.memory_space<vmem>>
      %dma_start3A_402 = arith.constant 0 : i32
      %dma_start3A_403 = arith.constant 0 : i32
      %dma_start3A_404 = tpu.memref_slice %arg2[%dma_start3A_398, %dma_start3A_402, %dma_start3A_403] : memref<8x10000x64xf32, #tpu.memory_space<hbm>> -> memref<1x10000x64xf32, #tpu.memory_space<hbm>>
      %dma_start3A_405 = tpu.memref_squeeze %dma_start3A_404 : memref<1x10000x64xf32, #tpu.memory_space<hbm>> -> memref<10000x64xf32, #tpu.memory_space<hbm>>
      %dma_start3A_406 = arith.constant 0 : i32
      %dma_start3A_407 = arith.constant 0 : i32
      %dma_start3A_408 = tpu.memref_slice %dma_start3A_405[%dma_start3A_406, %dma_start3A_407] : memref<10000x64xf32, #tpu.memory_space<hbm>> -> memref<10000x64xf32, #tpu.memory_space<hbm>>
      tpu.enqueue_indirect_dma source(%dma_start3A_408 : memref<10000x64xf32, #tpu.memory_space<hbm>>) target(%arg14 : memref<100x64xf32, #tpu.memory_space<vmem>>) offsets(%dma_start3A_401 : memref<100xi32, #tpu.memory_space<vmem>>) semaphore(%arg24 : memref<!tpu.dma_semaphore, #tpu.memory_space<semaphore_mem>>)
      %mul3A_409 = arith.constant 2 : i32
      %mul3A_410 = arith.muli %scan3A_357, %mul3A_409 : i32
      %add3A_411 = arith.constant 0 : i32
      %add3A_412 = arith.addi %mul3A_410, %add3A_411 : i32
      %dma_wait3A = arith.constant 3 : i32
      %dma_wait3A_413 = arith.constant 0 : i32
      %dma_wait3A_414 = tpu.memref_slice %arg9[%add3A_361, %dma_wait3A_413] : memref<50x100xi32, #tpu.memory_space<vmem>> -> memref<1x100xi32, #tpu.memory_space<vmem>>
      %dma_wait3A_415 = tpu.memref_squeeze %dma_wait3A_414 : memref<1x100xi32, #tpu.memory_space<vmem>> -> memref<100xi32, #tpu.memory_space<vmem>>
      %dma_wait3A_416 = arith.constant 0 : i32
      %dma_wait3A_417 = arith.constant 0 : i32
      %dma_wait3A_418 = tpu.memref_slice %arg2[%dma_wait3A, %dma_wait3A_416, %dma_wait3A_417] : memref<8x10000x64xf32, #tpu.memory_space<hbm>> -> memref<1x10000x64xf32, #tpu.memory_space<hbm>>
      %dma_wait3A_419 = tpu.memref_squeeze %dma_wait3A_418 : memref<1x10000x64xf32, #tpu.memory_space<hbm>> -> memref<10000x64xf32, #tpu.memory_space<hbm>>
      %dma_wait3A_420 = arith.constant 0 : i32
      %dma_wait3A_421 = arith.constant 0 : i32
      %dma_wait3A_422 = tpu.memref_slice %dma_wait3A_419[%dma_wait3A_420, %dma_wait3A_421] : memref<10000x64xf32, #tpu.memory_space<hbm>> -> memref<10000x64xf32, #tpu.memory_space<hbm>>
      tpu.wait_indirect_dma semaphore(%arg21 : memref<!tpu.dma_semaphore, #tpu.memory_space<semaphore_mem>>) src(%dma_wait3A_422 : memref<10000x64xf32, #tpu.memory_space<hbm>>) dst(%arg11 : memref<100x64xf32, #tpu.memory_space<vmem>>)
      %dma_wait3A_423 = arith.constant 7 : i32
      %dma_wait3A_424 = arith.constant 0 : i32
      %dma_wait3A_425 = tpu.memref_slice %arg10[%add3A_361, %dma_wait3A_424] : memref<50x100xi32, #tpu.memory_space<vmem>> -> memref<1x100xi32, #tpu.memory_space<vmem>>
      %dma_wait3A_426 = tpu.memref_squeeze %dma_wait3A_425 : memref<1x100xi32, #tpu.memory_space<vmem>> -> memref<100xi32, #tpu.memory_space<vmem>>
      %dma_wait3A_427 = arith.constant 0 : i32
      %dma_wait3A_428 = arith.constant 0 : i32
      %dma_wait3A_429 = tpu.memref_slice %arg2[%dma_wait3A_423, %dma_wait3A_427, %dma_wait3A_428] : memref<8x10000x64xf32, #tpu.memory_space<hbm>> -> memref<1x10000x64xf32, #tpu.memory_space<hbm>>
      %dma_wait3A_430 = tpu.memref_squeeze %dma_wait3A_429 : memref<1x10000x64xf32, #tpu.memory_space<hbm>> -> memref<10000x64xf32, #tpu.memory_space<hbm>>
      %dma_wait3A_431 = arith.constant 0 : i32
      %dma_wait3A_432 = arith.constant 0 : i32
      %dma_wait3A_433 = tpu.memref_slice %dma_wait3A_430[%dma_wait3A_431, %dma_wait3A_432] : memref<10000x64xf32, #tpu.memory_space<hbm>> -> memref<10000x64xf32, #tpu.memory_space<hbm>>
      tpu.wait_indirect_dma semaphore(%arg23 : memref<!tpu.dma_semaphore, #tpu.memory_space<semaphore_mem>>) src(%dma_wait3A_433 : memref<10000x64xf32, #tpu.memory_space<hbm>>) dst(%arg13 : memref<100x64xf32, #tpu.memory_space<vmem>>)
      %mul3A_434 = arith.constant 50 : i32
      %mul3A_435 = arith.muli %add3A, %mul3A_434 : i32
      %add3A_436 = arith.addi %mul3A_435, %add3A_412 : i32
      %run_scoped3A_437 = arith.constant 3 : i32
      "tpu.region"() ({
        %run_scoped3A_504 = tpu.sem_alloc : memref<!tpu.dma_semaphore, #tpu.memory_space<semaphore_mem>>
        %dma_start3A_505 = arith.constant 0 : i32
        %dma_start3A_506 = arith.constant 0 : i32
        %dma_start3A_507 = arith.constant 0 : i32
        %dma_start3A_508 = tpu.memref_slice %arg3[%run_scoped3A_437, %dma_start3A_505, %dma_start3A_506, %dma_start3A_507] : memref<4x1600x100x64xf32, #tpu.memory_space<hbm>> -> memref<1x1600x100x64xf32, #tpu.memory_space<hbm>>
        %dma_start3A_509 = tpu.memref_squeeze %dma_start3A_508 : memref<1x1600x100x64xf32, #tpu.memory_space<hbm>> -> memref<1600x100x64xf32, #tpu.memory_space<hbm>>
        %dma_start3A_510 = arith.constant 0 : i32
        %dma_start3A_511 = arith.constant 0 : i32
        %dma_start3A_512 = tpu.memref_slice %dma_start3A_509[%add3A_436, %dma_start3A_510, %dma_start3A_511] : memref<1600x100x64xf32, #tpu.memory_space<hbm>> -> memref<1x100x64xf32, #tpu.memory_space<hbm>>
        %dma_start3A_513 = tpu.memref_squeeze %dma_start3A_512 : memref<1x100x64xf32, #tpu.memory_space<hbm>> -> memref<100x64xf32, #tpu.memory_space<hbm>>
        %dma_start3A_514 = arith.constant 0 : i32
        %dma_start3A_515 = arith.constant 0 : i32
        %dma_start3A_516 = arith.constant 0 : i32
        %dma_start3A_517 = tpu.memref_slice %arg3[%run_scoped3A_437, %dma_start3A_514, %dma_start3A_515, %dma_start3A_516] : memref<4x1600x100x64xf32, #tpu.memory_space<hbm>> -> memref<1x1600x100x64xf32, #tpu.memory_space<hbm>>
        %dma_start3A_518 = tpu.memref_squeeze %dma_start3A_517 : memref<1x1600x100x64xf32, #tpu.memory_space<hbm>> -> memref<1600x100x64xf32, #tpu.memory_space<hbm>>
        %dma_start3A_519 = arith.constant 0 : i32
        %dma_start3A_520 = arith.constant 0 : i32
        %dma_start3A_521 = tpu.memref_slice %dma_start3A_518[%add3A_436, %dma_start3A_519, %dma_start3A_520] : memref<1600x100x64xf32, #tpu.memory_space<hbm>> -> memref<1x100x64xf32, #tpu.memory_space<hbm>>
        %dma_start3A_522 = tpu.memref_squeeze %dma_start3A_521 : memref<1x100x64xf32, #tpu.memory_space<hbm>> -> memref<100x64xf32, #tpu.memory_space<hbm>>
        tpu.enqueue_dma source(%dma_start3A_522 : memref<100x64xf32, #tpu.memory_space<hbm>>) target(%arg16 : memref<100x64xf32, #tpu.memory_space<vmem>>) target_semaphore(%run_scoped3A_504 : memref<!tpu.dma_semaphore, #tpu.memory_space<semaphore_mem>>)
        %dma_wait3A_523 = arith.constant 0 : i32
        %dma_wait3A_524 = arith.constant 0 : i32
        %dma_wait3A_525 = arith.constant 0 : i32
        %dma_wait3A_526 = tpu.memref_slice %arg3[%run_scoped3A_437, %dma_wait3A_523, %dma_wait3A_524, %dma_wait3A_525] : memref<4x1600x100x64xf32, #tpu.memory_space<hbm>> -> memref<1x1600x100x64xf32, #tpu.memory_space<hbm>>
        %dma_wait3A_527 = tpu.memref_squeeze %dma_wait3A_526 : memref<1x1600x100x64xf32, #tpu.memory_space<hbm>> -> memref<1600x100x64xf32, #tpu.memory_space<hbm>>
        %dma_wait3A_528 = arith.constant 0 : i32
        %dma_wait3A_529 = arith.constant 0 : i32
        %dma_wait3A_530 = tpu.memref_slice %dma_wait3A_527[%add3A_436, %dma_wait3A_528, %dma_wait3A_529] : memref<1600x100x64xf32, #tpu.memory_space<hbm>> -> memref<1x100x64xf32, #tpu.memory_space<hbm>>
        %dma_wait3A_531 = tpu.memref_squeeze %dma_wait3A_530 : memref<1x100x64xf32, #tpu.memory_space<hbm>> -> memref<100x64xf32, #tpu.memory_space<hbm>>
        %dma_wait3A_532 = arith.constant 0 : i32
        %dma_wait3A_533 = arith.constant 0 : i32
        %dma_wait3A_534 = arith.constant 0 : i32
        %dma_wait3A_535 = tpu.memref_slice %arg3[%run_scoped3A_437, %dma_wait3A_532, %dma_wait3A_533, %dma_wait3A_534] : memref<4x1600x100x64xf32, #tpu.memory_space<hbm>> -> memref<1x1600x100x64xf32, #tpu.memory_space<hbm>>
        %dma_wait3A_536 = tpu.memref_squeeze %dma_wait3A_535 : memref<1x1600x100x64xf32, #tpu.memory_space<hbm>> -> memref<1600x100x64xf32, #tpu.memory_space<hbm>>
        %dma_wait3A_537 = arith.constant 0 : i32
        %dma_wait3A_538 = arith.constant 0 : i32
        %dma_wait3A_539 = tpu.memref_slice %dma_wait3A_536[%add3A_436, %dma_wait3A_537, %dma_wait3A_538] : memref<1600x100x64xf32, #tpu.memory_space<hbm>> -> memref<1x100x64xf32, #tpu.memory_space<hbm>>
        %dma_wait3A_540 = tpu.memref_squeeze %dma_wait3A_539 : memref<1x100x64xf32, #tpu.memory_space<hbm>> -> memref<100x64xf32, #tpu.memory_space<hbm>>
        tpu.wait_dma2 semaphore(%run_scoped3A_504 : memref<!tpu.dma_semaphore, #tpu.memory_space<semaphore_mem>>) src(%dma_wait3A_540 : memref<100x64xf32, #tpu.memory_space<hbm>>) dst(%arg16 : memref<100x64xf32, #tpu.memory_space<vmem>>)
        tpu.yield
      }) : () -> ()
      %scan3A_438 = arith.constant 0 : i32
      %scan3A_439 = arith.constant 0 : i32
      %scan3A_440 = arith.constant 100 : i32
      %scan3A_441 = arith.addi %scan3A_439, %scan3A_440 : i32
      %scan3A_442 = arith.constant 1 : i32
      scf.for %scan3A_504 = %scan3A_439 to %scan3A_441 step %scan3A_442  : i32 {
        %get3A_505 = arith.index_cast %scan3A_504 : i32 to index
        %get3A_506 = arith.constant 0 : index
        %get3A_507 = tpu.vector_load %arg11[%get3A_505, %get3A_506] {strides = array<i32>} : memref<100x64xf32, #tpu.memory_space<vmem>>, vector<16xf32>,
        %get3A_508 = arith.index_cast %scan3A_504 : i32 to index
        %get3A_509 = arith.constant 0 : index
        %get3A_510 = tpu.vector_load %arg13[%get3A_508, %get3A_509] {strides = array<i32>} : memref<100x64xf32, #tpu.memory_space<vmem>>, vector<16xf32>,
        %add3A_511 = arith.addf %get3A_507, %get3A_510 : vector<16xf32>
        %get3A_512 = arith.index_cast %scan3A_504 : i32 to index
        %get3A_513 = arith.constant 0 : index
        %get3A_514 = tpu.vector_load %arg16[%get3A_512, %get3A_513] {strides = array<i32>} : memref<100x64xf32, #tpu.memory_space<vmem>>, vector<16xf32>,
        %add3A_515 = arith.addf %add3A_511, %get3A_514 : vector<16xf32>
        %max3A = arith.constant 0.000000e+00 : f32
        %max3A_516 = vector.broadcast %max3A : f32 to vector<16xf32>
        %max3A_517 = arith.maximumf %add3A_515, %max3A_516 : vector<16xf32>
        %swap3A = arith.index_cast %scan3A_504 : i32 to index
        %swap3A_518 = arith.constant 0 : index
        %swap3A_519 = tpu.vector_load %arg15[%swap3A, %swap3A_518] {strides = array<i32>} : memref<100x64xf32, #tpu.memory_space<vmem>>, vector<16xf32>,
        tpu.vector_store %arg15[%swap3A, %swap3A_518], %max3A_517 {strides = array<i32>} : memref<100x64xf32, #tpu.memory_space<vmem>>, vector<16xf32>,
        %mul3A_520 = arith.mulf %max3A_517, %get3A_299 : vector<16xf32>
        %add3A_521 = arith.addf %broadcast_in_dim3A_5, %mul3A_520 : vector<16xf32>
        %mul3A_522 = arith.mulf %max3A_517, %get3A_323 : vector<16xf32>
        %add3A_523 = arith.addf %broadcast_in_dim3A_5, %mul3A_522 : vector<16xf32>
        %get3A_524 = arith.index_cast %scan3A_504 : i32 to index
        %get3A_525 = arith.constant 16 : index
        %get3A_526 = tpu.vector_load %arg11[%get3A_524, %get3A_525] {strides = array<i32>} : memref<100x64xf32, #tpu.memory_space<vmem>>, vector<16xf32>,
        %get3A_527 = arith.index_cast %scan3A_504 : i32 to index
        %get3A_528 = arith.constant 16 : index
        %get3A_529 = tpu.vector_load %arg13[%get3A_527, %get3A_528] {strides = array<i32>} : memref<100x64xf32, #tpu.memory_space<vmem>>, vector<16xf32>,
        %add3A_530 = arith.addf %get3A_526, %get3A_529 : vector<16xf32>
        %get3A_531 = arith.index_cast %scan3A_504 : i32 to index
        %get3A_532 = arith.constant 16 : index
        %get3A_533 = tpu.vector_load %arg16[%get3A_531, %get3A_532] {strides = array<i32>} : memref<100x64xf32, #tpu.memory_space<vmem>>, vector<16xf32>,
        %add3A_534 = arith.addf %add3A_530, %get3A_533 : vector<16xf32>
        %max3A_535 = arith.constant 0.000000e+00 : f32
        %max3A_536 = vector.broadcast %max3A_535 : f32 to vector<16xf32>
        %max3A_537 = arith.maximumf %add3A_534, %max3A_536 : vector<16xf32>
        %swap3A_538 = arith.index_cast %scan3A_504 : i32 to index
        %swap3A_539 = arith.constant 16 : index
        %swap3A_540 = tpu.vector_load %arg15[%swap3A_538, %swap3A_539] {strides = array<i32>} : memref<100x64xf32, #tpu.memory_space<vmem>>, vector<16xf32>,
        tpu.vector_store %arg15[%swap3A_538, %swap3A_539], %max3A_537 {strides = array<i32>} : memref<100x64xf32, #tpu.memory_space<vmem>>, vector<16xf32>,
        %mul3A_541 = arith.mulf %max3A_537, %get3A_305 : vector<16xf32>
        %add3A_542 = arith.addf %add3A_521, %mul3A_541 : vector<16xf32>
        %mul3A_543 = arith.mulf %max3A_537, %get3A_329 : vector<16xf32>
        %add3A_544 = arith.addf %add3A_523, %mul3A_543 : vector<16xf32>
        %get3A_545 = arith.index_cast %scan3A_504 : i32 to index
        %get3A_546 = arith.constant 32 : index
        %get3A_547 = tpu.vector_load %arg11[%get3A_545, %get3A_546] {strides = array<i32>} : memref<100x64xf32, #tpu.memory_space<vmem>>, vector<16xf32>,
        %get3A_548 = arith.index_cast %scan3A_504 : i32 to index
        %get3A_549 = arith.constant 32 : index
        %get3A_550 = tpu.vector_load %arg13[%get3A_548, %get3A_549] {strides = array<i32>} : memref<100x64xf32, #tpu.memory_space<vmem>>, vector<16xf32>,
        %add3A_551 = arith.addf %get3A_547, %get3A_550 : vector<16xf32>
        %get3A_552 = arith.index_cast %scan3A_504 : i32 to index
        %get3A_553 = arith.constant 32 : index
        %get3A_554 = tpu.vector_load %arg16[%get3A_552, %get3A_553] {strides = array<i32>} : memref<100x64xf32, #tpu.memory_space<vmem>>, vector<16xf32>,
        %add3A_555 = arith.addf %add3A_551, %get3A_554 : vector<16xf32>
        %max3A_556 = arith.constant 0.000000e+00 : f32
        %max3A_557 = vector.broadcast %max3A_556 : f32 to vector<16xf32>
        %max3A_558 = arith.maximumf %add3A_555, %max3A_557 : vector<16xf32>
        %swap3A_559 = arith.index_cast %scan3A_504 : i32 to index
        %swap3A_560 = arith.constant 32 : index
        %swap3A_561 = tpu.vector_load %arg15[%swap3A_559, %swap3A_560] {strides = array<i32>} : memref<100x64xf32, #tpu.memory_space<vmem>>, vector<16xf32>,
        tpu.vector_store %arg15[%swap3A_559, %swap3A_560], %max3A_558 {strides = array<i32>} : memref<100x64xf32, #tpu.memory_space<vmem>>, vector<16xf32>,
        %mul3A_562 = arith.mulf %max3A_558, %get3A_311 : vector<16xf32>
        %add3A_563 = arith.addf %add3A_542, %mul3A_562 : vector<16xf32>
        %mul3A_564 = arith.mulf %max3A_558, %get3A_335 : vector<16xf32>
        %add3A_565 = arith.addf %add3A_544, %mul3A_564 : vector<16xf32>
        %get3A_566 = arith.index_cast %scan3A_504 : i32 to index
        %get3A_567 = arith.constant 48 : index
        %get3A_568 = tpu.vector_load %arg11[%get3A_566, %get3A_567] {strides = array<i32>} : memref<100x64xf32, #tpu.memory_space<vmem>>, vector<16xf32>,
        %get3A_569 = arith.index_cast %scan3A_504 : i32 to index
        %get3A_570 = arith.constant 48 : index
        %get3A_571 = tpu.vector_load %arg13[%get3A_569, %get3A_570] {strides = array<i32>} : memref<100x64xf32, #tpu.memory_space<vmem>>, vector<16xf32>,
        %add3A_572 = arith.addf %get3A_568, %get3A_571 : vector<16xf32>
        %get3A_573 = arith.index_cast %scan3A_504 : i32 to index
        %get3A_574 = arith.constant 48 : index
        %get3A_575 = tpu.vector_load %arg16[%get3A_573, %get3A_574] {strides = array<i32>} : memref<100x64xf32, #tpu.memory_space<vmem>>, vector<16xf32>,
        %add3A_576 = arith.addf %add3A_572, %get3A_575 : vector<16xf32>
        %max3A_577 = arith.constant 0.000000e+00 : f32
        %max3A_578 = vector.broadcast %max3A_577 : f32 to vector<16xf32>
        %max3A_579 = arith.maximumf %add3A_576, %max3A_578 : vector<16xf32>
        %swap3A_580 = arith.index_cast %scan3A_504 : i32 to index
        %swap3A_581 = arith.constant 48 : index
        %swap3A_582 = tpu.vector_load %arg15[%swap3A_580, %swap3A_581] {strides = array<i32>} : memref<100x64xf32, #tpu.memory_space<vmem>>, vector<16xf32>,
        tpu.vector_store %arg15[%swap3A_580, %swap3A_581], %max3A_579 {strides = array<i32>} : memref<100x64xf32, #tpu.memory_space<vmem>>, vector<16xf32>,
        %mul3A_583 = arith.mulf %max3A_579, %get3A_317 : vector<16xf32>
        %add3A_584 = arith.addf %add3A_563, %mul3A_583 : vector<16xf32>
        %mul3A_585 = arith.mulf %max3A_579, %get3A_341 : vector<16xf32>
        %add3A_586 = arith.addf %add3A_565, %mul3A_585 : vector<16xf32>
        %broadcast_in_dim3A_587 = arith.constant true
        %broadcast_in_dim3A_588 = vector.broadcast %broadcast_in_dim3A_587 : i1 to vector<16xi1>
        %masked_cumsum3A = tpu.scan <sum>, %add3A_584 masked %broadcast_in_dim3A_588 : vector<16xf32>, vector<16xi1> -> vector<16xf32>
        %broadcast_in_dim3A_589 = arith.constant true
        %broadcast_in_dim3A_590 = vector.broadcast %broadcast_in_dim3A_589 : i1 to vector<16xi1>
        %masked_cumsum3A_591 = tpu.scan <sum>, %add3A_586 masked %broadcast_in_dim3A_590 : vector<16xf32>, vector<16xi1> -> vector<16xf32>
        %broadcast_in_dim3A_592 = arith.constant 0 : i32
        %broadcast_in_dim3A_593 = vector.broadcast %broadcast_in_dim3A_592 : i32 to vector<16xi32>
        %mul3A_594 = arith.constant 100 : i32
        %mul3A_595 = arith.muli %add3A_412, %mul3A_594 : i32
        %add3A_596 = arith.addi %mul3A_595, %scan3A_504 : i32
        %add3A_597 = vector.broadcast %add3A_596 : i32 to vector<16xi32>
        %add3A_598 = arith.addi %broadcast_in_dim3A_593, %add3A_597 : vector<16xi32>
        %broadcast_in_dim3A_599 = arith.constant 0 : i32
        %broadcast_in_dim3A_600 = vector.broadcast %broadcast_in_dim3A_599 : i32 to vector<16xi32>
        %add3A_601 = arith.constant 1 : i32
        %add3A_602 = vector.broadcast %add3A_601 : i32 to vector<16xi32>
        %add3A_603 = arith.addi %broadcast_in_dim3A_600, %add3A_602 : vector<16xi32>
        %gather3A = tpu.vector_load_idx %arg17[%add3A_598, %broadcast_in_dim3A_600] masked %eq3A_4 : memref<5000x2xf32, #tpu.memory_space<vmem>>[vector<16xi32>, vector<16xi32>], vector<16xf32>, vector<16xi1>
        %gather3A_604 = tpu.vector_load_idx %arg17[%add3A_598, %add3A_603] masked %eq3A_4 : memref<5000x2xf32, #tpu.memory_space<vmem>>[vector<16xi32>, vector<16xi32>], vector<16xf32>, vector<16xi1>
        %add3A_605 = arith.addf %gather3A, %masked_cumsum3A : vector<16xf32>
        tpu.vector_store_idx %arg17[%add3A_598, %broadcast_in_dim3A_600], %add3A_605 masked %eq3A_4 : memref<5000x2xf32, #tpu.memory_space<vmem>>[vector<16xi32>, vector<16xi32>], vector<16xf32>, vector<16xi1>
        %add3A_606 = arith.addf %gather3A_604, %masked_cumsum3A_591 : vector<16xf32>
        tpu.vector_store_idx %arg17[%add3A_598, %add3A_603], %add3A_606 masked %eq3A_4 : memref<5000x2xf32, #tpu.memory_space<vmem>>[vector<16xi32>, vector<16xi32>], vector<16xf32>, vector<16xi1>
      }
      %scan3A_443 = arith.constant 100 : i32
      %dma_start3A_444 = arith.constant 0 : i32
      %dma_start3A_445 = tpu.memref_slice %arg10[%add3A_412, %dma_start3A_444] : memref<50x100xi32, #tpu.memory_space<vmem>> -> memref<1x100xi32, #tpu.memory_space<vmem>>
      %dma_start3A_446 = tpu.memref_squeeze %dma_start3A_445 : memref<1x100xi32, #tpu.memory_space<vmem>> -> memref<100xi32, #tpu.memory_space<vmem>>
      %dma_start3A_447 = arith.constant 0 : i32
      %dma_start3A_448 = arith.constant 0 : i32
      %dma_start3A_449 = tpu.memref_slice %arg20[%dma_start3A_447, %dma_start3A_448] : memref<10240x64xf32, #tpu.memory_space<vmem_shared>> -> memref<10240x64xf32, #tpu.memory_space<vmem_shared>>
      tpu.enqueue_indirect_dma source(%arg15 : memref<100x64xf32, #tpu.memory_space<vmem>>) target(%dma_start3A_449 : memref<10240x64xf32, #tpu.memory_space<vmem_shared>>) offsets(%dma_start3A_446 : memref<100xi32, #tpu.memory_space<vmem>>) semaphore(%arg25 : memref<!tpu.dma_semaphore, #tpu.memory_space<semaphore_mem>>) {add = true}
      %dma_wait3A_450 = arith.constant 0 : i32
      %dma_wait3A_451 = tpu.memref_slice %arg10[%add3A_412, %dma_wait3A_450] : memref<50x100xi32, #tpu.memory_space<vmem>> -> memref<1x100xi32, #tpu.memory_space<vmem>>
      %dma_wait3A_452 = tpu.memref_squeeze %dma_wait3A_451 : memref<1x100xi32, #tpu.memory_space<vmem>> -> memref<100xi32, #tpu.memory_space<vmem>>
      %dma_wait3A_453 = arith.constant 0 : i32
      %dma_wait3A_454 = arith.constant 0 : i32
      %dma_wait3A_455 = tpu.memref_slice %arg20[%dma_wait3A_453, %dma_wait3A_454] : memref<10240x64xf32, #tpu.memory_space<vmem_shared>> -> memref<10240x64xf32, #tpu.memory_space<vmem_shared>>
      tpu.wait_indirect_dma semaphore(%arg25 : memref<!tpu.dma_semaphore, #tpu.memory_space<semaphore_mem>>) src(%arg15 : memref<100x64xf32, #tpu.memory_space<vmem>>) dst(%dma_wait3A_455 : memref<10240x64xf32, #tpu.memory_space<vmem_shared>>)
      %mul3A_456 = arith.constant 2 : i32
      %mul3A_457 = arith.muli %scan3A_357, %mul3A_456 : i32
      %add3A_458 = arith.constant 1 : i32
      %add3A_459 = arith.addi %mul3A_457, %add3A_458 : i32
      %dma_wait3A_460 = arith.constant 3 : i32
      %dma_wait3A_461 = arith.constant 0 : i32
      %dma_wait3A_462 = tpu.memref_slice %arg9[%add3A_386, %dma_wait3A_461] : memref<50x100xi32, #tpu.memory_space<vmem>> -> memref<1x100xi32, #tpu.memory_space<vmem>>
      %dma_wait3A_463 = tpu.memref_squeeze %dma_wait3A_462 : memref<1x100xi32, #tpu.memory_space<vmem>> -> memref<100xi32, #tpu.memory_space<vmem>>
      %dma_wait3A_464 = arith.constant 0 : i32
      %dma_wait3A_465 = arith.constant 0 : i32
      %dma_wait3A_466 = tpu.memref_slice %arg2[%dma_wait3A_460, %dma_wait3A_464, %dma_wait3A_465] : memref<8x10000x64xf32, #tpu.memory_space<hbm>> -> memref<1x10000x64xf32, #tpu.memory_space<hbm>>
      %dma_wait3A_467 = tpu.memref_squeeze %dma_wait3A_466 : memref<1x10000x64xf32, #tpu.memory_space<hbm>> -> memref<10000x64xf32, #tpu.memory_space<hbm>>
      %dma_wait3A_468 = arith.constant 0 : i32
      %dma_wait3A_469 = arith.constant 0 : i32
      %dma_wait3A_470 = tpu.memref_slice %dma_wait3A_467[%dma_wait3A_468, %dma_wait3A_469] : memref<10000x64xf32, #tpu.memory_space<hbm>> -> memref<10000x64xf32, #tpu.memory_space<hbm>>
      tpu.wait_indirect_dma semaphore(%arg22 : memref<!tpu.dma_semaphore, #tpu.memory_space<semaphore_mem>>) src(%dma_wait3A_470 : memref<10000x64xf32, #tpu.memory_space<hbm>>) dst(%arg12 : memref<100x64xf32, #tpu.memory_space<vmem>>)
      %dma_wait3A_471 = arith.constant 7 : i32
      %dma_wait3A_472 = arith.constant 0 : i32
      %dma_wait3A_473 = tpu.memref_slice %arg10[%add3A_386, %dma_wait3A_472] : memref<50x100xi32, #tpu.memory_space<vmem>> -> memref<1x100xi32, #tpu.memory_space<vmem>>
      %dma_wait3A_474 = tpu.memref_squeeze %dma_wait3A_473 : memref<1x100xi32, #tpu.memory_space<vmem>> -> memref<100xi32, #tpu.memory_space<vmem>>
      %dma_wait3A_475 = arith.constant 0 : i32
      %dma_wait3A_476 = arith.constant 0 : i32
      %dma_wait3A_477 = tpu.memref_slice %arg2[%dma_wait3A_471, %dma_wait3A_475, %dma_wait3A_476] : memref<8x10000x64xf32, #tpu.memory_space<hbm>> -> memref<1x10000x64xf32, #tpu.memory_space<hbm>>
      %dma_wait3A_478 = tpu.memref_squeeze %dma_wait3A_477 : memref<1x10000x64xf32, #tpu.memory_space<hbm>> -> memref<10000x64xf32, #tpu.memory_space<hbm>>
      %dma_wait3A_479 = arith.constant 0 : i32
      %dma_wait3A_480 = arith.constant 0 : i32
      %dma_wait3A_481 = tpu.memref_slice %dma_wait3A_478[%dma_wait3A_479, %dma_wait3A_480] : memref<10000x64xf32, #tpu.memory_space<hbm>> -> memref<10000x64xf32, #tpu.memory_space<hbm>>
      tpu.wait_indirect_dma semaphore(%arg24 : memref<!tpu.dma_semaphore, #tpu.memory_space<semaphore_mem>>) src(%dma_wait3A_481 : memref<10000x64xf32, #tpu.memory_space<hbm>>) dst(%arg14 : memref<100x64xf32, #tpu.memory_space<vmem>>)
      %mul3A_482 = arith.constant 50 : i32
      %mul3A_483 = arith.muli %add3A, %mul3A_482 : i32
      %add3A_484 = arith.addi %mul3A_483, %add3A_459 : i32
      %run_scoped3A_485 = arith.constant 3 : i32
      "tpu.region"() ({
        %run_scoped3A_504 = tpu.sem_alloc : memref<!tpu.dma_semaphore, #tpu.memory_space<semaphore_mem>>
        %dma_start3A_505 = arith.constant 0 : i32
        %dma_start3A_506 = arith.constant 0 : i32
        %dma_start3A_507 = arith.constant 0 : i32
        %dma_start3A_508 = tpu.memref_slice %arg3[%run_scoped3A_485, %dma_start3A_505, %dma_start3A_506, %dma_start3A_507] : memref<4x1600x100x64xf32, #tpu.memory_space<hbm>> -> memref<1x1600x100x64xf32, #tpu.memory_space<hbm>>
        %dma_start3A_509 = tpu.memref_squeeze %dma_start3A_508 : memref<1x1600x100x64xf32, #tpu.memory_space<hbm>> -> memref<1600x100x64xf32, #tpu.memory_space<hbm>>
        %dma_start3A_510 = arith.constant 0 : i32
        %dma_start3A_511 = arith.constant 0 : i32
        %dma_start3A_512 = tpu.memref_slice %dma_start3A_509[%add3A_484, %dma_start3A_510, %dma_start3A_511] : memref<1600x100x64xf32, #tpu.memory_space<hbm>> -> memref<1x100x64xf32, #tpu.memory_space<hbm>>
        %dma_start3A_513 = tpu.memref_squeeze %dma_start3A_512 : memref<1x100x64xf32, #tpu.memory_space<hbm>> -> memref<100x64xf32, #tpu.memory_space<hbm>>
        %dma_start3A_514 = arith.constant 0 : i32
        %dma_start3A_515 = arith.constant 0 : i32
        %dma_start3A_516 = arith.constant 0 : i32
        %dma_start3A_517 = tpu.memref_slice %arg3[%run_scoped3A_485, %dma_start3A_514, %dma_start3A_515, %dma_start3A_516] : memref<4x1600x100x64xf32, #tpu.memory_space<hbm>> -> memref<1x1600x100x64xf32, #tpu.memory_space<hbm>>
        %dma_start3A_518 = tpu.memref_squeeze %dma_start3A_517 : memref<1x1600x100x64xf32, #tpu.memory_space<hbm>> -> memref<1600x100x64xf32, #tpu.memory_space<hbm>>
        %dma_start3A_519 = arith.constant 0 : i32
        %dma_start3A_520 = arith.constant 0 : i32
        %dma_start3A_521 = tpu.memref_slice %dma_start3A_518[%add3A_484, %dma_start3A_519, %dma_start3A_520] : memref<1600x100x64xf32, #tpu.memory_space<hbm>> -> memref<1x100x64xf32, #tpu.memory_space<hbm>>
        %dma_start3A_522 = tpu.memref_squeeze %dma_start3A_521 : memref<1x100x64xf32, #tpu.memory_space<hbm>> -> memref<100x64xf32, #tpu.memory_space<hbm>>
        tpu.enqueue_dma source(%dma_start3A_522 : memref<100x64xf32, #tpu.memory_space<hbm>>) target(%arg16 : memref<100x64xf32, #tpu.memory_space<vmem>>) target_semaphore(%run_scoped3A_504 : memref<!tpu.dma_semaphore, #tpu.memory_space<semaphore_mem>>)
        %dma_wait3A_523 = arith.constant 0 : i32
        %dma_wait3A_524 = arith.constant 0 : i32
        %dma_wait3A_525 = arith.constant 0 : i32
        %dma_wait3A_526 = tpu.memref_slice %arg3[%run_scoped3A_485, %dma_wait3A_523, %dma_wait3A_524, %dma_wait3A_525] : memref<4x1600x100x64xf32, #tpu.memory_space<hbm>> -> memref<1x1600x100x64xf32, #tpu.memory_space<hbm>>
        %dma_wait3A_527 = tpu.memref_squeeze %dma_wait3A_526 : memref<1x1600x100x64xf32, #tpu.memory_space<hbm>> -> memref<1600x100x64xf32, #tpu.memory_space<hbm>>
        %dma_wait3A_528 = arith.constant 0 : i32
        %dma_wait3A_529 = arith.constant 0 : i32
        %dma_wait3A_530 = tpu.memref_slice %dma_wait3A_527[%add3A_484, %dma_wait3A_528, %dma_wait3A_529] : memref<1600x100x64xf32, #tpu.memory_space<hbm>> -> memref<1x100x64xf32, #tpu.memory_space<hbm>>
        %dma_wait3A_531 = tpu.memref_squeeze %dma_wait3A_530 : memref<1x100x64xf32, #tpu.memory_space<hbm>> -> memref<100x64xf32, #tpu.memory_space<hbm>>
        %dma_wait3A_532 = arith.constant 0 : i32
        %dma_wait3A_533 = arith.constant 0 : i32
        %dma_wait3A_534 = arith.constant 0 : i32
        %dma_wait3A_535 = tpu.memref_slice %arg3[%run_scoped3A_485, %dma_wait3A_532, %dma_wait3A_533, %dma_wait3A_534] : memref<4x1600x100x64xf32, #tpu.memory_space<hbm>> -> memref<1x1600x100x64xf32, #tpu.memory_space<hbm>>
        %dma_wait3A_536 = tpu.memref_squeeze %dma_wait3A_535 : memref<1x1600x100x64xf32, #tpu.memory_space<hbm>> -> memref<1600x100x64xf32, #tpu.memory_space<hbm>>
        %dma_wait3A_537 = arith.constant 0 : i32
        %dma_wait3A_538 = arith.constant 0 : i32
        %dma_wait3A_539 = tpu.memref_slice %dma_wait3A_536[%add3A_484, %dma_wait3A_537, %dma_wait3A_538] : memref<1600x100x64xf32, #tpu.memory_space<hbm>> -> memref<1x100x64xf32, #tpu.memory_space<hbm>>
        %dma_wait3A_540 = tpu.memref_squeeze %dma_wait3A_539 : memref<1x100x64xf32, #tpu.memory_space<hbm>> -> memref<100x64xf32, #tpu.memory_space<hbm>>
        tpu.wait_dma2 semaphore(%run_scoped3A_504 : memref<!tpu.dma_semaphore, #tpu.memory_space<semaphore_mem>>) src(%dma_wait3A_540 : memref<100x64xf32, #tpu.memory_space<hbm>>) dst(%arg16 : memref<100x64xf32, #tpu.memory_space<vmem>>)
        tpu.yield
      }) : () -> ()
      %scan3A_486 = arith.constant 0 : i32
      %scan3A_487 = arith.constant 0 : i32
      %scan3A_488 = arith.constant 100 : i32
      %scan3A_489 = arith.addi %scan3A_487, %scan3A_488 : i32
      %scan3A_490 = arith.constant 1 : i32
      scf.for %scan3A_504 = %scan3A_487 to %scan3A_489 step %scan3A_490  : i32 {
        %get3A_505 = arith.index_cast %scan3A_504 : i32 to index
        %get3A_506 = arith.constant 0 : index
        %get3A_507 = tpu.vector_load %arg12[%get3A_505, %get3A_506] {strides = array<i32>} : memref<100x64xf32, #tpu.memory_space<vmem>>, vector<16xf32>,
        %get3A_508 = arith.index_cast %scan3A_504 : i32 to index
        %get3A_509 = arith.constant 0 : index
        %get3A_510 = tpu.vector_load %arg14[%get3A_508, %get3A_509] {strides = array<i32>} : memref<100x64xf32, #tpu.memory_space<vmem>>, vector<16xf32>,
        %add3A_511 = arith.addf %get3A_507, %get3A_510 : vector<16xf32>
        %get3A_512 = arith.index_cast %scan3A_504 : i32 to index
        %get3A_513 = arith.constant 0 : index
        %get3A_514 = tpu.vector_load %arg16[%get3A_512, %get3A_513] {strides = array<i32>} : memref<100x64xf32, #tpu.memory_space<vmem>>, vector<16xf32>,
        %add3A_515 = arith.addf %add3A_511, %get3A_514 : vector<16xf32>
        %max3A = arith.constant 0.000000e+00 : f32
        %max3A_516 = vector.broadcast %max3A : f32 to vector<16xf32>
        %max3A_517 = arith.maximumf %add3A_515, %max3A_516 : vector<16xf32>
        %swap3A = arith.index_cast %scan3A_504 : i32 to index
        %swap3A_518 = arith.constant 0 : index
        %swap3A_519 = tpu.vector_load %arg15[%swap3A, %swap3A_518] {strides = array<i32>} : memref<100x64xf32, #tpu.memory_space<vmem>>, vector<16xf32>,
        tpu.vector_store %arg15[%swap3A, %swap3A_518], %max3A_517 {strides = array<i32>} : memref<100x64xf32, #tpu.memory_space<vmem>>, vector<16xf32>,
        %mul3A_520 = arith.mulf %max3A_517, %get3A_299 : vector<16xf32>
        %add3A_521 = arith.addf %broadcast_in_dim3A_5, %mul3A_520 : vector<16xf32>
        %mul3A_522 = arith.mulf %max3A_517, %get3A_323 : vector<16xf32>
        %add3A_523 = arith.addf %broadcast_in_dim3A_5, %mul3A_522 : vector<16xf32>
        %get3A_524 = arith.index_cast %scan3A_504 : i32 to index
        %get3A_525 = arith.constant 16 : index
        %get3A_526 = tpu.vector_load %arg12[%get3A_524, %get3A_525] {strides = array<i32>} : memref<100x64xf32, #tpu.memory_space<vmem>>, vector<16xf32>,
        %get3A_527 = arith.index_cast %scan3A_504 : i32 to index
        %get3A_528 = arith.constant 16 : index
        %get3A_529 = tpu.vector_load %arg14[%get3A_527, %get3A_528] {strides = array<i32>} : memref<100x64xf32, #tpu.memory_space<vmem>>, vector<16xf32>,
        %add3A_530 = arith.addf %get3A_526, %get3A_529 : vector<16xf32>
        %get3A_531 = arith.index_cast %scan3A_504 : i32 to index
        %get3A_532 = arith.constant 16 : index
        %get3A_533 = tpu.vector_load %arg16[%get3A_531, %get3A_532] {strides = array<i32>} : memref<100x64xf32, #tpu.memory_space<vmem>>, vector<16xf32>,
        %add3A_534 = arith.addf %add3A_530, %get3A_533 : vector<16xf32>
        %max3A_535 = arith.constant 0.000000e+00 : f32
        %max3A_536 = vector.broadcast %max3A_535 : f32 to vector<16xf32>
        %max3A_537 = arith.maximumf %add3A_534, %max3A_536 : vector<16xf32>
        %swap3A_538 = arith.index_cast %scan3A_504 : i32 to index
        %swap3A_539 = arith.constant 16 : index
        %swap3A_540 = tpu.vector_load %arg15[%swap3A_538, %swap3A_539] {strides = array<i32>} : memref<100x64xf32, #tpu.memory_space<vmem>>, vector<16xf32>,
        tpu.vector_store %arg15[%swap3A_538, %swap3A_539], %max3A_537 {strides = array<i32>} : memref<100x64xf32, #tpu.memory_space<vmem>>, vector<16xf32>,
        %mul3A_541 = arith.mulf %max3A_537, %get3A_305 : vector<16xf32>
        %add3A_542 = arith.addf %add3A_521, %mul3A_541 : vector<16xf32>
        %mul3A_543 = arith.mulf %max3A_537, %get3A_329 : vector<16xf32>
        %add3A_544 = arith.addf %add3A_523, %mul3A_543 : vector<16xf32>
        %get3A_545 = arith.index_cast %scan3A_504 : i32 to index
        %get3A_546 = arith.constant 32 : index
        %get3A_547 = tpu.vector_load %arg12[%get3A_545, %get3A_546] {strides = array<i32>} : memref<100x64xf32, #tpu.memory_space<vmem>>, vector<16xf32>,
        %get3A_548 = arith.index_cast %scan3A_504 : i32 to index
        %get3A_549 = arith.constant 32 : index
        %get3A_550 = tpu.vector_load %arg14[%get3A_548, %get3A_549] {strides = array<i32>} : memref<100x64xf32, #tpu.memory_space<vmem>>, vector<16xf32>,
        %add3A_551 = arith.addf %get3A_547, %get3A_550 : vector<16xf32>
        %get3A_552 = arith.index_cast %scan3A_504 : i32 to index
        %get3A_553 = arith.constant 32 : index
        %get3A_554 = tpu.vector_load %arg16[%get3A_552, %get3A_553] {strides = array<i32>} : memref<100x64xf32, #tpu.memory_space<vmem>>, vector<16xf32>,
        %add3A_555 = arith.addf %add3A_551, %get3A_554 : vector<16xf32>
        %max3A_556 = arith.constant 0.000000e+00 : f32
        %max3A_557 = vector.broadcast %max3A_556 : f32 to vector<16xf32>
        %max3A_558 = arith.maximumf %add3A_555, %max3A_557 : vector<16xf32>
        %swap3A_559 = arith.index_cast %scan3A_504 : i32 to index
        %swap3A_560 = arith.constant 32 : index
        %swap3A_561 = tpu.vector_load %arg15[%swap3A_559, %swap3A_560] {strides = array<i32>} : memref<100x64xf32, #tpu.memory_space<vmem>>, vector<16xf32>,
        tpu.vector_store %arg15[%swap3A_559, %swap3A_560], %max3A_558 {strides = array<i32>} : memref<100x64xf32, #tpu.memory_space<vmem>>, vector<16xf32>,
        %mul3A_562 = arith.mulf %max3A_558, %get3A_311 : vector<16xf32>
        %add3A_563 = arith.addf %add3A_542, %mul3A_562 : vector<16xf32>
        %mul3A_564 = arith.mulf %max3A_558, %get3A_335 : vector<16xf32>
        %add3A_565 = arith.addf %add3A_544, %mul3A_564 : vector<16xf32>
        %get3A_566 = arith.index_cast %scan3A_504 : i32 to index
        %get3A_567 = arith.constant 48 : index
        %get3A_568 = tpu.vector_load %arg12[%get3A_566, %get3A_567] {strides = array<i32>} : memref<100x64xf32, #tpu.memory_space<vmem>>, vector<16xf32>,
        %get3A_569 = arith.index_cast %scan3A_504 : i32 to index
        %get3A_570 = arith.constant 48 : index
        %get3A_571 = tpu.vector_load %arg14[%get3A_569, %get3A_570] {strides = array<i32>} : memref<100x64xf32, #tpu.memory_space<vmem>>, vector<16xf32>,
        %add3A_572 = arith.addf %get3A_568, %get3A_571 : vector<16xf32>
        %get3A_573 = arith.index_cast %scan3A_504 : i32 to index
        %get3A_574 = arith.constant 48 : index
        %get3A_575 = tpu.vector_load %arg16[%get3A_573, %get3A_574] {strides = array<i32>} : memref<100x64xf32, #tpu.memory_space<vmem>>, vector<16xf32>,
        %add3A_576 = arith.addf %add3A_572, %get3A_575 : vector<16xf32>
        %max3A_577 = arith.constant 0.000000e+00 : f32
        %max3A_578 = vector.broadcast %max3A_577 : f32 to vector<16xf32>
        %max3A_579 = arith.maximumf %add3A_576, %max3A_578 : vector<16xf32>
        %swap3A_580 = arith.index_cast %scan3A_504 : i32 to index
        %swap3A_581 = arith.constant 48 : index
        %swap3A_582 = tpu.vector_load %arg15[%swap3A_580, %swap3A_581] {strides = array<i32>} : memref<100x64xf32, #tpu.memory_space<vmem>>, vector<16xf32>,
        tpu.vector_store %arg15[%swap3A_580, %swap3A_581], %max3A_579 {strides = array<i32>} : memref<100x64xf32, #tpu.memory_space<vmem>>, vector<16xf32>,
        %mul3A_583 = arith.mulf %max3A_579, %get3A_317 : vector<16xf32>
        %add3A_584 = arith.addf %add3A_563, %mul3A_583 : vector<16xf32>
        %mul3A_585 = arith.mulf %max3A_579, %get3A_341 : vector<16xf32>
        %add3A_586 = arith.addf %add3A_565, %mul3A_585 : vector<16xf32>
        %broadcast_in_dim3A_587 = arith.constant true
        %broadcast_in_dim3A_588 = vector.broadcast %broadcast_in_dim3A_587 : i1 to vector<16xi1>
        %masked_cumsum3A = tpu.scan <sum>, %add3A_584 masked %broadcast_in_dim3A_588 : vector<16xf32>, vector<16xi1> -> vector<16xf32>
        %broadcast_in_dim3A_589 = arith.constant true
        %broadcast_in_dim3A_590 = vector.broadcast %broadcast_in_dim3A_589 : i1 to vector<16xi1>
        %masked_cumsum3A_591 = tpu.scan <sum>, %add3A_586 masked %broadcast_in_dim3A_590 : vector<16xf32>, vector<16xi1> -> vector<16xf32>
        %broadcast_in_dim3A_592 = arith.constant 0 : i32
        %broadcast_in_dim3A_593 = vector.broadcast %broadcast_in_dim3A_592 : i32 to vector<16xi32>
        %mul3A_594 = arith.constant 100 : i32
        %mul3A_595 = arith.muli %add3A_459, %mul3A_594 : i32
        %add3A_596 = arith.addi %mul3A_595, %scan3A_504 : i32
        %add3A_597 = vector.broadcast %add3A_596 : i32 to vector<16xi32>
        %add3A_598 = arith.addi %broadcast_in_dim3A_593, %add3A_597 : vector<16xi32>
        %broadcast_in_dim3A_599 = arith.constant 0 : i32
        %broadcast_in_dim3A_600 = vector.broadcast %broadcast_in_dim3A_599 : i32 to vector<16xi32>
        %add3A_601 = arith.constant 1 : i32
        %add3A_602 = vector.broadcast %add3A_601 : i32 to vector<16xi32>
        %add3A_603 = arith.addi %broadcast_in_dim3A_600, %add3A_602 : vector<16xi32>
        %gather3A = tpu.vector_load_idx %arg17[%add3A_598, %broadcast_in_dim3A_600] masked %eq3A_4 : memref<5000x2xf32, #tpu.memory_space<vmem>>[vector<16xi32>, vector<16xi32>], vector<16xf32>, vector<16xi1>
        %gather3A_604 = tpu.vector_load_idx %arg17[%add3A_598, %add3A_603] masked %eq3A_4 : memref<5000x2xf32, #tpu.memory_space<vmem>>[vector<16xi32>, vector<16xi32>], vector<16xf32>, vector<16xi1>
        %add3A_605 = arith.addf %gather3A, %masked_cumsum3A : vector<16xf32>
        tpu.vector_store_idx %arg17[%add3A_598, %broadcast_in_dim3A_600], %add3A_605 masked %eq3A_4 : memref<5000x2xf32, #tpu.memory_space<vmem>>[vector<16xi32>, vector<16xi32>], vector<16xf32>, vector<16xi1>
        %add3A_606 = arith.addf %gather3A_604, %masked_cumsum3A_591 : vector<16xf32>
        tpu.vector_store_idx %arg17[%add3A_598, %add3A_603], %add3A_606 masked %eq3A_4 : memref<5000x2xf32, #tpu.memory_space<vmem>>[vector<16xi32>, vector<16xi32>], vector<16xf32>, vector<16xi1>
      }
      %scan3A_491 = arith.constant 100 : i32
      %dma_start3A_492 = arith.constant 0 : i32
      %dma_start3A_493 = tpu.memref_slice %arg10[%add3A_459, %dma_start3A_492] : memref<50x100xi32, #tpu.memory_space<vmem>> -> memref<1x100xi32, #tpu.memory_space<vmem>>
      %dma_start3A_494 = tpu.memref_squeeze %dma_start3A_493 : memref<1x100xi32, #tpu.memory_space<vmem>> -> memref<100xi32, #tpu.memory_space<vmem>>
      %dma_start3A_495 = arith.constant 0 : i32
      %dma_start3A_496 = arith.constant 0 : i32
      %dma_start3A_497 = tpu.memref_slice %arg20[%dma_start3A_495, %dma_start3A_496] : memref<10240x64xf32, #tpu.memory_space<vmem_shared>> -> memref<10240x64xf32, #tpu.memory_space<vmem_shared>>
      tpu.enqueue_indirect_dma source(%arg15 : memref<100x64xf32, #tpu.memory_space<vmem>>) target(%dma_start3A_497 : memref<10240x64xf32, #tpu.memory_space<vmem_shared>>) offsets(%dma_start3A_494 : memref<100xi32, #tpu.memory_space<vmem>>) semaphore(%arg25 : memref<!tpu.dma_semaphore, #tpu.memory_space<semaphore_mem>>) {add = true}
      %dma_wait3A_498 = arith.constant 0 : i32
      %dma_wait3A_499 = tpu.memref_slice %arg10[%add3A_459, %dma_wait3A_498] : memref<50x100xi32, #tpu.memory_space<vmem>> -> memref<1x100xi32, #tpu.memory_space<vmem>>
      %dma_wait3A_500 = tpu.memref_squeeze %dma_wait3A_499 : memref<1x100xi32, #tpu.memory_space<vmem>> -> memref<100xi32, #tpu.memory_space<vmem>>
      %dma_wait3A_501 = arith.constant 0 : i32
      %dma_wait3A_502 = arith.constant 0 : i32
      %dma_wait3A_503 = tpu.memref_slice %arg20[%dma_wait3A_501, %dma_wait3A_502] : memref<10240x64xf32, #tpu.memory_space<vmem_shared>> -> memref<10240x64xf32, #tpu.memory_space<vmem_shared>>
      tpu.wait_indirect_dma semaphore(%arg25 : memref<!tpu.dma_semaphore, #tpu.memory_space<semaphore_mem>>) src(%arg15 : memref<100x64xf32, #tpu.memory_space<vmem>>) dst(%dma_wait3A_503 : memref<10240x64xf32, #tpu.memory_space<vmem_shared>>)
    }
    %scan3A_347 = arith.constant 25 : i32
    %barrier3A_348 = arith.constant 0 : index
    tpu.barrier barrier_id(%barrier3A_348)
    %mul3A_349 = arith.constant 640 : i32
    %mul3A_350 = arith.muli %arg1, %mul3A_349 : i32
    %mul3A_351 = arith.constant 640 : i32
    %mul3A_352 = arith.muli %arg1, %mul3A_351 : i32
    %run_scoped3A_353 = arith.constant 3 : i32
    "tpu.region"() ({
      %run_scoped3A_357 = tpu.sem_alloc : memref<!tpu.dma_semaphore, #tpu.memory_space<semaphore_mem>>
      %dma_start3A = arith.constant 0 : i32
      %dma_start3A_358 = tpu.memref_slice %arg8[%arg0, %run_scoped3A_353, %mul3A_352, %dma_start3A] : memref<2x4x10240x64xf32, #tpu.memory_space<hbm>> -> memref<1x1x640x64xf32, #tpu.memory_space<hbm>>
      %dma_start3A_359 = tpu.memref_squeeze %dma_start3A_358 : memref<1x1x640x64xf32, #tpu.memory_space<hbm>> -> memref<640x64xf32, #tpu.memory_space<hbm>>
      %dma_start3A_360 = arith.constant 0 : i32
      %dma_start3A_361 = tpu.memref_slice %arg20[%mul3A_350, %dma_start3A_360] : memref<10240x64xf32, #tpu.memory_space<vmem_shared>> -> memref<640x64xf32, #tpu.memory_space<vmem_shared>>
      tpu.enqueue_dma source(%dma_start3A_361 : memref<640x64xf32, #tpu.memory_space<vmem_shared>>) target(%dma_start3A_359 : memref<640x64xf32, #tpu.memory_space<hbm>>) target_semaphore(%run_scoped3A_357 : memref<!tpu.dma_semaphore, #tpu.memory_space<semaphore_mem>>)
      %dma_wait3A = arith.constant 0 : i32
      %dma_wait3A_362 = tpu.memref_slice %arg8[%arg0, %run_scoped3A_353, %mul3A_352, %dma_wait3A] : memref<2x4x10240x64xf32, #tpu.memory_space<hbm>> -> memref<1x1x640x64xf32, #tpu.memory_space<hbm>>
      %dma_wait3A_363 = tpu.memref_squeeze %dma_wait3A_362 : memref<1x1x640x64xf32, #tpu.memory_space<hbm>> -> memref<640x64xf32, #tpu.memory_space<hbm>>
      %dma_wait3A_364 = arith.constant 0 : i32
      %dma_wait3A_365 = tpu.memref_slice %arg20[%mul3A_350, %dma_wait3A_364] : memref<10240x64xf32, #tpu.memory_space<vmem_shared>> -> memref<640x64xf32, #tpu.memory_space<vmem_shared>>
      tpu.wait_dma2 semaphore(%run_scoped3A_357 : memref<!tpu.dma_semaphore, #tpu.memory_space<semaphore_mem>>) src(%dma_wait3A_365 : memref<640x64xf32, #tpu.memory_space<vmem_shared>>) dst(%dma_wait3A_363 : memref<640x64xf32, #tpu.memory_space<hbm>>)
      tpu.yield
    }) : () -> ()
    %barrier3A_354 = arith.constant 0 : index
    tpu.barrier barrier_id(%barrier3A_354)
    %mul3A_355 = arith.constant 5000 : i32
    %mul3A_356 = arith.muli %add3A, %mul3A_355 : i32
    "tpu.region"() ({
      %run_scoped3A_357 = tpu.sem_alloc : memref<!tpu.dma_semaphore, #tpu.memory_space<semaphore_mem>>
      %dma_start3A = arith.constant 0 : i32
      %dma_start3A_358 = tpu.memref_slice %arg7[%mul3A_356, %dma_start3A] : memref<160000x2xf32, #tpu.memory_space<hbm>> -> memref<5000x2xf32, #tpu.memory_space<hbm>>
      %dma_start3A_359 = arith.constant 0 : i32
      %dma_start3A_360 = tpu.memref_slice %arg7[%mul3A_356, %dma_start3A_359] : memref<160000x2xf32, #tpu.memory_space<hbm>> -> memref<5000x2xf32, #tpu.memory_space<hbm>>
      tpu.enqueue_dma source(%arg17 : memref<5000x2xf32, #tpu.memory_space<vmem>>) target(%dma_start3A_360 : memref<5000x2xf32, #tpu.memory_space<hbm>>) target_semaphore(%run_scoped3A_357 : memref<!tpu.dma_semaphore, #tpu.memory_space<semaphore_mem>>)
      %dma_wait3A = arith.constant 0 : i32
      %dma_wait3A_361 = tpu.memref_slice %arg7[%mul3A_356, %dma_wait3A] : memref<160000x2xf32, #tpu.memory_space<hbm>> -> memref<5000x2xf32, #tpu.memory_space<hbm>>
      %dma_wait3A_362 = arith.constant 0 : i32
      %dma_wait3A_363 = tpu.memref_slice %arg7[%mul3A_356, %dma_wait3A_362] : memref<160000x2xf32, #tpu.memory_space<hbm>> -> memref<5000x2xf32, #tpu.memory_space<hbm>>
      tpu.wait_dma2 semaphore(%run_scoped3A_357 : memref<!tpu.dma_semaphore, #tpu.memory_space<semaphore_mem>>) src(%arg17 : memref<5000x2xf32, #tpu.memory_space<vmem>>) dst(%dma_wait3A_363 : memref<5000x2xf32, #tpu.memory_space<hbm>>)
      tpu.yield
    }) : () -> ()
    return
  }
}

module attributes {stable_mosaic.version = 14 : i64} {
  func.func @_tables_body(%arg0: i32, %arg1: i32, %arg2: memref<2000x256xf32, #tpu.memory_space<vmem>>, %arg3: memref<1x256x64xf32, #tpu.memory_space<vmem>>, %arg4: memref<1x2000x64xf32, #tpu.memory_space<vmem>>) attributes {dimension_semantics = [#tpu.dimension_semantics<arbitrary>, #tpu.dimension_semantics<arbitrary>], iteration_bounds = array<i64: 5, 8>, scalar_prefetch = 0 : i64, scratch_operands = 0 : i64, tpu.core_type = #tpu.core_type<tc>, window_params = [{transform_indices = @transform_0, window_bounds = array<i64: 2000, 256>}, {transform_indices = @transform_1, window_bounds = array<i64: 1, 256, 64>}, {transform_indices = @transform_2, window_bounds = array<i64: 1, 2000, 64>}]} {
    %get3A = arith.constant 0 : index
    %get3A_0 = arith.constant 0 : index
    %get3A_1 = vector.load %arg2[%get3A, %get3A_0] : memref<2000x256xf32, #tpu.memory_space<vmem>>, vector<2000x256xf32>
    %get3A_2 = arith.constant 0 : index
    %get3A_3 = arith.constant 0 : index
    %get3A_4 = arith.constant 0 : index
    %get3A_5 = vector.load %arg3[%get3A_2, %get3A_3, %get3A_4] : memref<1x256x64xf32, #tpu.memory_space<vmem>>, vector<1x256x64xf32>
    %get3A_6 = vector.shape_cast %get3A_5 : vector<1x256x64xf32> to vector<256x64xf32>
    %dot_general3A = arith.constant dense<0.000000e+00> : vector<2000x64xf32>
    %dot_general3A_7 = tpu.matmul %get3A_1, %get3A_6, %dot_general3A {dimension_numbers = #tpu.dot_dimension_numbers<[1], [0], [0], [1], [0, 0, 1, 1], [], []>, transpose_lhs_hint = false} : vector<2000x256xf32>, vector<256x64xf32>, vector<2000x64xf32> -> vector<2000x64xf32>
    %swap3A = arith.constant 0 : index
    %swap3A_8 = arith.constant 0 : index
    %swap3A_9 = arith.constant 0 : index
    %swap3A_10 = vector.load %arg4[%swap3A, %swap3A_8, %swap3A_9] : memref<1x2000x64xf32, #tpu.memory_space<vmem>>, vector<1x2000x64xf32>
    %swap3A_11 = vector.shape_cast %swap3A_10 : vector<1x2000x64xf32> to vector<2000x64xf32>
    %swap3A_12 = vector.shape_cast %dot_general3A_7 : vector<2000x64xf32> to vector<1x2000x64xf32>
    tpu.vector_store %arg4[%swap3A, %swap3A_8, %swap3A_9], %swap3A_12 {strides = array<i32>} : memref<1x2000x64xf32, #tpu.memory_space<vmem>>, vector<1x2000x64xf32>,
    return
  }
  func.func @transform_0(%arg0: i32, %arg1: i32) -> (i32, i32) {
    %c0_i32 = arith.constant 0 : i32
    %c0_i32_0 = arith.constant 0 : i32
    return %arg0, %c0_i32 : i32, i32
  }
  func.func @transform_1(%arg0: i32, %arg1: i32) -> (i32, i32, i32) {
    %c0_i32 = arith.constant 0 : i32
    %c0_i32_0 = arith.constant 0 : i32
    %c0_i32_1 = arith.constant 0 : i32
    return %arg1, %c0_i32, %c0_i32_0 : i32, i32, i32
  }
  func.func @transform_2(%arg0: i32, %arg1: i32) -> (i32, i32, i32) {
    %c0_i32 = arith.constant 0 : i32
    %c0_i32_0 = arith.constant 0 : i32
    return %arg1, %arg0, %c0_i32 : i32, i32, i32
  }
}

module attributes {stable_mosaic.version = 14 : i64} {
  func.func @_ec_body(%arg0: i32, %arg1: i32, %arg2: memref<4000x16xf32, #tpu.memory_space<vmem>>, %arg3: memref<1x16x64xf32, #tpu.memory_space<vmem>>, %arg4: memref<1x1x64xf32, #tpu.memory_space<vmem>>, %arg5: memref<1x40x100x64xf32, #tpu.memory_space<vmem>>) attributes {dimension_semantics = [#tpu.dimension_semantics<arbitrary>, #tpu.dimension_semantics<arbitrary>], iteration_bounds = array<i64: 40, 4>, scalar_prefetch = 0 : i64, scratch_operands = 0 : i64, tpu.core_type = #tpu.core_type<tc>, window_params = [{transform_indices = @transform_0, window_bounds = array<i64: 4000, 16>}, {transform_indices = @transform_1, window_bounds = array<i64: 1, 16, 64>}, {transform_indices = @transform_2, window_bounds = array<i64: 1, 1, 64>}, {transform_indices = @transform_3, window_bounds = array<i64: 1, 40, 100, 64>}]} {
    %get3A = arith.constant 0 : index
    %get3A_0 = arith.constant 0 : index
    %get3A_1 = vector.load %arg2[%get3A, %get3A_0] : memref<4000x16xf32, #tpu.memory_space<vmem>>, vector<4000x16xf32>
    %get3A_2 = arith.constant 0 : index
    %get3A_3 = arith.constant 0 : index
    %get3A_4 = arith.constant 0 : index
    %get3A_5 = vector.load %arg3[%get3A_2, %get3A_3, %get3A_4] : memref<1x16x64xf32, #tpu.memory_space<vmem>>, vector<1x16x64xf32>
    %get3A_6 = vector.shape_cast %get3A_5 : vector<1x16x64xf32> to vector<16x64xf32>
    %dot_general3A = arith.constant dense<0.000000e+00> : vector<4000x64xf32>
    %dot_general3A_7 = tpu.matmul %get3A_1, %get3A_6, %dot_general3A {dimension_numbers = #tpu.dot_dimension_numbers<[1], [0], [0], [1], [0, 0, 1, 1], [], []>, transpose_lhs_hint = false} : vector<4000x16xf32>, vector<16x64xf32>, vector<4000x64xf32> -> vector<4000x64xf32>
    %get3A_8 = arith.constant 0 : index
    %get3A_9 = arith.constant 0 : index
    %get3A_10 = arith.constant 0 : index
    %get3A_11 = vector.load %arg4[%get3A_8, %get3A_9, %get3A_10] : memref<1x1x64xf32, #tpu.memory_space<vmem>>, vector<1x1x64xf32>
    %get3A_12 = vector.shape_cast %get3A_11 : vector<1x1x64xf32> to vector<1x64xf32>
    %add3A = vector.broadcast %get3A_12 : vector<1x64xf32> to vector<4000x64xf32>
    %add3A_13 = arith.addf %dot_general3A_7, %add3A : vector<4000x64xf32>
    %reshape3A = vector.shape_cast %add3A_13 : vector<4000x64xf32> to vector<40x100x64xf32>
    %swap3A = arith.constant 0 : index
    %swap3A_14 = arith.constant 0 : index
    %swap3A_15 = arith.constant 0 : index
    %swap3A_16 = arith.constant 0 : index
    %swap3A_17 = vector.load %arg5[%swap3A, %swap3A_14, %swap3A_15, %swap3A_16] : memref<1x40x100x64xf32, #tpu.memory_space<vmem>>, vector<1x40x100x64xf32>
    %swap3A_18 = vector.shape_cast %swap3A_17 : vector<1x40x100x64xf32> to vector<40x100x64xf32>
    %swap3A_19 = vector.shape_cast %reshape3A : vector<40x100x64xf32> to vector<1x40x100x64xf32>
    tpu.vector_store %arg5[%swap3A, %swap3A_14, %swap3A_15, %swap3A_16], %swap3A_19 {strides = array<i32>} : memref<1x40x100x64xf32, #tpu.memory_space<vmem>>, vector<1x40x100x64xf32>,
    return
  }
  func.func @transform_0(%arg0: i32, %arg1: i32) -> (i32, i32) {
    %c0_i32 = arith.constant 0 : i32
    %c0_i32_0 = arith.constant 0 : i32
    return %arg0, %c0_i32 : i32, i32
  }
  func.func @transform_1(%arg0: i32, %arg1: i32) -> (i32, i32, i32) {
    %c0_i32 = arith.constant 0 : i32
    %c0_i32_0 = arith.constant 0 : i32
    %c0_i32_1 = arith.constant 0 : i32
    return %arg1, %c0_i32, %c0_i32_0 : i32, i32, i32
  }
  func.func @transform_2(%arg0: i32, %arg1: i32) -> (i32, i32, i32) {
    %c0_i32 = arith.constant 0 : i32
    %c0_i32_0 = arith.constant 0 : i32
    %c0_i32_1 = arith.constant 0 : i32
    return %arg1, %c0_i32, %c0_i32_0 : i32, i32, i32
  }
  func.func @transform_3(%arg0: i32, %arg1: i32) -> (i32, i32, i32, i32) {
    %c0_i32 = arith.constant 0 : i32
    %c0_i32_0 = arith.constant 0 : i32
    %c0_i32_1 = arith.constant 0 : i32
    return %arg1, %arg0, %c0_i32, %c0_i32_0 : i32, i32, i32, i32
  }
}

module attributes {stable_mosaic.version = 14 : i64} {
  func.func @_node_body(%arg0: i32, %arg1: memref<2000x256xf32, #tpu.memory_space<vmem>>, %arg2: memref<2x4x2000x64xf32, #tpu.memory_space<vmem>>, %arg3: memref<256x256xf32, #tpu.memory_space<vmem>>, %arg4: memref<4x64x256xf32, #tpu.memory_space<vmem>>, %arg5: memref<1x256xf32, #tpu.memory_space<vmem>>, %arg6: memref<256x5xf32, #tpu.memory_space<vmem>>, %arg7: memref<1x5xf32, #tpu.memory_space<vmem>>, %arg8: memref<2000x5xf32, #tpu.memory_space<vmem>>) attributes {dimension_semantics = [#tpu.dimension_semantics<arbitrary>], iteration_bounds = array<i64: 5>, scalar_prefetch = 0 : i64, scratch_operands = 0 : i64, tpu.core_type = #tpu.core_type<tc>, window_params = [{transform_indices = @transform_0, window_bounds = array<i64: 2000, 256>}, {transform_indices = @transform_1, window_bounds = array<i64: 2, 4, 2000, 64>}, {pipeline_mode = #tpu.pipeline_mode<synchronous>, transform_indices = @transform_2, window_bounds = array<i64: 256, 256>}, {pipeline_mode = #tpu.pipeline_mode<synchronous>, transform_indices = @transform_3, window_bounds = array<i64: 4, 64, 256>}, {pipeline_mode = #tpu.pipeline_mode<synchronous>, transform_indices = @transform_4, window_bounds = array<i64: 1, 256>}, {pipeline_mode = #tpu.pipeline_mode<synchronous>, transform_indices = @transform_5, window_bounds = array<i64: 256, 5>}, {pipeline_mode = #tpu.pipeline_mode<synchronous>, transform_indices = @transform_6, window_bounds = array<i64: 1, 5>}, {transform_indices = @transform_7, window_bounds = array<i64: 2000, 5>}]} {
    %get3A = arith.constant 0 : index
    %get3A_0 = arith.constant 0 : index
    %get3A_1 = vector.load %arg1[%get3A, %get3A_0] : memref<2000x256xf32, #tpu.memory_space<vmem>>, vector<2000x256xf32>
    %get3A_2 = arith.constant 0 : index
    %get3A_3 = arith.constant 0 : index
    %get3A_4 = vector.load %arg3[%get3A_2, %get3A_3] : memref<256x256xf32, #tpu.memory_space<vmem>>, vector<256x256xf32>
    %dot_general3A = arith.constant dense<0.000000e+00> : vector<2000x256xf32>
    %dot_general3A_5 = tpu.matmul %get3A_1, %get3A_4, %dot_general3A {dimension_numbers = #tpu.dot_dimension_numbers<[1], [0], [0], [1], [0, 0, 1, 1], [], []>, transpose_lhs_hint = false} : vector<2000x256xf32>, vector<256x256xf32>, vector<2000x256xf32> -> vector<2000x256xf32>
    %get3A_6 = arith.constant 0 : index
    %get3A_7 = arith.constant 0 : index
    %get3A_8 = arith.constant 0 : index
    %get3A_9 = arith.constant 0 : index
    %get3A_10 = vector.load %arg2[%get3A_6, %get3A_7, %get3A_8, %get3A_9] : memref<2x4x2000x64xf32, #tpu.memory_space<vmem>>, vector<1x1x2000x64xf32>
    %get3A_11 = vector.shape_cast %get3A_10 : vector<1x1x2000x64xf32> to vector<2000x64xf32>
    %get3A_12 = arith.constant 1 : index
    %get3A_13 = arith.constant 0 : index
    %get3A_14 = arith.constant 0 : index
    %get3A_15 = arith.constant 0 : index
    %get3A_16 = vector.load %arg2[%get3A_12, %get3A_13, %get3A_14, %get3A_15] : memref<2x4x2000x64xf32, #tpu.memory_space<vmem>>, vector<1x1x2000x64xf32>
    %get3A_17 = vector.shape_cast %get3A_16 : vector<1x1x2000x64xf32> to vector<2000x64xf32>
    %add3A = arith.addf %get3A_11, %get3A_17 : vector<2000x64xf32>
    %get3A_18 = arith.constant 0 : index
    %get3A_19 = arith.constant 0 : index
    %get3A_20 = arith.constant 0 : index
    %get3A_21 = vector.load %arg4[%get3A_18, %get3A_19, %get3A_20] : memref<4x64x256xf32, #tpu.memory_space<vmem>>, vector<1x64x256xf32>
    %get3A_22 = vector.shape_cast %get3A_21 : vector<1x64x256xf32> to vector<64x256xf32>
    %dot_general3A_23 = arith.constant dense<0.000000e+00> : vector<2000x256xf32>
    %dot_general3A_24 = tpu.matmul %add3A, %get3A_22, %dot_general3A_23 {dimension_numbers = #tpu.dot_dimension_numbers<[1], [0], [0], [1], [0, 0, 1, 1], [], []>, transpose_lhs_hint = false} : vector<2000x64xf32>, vector<64x256xf32>, vector<2000x256xf32> -> vector<2000x256xf32>
    %add3A_25 = arith.addf %dot_general3A_5, %dot_general3A_24 : vector<2000x256xf32>
    %get3A_26 = arith.constant 0 : index
    %get3A_27 = arith.constant 1 : index
    %get3A_28 = arith.constant 0 : index
    %get3A_29 = arith.constant 0 : index
    %get3A_30 = vector.load %arg2[%get3A_26, %get3A_27, %get3A_28, %get3A_29] : memref<2x4x2000x64xf32, #tpu.memory_space<vmem>>, vector<1x1x2000x64xf32>
    %get3A_31 = vector.shape_cast %get3A_30 : vector<1x1x2000x64xf32> to vector<2000x64xf32>
    %get3A_32 = arith.constant 1 : index
    %get3A_33 = arith.constant 1 : index
    %get3A_34 = arith.constant 0 : index
    %get3A_35 = arith.constant 0 : index
    %get3A_36 = vector.load %arg2[%get3A_32, %get3A_33, %get3A_34, %get3A_35] : memref<2x4x2000x64xf32, #tpu.memory_space<vmem>>, vector<1x1x2000x64xf32>
    %get3A_37 = vector.shape_cast %get3A_36 : vector<1x1x2000x64xf32> to vector<2000x64xf32>
    %add3A_38 = arith.addf %get3A_31, %get3A_37 : vector<2000x64xf32>
    %get3A_39 = arith.constant 1 : index
    %get3A_40 = arith.constant 0 : index
    %get3A_41 = arith.constant 0 : index
    %get3A_42 = vector.load %arg4[%get3A_39, %get3A_40, %get3A_41] : memref<4x64x256xf32, #tpu.memory_space<vmem>>, vector<1x64x256xf32>
    %get3A_43 = vector.shape_cast %get3A_42 : vector<1x64x256xf32> to vector<64x256xf32>
    %dot_general3A_44 = arith.constant dense<0.000000e+00> : vector<2000x256xf32>
    %dot_general3A_45 = tpu.matmul %add3A_38, %get3A_43, %dot_general3A_44 {dimension_numbers = #tpu.dot_dimension_numbers<[1], [0], [0], [1], [0, 0, 1, 1], [], []>, transpose_lhs_hint = false} : vector<2000x64xf32>, vector<64x256xf32>, vector<2000x256xf32> -> vector<2000x256xf32>
    %add3A_46 = arith.addf %add3A_25, %dot_general3A_45 : vector<2000x256xf32>
    %get3A_47 = arith.constant 0 : index
    %get3A_48 = arith.constant 2 : index
    %get3A_49 = arith.constant 0 : index
    %get3A_50 = arith.constant 0 : index
    %get3A_51 = vector.load %arg2[%get3A_47, %get3A_48, %get3A_49, %get3A_50] : memref<2x4x2000x64xf32, #tpu.memory_space<vmem>>, vector<1x1x2000x64xf32>
    %get3A_52 = vector.shape_cast %get3A_51 : vector<1x1x2000x64xf32> to vector<2000x64xf32>
    %get3A_53 = arith.constant 1 : index
    %get3A_54 = arith.constant 2 : index
    %get3A_55 = arith.constant 0 : index
    %get3A_56 = arith.constant 0 : index
    %get3A_57 = vector.load %arg2[%get3A_53, %get3A_54, %get3A_55, %get3A_56] : memref<2x4x2000x64xf32, #tpu.memory_space<vmem>>, vector<1x1x2000x64xf32>
    %get3A_58 = vector.shape_cast %get3A_57 : vector<1x1x2000x64xf32> to vector<2000x64xf32>
    %add3A_59 = arith.addf %get3A_52, %get3A_58 : vector<2000x64xf32>
    %get3A_60 = arith.constant 2 : index
    %get3A_61 = arith.constant 0 : index
    %get3A_62 = arith.constant 0 : index
    %get3A_63 = vector.load %arg4[%get3A_60, %get3A_61, %get3A_62] : memref<4x64x256xf32, #tpu.memory_space<vmem>>, vector<1x64x256xf32>
    %get3A_64 = vector.shape_cast %get3A_63 : vector<1x64x256xf32> to vector<64x256xf32>
    %dot_general3A_65 = arith.constant dense<0.000000e+00> : vector<2000x256xf32>
    %dot_general3A_66 = tpu.matmul %add3A_59, %get3A_64, %dot_general3A_65 {dimension_numbers = #tpu.dot_dimension_numbers<[1], [0], [0], [1], [0, 0, 1, 1], [], []>, transpose_lhs_hint = false} : vector<2000x64xf32>, vector<64x256xf32>, vector<2000x256xf32> -> vector<2000x256xf32>
    %add3A_67 = arith.addf %add3A_46, %dot_general3A_66 : vector<2000x256xf32>
    %get3A_68 = arith.constant 0 : index
    %get3A_69 = arith.constant 3 : index
    %get3A_70 = arith.constant 0 : index
    %get3A_71 = arith.constant 0 : index
    %get3A_72 = vector.load %arg2[%get3A_68, %get3A_69, %get3A_70, %get3A_71] : memref<2x4x2000x64xf32, #tpu.memory_space<vmem>>, vector<1x1x2000x64xf32>
    %get3A_73 = vector.shape_cast %get3A_72 : vector<1x1x2000x64xf32> to vector<2000x64xf32>
    %get3A_74 = arith.constant 1 : index
    %get3A_75 = arith.constant 3 : index
    %get3A_76 = arith.constant 0 : index
    %get3A_77 = arith.constant 0 : index
    %get3A_78 = vector.load %arg2[%get3A_74, %get3A_75, %get3A_76, %get3A_77] : memref<2x4x2000x64xf32, #tpu.memory_space<vmem>>, vector<1x1x2000x64xf32>
    %get3A_79 = vector.shape_cast %get3A_78 : vector<1x1x2000x64xf32> to vector<2000x64xf32>
    %add3A_80 = arith.addf %get3A_73, %get3A_79 : vector<2000x64xf32>
    %get3A_81 = arith.constant 3 : index
    %get3A_82 = arith.constant 0 : index
    %get3A_83 = arith.constant 0 : index
    %get3A_84 = vector.load %arg4[%get3A_81, %get3A_82, %get3A_83] : memref<4x64x256xf32, #tpu.memory_space<vmem>>, vector<1x64x256xf32>
    %get3A_85 = vector.shape_cast %get3A_84 : vector<1x64x256xf32> to vector<64x256xf32>
    %dot_general3A_86 = arith.constant dense<0.000000e+00> : vector<2000x256xf32>
    %dot_general3A_87 = tpu.matmul %add3A_80, %get3A_85, %dot_general3A_86 {dimension_numbers = #tpu.dot_dimension_numbers<[1], [0], [0], [1], [0, 0, 1, 1], [], []>, transpose_lhs_hint = false} : vector<2000x64xf32>, vector<64x256xf32>, vector<2000x256xf32> -> vector<2000x256xf32>
    %add3A_88 = arith.addf %add3A_67, %dot_general3A_87 : vector<2000x256xf32>
    %get3A_89 = arith.constant 0 : index
    %get3A_90 = arith.constant 0 : index
    %get3A_91 = vector.load %arg5[%get3A_89, %get3A_90] : memref<1x256xf32, #tpu.memory_space<vmem>>, vector<1x256xf32>
    %add3A_92 = vector.broadcast %get3A_91 : vector<1x256xf32> to vector<2000x256xf32>
    %add3A_93 = arith.addf %add3A_88, %add3A_92 : vector<2000x256xf32>
    %max3A = arith.constant 0.000000e+00 : f32
    %max3A_94 = vector.broadcast %max3A : f32 to vector<2000x256xf32>
    %max3A_95 = arith.maximumf %add3A_93, %max3A_94 : vector<2000x256xf32>
    %get3A_96 = arith.constant 0 : index
    %get3A_97 = arith.constant 0 : index
    %get3A_98 = vector.load %arg6[%get3A_96, %get3A_97] : memref<256x5xf32, #tpu.memory_space<vmem>>, vector<256x5xf32>
    %dot_general3A_99 = arith.constant dense<0.000000e+00> : vector<2000x5xf32>
    %dot_general3A_100 = tpu.matmul %max3A_95, %get3A_98, %dot_general3A_99 {dimension_numbers = #tpu.dot_dimension_numbers<[1], [0], [0], [1], [0, 0, 1, 1], [], []>, transpose_lhs_hint = false} : vector<2000x256xf32>, vector<256x5xf32>, vector<2000x5xf32> -> vector<2000x5xf32>
    %get3A_101 = arith.constant 0 : index
    %get3A_102 = arith.constant 0 : index
    %get3A_103 = vector.load %arg7[%get3A_101, %get3A_102] : memref<1x5xf32, #tpu.memory_space<vmem>>, vector<1x5xf32>
    %add3A_104 = vector.broadcast %get3A_103 : vector<1x5xf32> to vector<2000x5xf32>
    %add3A_105 = arith.addf %dot_general3A_100, %add3A_104 : vector<2000x5xf32>
    %swap3A = arith.constant 0 : index
    %swap3A_106 = arith.constant 0 : index
    %swap3A_107 = vector.load %arg8[%swap3A, %swap3A_106] : memref<2000x5xf32, #tpu.memory_space<vmem>>, vector<2000x5xf32>
    tpu.vector_store %arg8[%swap3A, %swap3A_106], %add3A_105 {strides = array<i32>} : memref<2000x5xf32, #tpu.memory_space<vmem>>, vector<2000x5xf32>,
    return
  }
  func.func @transform_0(%arg0: i32) -> (i32, i32) {
    %c0_i32 = arith.constant 0 : i32
    %c0_i32_0 = arith.constant 0 : i32
    return %arg0, %c0_i32 : i32, i32
  }
  func.func @transform_1(%arg0: i32) -> (i32, i32, i32, i32) {
    %c0_i32 = arith.constant 0 : i32
    %c0_i32_0 = arith.constant 0 : i32
    %c0_i32_1 = arith.constant 0 : i32
    %c0_i32_2 = arith.constant 0 : i32
    return %c0_i32, %c0_i32_0, %arg0, %c0_i32_1 : i32, i32, i32, i32
  }
  func.func @transform_2(%arg0: i32) -> (i32, i32) {
    %c0_i32 = arith.constant 0 : i32
    %c0_i32_0 = arith.constant 0 : i32
    %c0_i32_1 = arith.constant 0 : i32
    return %c0_i32, %c0_i32_0 : i32, i32
  }
  func.func @transform_3(%arg0: i32) -> (i32, i32, i32) {
    %c0_i32 = arith.constant 0 : i32
    %c0_i32_0 = arith.constant 0 : i32
    %c0_i32_1 = arith.constant 0 : i32
    %c0_i32_2 = arith.constant 0 : i32
    return %c0_i32, %c0_i32_0, %c0_i32_1 : i32, i32, i32
  }
  func.func @transform_4(%arg0: i32) -> (i32, i32) {
    %c0_i32 = arith.constant 0 : i32
    %c0_i32_0 = arith.constant 0 : i32
    %c0_i32_1 = arith.constant 0 : i32
    return %c0_i32, %c0_i32_0 : i32, i32
  }
  func.func @transform_5(%arg0: i32) -> (i32, i32) {
    %c0_i32 = arith.constant 0 : i32
    %c0_i32_0 = arith.constant 0 : i32
    %c0_i32_1 = arith.constant 0 : i32
    return %c0_i32, %c0_i32_0 : i32, i32
  }
  func.func @transform_6(%arg0: i32) -> (i32, i32) {
    %c0_i32 = arith.constant 0 : i32
    %c0_i32_0 = arith.constant 0 : i32
    %c0_i32_1 = arith.constant 0 : i32
    return %c0_i32, %c0_i32_0 : i32, i32
  }
  func.func @transform_7(%arg0: i32) -> (i32, i32) {
    %c0_i32 = arith.constant 0 : i32
    %c0_i32_0 = arith.constant 0 : i32
    return %arg0, %c0_i32 : i32, i32
  }
}

</mosaic_0001>

<sc_bundles>
// kernel: kernel.6.cloned.1.call-start
scs
__scs_entry_jumppad:
0x0: {  	(pc) =	sbr.rel $0x88, $3  }
0x1: {  	(tag) =	ssettag $0x0;
	lr =	simm.s32 $0x1  }
0x2: {  	[smem:$0x3F96] =	sst lr;
	_ =	strace $0xD0000000  }
0x3: {  	_ = 	snop  }
0x4: {  	_ = 	snop  }
0x5: {  	_ = 	snop  }
0x6: {  	_ = 	snop  }
0x7: {  	_ = 	snop  }
__scs_overlays_trampoline_lowered:
0x8: {  	[smem:$0x3FA5] =	sst s0  }
0x9: {  	[smem:$0x3FA6] =	sst s1  }
0xa: {  	[smem:$0x3FA7] =	sst s2  }
0xb: {  	[smem:$0x3FA8] =	sst s3  }
0xc: {  	[smem:$0x3FA9] =	sst s4  }
0xd: {  	[smem:$0x3FAA] =	sst s5  }
0xe: {  	[smem:$0x3FAB] =	sst s6  }
0xf: {  	[smem:$0x3FAC] =	sst s7  }
0x10: {  	[smem:$0x3FAD] =	sst s8  }
0x11: {  	[smem:$0x3FAE] =	sst s9;
	s0 =	simm.s32 @!p0 $0x0  }
0x12: {  	s1 =	sld [smem:$0x3F94];
	s0 =	simm.s32 @p0 $0x1  }
0x13: {  	[smem:$0x3FAF] =	sst s0;
	s0 =	simm.s32 @!p1 $0x0  }
0x14: {  	s2 =	sld [smem:$0x3F93];
	s0 =	simm.s32 @p1 $0x1  }
0x15: {  	[smem:$0x3FB0] =	sst s0;
	s0 =	simm.s32 @!p2 $0x0  }
0x16: {  	s3 =	sld [smem:$0x3FDB];
	s0 =	simm.s32 @p2 $0x1  }
0x17: {  	s4 =	simm.s32 $0x1BF5;
	[smem:$0x3FB2] =	sst s0  }
0x18: {  	s0 =	sld [smem:$0x3F95];
	_ =	swait.ge [sflag:s4], $0x0  }
0x19: {  	s7 =	sld [smem:$0x3F96]  }
0x1a: {  	s8 =	sadd.s32 $0xFFFFE003, lr  }
0x1b: {  	s9 =	sadd.s32 $0xFFFFFEF7, lr;
	s5 =	simm.s32 $0xFFFFFFFF;
	p2 =	slt.u32 s8, $0xFFFFF086  }
0x1c: {  	p1 =	slt.u32 s9, $0xF7A;
	s5 =	simm.s32 @!p2 $0x0  }
0x1d: {  	s5 =	simm.s32 @p1 $0x1;
	p0 =	seq.s32 s7, s2  }
0x1e: {  	s7 =	smul.u32 @!p0 $0xF7A, s2;
	p2 =	seq.s32 @!p0 s5, $0x0  }
0x1f: {  	s9 =	smul.u32 $0xF7A, s1;
	s8 =	simm.s32 @!p0 $0x1BF5;
	p2 =	por !p2, p0  }
0x20: {  	[sflag:s8] =	ssyncset.s32 @!p0 $0xFFFFF086;
	s6 =	sadd.s32 @!p0 s3, s7;
	s7 =	simm.s32 @!p0 $0x108  }
0x21: {  	s3 =	sadd.s32 s3, s9;
	s6 =	sadd.s32 @!p0 $0x88, s6;
	s7 =	simm.s32 @p2 $0x1082  }
0x22: {  	[simem:s7], [sflag:s8] =	dma.local @!p0 [hbm:s6], $0xF7A  }
0x23: {  	s9 =	sor.u32 $0xD0000000, s2;
	s6 =	simm.s32 $0x108;
	_ =	swait.ge @!p0 [sflag:s8], $0x0  }
0x24: {  	s3 =	sadd.s32 $0x88, s3;
	s6 =	simm.s32 @!p1 $0x1082;
	[sflag:s4] =	ssyncset.s32 $0xFFFFF086  }
0x25: {  	[simem:s6], [sflag:s4] =	dma.local [hbm:s3], $0xF7A  }
0x26: {  	[smem:$0x3F96] =	sst s1;
	(tag) =	ssettag s2;
	_ =	strace s9  }
0x27: {  	s1 =	sld [smem:$0x3FA6]  }
0x28: {  	s2 =	sld [smem:$0x3FA7]  }
0x29: {  	s4 =	sld [smem:$0x3FA9]  }
0x2a: {  	p0 =	seq.s32 s5, $0x0;
	s5 =	sld [smem:$0x3FAA]  }
0x2b: {  	s6 =	sld [smem:$0x3FAB]  }
0x2c: {  	s7 =	sld [smem:$0x3FAC]  }
0x2d: {  	s3 =	simm.s32 $0x108;
	s8 =	sld [smem:$0x3FAD]  }
0x2e: {  	s3 =	simm.s32 @!p0 $0x1082;
	s9 =	sld [smem:$0x3FAE]  }
0x2f: {  	lr =	sadd.s32 s0, s3;
	s0 =	sld [smem:$0x3FA5]  }
0x30: {  	s3 =	sld [smem:$0x3FA8]  }
0x31: {  	[smem:$0x3FB1] =	sst s10  }
0x32: {  	s10 =	sld [smem:$0x3FAF];
	_ =	sdelay $0x3  }
0x33: {  	p0 =	seq.s32 s10, $0x1;
	s10 =	sld [smem:$0x3FB1];
	_ =	sdelay $0x3  }
0x34: {  	[smem:$0x3FB1] =	sst s10  }
0x35: {  	s10 =	sld [smem:$0x3FB0];
	_ =	sdelay $0x3  }
0x36: {  	p1 =	seq.s32 s10, $0x1;
	s10 =	sld [smem:$0x3FB1];
	_ =	sdelay $0x3  }
0x37: {  	[smem:$0x3FB1] =	sst s10  }
0x38: {  	s10 =	sld [smem:$0x3FB2]  }
0x39: {  	_ = 	snop;
	(pc) =	sbr.ind lr, $3  }
0x3a: {  	_ = 	snop  }
0x3b: {  	_ = 	snop  }
0x3c: {  	p2 =	seq.s32 s10, $0x1;
	s10 =	sld [smem:$0x3FB1]  }
0x3d: {  	_ =	shalt  }
0x3e: {  	_ =	shalt  }
0x3f: {  	_ =	shalt  }
0x40: {  	_ =	shalt  }
0x41: {  	_ =	shalt  }
0x42: {  	_ =	shalt  }
0x43: {  	_ =	shalt  }
0x44: {  	_ =	shalt  }
0x45: {  	_ =	shalt  }
0x46: {  	_ =	shalt  }
0x47: {  	_ =	shalt  }
0x48: {  	_ =	shalt  }
0x49: {  	_ =	shalt  }
0x4a: {  	_ =	shalt  }
0x4b: {  	_ =	shalt  }
0x4c: {  	_ =	shalt  }
0x4d: {  	_ =	shalt  }
0x4e: {  	_ =	shalt  }
0x4f: {  	_ =	shalt  }
0x50: {  	_ =	shalt  }
0x51: {  	_ =	shalt  }
0x52: {  	_ =	shalt  }
0x53: {  	_ =	shalt  }
0x54: {  	_ =	shalt  }
0x55: {  	_ =	shalt  }
0x56: {  	_ =	shalt  }
0x57: {  	_ =	shalt  }
0x58: {  	_ =	shalt  }
0x59: {  	_ =	shalt  }
0x5a: {  	_ =	shalt  }
0x5b: {  	_ =	shalt  }
0x5c: {  	_ =	shalt  }
0x5d: {  	_ =	shalt  }
0x5e: {  	_ =	shalt  }
0x5f: {  	_ =	shalt  }
0x60: {  	_ =	shalt  }
0x61: {  	_ =	shalt  }
0x62: {  	_ =	shalt  }
0x63: {  	_ =	shalt  }
0x64: {  	_ =	shalt  }
0x65: {  	_ =	shalt  }
0x66: {  	_ =	shalt  }
0x67: {  	_ =	shalt  }
0x68: {  	_ =	shalt  }
0x69: {  	_ =	shalt  }
0x6a: {  	_ =	shalt  }
0x6b: {  	_ =	shalt  }
0x6c: {  	_ =	shalt  }
0x6d: {  	_ =	shalt  }
0x6e: {  	_ =	shalt  }
0x6f: {  	_ =	shalt  }
0x70: {  	_ =	shalt  }
0x71: {  	_ =	shalt  }
0x72: {  	_ =	shalt  }
0x73: {  	_ =	shalt  }
0x74: {  	_ =	shalt  }
0x75: {  	_ =	shalt  }
0x76: {  	_ =	shalt  }
0x77: {  	_ =	shalt  }
0x78: {  	_ =	shalt  }
0x79: {  	_ =	shalt  }
0x7a: {  	_ =	shalt  }
0x7b: {  	_ =	shalt  }
0x7c: {  	_ =	shalt  }
0x7d: {  	_ =	shalt  }
0x7e: {  	_ =	shalt  }
0x7f: {  	_ =	shalt  }
0x80: {  	_ =	shalt  }
0x81: {  	_ =	shalt  }
0x82: {  	_ =	shalt  }
0x83: {  	_ =	shalt  }
0x84: {  	_ =	shalt  }
0x85: {  	_ =	shalt  }
0x86: {  	_ =	shalt  }
0x87: {  	_ =	shalt  }
.Lfunc_end0:
.L_simem_size_0:
called_computation_lowered:
.L_overlay_start_0:
0x88: {  	s2 =	sld [smem:$0x3FD9]  }
0x89: {  	s3 =	sld [smem:$0x3FFE];
	_ =	sdelay $0x1  }
0x8a: {  	s1 =	srdreg.scid  }
0x8b: {  	s0 =	sand.u32 $0x1, s1  }
0x8c: {  	s14 =	sshll.u32 s0, $0xA;
	s2 =	sadd.s32 s3, s2  }
0x8d: {  	s2 =	sadd.s32 s2, s14  }
0x8e: {  	[smem:$0x3FBD] =	sst s2  }
0x8f: {  	_ = 	snop  }
0x90: {  	s2 =	sld [smem:$0x3FD0];
	_ =	sdelay $0x2  }
0x91: {  	s15 =	simm.s32 $0xA;
	s4 =	simm.s32 $0x10  }
0x92: {  	[smem:s4], [sflag:s15] =	dma.local [hbm:s2], $0x1  }
0x93: {  	_ =	swait.eq [sflag:s15], $0x1  }
0x94: {  	[sflag:s15] =	ssyncset.done $0x0  }
0x95: {  	s16 =	sld [smem:$0x10];
	[sflag:s15] =	ssyncadd.s32 $0xFFFFFFFF  }
0x96: {  	s17 =	sld [smem:$0x11];
	(tm) =	ssettm $0x1  }
0x97: {  	s18 =	sld [smem:$0x3FFB];
	_ =	sdelay $0x3  }
0x98: {  	_ =	strace s18  }
0x99: {  	s4 =	sld [smem:$0x3FFC];
	_ =	sdelay $0x3  }
0x9a: {  	_ =	strace s4  }
0x9b: {  	s4 =	sld [smem:$0x3FFD];
	_ =	sdelay $0x3  }
0x9c: {  	_ =	strace s4  }
0x9d: {  	_ =	strace $0x8FFFFFFF  }
0x9e: {  	s19 =	sld [smem:$0x3FDB];
	_ =	sdelay $0x1  }
0x9f: {  	s5 =	simm.s32 $_scs_section_size  }
0xa0: {  	s6 =	simm.s32 $_size__tile_overlayer_lowered;
	s7 =	simm.s32 $_tile_overlayer_lowered  }
0xa1: {  	s22 =	simm.s32 $0x1BFF;
	s21 =	sshll.u32 s7, $0x1;
	s4 =	sadd.s32 s5, s19  }
0xa2: {  	s8 =	simm.s32 $0x0;
	s20 =	sshll.u32 s6, $0x1;
	s6 =	sadd.s32 s21, s4  }
0xa3: {  	[timem:s8], [sflag:s22] =	dma.local [hbm:s6], s20  }
0xa4: {  	_ =	swait.ge [sflag:s22], s20  }
0xa5: {  	s5 =	ssub.s32 $0x0, s20;
	[sflag:s22] =	ssyncset.done $0x0  }
0xa6: {  	[sflag:s22] =	ssyncadd.s32 s5;
	_ =	sdelay $0x1  }
0xa7: {  	s23 =	simm.s32 $0x1B8B  }
0xa8: {  	_ =	swait.ge [sflag:s23], $0x1  }
0xa9: {  	[sflag:s23] =	ssyncset.done $0x0  }
0xaa: {  	s25 =	simm.s32 $0x1B8E;
	s24 =	sld [smem:$0x3FFE];
	[sflag:s23] =	ssyncadd.s32 $0xFFFFFFFF  }
0xab: {  	s26 =	simm.s32 $execute0_lowered;
	[smem:$0x3FD2] =	sst s25  }
0xac: {  	s6 =	sshll.u32 s26, $0x1;
	_ =	strace $0x80000046;
	[dreg:$0x1] =	wrdreg $0xFFFFFFFF  }
0xad: {  	s28 =	simm.s32 $_size_execute0_lowered;
	s4 =	sadd.s32 s4, s6;
	[dreg:$0x0] =	wrdreg $0x0  }
0xae: {  	s6 =	sshll.u32 s28, $0x1;
	[dreg:$0x2] =	wrdreg s4  }
0xaf: {  	[dreg:$0x3] =	wrdreg s6  }
0xb0: {  	[dreg:$0x4] =	wrdreg $0xC0  }
0xb1: {  	_ =	task [dreg:s8], $0x5FFFF  }
0xb2: {  	[dreg:$0x1] =	wrdreg $0xFFFFFFFF  }
0xb3: {  	[dreg:$0x0] =	wrdreg $0x60  }
0xb4: {  	[dreg:$0x2] =	wrdreg s24  }
0xb5: {  	[dreg:$0x3] =	wrdreg s16  }
0xb6: {  	[dreg:$0x4] =	wrdreg s17  }
0xb7: {  	[dreg:$0x5] =	wrdreg $0x15CF00  }
0xb8: {  	[dreg:$0x6] =	wrdreg $0x9  }
0xb9: {  	_ =	task.clear_ibuf [dreg:s8], $0x7FFFF;
	_ =	strace $0x90000046  }
0xba: {  	s29 =	simm.s32 $0x9;
	_ =	strace $0x80000048  }
0xbb: {  	_ =	swait.ge [sflag:s29], $0x1  }
0xbc: {  	[sflag:s29] =	ssyncadd.s32 $0xFFFFFFFF  }
0xbd: {  	_ =	strace $0x90000048  }
0xbe: {  	_ =	sfence  }
0xbf: {  	s30 =	sld [smem:$0x0];
	_ =	sdelay $0x2  }
0xc0: {  	s31 =	sshll.u32 s1, $0xD;
	s1 =	sshrl.u32 s1, $0x2  }
0xc1: {  	s3 =	sand.u32 $0x4000, s31;
	s1 =	sadd.s32 s1, s30  }
0xc2: {  	s0 =	sor.u32 s3, s0;
	s1 =	sshll.u32 s1, $0x11  }
0xc3: {  	s0 =	sor.u32 s1, s0  }
0xc4: {  	s0 =	sadd.s32 $0x8F2B, s0  }
0xc5: {  	[sflag:s0] =	ssyncadd.remote.s32 $0x1  }
0xc6: {  	_ =	sfence.sel $0xFFFF  }
0xc7: {  	[dreg:$0x0] =	wrdreg $0xFFFFFFFF;
	(pc) =	sbr.abs _section_cstart, $3  }
0xc8: {  	[dreg:$0x1] =	wrdreg $0xFFFFFFFF  }
0xc9: {  	_ =	task.clear_ibuf [dreg:s8], $0x2FFFF;
	_ =	strace $0x9FFFFFFF  }
0xca: {  	(tm) =	ssettm $0x7FFFFFFF  }
0xcb: {  	_ =	shalt  }
tec
execute0_lowered:
.L_overlay_start_1:
0x0: {  	(tag) =	ssettag $0x1  }
0x1: {  	s0 =	rddreg [dreg:$0x0]  }
0x2: {  	s1 =	srdreg.scid;
	s9 =	stileid.u32  }
0x3: {  	s4 =	rddreg [dreg:$0x3];
	s14 =	simm.s32 $0x0;
	s30 =	simm.s32 $0x64  }
0x4: {  	s31 =	simm.s32 $0x28A0;
	s1 =	sand.u32 $0x1, s1;
	s2 =	sshll.u32 s9, $0x1  }
0x5: {  	[smem:$0x7FF] =	sst s14;
	s5 =	smul.u32 $0xA000, s9;
	s6 =	sadd.s32 $0x13C400, s0  }
0x6: {  	s7 =	sadd.s32 $0xE71800, s0;
	s9 =	smul.u32 $0x28000, s9;
	s18 =	sadd.s32 $0x8D40, s0  }
0x7: {  	s25 =	sadd.s32 $0x18A600, s0;
	_ =	strace $0x80000047;
	[dreg:$0x5] =	wrdreg s6  }
0x8: {  	s26 =	sadd.s32 $0x14FC80, s0;
	s11 =	sadd.s32 $0x19DE80, s0;
	[dreg:$0x6] =	wrdreg s7  }
0x9: {  	s13 =	sadd.s32 $0x163500, s0;
	s28 =	sadd.s32 $0x1C4F80, s0;
	[dreg:$0xe] =	wrdreg s25  }
0xa: {  	s29 =	sadd.s32 $0x121B000, s0;
	s2 =	sor.u32 s1, s2;
	[dreg:$0xf] =	wrdreg s26  }
0xb: {  	s15 =	smul.u32 $0x280000, s1;
	s1 =	ssub.s32 $0x2, s1;
	[dreg:$0x11] =	wrdreg s11  }
0xc: {  	[dreg:$0x13] =	wrdreg s13;
	s11 =	simm.s32 $0x5;
	s13 =	simm.s32 $0x4  }
0xd: {  	s9 =	sshrl.u32 s9, $0x2;
	s12 =	sadd.s32 s5, s4;
	s6 =	sadd.s32 s5, s15  }
0xe: {  	s17 =	sadd.s32 s9, s4;
	[dreg:$0x12] =	wrdreg s12;
	s15 =	sadd.s32 $0x1B1700, s0  }
0xf: {  	s3 =	smul.u32 $0x28A, s2;
	s19 =	sadd.s32 $0x1400, s17;
	[dreg:$0x14] =	wrdreg s15  }
0x10: {  	s16 =	smul.u32 $0x1388, s2;
	s20 =	sadd.s32 $0x3C00, s17;
	[dreg:$0x8] =	wrdreg s19  }
0x11: {  	s10 =	sshrl.u32 s1, $0x1;
	s21 =	sadd.s32 $0x5000, s17;
	[dreg:$0x9] =	wrdreg s20  }
0x12: {  	s1 =	ssub.s32 s1, s10;
	s22 =	sadd.s32 $0x6400, s17;
	[dreg:$0xa] =	wrdreg s21  }
0x13: {  	s5 =	simm.s32 $0x3;
	s23 =	sadd.s32 $0x7800, s17;
	[dreg:$0xb] =	wrdreg s22  }
0x14: {  	s9 =	simm.s32 $0xA5A0;
	s24 =	sadd.s32 $0x8C00, s17;
	[dreg:$0xc] =	wrdreg s23  }
0x15: {  	s12 =	simm.s32 $0x2;
	s10 =	sadd.s32 s3, s18;
	[dreg:$0xd] =	wrdreg s24  }
0x16: {  	s8 =	sadd.s32 s3, s0;
	s17 =	sadd.s32 $0x2800, s17;
	[dreg:$0x10] =	wrdreg s10  }
0x17: {  	s7 =	sadd.s32 s16, s0;
	s18 =	sadd.s32 $0x10E2800, s0;
	[dreg:$0x15] =	wrdreg s17  }
0x18: {  	s6 =	sshrl.u32 s6, $0x3;
	s26 =	smax.u32 s1, $0x1;
	[dreg:$0x16] =	wrdreg s18  }
0x19: {  	s16 =	smul.u32 $0x32, s2;
	s8 =	sadd.s32 $0x3C00, s8;
	[dreg:$0x1e] =	wrdreg s26  }
0x1a: {  	s2 =	simm.s32 $0x5AA0;
	s19 =	sadd.s32 $0x176D80, s0;
	[dreg:$0x7] =	wrdreg s8  }
0x1b: {  	s1 =	simm.s32 $0x41A0;
	s20 =	sadd.s32 $0xFAA000, s0;
	[dreg:$0x17] =	wrdreg s19  }
0x1c: {  	s6 =	sadd.s32 s6, s0;
	s25 =	sadd.s32 $0xAE000, s7;
	[dreg:$0x18] =	wrdreg s20  }
0x1d: {  	s3 =	simm.s32 $0x73A0;
	s21 =	sadd.s32 $0xE000, s6;
	[dreg:$0x1d] =	wrdreg s25  }
0x1e: {  	s18 =	simm.s32 $0x8CA0;
	s22 =	sadd.s32 $0x22000, s6;
	[dreg:$0x19] =	wrdreg s21  }
0x1f: {  	s0 =	simm.s32 $0x1;
	s23 =	sadd.s32 $0x36000, s6;
	[dreg:$0x1a] =	wrdreg s22  }
0x20: {  	v0 =	vimm.f32 $0.0e+00;
	s10 =	simm.s32 $0xBEA0;
	s24 =	sadd.s32 $0x4A000, s6;
	[dreg:$0x1b] =	wrdreg s23  }
0x21: {  	vm0 =	vmmov $0x1;
	vm1 =	vcmask $0x308;
	vm2 =	vcmask $0x3F3C;
	s7 =	simm.s32 $0x0;
	s8 =	simm.s32 $0x6;
	[dreg:$0x1c] =	wrdreg s24  }
.LBB2_1:
0x22: {  	[dreg:$0x1f] =	wrdreg s7  }
0x23: {  	s6 =	rddreg [dreg:$0x7]  }
0x24: {  	[tilespmem:s14], [sflag:$0x6] =	stream.linear.gather [hbm4b:s6+s14], $0x1450, $0x38;
	[tilespmem:$0x1FCF0] =	vst v63  }
0x25: {  	_ =	swait.ge [sflag:s8], $0x1450  }
0x26: {  	[sflag:s8] =	ssyncset.done $0x0  }
0x27: {  	s22 =	simm.s32 $0x1450;
	s21 =	rddreg [dreg:$0x10];
	[sflag:s8] =	ssyncadd.s32 $0xFFFFEBB0  }
0x28: {  	[tilespmem:s22], [sflag:$0x6] =	stream.linear.gather [hbm4b:s21+s14], $0x1450, $0x38;
	[tilespmem:$0x1FCF0] =	vst v63  }
0x29: {  	_ =	swait.ge [sflag:s8], $0x1450  }
0x2a: {  	[sflag:s8] =	ssyncset.done $0x0  }
0x2b: {  	[sflag:s8] =	ssyncadd.s32 $0xFFFFEBB0  }
0x2c: {  	s24 =	simm.s32 $0x15AE0;
	s23 =	rddreg [dreg:$0x1]  }
0x2d: {  	[tilespmem:s24], [sflag:$0x6] =	stream.linear.gather [hbm4b:s23+s14], $0x200, $0x38;
	[tilespmem:$0x1FCF0] =	vst v63  }
0x2e: {  	_ =	swait.ge [sflag:s8], $0x200  }
0x2f: {  	[sflag:s8] =	ssyncset.done $0x0  }
0x30: {  	[sflag:s8] =	ssyncadd.s32 $0xFFFFFE00  }
0x31: {  	s26 =	simm.s32 $0x15CE0;
	s25 =	rddreg [dreg:$0x2]  }
0x32: {  	[tilespmem:s26], [sflag:$0x6] =	stream.linear.gather [hbm4b:s25+s14], $0x10, $0x38;
	[tilespmem:$0x1FCF0] =	vst v63  }
0x33: {  	_ =	swait.ge [sflag:s8], $0x10  }
0x34: {  	[sflag:s8] =	ssyncset.done $0x0  }
0x35: {  	[sflag:s8] =	ssyncadd.s32 $0xFFFFFFF0  }
0x36: {  	s7 =	simm.s32 $0x100;
	s6 =	simm.s32 $0x0;
	v9 =	vld [tilespmem:$0x15CE0]  }
.LBB2_2:
0x37: {  	p0 =	sne.s32 s7, $0x6300;
	[tilespmem:s6+$0x8CD0] =	vst v0;
	s14 =	smov.u32 s7;
	s7 =	sadd.s32 $0x100, s7  }
.Ltmp0:
0x38: {  	[tilespmem:s6+$0x8CC0] =	vst v0;
	(pc) =	sbr.rel @p0 .LBB2_2-.Ltmp0, $3  }
0x39: {  	[tilespmem:s6+$0x8CA0] =	vst v0  }
0x3a: {  	[tilespmem:s6+$0x8CB0] =	vst v0;
	_ =	sdelay $0x1  }
0x3b: {  	s6 =	sshra.s32 s14, $0x2  }
0x3c: {  	[tilespmem:s6+$0x8CD0] =	vst v0  }
0x3d: {  	[tilespmem:s6+$0x8CC0] =	vst v0  }
0x3e: {  	[tilespmem:s6+$0x8CA0] =	vst v0  }
0x3f: {  	[tilespmem:s6+$0x8CB0] =	vst v0;
	s19 =	rddreg [dreg:$0x12]  }
0x40: {  	[spmem:s19] =	stream.linear.scatter [tilespmem:s18], [sflag:$0x6], $0x1400, $0x38;
	[tilespmem:$0x1FCF0] =	vst v63  }
0x41: {  	_ =	swait.ge [sflag:s8], $0x1400  }
0x42: {  	[sflag:s8] =	ssyncset.done $0x0  }
0x43: {  	s20 =	rddreg [dreg:$0x8];
	[sflag:s8] =	ssyncadd.s32 $0xFFFFEC00  }
0x44: {  	[spmem:s20] =	stream.linear.scatter [tilespmem:s18], [sflag:$0x6], $0x1400, $0x38;
	[tilespmem:$0x1FCF0] =	vst v63  }
0x45: {  	_ =	swait.ge [sflag:s8], $0x1400  }
0x46: {  	[sflag:s8] =	ssyncset.done $0x0  }
0x47: {  	s21 =	rddreg [dreg:$0x15];
	[sflag:s8] =	ssyncadd.s32 $0xFFFFEC00  }
0x48: {  	[spmem:s21] =	stream.linear.scatter [tilespmem:s18], [sflag:$0x6], $0x1400, $0x38;
	[tilespmem:$0x1FCF0] =	vst v63  }
0x49: {  	_ =	swait.ge [sflag:s8], $0x1400  }
0x4a: {  	[sflag:s8] =	ssyncset.done $0x0  }
0x4b: {  	s22 =	rddreg [dreg:$0x9];
	[sflag:s8] =	ssyncadd.s32 $0xFFFFEC00  }
0x4c: {  	[spmem:s22] =	stream.linear.scatter [tilespmem:s18], [sflag:$0x6], $0x1400, $0x38;
	[tilespmem:$0x1FCF0] =	vst v63  }
0x4d: {  	_ =	swait.ge [sflag:s8], $0x1400  }
0x4e: {  	[sflag:s8] =	ssyncset.done $0x0  }
0x4f: {  	s23 =	rddreg [dreg:$0xa];
	[sflag:s8] =	ssyncadd.s32 $0xFFFFEC00  }
0x50: {  	[spmem:s23] =	stream.linear.scatter [tilespmem:s18], [sflag:$0x6], $0x1400, $0x38;
	[tilespmem:$0x1FCF0] =	vst v63  }
0x51: {  	_ =	swait.ge [sflag:s8], $0x1400  }
0x52: {  	[sflag:s8] =	ssyncset.done $0x0  }
0x53: {  	s24 =	rddreg [dreg:$0xb];
	[sflag:s8] =	ssyncadd.s32 $0xFFFFEC00  }
0x54: {  	[spmem:s24] =	stream.linear.scatter [tilespmem:s18], [sflag:$0x6], $0x1400, $0x38;
	[tilespmem:$0x1FCF0] =	vst v63  }
0x55: {  	_ =	swait.ge [sflag:s8], $0x1400  }
0x56: {  	[sflag:s8] =	ssyncset.done $0x0  }
0x57: {  	s25 =	rddreg [dreg:$0xc];
	[sflag:s8] =	ssyncadd.s32 $0xFFFFEC00  }
0x58: {  	[spmem:s25] =	stream.linear.scatter [tilespmem:s18], [sflag:$0x6], $0x1400, $0x38;
	[tilespmem:$0x1FCF0] =	vst v63  }
0x59: {  	_ =	swait.ge [sflag:s8], $0x1400  }
0x5a: {  	[sflag:s8] =	ssyncset.done $0x0  }
0x5b: {  	s26 =	rddreg [dreg:$0xd];
	[sflag:s8] =	ssyncadd.s32 $0xFFFFEC00  }
0x5c: {  	[spmem:s26] =	stream.linear.scatter [tilespmem:s18], [sflag:$0x6], $0x1400, $0x38;
	[tilespmem:$0x1FCF0] =	vst v63  }
0x5d: {  	_ =	swait.ge [sflag:s8], $0x1400  }
0x5e: {  	[sflag:s8] =	ssyncset.done $0x0  }
0x5f: {  	[sflag:s8] =	ssyncadd.s32 $0xFFFFEC00  }
0x60: {  	[bflag:$0x0] =	sbarrier.arrive $0xFFFF  }
0x61: {  	v1 =	vld [tilespmem:$0x15AE0]  }
0x62: {  	v2 =	vld [tilespmem:$0x15AF0]  }
0x63: {  	v3 =	vld [tilespmem:$0x15B00]  }
0x64: {  	v4 =	vld [tilespmem:$0x15B10]  }
0x65: {  	v5 =	vld [tilespmem:$0x15B20]  }
0x66: {  	v6 =	vld [tilespmem:$0x15B30]  }
0x67: {  	s6 =	simm.s32 $0x0;
	v7 =	vld [tilespmem:$0x15B40]  }
0x68: {  	v8 =	vnsel vm0, $0x0, v9;
	v9 =	vsel vm1, $0x0, v9;
	s14 =	simm.s32 $0x64;
	s7 =	simm.s32 $0x0;
	s20 =	simm.s32 $0x0;
	v10 =	vld [tilespmem:$0x15B50]  }
.LBB2_4:
0x69: {  	s15 =	smul.u32 $0xD0, s20  }
0x6a: {  	s21 =	rddreg [dreg:$0x5]  }
0x6b: {  	[tilespmem:s31], [sflag:$0x1] =	stream.indirect.gather [hbm4b:s21+s30], $0x40, s15, s30, $0xb8;
	[tilespmem:$0x1FCF0] =	vst v63  }
0x6c: {  	s17 =	sadd.s32 $0x1450, s15;
	s15 =	sshllo.u32 s20, $0x1  }
0x6d: {  	s22 =	rddreg [dreg:$0xe];
	s19 =	smul.u32 $0x68, s15  }
0x6e: {  	[tilespmem:s2], [sflag:$0x3] =	stream.indirect.gather [hbm4b:s22+s30], $0x40, s17, s30, $0xb8;
	[tilespmem:$0x1FCF0] =	vst v63  }
0x6f: {  	_ = 	snop  }
0x70: {  	[tilespmem:s1], [sflag:$0x2] =	stream.indirect.gather [hbm4b:s21+s30], $0x40, s19, s30, $0xb8;
	[tilespmem:$0x1FCF0] =	vst v63  }
0x71: {  	s23 =	sadd.s32 $0x1450, s19  }
0x72: {  	[tilespmem:s3], [sflag:$0x4] =	stream.indirect.gather [hbm4b:s22+s30], $0x40, s23, s30, $0xb8;
	[tilespmem:$0x1FCF0] =	vst v63  }
0x73: {  	_ =	swait.ge [sflag:s0], $0x1900  }
0x74: {  	s25 =	sshll.u32 s20, $0x1;
	[sflag:s0] =	ssyncset.done $0x0  }
0x75: {  	s19 =	sadd.s32 s16, s25;
	[sflag:s0] =	ssyncadd.s32 $0xFFFFE700  }
0x76: {  	s19 =	smul.u32 $0x320, s19;
	_ =	swait.ge [sflag:s5], $0x1900  }
0x77: {  	[sflag:s5] =	ssyncset.done $0x0;
	s26 =	rddreg [dreg:$0x6]  }
0x78: {  	[sflag:s5] =	ssyncadd.s32 $0xFFFFE700;
	s19 =	sadd.s32 s26, s19  }
0x79: {  	[tilespmem:s9], [sflag:$0x6] =	stream.linear.gather [hbm4b:s19+s6], $0x1900, $0x38;
	[tilespmem:$0x1FCF0] =	vst v63  }
0x7a: {  	_ =	swait.ge [sflag:s8], $0x1900  }
0x7b: {  	[sflag:s8] =	ssyncset.done $0x0  }
0x7c: {  	s19 =	simm.s32 $0x0;
	[sflag:s8] =	ssyncadd.s32 $0xFFFFE700  }
0x7d: {  	v12 =	vld [tilespmem:s19+$0x28B0]  }
0x7e: {  	v11 =	vld [tilespmem:s19+$0x5AD0]  }
0x7f: {  	v13 =	vld [tilespmem:s19+$0x5AC0]  }
0x80: {  	v14 =	vld [tilespmem:s19+$0x5AA0]  }
0x81: {  	v16 =	vld [tilespmem:s19+$0x28A0]  }
0x82: {  	s24 =	smov.u32 s7;
	s21 =	sshll.u32 s7, $0x3;
	s22 =	simm.s32 $0x100;
	v15 =	vld [tilespmem:s19+$0xA5A0]  }
.LBB2_5:
0x83: {  	p0 =	sne.s32 s22, $0x6300  }
0x84: {  	v17 =	vld [tilespmem:s19+$0x5AB0];
	s24 =	sadd.s32 $0x1, s24;
	s25 =	smov.u32 s22;
	s22 =	sadd.s32 $0x100, s22  }
0x85: {  	s26 =	sshll.u32 s24, $0x3;
	v18 =	vld [tilespmem:s19+$0x28C0]  }
0x86: {  	v19 =	vld [tilespmem:s19+$0xA5B0]  }
0x87: {  	v14 =	vadd.f32 v14, v16;
	v16 =	vld [tilespmem:s19+$0xA5C0]  }
0x88: {  	v20 =	vld [tilespmem:s19+$0x28D0]  }
0x89: {  	v14 =	vadd.f32 v15, v14;
	v12 =	vadd.f32 v17, v12  }
0x8a: {  	s25 =	sshra.s32 s25, $0x2;
	v13 =	vadd.f32 v13, v18;
	v15 =	vld [tilespmem:s19+$0xA5D0]  }
0x8b: {  	v14 =	vmax.f32 v14, $0.0e+00;
	v12 =	vadd.f32 v19, v12  }
0x8c: {  	v17 =	vmul.f32 v14, v1;
	v18 =	vmul.f32 v14, v5;
	v13 =	vadd.f32 v16, v13  }
0x8d: {  	v12 =	vmax.f32 v12, $0.0e+00;
	v11 =	vadd.f32 v11, v20  }
0x8e: {  	v16 =	vadd.f32 v17, v8;
	v17 =	vadd.f32 v18, v9;
	v18 =	vmul.f32 v12, v2  }
0x8f: {  	v19 =	vmul.f32 v12, v6;
	v13 =	vmax.f32 v13, $0.0e+00;
	v11 =	vadd.f32 v15, v11  }
0x90: {  	v15 =	vadd.f32 v18, v16;
	v16 =	vmul.f32 v13, v3  }
0x91: {  	v17 =	vadd.f32 v19, v17;
	v18 =	vmul.f32 v13, v7;
	v11 =	vmax.f32 v11, $0.0e+00  }
0x92: {  	v15 =	vadd.f32 v16, v15;
	v16 =	vmul.f32 v11, v4  }
0x93: {  	v17 =	vadd.f32 v18, v17;
	v18 =	vmul.f32 v11, v10  }
0x94: {  	v15 =	vadd.f32 v16, v15  }
0x95: {  	v16 =	vadd.f32 v18, v17  }
0x96: {  	(xrf2) =	vadd.scan.msk.f32 $0xffff, v15;
	_ =	sdelay $0x2  }
0x97: {  	(xrf2) =	vadd.scan.msk.f32 $0xffff, v16;
	_ =	sdelay $0x2  }
0x98: {  	v15 =	vmov s21;
	s21 =	smov.u32 s26  }
0x99: {  	[tilespmem:s19+$0x8CA0] =	vst v14  }
0x9a: {  	[tilespmem:s19+$0x8CB0] =	vst v12  }
0x9b: {  	v12 =	vor.u32 $0x1, v15;
	[tilespmem:s19+$0x8CC0] =	vst v13  }
0x9c: {  	[tilespmem:s19+$0x8CD0] =	vst v11;
	v11, _, _ =	vpop (xrf2);
	s19 =	smov.u32 s25  }
0x9d: {  	[tilespmem:v15+s10+$0x0] =	vst.idx.msk vm2, v11;
	_ =	sdelay $0x1  }
0x9e: {  	v11, _, _ =	vpop (xrf2)  }
0x9f: {  	[tilespmem:v12+s10+$0x0] =	vst.idx.msk vm2, v11  }
0xa0: {  	v12 =	vld [tilespmem:s19+$0x28B0]  }
.Ltmp1:
0xa1: {  	v11 =	vld [tilespmem:s19+$0x5AD0];
	(pc) =	sbr.rel @p0 .LBB2_5-.Ltmp1, $4  }
0xa2: {  	v13 =	vld [tilespmem:s19+$0x5AC0]  }
0xa3: {  	v14 =	vld [tilespmem:s19+$0x5AA0]  }
0xa4: {  	v16 =	vld [tilespmem:s19+$0x28A0]  }
0xa5: {  	v15 =	vld [tilespmem:s19+$0xA5A0]  }
0xa6: {  	v17 =	vld [tilespmem:s19+$0x5AB0]  }
0xa7: {  	v18 =	vld [tilespmem:s19+$0x28C0]  }
0xa8: {  	v19 =	vld [tilespmem:s19+$0xA5B0]  }
0xa9: {  	v20 =	vld [tilespmem:s19+$0x28D0];
	v14 =	vadd.f32 v14, v16  }
0xaa: {  	v16 =	vld [tilespmem:s19+$0xA5C0]  }
0xab: {  	v14 =	vadd.f32 v15, v14;
	v12 =	vadd.f32 v17, v12  }
0xac: {  	v15 =	vld [tilespmem:s19+$0xA5D0]  }
0xad: {  	v13 =	vadd.f32 v13, v18;
	v14 =	vmax.f32 v14, $0.0e+00;
	v12 =	vadd.f32 v19, v12  }
0xae: {  	v17 =	vmul.f32 v14, v1;
	v18 =	vmul.f32 v14, v5  }
0xaf: {  	v11 =	vadd.f32 v11, v20;
	v13 =	vadd.f32 v16, v13;
	v12 =	vmax.f32 v12, $0.0e+00  }
0xb0: {  	v16 =	vadd.f32 v17, v8;
	v17 =	vadd.f32 v18, v9;
	v18 =	vmul.f32 v12, v2  }
0xb1: {  	v19 =	vmul.f32 v12, v6;
	v13 =	vmax.f32 v13, $0.0e+00;
	v11 =	vadd.f32 v15, v11  }
0xb2: {  	v15 =	vadd.f32 v18, v16;
	v16 =	vmul.f32 v13, v3  }
0xb3: {  	v17 =	vadd.f32 v19, v17;
	v18 =	vmul.f32 v13, v7;
	v11 =	vmax.f32 v11, $0.0e+00  }
0xb4: {  	v15 =	vadd.f32 v16, v15;
	v16 =	vmul.f32 v11, v4  }
0xb5: {  	v17 =	vadd.f32 v18, v17;
	v18 =	vmul.f32 v11, v10  }
0xb6: {  	v15 =	vadd.f32 v16, v15  }
0xb7: {  	v16 =	vadd.f32 v18, v17  }
0xb8: {  	(xrf2) =	vadd.scan.msk.f32 $0xffff, v15  }
0xb9: {  	(xrf2) =	vadd.scan.msk.f32 $0xffff, v16;
	_ =	sdelay $0x4  }
0xba: {  	v15 =	vmov s21  }
0xbb: {  	[tilespmem:s19+$0x8CA0] =	vst v14;
	v14 =	vor.u32 $0x1, v15  }
0xbc: {  	[tilespmem:s19+$0x8CB0] =	vst v12  }
0xbd: {  	[tilespmem:s19+$0x8CC0] =	vst v13  }
0xbe: {  	[tilespmem:s19+$0x8CD0] =	vst v11;
	v11, _, _ =	vpop (xrf2)  }
0xbf: {  	[tilespmem:v15+s10+$0x0] =	vst.idx.msk vm2, v11;
	v11, _, _ =	vpop (xrf2)  }
0xc0: {  	[tilespmem:v14+s10+$0x0] =	vst.idx.msk vm2, v11  }
0xc1: {  	[spmem:s4] =	stream.indirect.scatter.add.f32 [tilespmem:s18], [sflag:$0x5], $0x40, s17, s30, $0xb8;
	[tilespmem:$0x1FCF0] =	vst v63  }
0xc2: {  	_ =	swait.ge [sflag:s11], $0x1900  }
0xc3: {  	[sflag:s11] =	ssyncset.done $0x0  }
0xc4: {  	[sflag:s11] =	ssyncadd.s32 $0xFFFFE700  }
0xc5: {  	_ =	swait.ge [sflag:s12], $0x1900  }
0xc6: {  	[sflag:s12] =	ssyncset.done $0x0  }
0xc7: {  	s15 =	sadd.s32 s16, s15;
	[sflag:s12] =	ssyncadd.s32 $0xFFFFE700  }
0xc8: {  	s15 =	smul.u32 $0x320, s15;
	_ =	swait.ge [sflag:s13], $0x1900  }
0xc9: {  	[sflag:s13] =	ssyncset.done $0x0;
	s25 =	rddreg [dreg:$0x6]  }
0xca: {  	s26 =	simm.s32 $0x0;
	[sflag:s13] =	ssyncadd.s32 $0xFFFFE700;
	s15 =	sadd.s32 s25, s15  }
0xcb: {  	[tilespmem:s9], [sflag:$0x6] =	stream.linear.gather [hbm4b:s15+s26], $0x1900, $0x38;
	[tilespmem:$0x1FCF0] =	vst v63  }
0xcc: {  	_ =	swait.ge [sflag:s8], $0x1900  }
0xcd: {  	[sflag:s8] =	ssyncset.done $0x0  }
0xce: {  	s15 =	simm.s32 $0x0;
	[sflag:s8] =	ssyncadd.s32 $0xFFFFE700  }
0xcf: {  	v12 =	vld [tilespmem:s15+$0x41B0]  }
0xd0: {  	v11 =	vld [tilespmem:s15+$0x73D0]  }
0xd1: {  	v13 =	vld [tilespmem:s15+$0x73C0]  }
0xd2: {  	v14 =	vld [tilespmem:s15+$0x73A0]  }
0xd3: {  	v16 =	vld [tilespmem:s15+$0x41A0]  }
0xd4: {  	s19 =	simm.s32 $0x100;
	s21 =	smov.u32 s14;
	s17 =	sshll.u32 s14, $0x3;
	v15 =	vld [tilespmem:s15+$0xA5A0]  }
.LBB2_7:
0xd5: {  	p0 =	sne.s32 s19, $0x6300  }
0xd6: {  	v17 =	vld [tilespmem:s15+$0x73B0];
	s21 =	sadd.s32 $0x1, s21;
	s22 =	smov.u32 s19;
	s19 =	sadd.s32 $0x100, s19  }
0xd7: {  	s24 =	sshll.u32 s21, $0x3;
	v18 =	vld [tilespmem:s15+$0x41C0]  }
0xd8: {  	v19 =	vld [tilespmem:s15+$0xA5B0]  }
0xd9: {  	v14 =	vadd.f32 v14, v16;
	v16 =	vld [tilespmem:s15+$0xA5C0]  }
0xda: {  	v20 =	vld [tilespmem:s15+$0x41D0]  }
0xdb: {  	v14 =	vadd.f32 v15, v14;
	v12 =	vadd.f32 v17, v12  }
0xdc: {  	s22 =	sshra.s32 s22, $0x2;
	v13 =	vadd.f32 v13, v18;
	v15 =	vld [tilespmem:s15+$0xA5D0]  }
0xdd: {  	v14 =	vmax.f32 v14, $0.0e+00;
	v12 =	vadd.f32 v19, v12  }
0xde: {  	v17 =	vmul.f32 v14, v1;
	v18 =	vmul.f32 v14, v5;
	v13 =	vadd.f32 v16, v13  }
0xdf: {  	v12 =	vmax.f32 v12, $0.0e+00;
	v11 =	vadd.f32 v11, v20  }
0xe0: {  	v16 =	vadd.f32 v17, v8;
	v17 =	vadd.f32 v18, v9;
	v18 =	vmul.f32 v12, v2  }
0xe1: {  	v19 =	vmul.f32 v12, v6;
	v13 =	vmax.f32 v13, $0.0e+00;
	v11 =	vadd.f32 v15, v11  }
0xe2: {  	v15 =	vadd.f32 v18, v16;
	v16 =	vmul.f32 v13, v3  }
0xe3: {  	v17 =	vadd.f32 v19, v17;
	v18 =	vmul.f32 v13, v7;
	v11 =	vmax.f32 v11, $0.0e+00  }
0xe4: {  	v15 =	vadd.f32 v16, v15;
	v16 =	vmul.f32 v11, v4  }
0xe5: {  	v17 =	vadd.f32 v18, v17;
	v18 =	vmul.f32 v11, v10  }
0xe6: {  	v15 =	vadd.f32 v16, v15  }
0xe7: {  	v16 =	vadd.f32 v18, v17  }
0xe8: {  	(xrf2) =	vadd.scan.msk.f32 $0xffff, v15;
	_ =	sdelay $0x2  }
0xe9: {  	(xrf2) =	vadd.scan.msk.f32 $0xffff, v16;
	_ =	sdelay $0x2  }
0xea: {  	v15 =	vmov s17;
	s17 =	smov.u32 s24  }
0xeb: {  	[tilespmem:s15+$0x8CA0] =	vst v14  }
0xec: {  	[tilespmem:s15+$0x8CB0] =	vst v12  }
0xed: {  	v12 =	vor.u32 $0x1, v15;
	[tilespmem:s15+$0x8CC0] =	vst v13  }
0xee: {  	[tilespmem:s15+$0x8CD0] =	vst v11;
	v11, _, _ =	vpop (xrf2);
	s15 =	smov.u32 s22  }
0xef: {  	[tilespmem:v15+s10+$0x0] =	vst.idx.msk vm2, v11;
	_ =	sdelay $0x1  }
0xf0: {  	v11, _, _ =	vpop (xrf2)  }
0xf1: {  	[tilespmem:v12+s10+$0x0] =	vst.idx.msk vm2, v11  }
0xf2: {  	v12 =	vld [tilespmem:s15+$0x41B0]  }
.Ltmp2:
0xf3: {  	v11 =	vld [tilespmem:s15+$0x73D0];
	(pc) =	sbr.rel @p0 .LBB2_7-.Ltmp2, $4  }
0xf4: {  	v13 =	vld [tilespmem:s15+$0x73C0]  }
0xf5: {  	v14 =	vld [tilespmem:s15+$0x73A0]  }
0xf6: {  	v16 =	vld [tilespmem:s15+$0x41A0]  }
0xf7: {  	v15 =	vld [tilespmem:s15+$0xA5A0]  }
0xf8: {  	v17 =	vld [tilespmem:s15+$0x73B0]  }
0xf9: {  	v18 =	vld [tilespmem:s15+$0x41C0]  }
0xfa: {  	v19 =	vld [tilespmem:s15+$0xA5B0]  }
0xfb: {  	v20 =	vld [tilespmem:s15+$0x41D0];
	v14 =	vadd.f32 v14, v16  }
0xfc: {  	v48 =	vld [tilespmem:s15+$0xA5C0]  }
0xfd: {  	v49 =	vld [tilespmem:s15+$0xA5D0];
	v14 =	vadd.f32 v15, v14;
	v12 =	vadd.f32 v17, v12;
	_ =	sdelay $0x1  }
0xfe: {  	v13 =	vadd.f32 v13, v18;
	v14 =	vmax.f32 v14, $0.0e+00;
	v12 =	vadd.f32 v19, v12  }
0xff: {  	v11 =	vadd.f32 v11, v20;
	v50 =	vmul.f32 v14, v1  }
0x100: {  	v13 =	vadd.f32 v48, v13;
	v51 =	vmul.f32 v14, v5;
	v12 =	vmax.f32 v12, $0.0e+00  }
0x101: {  	v11 =	vadd.f32 v49, v11;
	v52 =	vadd.f32 v50, v8;
	v54 =	vmul.f32 v12, v2  }
0x102: {  	v13 =	vmax.f32 v13, $0.0e+00;
	v53 =	vadd.f32 v51, v9;
	v55 =	vmul.f32 v12, v6  }
0x103: {  	v57 =	vmul.f32 v13, v3;
	v56 =	vadd.f32 v54, v52  }
0x104: {  	v11 =	vmax.f32 v11, $0.0e+00;
	v58 =	vmul.f32 v13, v7;
	v17 =	vadd.f32 v55, v53  }
0x105: {  	v59 =	vmul.f32 v11, v4;
	v15 =	vadd.f32 v57, v56  }
0x106: {  	v60 =	vmul.f32 v11, v10;
	v17 =	vadd.f32 v58, v17  }
0x107: {  	v15 =	vadd.f32 v59, v15  }
0x108: {  	v61 =	vadd.f32 v60, v17  }
0x109: {  	(xrf2) =	vadd.scan.msk.f32 $0xffff, v15  }
0x10a: {  	(xrf2) =	vadd.scan.msk.f32 $0xffff, v61;
	_ =	sdelay $0x4  }
0x10b: {  	v62 =	vmov s17  }
0x10c: {  	v63 =	vor.u32 $0x1, v62;
	[tilespmem:s15+$0x8CA0] =	vst v14  }
0x10d: {  	[tilespmem:s15+$0x8CB0] =	vst v12  }
0x10e: {  	[tilespmem:s15+$0x8CC0] =	vst v13  }
0x10f: {  	s20 =	sadd.s32 $0x1, s20;
	[tilespmem:s15+$0x8CD0] =	vst v11;
	v11, _, _ =	vpop (xrf2)  }
0x110: {  	p0 =	sne.s32 s20, $0x19;
	[tilespmem:v62+s10+$0x0] =	vst.idx.msk vm2, v11;
	v11, _, _ =	vpop (xrf2)  }
.Ltmp3:
0x111: {  	[tilespmem:v63+s10+$0x0] =	vst.idx.msk vm2, v11;
	(pc) =	sbr.rel @p0 .LBB2_4-.Ltmp3, $4  }
0x112: {  	[spmem:s4] =	stream.indirect.scatter.add.f32 [tilespmem:s18], [sflag:$0x5], $0x40, s23, s30, $0xb8;
	[tilespmem:$0x1FCF0] =	vst v63  }
0x113: {  	_ =	swait.ge [sflag:s11], $0x1900  }
0x114: {  	[sflag:s11] =	ssyncset.done $0x0  }
0x115: {  	s7 =	sadd.s32 $0xC8, s7;
	s14 =	sadd.s32 $0xC8, s14;
	[sflag:s11] =	ssyncadd.s32 $0xFFFFE700  }
0x116: {  	s6 =	stileid.u32;
	[bflag:$0x0] =	sbarrier.arrive $0xFFFF  }
0x117: {  	s6 =	sshll.u32 s6, $0x6;
	s25 =	rddreg [dreg:$0x12]  }
0x118: {  	s26 =	rddreg [dreg:$0x19];
	s7 =	sor.u32 $0x1C06, s6  }
0x119: {  	s14 =	sshrl.u32 s25, $0x3;
	[smem:$0x7FC] =	sst s7  }
0x11a: {  	[smem:$0x7FD] =	sst s14  }
0x11b: {  	[hbm:s26], [sflag:s7] =	dma.local [spmem:s14], $0x1400  }
0x11c: {  	_ =	swait.ge [sflag:s8], $0x1400  }
0x11d: {  	[sflag:s8] =	ssyncset.done $0x0  }
0x11e: {  	[sflag:s8] =	ssyncadd.s32 $0xFFFFEC00  }
0x11f: {  	s6 =	simm.s32 $0x0;
	s7 =	simm.s32 $0x100;
	[bflag:$0x0] =	sbarrier.arrive $0xFFFF  }
.LBB2_10:
0x120: {  	p0 =	sne.s32 s7, $0x6300;
	[tilespmem:s6+$0x8CD0] =	vst v0;
	s14 =	smov.u32 s7;
	s7 =	sadd.s32 $0x100, s7  }
.Ltmp4:
0x121: {  	[tilespmem:s6+$0x8CC0] =	vst v0;
	(pc) =	sbr.rel @p0 .LBB2_10-.Ltmp4, $3  }
0x122: {  	[tilespmem:s6+$0x8CA0] =	vst v0  }
0x123: {  	[tilespmem:s6+$0x8CB0] =	vst v0;
	_ =	sdelay $0x1  }
0x124: {  	s6 =	sshra.s32 s14, $0x2  }
0x125: {  	[tilespmem:s6+$0x8CD0] =	vst v0  }
0x126: {  	[tilespmem:s6+$0x8CC0] =	vst v0  }
0x127: {  	[tilespmem:s6+$0x8CA0] =	vst v0  }
0x128: {  	[tilespmem:s6+$0x8CB0] =	vst v0;
	s19 =	rddreg [dreg:$0x12]  }
0x129: {  	[spmem:s19] =	stream.linear.scatter [tilespmem:s18], [sflag:$0x6], $0x1400, $0x38;
	[tilespmem:$0x1FCF0] =	vst v63  }
0x12a: {  	_ =	swait.ge [sflag:s8], $0x1400  }
0x12b: {  	[sflag:s8] =	ssyncset.done $0x0  }
0x12c: {  	s20 =	rddreg [dreg:$0x8];
	[sflag:s8] =	ssyncadd.s32 $0xFFFFEC00  }
0x12d: {  	[spmem:s20] =	stream.linear.scatter [tilespmem:s18], [sflag:$0x6], $0x1400, $0x38;
	[tilespmem:$0x1FCF0] =	vst v63  }
0x12e: {  	_ =	swait.ge [sflag:s8], $0x1400  }
0x12f: {  	[sflag:s8] =	ssyncset.done $0x0  }
0x130: {  	s21 =	rddreg [dreg:$0x15];
	[sflag:s8] =	ssyncadd.s32 $0xFFFFEC00  }
0x131: {  	[spmem:s21] =	stream.linear.scatter [tilespmem:s18], [sflag:$0x6], $0x1400, $0x38;
	[tilespmem:$0x1FCF0] =	vst v63  }
0x132: {  	_ =	swait.ge [sflag:s8], $0x1400  }
0x133: {  	[sflag:s8] =	ssyncset.done $0x0  }
0x134: {  	s22 =	rddreg [dreg:$0x9];
	[sflag:s8] =	ssyncadd.s32 $0xFFFFEC00  }
0x135: {  	[spmem:s22] =	stream.linear.scatter [tilespmem:s18], [sflag:$0x6], $0x1400, $0x38;
	[tilespmem:$0x1FCF0] =	vst v63  }
0x136: {  	_ =	swait.ge [sflag:s8], $0x1400  }
0x137: {  	[sflag:s8] =	ssyncset.done $0x0  }
0x138: {  	s23 =	rddreg [dreg:$0xa];
	[sflag:s8] =	ssyncadd.s32 $0xFFFFEC00  }
0x139: {  	[spmem:s23] =	stream.linear.scatter [tilespmem:s18], [sflag:$0x6], $0x1400, $0x38;
	[tilespmem:$0x1FCF0] =	vst v63  }
0x13a: {  	_ =	swait.ge [sflag:s8], $0x1400  }
0x13b: {  	[sflag:s8] =	ssyncset.done $0x0  }
0x13c: {  	s24 =	rddreg [dreg:$0xb];
	[sflag:s8] =	ssyncadd.s32 $0xFFFFEC00  }
0x13d: {  	[spmem:s24] =	stream.linear.scatter [tilespmem:s18], [sflag:$0x6], $0x1400, $0x38;
	[tilespmem:$0x1FCF0] =	vst v63  }
0x13e: {  	_ =	swait.ge [sflag:s8], $0x1400  }
0x13f: {  	[sflag:s8] =	ssyncset.done $0x0  }
0x140: {  	s25 =	rddreg [dreg:$0xc];
	[sflag:s8] =	ssyncadd.s32 $0xFFFFEC00  }
0x141: {  	[spmem:s25] =	stream.linear.scatter [tilespmem:s18], [sflag:$0x6], $0x1400, $0x38;
	[tilespmem:$0x1FCF0] =	vst v63  }
0x142: {  	_ =	swait.ge [sflag:s8], $0x1400  }
0x143: {  	[sflag:s8] =	ssyncset.done $0x0  }
0x144: {  	s26 =	rddreg [dreg:$0xd];
	[sflag:s8] =	ssyncadd.s32 $0xFFFFEC00  }
0x145: {  	[spmem:s26] =	stream.linear.scatter [tilespmem:s18], [sflag:$0x6], $0x1400, $0x38;
	[tilespmem:$0x1FCF0] =	vst v63  }
0x146: {  	_ =	swait.ge [sflag:s8], $0x1400  }
0x147: {  	[sflag:s8] =	ssyncset.done $0x0  }
0x148: {  	[sflag:s8] =	ssyncadd.s32 $0xFFFFEC00  }
0x149: {  	[bflag:$0x0] =	sbarrier.arrive $0xFFFF  }
0x14a: {  	v1 =	vld [tilespmem:$0x15B60]  }
0x14b: {  	v2 =	vld [tilespmem:$0x15B70]  }
0x14c: {  	v3 =	vld [tilespmem:$0x15B80]  }
0x14d: {  	v4 =	vld [tilespmem:$0x15B90]  }
0x14e: {  	v5 =	vld [tilespmem:$0x15BA0]  }
0x14f: {  	v6 =	vld [tilespmem:$0x15BB0]  }
0x150: {  	s6 =	simm.s32 $0x0;
	v7 =	vld [tilespmem:$0x15BC0]  }
0x151: {  	s20 =	simm.s32 $0x64;
	s23 =	simm.s32 $0x0;
	s24 =	simm.s32 $0x0;
	v8 =	vld [tilespmem:$0x15BD0]  }
.LBB2_12:
0x152: {  	s7 =	smul.u32 $0xD0, s6  }
0x153: {  	s14 =	rddreg [dreg:$0xf];
	s15 =	sshllo.u32 s6, $0x1  }
0x154: {  	[tilespmem:s31], [sflag:$0x1] =	stream.indirect.gather [hbm4b:s14+s30], $0x40, s7, s30, $0xb8;
	[tilespmem:$0x1FCF0] =	vst v63  }
0x155: {  	s19 =	rddreg [dreg:$0x11];
	s22 =	smul.u32 $0x68, s15;
	s17 =	sadd.s32 $0x1450, s7  }
0x156: {  	[tilespmem:s2], [sflag:$0x3] =	stream.indirect.gather [hbm4b:s19+s30], $0x40, s17, s30, $0xb8;
	[tilespmem:$0x1FCF0] =	vst v63  }
0x157: {  	_ = 	snop  }
0x158: {  	[tilespmem:s1], [sflag:$0x2] =	stream.indirect.gather [hbm4b:s14+s30], $0x40, s22, s30, $0xb8;
	[tilespmem:$0x1FCF0] =	vst v63  }
0x159: {  	s7 =	sadd.s32 $0x1450, s22  }
0x15a: {  	[tilespmem:s3], [sflag:$0x4] =	stream.indirect.gather [hbm4b:s19+s30], $0x40, s7, s30, $0xb8;
	[tilespmem:$0x1FCF0] =	vst v63  }
0x15b: {  	_ =	swait.ge [sflag:s0], $0x1900  }
0x15c: {  	s25 =	sshll.u32 s6, $0x1;
	[sflag:s0] =	ssyncset.done $0x0  }
0x15d: {  	s14 =	sadd.s32 s16, s25;
	[sflag:s0] =	ssyncadd.s32 $0xFFFFE700  }
0x15e: {  	s14 =	smul.u32 $0x320, s14;
	_ =	swait.ge [sflag:s5], $0x1900  }
0x15f: {  	[sflag:s5] =	ssyncset.done $0x0;
	s26 =	rddreg [dreg:$0x18]  }
0x160: {  	[sflag:s5] =	ssyncadd.s32 $0xFFFFE700;
	s14 =	sadd.s32 s14, s26  }
0x161: {  	[tilespmem:s9], [sflag:$0x6] =	stream.linear.gather [hbm4b:s14+s23], $0x1900, $0x38;
	[tilespmem:$0x1FCF0] =	vst v63  }
0x162: {  	_ =	swait.ge [sflag:s8], $0x1900  }
0x163: {  	[sflag:s8] =	ssyncset.done $0x0  }
0x164: {  	s19 =	simm.s32 $0x0;
	[sflag:s8] =	ssyncadd.s32 $0xFFFFE700  }
0x165: {  	v10 =	vld [tilespmem:s19+$0xA5B0]  }
0x166: {  	v9 =	vld [tilespmem:s19+$0x5AA0]  }
0x167: {  	v11 =	vld [tilespmem:s19+$0x28A0]  }
0x168: {  	v12 =	vld [tilespmem:s19+$0x28C0]  }
0x169: {  	v13 =	vld [tilespmem:s19+$0x5AB0]  }
0x16a: {  	v14 =	vld [tilespmem:s19+$0xA5A0]  }
0x16b: {  	v15 =	vld [tilespmem:s19+$0x28B0]  }
0x16c: {  	v17 =	vld [tilespmem:s19+$0x5AD0]  }
0x16d: {  	v16 =	vld [tilespmem:s19+$0x5AC0]  }
0x16e: {  	v18 =	vld [tilespmem:s19+$0x28D0];
	v9 =	vadd.f32 v9, v11;
	_ =	sdelay $0x1  }
0x16f: {  	v13 =	vadd.f32 v13, v15;
	v11 =	vld [tilespmem:s19+$0xA5C0];
	v9 =	vadd.f32 v14, v9;
	_ =	sdelay $0x1  }
0x170: {  	v16 =	vadd.f32 v16, v12;
	v15 =	vadd.f32 v10, v13;
	v10 =	vld [tilespmem:s19+$0xA5D0];
	v9 =	vmax.f32 v9, $0.0e+00  }
0x171: {  	s21 =	sshll.u32 s24, $0x3;
	s22 =	simm.s32 $0x100;
	s14 =	smov.u32 s24;
	v12 =	vadd.f32 v17, v18;
	v14 =	vmul.f32 v9, v1;
	v13 =	vmul.f32 v9, v5  }
.LBB2_13:
0x172: {  	p0 =	sne.s32 s22, $0x6300  }
0x173: {  	v15 =	vmax.f32 v15, $0.0e+00;
	v11 =	vadd.f32 v11, v16;
	s14 =	sadd.s32 $0x1, s14;
	s25 =	smov.u32 s22;
	s22 =	sadd.s32 $0x100, s22  }
0x174: {  	s26 =	sshll.u32 s14, $0x3;
	v14 =	vadd.f32 $0.0e+00, v14;
	v16 =	vmul.f32 v15, v2;
	v17 =	vmul.f32 v15, v6  }
0x175: {  	v13 =	vadd.f32 $0.0e+00, v13;
	v11 =	vmax.f32 v11, $0.0e+00;
	v10 =	vadd.f32 v10, v12  }
0x176: {  	v12 =	vadd.f32 v16, v14;
	v14 =	vmul.f32 v11, v3  }
0x177: {  	v13 =	vadd.f32 v17, v13;
	v16 =	vmul.f32 v11, v7;
	v10 =	vmax.f32 v10, $0.0e+00  }
0x178: {  	v12 =	vadd.f32 v14, v12;
	v14 =	vmul.f32 v10, v4  }
0x179: {  	s25 =	sshra.s32 s25, $0x2;
	v13 =	vadd.f32 v16, v13;
	v16 =	vmul.f32 v10, v8  }
0x17a: {  	v12 =	vadd.f32 v14, v12  }
0x17b: {  	v13 =	vadd.f32 v16, v13  }
0x17c: {  	v14 =	vmov s21;
	s21 =	smov.u32 s26;
	(xrf2) =	vadd.scan.msk.f32 $0xffff, v12  }
0x17d: {  	[tilespmem:s19+$0x8CA0] =	vst v9  }
0x17e: {  	[tilespmem:s19+$0x8CB0] =	vst v15  }
0x17f: {  	v9 =	vor.u32 $0x1, v14;
	[tilespmem:s19+$0x8CC0] =	vst v11;
	(xrf2) =	vadd.scan.msk.f32 $0xffff, v13  }
0x180: {  	[tilespmem:s19+$0x8CD0] =	vst v10;
	s19 =	smov.u32 s25  }
0x181: {  	v10 =	vld.idx.msk [tilespmem:v14+s10+$0x0], vm2;
	_ =	sdelay $0x2  }
0x182: {  	v11 =	vld.idx.msk [tilespmem:v9+s10+$0x0], vm2;
	_ =	sdelay $0x1  }
0x183: {  	v12, _, _ =	vpop (xrf2)  }
0x184: {  	v12 =	vadd.f32 v12, v10;
	_ =	sdelay $0x1  }
0x185: {  	[tilespmem:v14+s10+$0x0] =	vst.idx.msk vm2, v12;
	v10, _, _ =	vpop (xrf2)  }
0x186: {  	v10 =	vadd.f32 v10, v11;
	_ =	sdelay $0x1  }
0x187: {  	[tilespmem:v9+s10+$0x0] =	vst.idx.msk vm2, v10  }
0x188: {  	v12 =	vld [tilespmem:s19+$0xA5B0]  }
0x189: {  	v9 =	vld [tilespmem:s19+$0x5AA0]  }
0x18a: {  	v10 =	vld [tilespmem:s19+$0x28A0]  }
0x18b: {  	v13 =	vld [tilespmem:s19+$0x28C0]  }
0x18c: {  	v14 =	vld [tilespmem:s19+$0x5AB0]  }
0x18d: {  	v15 =	vld [tilespmem:s19+$0xA5A0]  }
0x18e: {  	v16 =	vld [tilespmem:s19+$0x28B0]  }
0x18f: {  	v17 =	vld [tilespmem:s19+$0x5AD0]  }
0x190: {  	v18 =	vld [tilespmem:s19+$0x5AC0]  }
0x191: {  	v9 =	vadd.f32 v9, v10;
	v19 =	vld [tilespmem:s19+$0x28D0]  }
.Ltmp5:
0x192: {  	v11 =	vld [tilespmem:s19+$0xA5C0];
	(pc) =	sbr.rel @p0 .LBB2_13-.Ltmp5, $4  }
0x193: {  	v9 =	vadd.f32 v15, v9;
	v14 =	vadd.f32 v14, v16  }
0x194: {  	v10 =	vld [tilespmem:s19+$0xA5D0]  }
0x195: {  	v9 =	vmax.f32 v9, $0.0e+00;
	v15 =	vadd.f32 v12, v14;
	v16 =	vadd.f32 v18, v13  }
0x196: {  	v14 =	vmul.f32 v9, v1;
	v13 =	vmul.f32 v9, v5;
	v12 =	vadd.f32 v17, v19  }
0x197: {  	v15 =	vmax.f32 v15, $0.0e+00;
	v11 =	vadd.f32 v11, v16  }
0x198: {  	v14 =	vadd.f32 $0.0e+00, v14;
	v16 =	vmul.f32 v15, v2;
	v17 =	vmul.f32 v15, v6  }
0x199: {  	v13 =	vadd.f32 $0.0e+00, v13;
	v11 =	vmax.f32 v11, $0.0e+00;
	v10 =	vadd.f32 v10, v12  }
0x19a: {  	v12 =	vadd.f32 v16, v14;
	v14 =	vmul.f32 v11, v3  }
0x19b: {  	v13 =	vadd.f32 v17, v13;
	v16 =	vmul.f32 v11, v7;
	v10 =	vmax.f32 v10, $0.0e+00  }
0x19c: {  	v12 =	vadd.f32 v14, v12;
	v14 =	vmul.f32 v10, v4  }
0x19d: {  	v13 =	vadd.f32 v16, v13;
	v16 =	vmul.f32 v10, v8  }
0x19e: {  	v12 =	vadd.f32 v14, v12  }
0x19f: {  	v13 =	vadd.f32 v16, v13  }
0x1a0: {  	(xrf2) =	vadd.scan.msk.f32 $0xffff, v12  }
0x1a1: {  	v12 =	vmov s21;
	(xrf2) =	vadd.scan.msk.f32 $0xffff, v13  }
0x1a2: {  	[tilespmem:s19+$0x8CA0] =	vst v9;
	v9 =	vor.u32 $0x1, v12  }
0x1a3: {  	[tilespmem:s19+$0x8CB0] =	vst v15  }
0x1a4: {  	[tilespmem:s19+$0x8CC0] =	vst v11  }
0x1a5: {  	[tilespmem:s19+$0x8CD0] =	vst v10  }
0x1a6: {  	v10 =	vld.idx.msk [tilespmem:v12+s10+$0x0], vm2  }
0x1a7: {  	v11 =	vld.idx.msk [tilespmem:v9+s10+$0x0], vm2;
	_ =	sdelay $0x2  }
0x1a8: {  	v13, _, _ =	vpop (xrf2)  }
0x1a9: {  	v10 =	vadd.f32 v13, v10;
	v13, _, _ =	vpop (xrf2)  }
0x1aa: {  	v11 =	vadd.f32 v13, v11  }
0x1ab: {  	[tilespmem:v12+s10+$0x0] =	vst.idx.msk vm2, v10  }
0x1ac: {  	[tilespmem:v9+s10+$0x0] =	vst.idx.msk vm2, v11  }
0x1ad: {  	[spmem:s4] =	stream.indirect.scatter.add.f32 [tilespmem:s18], [sflag:$0x5], $0x40, s17, s30, $0xb8;
	[tilespmem:$0x1FCF0] =	vst v63  }
0x1ae: {  	_ =	swait.ge [sflag:s11], $0x1900  }
0x1af: {  	[sflag:s11] =	ssyncset.done $0x0  }
0x1b0: {  	[sflag:s11] =	ssyncadd.s32 $0xFFFFE700  }
0x1b1: {  	_ =	swait.ge [sflag:s12], $0x1900  }
0x1b2: {  	[sflag:s12] =	ssyncset.done $0x0  }
0x1b3: {  	s14 =	sadd.s32 s16, s15;
	[sflag:s12] =	ssyncadd.s32 $0xFFFFE700  }
0x1b4: {  	s14 =	smul.u32 $0x320, s14;
	_ =	swait.ge [sflag:s13], $0x1900  }
0x1b5: {  	[sflag:s13] =	ssyncset.done $0x0;
	s25 =	rddreg [dreg:$0x18]  }
0x1b6: {  	s26 =	simm.s32 $0x0;
	[sflag:s13] =	ssyncadd.s32 $0xFFFFE700;
	s14 =	sadd.s32 s14, s25  }
0x1b7: {  	[tilespmem:s9], [sflag:$0x6] =	stream.linear.gather [hbm4b:s14+s26], $0x1900, $0x38;
	[tilespmem:$0x1FCF0] =	vst v63  }
0x1b8: {  	_ =	swait.ge [sflag:s8], $0x1900  }
0x1b9: {  	[sflag:s8] =	ssyncset.done $0x0  }
0x1ba: {  	s15 =	simm.s32 $0x0;
	[sflag:s8] =	ssyncadd.s32 $0xFFFFE700  }
0x1bb: {  	v10 =	vld [tilespmem:s15+$0xA5B0]  }
0x1bc: {  	v9 =	vld [tilespmem:s15+$0x73A0]  }
0x1bd: {  	v11 =	vld [tilespmem:s15+$0x41A0]  }
0x1be: {  	v12 =	vld [tilespmem:s15+$0x41C0]  }
0x1bf: {  	v13 =	vld [tilespmem:s15+$0x73B0]  }
0x1c0: {  	v14 =	vld [tilespmem:s15+$0xA5A0]  }
0x1c1: {  	v15 =	vld [tilespmem:s15+$0x41B0]  }
0x1c2: {  	v17 =	vld [tilespmem:s15+$0x73D0]  }
0x1c3: {  	v16 =	vld [tilespmem:s15+$0x73C0]  }
0x1c4: {  	v18 =	vld [tilespmem:s15+$0x41D0];
	v9 =	vadd.f32 v9, v11;
	_ =	sdelay $0x1  }
0x1c5: {  	v13 =	vadd.f32 v13, v15;
	v11 =	vld [tilespmem:s15+$0xA5C0];
	v9 =	vadd.f32 v14, v9;
	_ =	sdelay $0x1  }
0x1c6: {  	v16 =	vadd.f32 v16, v12;
	v15 =	vadd.f32 v10, v13;
	v10 =	vld [tilespmem:s15+$0xA5D0];
	v9 =	vmax.f32 v9, $0.0e+00  }
0x1c7: {  	s19 =	simm.s32 $0x100;
	s17 =	sshll.u32 s20, $0x3;
	s14 =	smov.u32 s20;
	v12 =	vadd.f32 v17, v18;
	v14 =	vmul.f32 v9, v1;
	v13 =	vmul.f32 v9, v5  }
.LBB2_15:
0x1c8: {  	p0 =	sne.s32 s19, $0x6300  }
0x1c9: {  	v15 =	vmax.f32 v15, $0.0e+00;
	v11 =	vadd.f32 v11, v16;
	s14 =	sadd.s32 $0x1, s14;
	s21 =	smov.u32 s19;
	s19 =	sadd.s32 $0x100, s19  }
0x1ca: {  	s22 =	sshll.u32 s14, $0x3;
	v14 =	vadd.f32 $0.0e+00, v14;
	v16 =	vmul.f32 v15, v2;
	v17 =	vmul.f32 v15, v6  }
0x1cb: {  	v13 =	vadd.f32 $0.0e+00, v13;
	v11 =	vmax.f32 v11, $0.0e+00;
	v10 =	vadd.f32 v10, v12  }
0x1cc: {  	v12 =	vadd.f32 v16, v14;
	v14 =	vmul.f32 v11, v3  }
0x1cd: {  	v13 =	vadd.f32 v17, v13;
	v16 =	vmul.f32 v11, v7;
	v10 =	vmax.f32 v10, $0.0e+00  }
0x1ce: {  	v12 =	vadd.f32 v14, v12;
	v14 =	vmul.f32 v10, v4  }
0x1cf: {  	s21 =	sshra.s32 s21, $0x2;
	v13 =	vadd.f32 v16, v13;
	v16 =	vmul.f32 v10, v8  }
0x1d0: {  	v12 =	vadd.f32 v14, v12  }
0x1d1: {  	v13 =	vadd.f32 v16, v13  }
0x1d2: {  	v14 =	vmov s17;
	s17 =	smov.u32 s22;
	(xrf2) =	vadd.scan.msk.f32 $0xffff, v12  }
0x1d3: {  	[tilespmem:s15+$0x8CA0] =	vst v9  }
0x1d4: {  	[tilespmem:s15+$0x8CB0] =	vst v15  }
0x1d5: {  	v9 =	vor.u32 $0x1, v14;
	[tilespmem:s15+$0x8CC0] =	vst v11;
	(xrf2) =	vadd.scan.msk.f32 $0xffff, v13  }
0x1d6: {  	[tilespmem:s15+$0x8CD0] =	vst v10;
	s15 =	smov.u32 s21  }
0x1d7: {  	v10 =	vld.idx.msk [tilespmem:v14+s10+$0x0], vm2;
	_ =	sdelay $0x2  }
0x1d8: {  	v11 =	vld.idx.msk [tilespmem:v9+s10+$0x0], vm2;
	_ =	sdelay $0x1  }
0x1d9: {  	v12, _, _ =	vpop (xrf2)  }
0x1da: {  	v12 =	vadd.f32 v12, v10;
	_ =	sdelay $0x1  }
0x1db: {  	[tilespmem:v14+s10+$0x0] =	vst.idx.msk vm2, v12;
	v10, _, _ =	vpop (xrf2)  }
0x1dc: {  	v10 =	vadd.f32 v10, v11;
	_ =	sdelay $0x1  }
0x1dd: {  	[tilespmem:v9+s10+$0x0] =	vst.idx.msk vm2, v10  }
0x1de: {  	v12 =	vld [tilespmem:s15+$0xA5B0]  }
0x1df: {  	v9 =	vld [tilespmem:s15+$0x73A0]  }
0x1e0: {  	v10 =	vld [tilespmem:s15+$0x41A0]  }
0x1e1: {  	v13 =	vld [tilespmem:s15+$0x41C0]  }
0x1e2: {  	v14 =	vld [tilespmem:s15+$0x73B0]  }
0x1e3: {  	v15 =	vld [tilespmem:s15+$0xA5A0]  }
0x1e4: {  	v16 =	vld [tilespmem:s15+$0x41B0]  }
0x1e5: {  	v17 =	vld [tilespmem:s15+$0x73D0]  }
0x1e6: {  	v18 =	vld [tilespmem:s15+$0x73C0]  }
0x1e7: {  	v9 =	vadd.f32 v9, v10;
	v19 =	vld [tilespmem:s15+$0x41D0]  }
.Ltmp6:
0x1e8: {  	v11 =	vld [tilespmem:s15+$0xA5C0];
	(pc) =	sbr.rel @p0 .LBB2_15-.Ltmp6, $4  }
0x1e9: {  	v9 =	vadd.f32 v15, v9;
	v14 =	vadd.f32 v14, v16  }
0x1ea: {  	v10 =	vld [tilespmem:s15+$0xA5D0]  }
0x1eb: {  	v9 =	vmax.f32 v9, $0.0e+00;
	v15 =	vadd.f32 v12, v14;
	v16 =	vadd.f32 v18, v13  }
0x1ec: {  	v14 =	vmul.f32 v9, v1;
	v13 =	vmul.f32 v9, v5;
	v12 =	vadd.f32 v17, v19  }
0x1ed: {  	v15 =	vmax.f32 v15, $0.0e+00;
	v11 =	vadd.f32 v11, v16  }
0x1ee: {  	v14 =	vadd.f32 $0.0e+00, v14;
	v55 =	vmul.f32 v15, v2;
	v17 =	vmul.f32 v15, v6  }
0x1ef: {  	v13 =	vadd.f32 $0.0e+00, v13;
	v11 =	vmax.f32 v11, $0.0e+00;
	v10 =	vadd.f32 v10, v12  }
0x1f0: {  	v56 =	vadd.f32 v55, v14;
	v57 =	vmul.f32 v11, v3  }
0x1f1: {  	v13 =	vadd.f32 v17, v13;
	v58 =	vmul.f32 v11, v7;
	v10 =	vmax.f32 v10, $0.0e+00  }
0x1f2: {  	v12 =	vadd.f32 v57, v56;
	v59 =	vmul.f32 v10, v4  }
0x1f3: {  	v13 =	vadd.f32 v58, v13;
	v60 =	vmul.f32 v10, v8  }
0x1f4: {  	v12 =	vadd.f32 v59, v12  }
0x1f5: {  	v13 =	vadd.f32 v60, v13  }
0x1f6: {  	(xrf2) =	vadd.scan.msk.f32 $0xffff, v12  }
0x1f7: {  	v61 =	vmov s17;
	(xrf2) =	vadd.scan.msk.f32 $0xffff, v13  }
0x1f8: {  	[tilespmem:s15+$0x8CA0] =	vst v9;
	v9 =	vor.u32 $0x1, v61  }
0x1f9: {  	[tilespmem:s15+$0x8CB0] =	vst v15  }
0x1fa: {  	[tilespmem:s15+$0x8CC0] =	vst v11  }
0x1fb: {  	[tilespmem:s15+$0x8CD0] =	vst v10  }
0x1fc: {  	v10 =	vld.idx.msk [tilespmem:v61+s10+$0x0], vm2  }
0x1fd: {  	v11 =	vld.idx.msk [tilespmem:v9+s10+$0x0], vm2;
	_ =	sdelay $0x2  }
0x1fe: {  	v62, _, _ =	vpop (xrf2)  }
0x1ff: {  	v10 =	vadd.f32 v62, v10;
	v63, _, _ =	vpop (xrf2)  }
0x200: {  	s6 =	sadd.s32 $0x1, s6;
	v11 =	vadd.f32 v63, v11  }
0x201: {  	p0 =	sne.s32 s6, $0x19;
	[tilespmem:v61+s10+$0x0] =	vst.idx.msk vm2, v10  }
.Ltmp7:
0x202: {  	[tilespmem:v9+s10+$0x0] =	vst.idx.msk vm2, v11;
	(pc) =	sbr.rel @p0 .LBB2_12-.Ltmp7, $4  }
0x203: {  	[spmem:s4] =	stream.indirect.scatter.add.f32 [tilespmem:s18], [sflag:$0x5], $0x40, s7, s30, $0xb8;
	[tilespmem:$0x1FCF0] =	vst v63  }
0x204: {  	_ =	swait.ge [sflag:s11], $0x1900  }
0x205: {  	[sflag:s11] =	ssyncset.done $0x0  }
0x206: {  	s24 =	sadd.s32 $0xC8, s24;
	s20 =	sadd.s32 $0xC8, s20;
	[sflag:s11] =	ssyncadd.s32 $0xFFFFE700  }
0x207: {  	[bflag:$0x0] =	sbarrier.arrive $0xFFFF  }
0x208: {  	s7 =	sld [smem:$0x7FC]  }
0x209: {  	s14 =	sld [smem:$0x7FD];
	_ =	sdelay $0x1  }
0x20a: {  	s6 =	rddreg [dreg:$0x1a]  }
0x20b: {  	[hbm:s6], [sflag:s7] =	dma.local [spmem:s14], $0x1400  }
0x20c: {  	_ =	swait.ge [sflag:s8], $0x1400  }
0x20d: {  	[sflag:s8] =	ssyncset.done $0x0  }
0x20e: {  	[sflag:s8] =	ssyncadd.s32 $0xFFFFEC00  }
0x20f: {  	s7 =	simm.s32 $0x100;
	s6 =	simm.s32 $0x0;
	[bflag:$0x0] =	sbarrier.arrive $0xFFFF  }
.LBB2_18:
0x210: {  	p0 =	sne.s32 s7, $0x6300;
	[tilespmem:s6+$0x8CD0] =	vst v0;
	s14 =	smov.u32 s7;
	s7 =	sadd.s32 $0x100, s7  }
.Ltmp8:
0x211: {  	[tilespmem:s6+$0x8CC0] =	vst v0;
	(pc) =	sbr.rel @p0 .LBB2_18-.Ltmp8, $3  }
0x212: {  	[tilespmem:s6+$0x8CA0] =	vst v0  }
0x213: {  	[tilespmem:s6+$0x8CB0] =	vst v0;
	_ =	sdelay $0x1  }
0x214: {  	s6 =	sshra.s32 s14, $0x2  }
0x215: {  	[tilespmem:s6+$0x8CD0] =	vst v0  }
0x216: {  	[tilespmem:s6+$0x8CC0] =	vst v0  }
0x217: {  	[tilespmem:s6+$0x8CA0] =	vst v0  }
0x218: {  	[tilespmem:s6+$0x8CB0] =	vst v0;
	s19 =	rddreg [dreg:$0x12]  }
0x219: {  	[spmem:s19] =	stream.linear.scatter [tilespmem:s18], [sflag:$0x6], $0x1400, $0x38;
	[tilespmem:$0x1FCF0] =	vst v63  }
0x21a: {  	_ =	swait.ge [sflag:s8], $0x1400  }
0x21b: {  	[sflag:s8] =	ssyncset.done $0x0  }
0x21c: {  	s20 =	rddreg [dreg:$0x8];
	[sflag:s8] =	ssyncadd.s32 $0xFFFFEC00  }
0x21d: {  	[spmem:s20] =	stream.linear.scatter [tilespmem:s18], [sflag:$0x6], $0x1400, $0x38;
	[tilespmem:$0x1FCF0] =	vst v63  }
0x21e: {  	_ =	swait.ge [sflag:s8], $0x1400  }
0x21f: {  	[sflag:s8] =	ssyncset.done $0x0  }
0x220: {  	s21 =	rddreg [dreg:$0x15];
	[sflag:s8] =	ssyncadd.s32 $0xFFFFEC00  }
0x221: {  	[spmem:s21] =	stream.linear.scatter [tilespmem:s18], [sflag:$0x6], $0x1400, $0x38;
	[tilespmem:$0x1FCF0] =	vst v63  }
0x222: {  	_ =	swait.ge [sflag:s8], $0x1400  }
0x223: {  	[sflag:s8] =	ssyncset.done $0x0  }
0x224: {  	s22 =	rddreg [dreg:$0x9];
	[sflag:s8] =	ssyncadd.s32 $0xFFFFEC00  }
0x225: {  	[spmem:s22] =	stream.linear.scatter [tilespmem:s18], [sflag:$0x6], $0x1400, $0x38;
	[tilespmem:$0x1FCF0] =	vst v63  }
0x226: {  	_ =	swait.ge [sflag:s8], $0x1400  }
0x227: {  	[sflag:s8] =	ssyncset.done $0x0  }
0x228: {  	s23 =	rddreg [dreg:$0xa];
	[sflag:s8] =	ssyncadd.s32 $0xFFFFEC00  }
0x229: {  	[spmem:s23] =	stream.linear.scatter [tilespmem:s18], [sflag:$0x6], $0x1400, $0x38;
	[tilespmem:$0x1FCF0] =	vst v63  }
0x22a: {  	_ =	swait.ge [sflag:s8], $0x1400  }
0x22b: {  	[sflag:s8] =	ssyncset.done $0x0  }
0x22c: {  	s24 =	rddreg [dreg:$0xb];
	[sflag:s8] =	ssyncadd.s32 $0xFFFFEC00  }
0x22d: {  	[spmem:s24] =	stream.linear.scatter [tilespmem:s18], [sflag:$0x6], $0x1400, $0x38;
	[tilespmem:$0x1FCF0] =	vst v63  }
0x22e: {  	_ =	swait.ge [sflag:s8], $0x1400  }
0x22f: {  	[sflag:s8] =	ssyncset.done $0x0  }
0x230: {  	s25 =	rddreg [dreg:$0xc];
	[sflag:s8] =	ssyncadd.s32 $0xFFFFEC00  }
0x231: {  	[spmem:s25] =	stream.linear.scatter [tilespmem:s18], [sflag:$0x6], $0x1400, $0x38;
	[tilespmem:$0x1FCF0] =	vst v63  }
0x232: {  	_ =	swait.ge [sflag:s8], $0x1400  }
0x233: {  	[sflag:s8] =	ssyncset.done $0x0  }
0x234: {  	s26 =	rddreg [dreg:$0xd];
	[sflag:s8] =	ssyncadd.s32 $0xFFFFEC00  }
0x235: {  	[spmem:s26] =	stream.linear.scatter [tilespmem:s18], [sflag:$0x6], $0x1400, $0x38;
	[tilespmem:$0x1FCF0] =	vst v63  }
0x236: {  	_ =	swait.ge [sflag:s8], $0x1400  }
0x237: {  	[sflag:s8] =	ssyncset.done $0x0  }
0x238: {  	[sflag:s8] =	ssyncadd.s32 $0xFFFFEC00  }
0x239: {  	[bflag:$0x0] =	sbarrier.arrive $0xFFFF  }
0x23a: {  	v1 =	vld [tilespmem:$0x15BE0]  }
0x23b: {  	v2 =	vld [tilespmem:$0x15BF0]  }
0x23c: {  	v3 =	vld [tilespmem:$0x15C00]  }
0x23d: {  	v4 =	vld [tilespmem:$0x15C10]  }
0x23e: {  	v5 =	vld [tilespmem:$0x15C20]  }
0x23f: {  	v6 =	vld [tilespmem:$0x15C30]  }
0x240: {  	s14 =	simm.s32 $0x0;
	v7 =	vld [tilespmem:$0x15C40]  }
0x241: {  	s6 =	simm.s32 $0x0;
	s20 =	simm.s32 $0x64;
	s23 =	simm.s32 $0x0;
	v8 =	vld [tilespmem:$0x15C50]  }
.LBB2_20:
0x242: {  	s7 =	smul.u32 $0xD0, s6  }
0x243: {  	s19 =	rddreg [dreg:$0x13];
	s15 =	sshllo.u32 s6, $0x1  }
0x244: {  	[tilespmem:s31], [sflag:$0x1] =	stream.indirect.gather [hbm4b:s19+s30], $0x40, s7, s30, $0xb8;
	[tilespmem:$0x1FCF0] =	vst v63  }
0x245: {  	s21 =	rddreg [dreg:$0x14];
	s24 =	smul.u32 $0x68, s15;
	s17 =	sadd.s32 $0x1450, s7  }
0x246: {  	[tilespmem:s2], [sflag:$0x3] =	stream.indirect.gather [hbm4b:s21+s30], $0x40, s17, s30, $0xb8;
	[tilespmem:$0x1FCF0] =	vst v63  }
0x247: {  	_ = 	snop  }
0x248: {  	[tilespmem:s1], [sflag:$0x2] =	stream.indirect.gather [hbm4b:s19+s30], $0x40, s24, s30, $0xb8;
	[tilespmem:$0x1FCF0] =	vst v63  }
0x249: {  	s7 =	sadd.s32 $0x1450, s24  }
0x24a: {  	[tilespmem:s3], [sflag:$0x4] =	stream.indirect.gather [hbm4b:s21+s30], $0x40, s7, s30, $0xb8;
	[tilespmem:$0x1FCF0] =	vst v63  }
0x24b: {  	_ =	swait.ge [sflag:s0], $0x1900  }
0x24c: {  	s25 =	sshll.u32 s6, $0x1;
	[sflag:s0] =	ssyncset.done $0x0  }
0x24d: {  	s19 =	sadd.s32 s16, s25;
	[sflag:s0] =	ssyncadd.s32 $0xFFFFE700  }
0x24e: {  	s19 =	smul.u32 $0x320, s19;
	_ =	swait.ge [sflag:s5], $0x1900  }
0x24f: {  	[sflag:s5] =	ssyncset.done $0x0;
	s26 =	rddreg [dreg:$0x16]  }
0x250: {  	[sflag:s5] =	ssyncadd.s32 $0xFFFFE700;
	s19 =	sadd.s32 s19, s26  }
0x251: {  	[tilespmem:s9], [sflag:$0x6] =	stream.linear.gather [hbm4b:s19+s23], $0x1900, $0x38;
	[tilespmem:$0x1FCF0] =	vst v63  }
0x252: {  	_ =	swait.ge [sflag:s8], $0x1900  }
0x253: {  	[sflag:s8] =	ssyncset.done $0x0  }
0x254: {  	s19 =	simm.s32 $0x0;
	[sflag:s8] =	ssyncadd.s32 $0xFFFFE700  }
0x255: {  	v10 =	vld [tilespmem:s19+$0xA5B0]  }
0x256: {  	v9 =	vld [tilespmem:s19+$0x5AA0]  }
0x257: {  	v11 =	vld [tilespmem:s19+$0x28A0]  }
0x258: {  	v12 =	vld [tilespmem:s19+$0x28C0]  }
0x259: {  	v13 =	vld [tilespmem:s19+$0x5AB0]  }
0x25a: {  	v14 =	vld [tilespmem:s19+$0xA5A0]  }
0x25b: {  	v15 =	vld [tilespmem:s19+$0x28B0]  }
0x25c: {  	v17 =	vld [tilespmem:s19+$0x5AD0]  }
0x25d: {  	v16 =	vld [tilespmem:s19+$0x5AC0]  }
0x25e: {  	v18 =	vld [tilespmem:s19+$0x28D0];
	v9 =	vadd.f32 v9, v11;
	_ =	sdelay $0x1  }
0x25f: {  	v13 =	vadd.f32 v13, v15;
	v11 =	vld [tilespmem:s19+$0xA5C0];
	v9 =	vadd.f32 v14, v9;
	_ =	sdelay $0x1  }
0x260: {  	v16 =	vadd.f32 v16, v12;
	v15 =	vadd.f32 v10, v13;
	v10 =	vld [tilespmem:s19+$0xA5D0];
	v9 =	vmax.f32 v9, $0.0e+00  }
0x261: {  	s22 =	simm.s32 $0x100;
	s24 =	smov.u32 s14;
	s21 =	sshll.u32 s14, $0x3;
	v12 =	vadd.f32 v17, v18;
	v14 =	vmul.f32 v9, v1;
	v13 =	vmul.f32 v9, v5  }
.LBB2_21:
0x262: {  	p0 =	sne.s32 s22, $0x6300  }
0x263: {  	v15 =	vmax.f32 v15, $0.0e+00;
	v11 =	vadd.f32 v11, v16;
	s24 =	sadd.s32 $0x1, s24;
	s25 =	smov.u32 s22;
	s22 =	sadd.s32 $0x100, s22  }
0x264: {  	s26 =	sshll.u32 s24, $0x3;
	v14 =	vadd.f32 $0.0e+00, v14;
	v16 =	vmul.f32 v15, v2;
	v17 =	vmul.f32 v15, v6  }
0x265: {  	v13 =	vadd.f32 $0.0e+00, v13;
	v11 =	vmax.f32 v11, $0.0e+00;
	v10 =	vadd.f32 v10, v12  }
0x266: {  	v12 =	vadd.f32 v16, v14;
	v14 =	vmul.f32 v11, v3  }
0x267: {  	v13 =	vadd.f32 v17, v13;
	v16 =	vmul.f32 v11, v7;
	v10 =	vmax.f32 v10, $0.0e+00  }
0x268: {  	v12 =	vadd.f32 v14, v12;
	v14 =	vmul.f32 v10, v4  }
0x269: {  	s25 =	sshra.s32 s25, $0x2;
	v13 =	vadd.f32 v16, v13;
	v16 =	vmul.f32 v10, v8  }
0x26a: {  	v12 =	vadd.f32 v14, v12  }
0x26b: {  	v13 =	vadd.f32 v16, v13  }
0x26c: {  	v14 =	vmov s21;
	s21 =	smov.u32 s26;
	(xrf2) =	vadd.scan.msk.f32 $0xffff, v12  }
0x26d: {  	[tilespmem:s19+$0x8CA0] =	vst v9  }
0x26e: {  	[tilespmem:s19+$0x8CB0] =	vst v15  }
0x26f: {  	v9 =	vor.u32 $0x1, v14;
	[tilespmem:s19+$0x8CC0] =	vst v11;
	(xrf2) =	vadd.scan.msk.f32 $0xffff, v13  }
0x270: {  	[tilespmem:s19+$0x8CD0] =	vst v10;
	s19 =	smov.u32 s25  }
0x271: {  	v10 =	vld.idx.msk [tilespmem:v14+s10+$0x0], vm2;
	_ =	sdelay $0x2  }
0x272: {  	v11 =	vld.idx.msk [tilespmem:v9+s10+$0x0], vm2;
	_ =	sdelay $0x1  }
0x273: {  	v12, _, _ =	vpop (xrf2)  }
0x274: {  	v12 =	vadd.f32 v12, v10;
	_ =	sdelay $0x1  }
0x275: {  	[tilespmem:v14+s10+$0x0] =	vst.idx.msk vm2, v12;
	v10, _, _ =	vpop (xrf2)  }
0x276: {  	v10 =	vadd.f32 v10, v11;
	_ =	sdelay $0x1  }
0x277: {  	[tilespmem:v9+s10+$0x0] =	vst.idx.msk vm2, v10  }
0x278: {  	v12 =	vld [tilespmem:s19+$0xA5B0]  }
0x279: {  	v9 =	vld [tilespmem:s19+$0x5AA0]  }
0x27a: {  	v10 =	vld [tilespmem:s19+$0x28A0]  }
0x27b: {  	v13 =	vld [tilespmem:s19+$0x28C0]  }
0x27c: {  	v14 =	vld [tilespmem:s19+$0x5AB0]  }
0x27d: {  	v15 =	vld [tilespmem:s19+$0xA5A0]  }
0x27e: {  	v16 =	vld [tilespmem:s19+$0x28B0]  }
0x27f: {  	v17 =	vld [tilespmem:s19+$0x5AD0]  }
0x280: {  	v18 =	vld [tilespmem:s19+$0x5AC0]  }
0x281: {  	v9 =	vadd.f32 v9, v10;
	v19 =	vld [tilespmem:s19+$0x28D0]  }
.Ltmp9:
0x282: {  	v11 =	vld [tilespmem:s19+$0xA5C0];
	(pc) =	sbr.rel @p0 .LBB2_21-.Ltmp9, $4  }
0x283: {  	v9 =	vadd.f32 v15, v9;
	v14 =	vadd.f32 v14, v16  }
0x284: {  	v10 =	vld [tilespmem:s19+$0xA5D0]  }
0x285: {  	v9 =	vmax.f32 v9, $0.0e+00;
	v15 =	vadd.f32 v12, v14;
	v16 =	vadd.f32 v18, v13  }
0x286: {  	v14 =	vmul.f32 v9, v1;
	v13 =	vmul.f32 v9, v5;
	v12 =	vadd.f32 v17, v19  }
0x287: {  	v15 =	vmax.f32 v15, $0.0e+00;
	v11 =	vadd.f32 v11, v16  }
0x288: {  	v14 =	vadd.f32 $0.0e+00, v14;
	v16 =	vmul.f32 v15, v2;
	v17 =	vmul.f32 v15, v6  }
0x289: {  	v13 =	vadd.f32 $0.0e+00, v13;
	v11 =	vmax.f32 v11, $0.0e+00;
	v10 =	vadd.f32 v10, v12  }
0x28a: {  	v12 =	vadd.f32 v16, v14;
	v14 =	vmul.f32 v11, v3  }
0x28b: {  	v13 =	vadd.f32 v17, v13;
	v16 =	vmul.f32 v11, v7;
	v10 =	vmax.f32 v10, $0.0e+00  }
0x28c: {  	v12 =	vadd.f32 v14, v12;
	v14 =	vmul.f32 v10, v4  }
0x28d: {  	v13 =	vadd.f32 v16, v13;
	v16 =	vmul.f32 v10, v8  }
0x28e: {  	v12 =	vadd.f32 v14, v12  }
0x28f: {  	v13 =	vadd.f32 v16, v13  }
0x290: {  	(xrf2) =	vadd.scan.msk.f32 $0xffff, v12  }
0x291: {  	v12 =	vmov s21;
	(xrf2) =	vadd.scan.msk.f32 $0xffff, v13  }
0x292: {  	[tilespmem:s19+$0x8CA0] =	vst v9;
	v9 =	vor.u32 $0x1, v12  }
0x293: {  	[tilespmem:s19+$0x8CB0] =	vst v15  }
0x294: {  	[tilespmem:s19+$0x8CC0] =	vst v11  }
0x295: {  	[tilespmem:s19+$0x8CD0] =	vst v10  }
0x296: {  	v10 =	vld.idx.msk [tilespmem:v12+s10+$0x0], vm2  }
0x297: {  	v11 =	vld.idx.msk [tilespmem:v9+s10+$0x0], vm2;
	_ =	sdelay $0x2  }
0x298: {  	v13, _, _ =	vpop (xrf2)  }
0x299: {  	v10 =	vadd.f32 v13, v10;
	v13, _, _ =	vpop (xrf2)  }
0x29a: {  	v11 =	vadd.f32 v13, v11  }
0x29b: {  	[tilespmem:v12+s10+$0x0] =	vst.idx.msk vm2, v10  }
0x29c: {  	[tilespmem:v9+s10+$0x0] =	vst.idx.msk vm2, v11  }
0x29d: {  	[spmem:s4] =	stream.indirect.scatter.add.f32 [tilespmem:s18], [sflag:$0x5], $0x40, s17, s30, $0xb8;
	[tilespmem:$0x1FCF0] =	vst v63  }
0x29e: {  	_ =	swait.ge [sflag:s11], $0x1900  }
0x29f: {  	[sflag:s11] =	ssyncset.done $0x0  }
0x2a0: {  	[sflag:s11] =	ssyncadd.s32 $0xFFFFE700  }
0x2a1: {  	_ =	swait.ge [sflag:s12], $0x1900  }
0x2a2: {  	[sflag:s12] =	ssyncset.done $0x0  }
0x2a3: {  	s15 =	sadd.s32 s16, s15;
	[sflag:s12] =	ssyncadd.s32 $0xFFFFE700  }
0x2a4: {  	s15 =	smul.u32 $0x320, s15;
	_ =	swait.ge [sflag:s13], $0x1900  }
0x2a5: {  	[sflag:s13] =	ssyncset.done $0x0;
	s25 =	rddreg [dreg:$0x16]  }
0x2a6: {  	s26 =	simm.s32 $0x0;
	[sflag:s13] =	ssyncadd.s32 $0xFFFFE700;
	s15 =	sadd.s32 s15, s25  }
0x2a7: {  	[tilespmem:s9], [sflag:$0x6] =	stream.linear.gather [hbm4b:s15+s26], $0x1900, $0x38;
	[tilespmem:$0x1FCF0] =	vst v63  }
0x2a8: {  	_ =	swait.ge [sflag:s8], $0x1900  }
0x2a9: {  	[sflag:s8] =	ssyncset.done $0x0  }
0x2aa: {  	s15 =	simm.s32 $0x0;
	[sflag:s8] =	ssyncadd.s32 $0xFFFFE700  }
0x2ab: {  	v10 =	vld [tilespmem:s15+$0xA5B0]  }
0x2ac: {  	v9 =	vld [tilespmem:s15+$0x73A0]  }
0x2ad: {  	v11 =	vld [tilespmem:s15+$0x41A0]  }
0x2ae: {  	v12 =	vld [tilespmem:s15+$0x41C0]  }
0x2af: {  	v13 =	vld [tilespmem:s15+$0x73B0]  }
0x2b0: {  	v14 =	vld [tilespmem:s15+$0xA5A0]  }
0x2b1: {  	v15 =	vld [tilespmem:s15+$0x41B0]  }
0x2b2: {  	v17 =	vld [tilespmem:s15+$0x73D0]  }
0x2b3: {  	v16 =	vld [tilespmem:s15+$0x73C0]  }
0x2b4: {  	v18 =	vld [tilespmem:s15+$0x41D0];
	v9 =	vadd.f32 v9, v11;
	_ =	sdelay $0x1  }
0x2b5: {  	v13 =	vadd.f32 v13, v15;
	v11 =	vld [tilespmem:s15+$0xA5C0];
	v9 =	vadd.f32 v14, v9;
	_ =	sdelay $0x1  }
0x2b6: {  	v16 =	vadd.f32 v16, v12;
	v15 =	vadd.f32 v10, v13;
	v10 =	vld [tilespmem:s15+$0xA5D0];
	v9 =	vmax.f32 v9, $0.0e+00  }
0x2b7: {  	s19 =	simm.s32 $0x100;
	s21 =	smov.u32 s20;
	s17 =	sshll.u32 s20, $0x3;
	v12 =	vadd.f32 v17, v18;
	v14 =	vmul.f32 v9, v1;
	v13 =	vmul.f32 v9, v5  }
.LBB2_23:
0x2b8: {  	p0 =	sne.s32 s19, $0x6300  }
0x2b9: {  	v15 =	vmax.f32 v15, $0.0e+00;
	v11 =	vadd.f32 v11, v16;
	s21 =	sadd.s32 $0x1, s21;
	s22 =	smov.u32 s19;
	s19 =	sadd.s32 $0x100, s19  }
0x2ba: {  	s24 =	sshll.u32 s21, $0x3;
	v14 =	vadd.f32 $0.0e+00, v14;
	v16 =	vmul.f32 v15, v2;
	v17 =	vmul.f32 v15, v6  }
0x2bb: {  	v13 =	vadd.f32 $0.0e+00, v13;
	v11 =	vmax.f32 v11, $0.0e+00;
	v10 =	vadd.f32 v10, v12  }
0x2bc: {  	v12 =	vadd.f32 v16, v14;
	v14 =	vmul.f32 v11, v3  }
0x2bd: {  	v13 =	vadd.f32 v17, v13;
	v16 =	vmul.f32 v11, v7;
	v10 =	vmax.f32 v10, $0.0e+00  }
0x2be: {  	v12 =	vadd.f32 v14, v12;
	v14 =	vmul.f32 v10, v4  }
0x2bf: {  	s22 =	sshra.s32 s22, $0x2;
	v13 =	vadd.f32 v16, v13;
	v16 =	vmul.f32 v10, v8  }
0x2c0: {  	v12 =	vadd.f32 v14, v12  }
0x2c1: {  	v13 =	vadd.f32 v16, v13  }
0x2c2: {  	v14 =	vmov s17;
	s17 =	smov.u32 s24;
	(xrf2) =	vadd.scan.msk.f32 $0xffff, v12  }
0x2c3: {  	[tilespmem:s15+$0x8CA0] =	vst v9  }
0x2c4: {  	[tilespmem:s15+$0x8CB0] =	vst v15  }
0x2c5: {  	v9 =	vor.u32 $0x1, v14;
	[tilespmem:s15+$0x8CC0] =	vst v11;
	(xrf2) =	vadd.scan.msk.f32 $0xffff, v13  }
0x2c6: {  	[tilespmem:s15+$0x8CD0] =	vst v10;
	s15 =	smov.u32 s22  }
0x2c7: {  	v10 =	vld.idx.msk [tilespmem:v14+s10+$0x0], vm2;
	_ =	sdelay $0x2  }
0x2c8: {  	v11 =	vld.idx.msk [tilespmem:v9+s10+$0x0], vm2;
	_ =	sdelay $0x1  }
0x2c9: {  	v12, _, _ =	vpop (xrf2)  }
0x2ca: {  	v12 =	vadd.f32 v12, v10;
	_ =	sdelay $0x1  }
0x2cb: {  	[tilespmem:v14+s10+$0x0] =	vst.idx.msk vm2, v12;
	v10, _, _ =	vpop (xrf2)  }
0x2cc: {  	v10 =	vadd.f32 v10, v11;
	_ =	sdelay $0x1  }
0x2cd: {  	[tilespmem:v9+s10+$0x0] =	vst.idx.msk vm2, v10  }
0x2ce: {  	v12 =	vld [tilespmem:s15+$0xA5B0]  }
0x2cf: {  	v9 =	vld [tilespmem:s15+$0x73A0]  }
0x2d0: {  	v10 =	vld [tilespmem:s15+$0x41A0]  }
0x2d1: {  	v13 =	vld [tilespmem:s15+$0x41C0]  }
0x2d2: {  	v14 =	vld [tilespmem:s15+$0x73B0]  }
0x2d3: {  	v15 =	vld [tilespmem:s15+$0xA5A0]  }
0x2d4: {  	v16 =	vld [tilespmem:s15+$0x41B0]  }
0x2d5: {  	v17 =	vld [tilespmem:s15+$0x73D0]  }
0x2d6: {  	v18 =	vld [tilespmem:s15+$0x73C0]  }
0x2d7: {  	v9 =	vadd.f32 v9, v10;
	v19 =	vld [tilespmem:s15+$0x41D0]  }
.Ltmp10:
0x2d8: {  	v11 =	vld [tilespmem:s15+$0xA5C0];
	(pc) =	sbr.rel @p0 .LBB2_23-.Ltmp10, $4  }
0x2d9: {  	v9 =	vadd.f32 v15, v9;
	v14 =	vadd.f32 v14, v16  }
0x2da: {  	v10 =	vld [tilespmem:s15+$0xA5D0]  }
0x2db: {  	v9 =	vmax.f32 v9, $0.0e+00;
	v15 =	vadd.f32 v12, v14;
	v16 =	vadd.f32 v18, v13  }
0x2dc: {  	v14 =	vmul.f32 v9, v1;
	v13 =	vmul.f32 v9, v5;
	v12 =	vadd.f32 v17, v19  }
0x2dd: {  	v15 =	vmax.f32 v15, $0.0e+00;
	v11 =	vadd.f32 v11, v16  }
0x2de: {  	v14 =	vadd.f32 $0.0e+00, v14;
	v55 =	vmul.f32 v15, v2;
	v17 =	vmul.f32 v15, v6  }
0x2df: {  	v13 =	vadd.f32 $0.0e+00, v13;
	v11 =	vmax.f32 v11, $0.0e+00;
	v10 =	vadd.f32 v10, v12  }
0x2e0: {  	v56 =	vadd.f32 v55, v14;
	v57 =	vmul.f32 v11, v3  }
0x2e1: {  	v13 =	vadd.f32 v17, v13;
	v58 =	vmul.f32 v11, v7;
	v10 =	vmax.f32 v10, $0.0e+00  }
0x2e2: {  	v12 =	vadd.f32 v57, v56;
	v59 =	vmul.f32 v10, v4  }
0x2e3: {  	v13 =	vadd.f32 v58, v13;
	v60 =	vmul.f32 v10, v8  }
0x2e4: {  	v12 =	vadd.f32 v59, v12  }
0x2e5: {  	v13 =	vadd.f32 v60, v13  }
0x2e6: {  	(xrf2) =	vadd.scan.msk.f32 $0xffff, v12  }
0x2e7: {  	v61 =	vmov s17;
	(xrf2) =	vadd.scan.msk.f32 $0xffff, v13  }
0x2e8: {  	[tilespmem:s15+$0x8CA0] =	vst v9;
	v9 =	vor.u32 $0x1, v61  }
0x2e9: {  	[tilespmem:s15+$0x8CB0] =	vst v15  }
0x2ea: {  	[tilespmem:s15+$0x8CC0] =	vst v11  }
0x2eb: {  	[tilespmem:s15+$0x8CD0] =	vst v10  }
0x2ec: {  	v10 =	vld.idx.msk [tilespmem:v61+s10+$0x0], vm2  }
0x2ed: {  	v11 =	vld.idx.msk [tilespmem:v9+s10+$0x0], vm2;
	_ =	sdelay $0x2  }
0x2ee: {  	v62, _, _ =	vpop (xrf2)  }
0x2ef: {  	v10 =	vadd.f32 v62, v10;
	v63, _, _ =	vpop (xrf2)  }
0x2f0: {  	s6 =	sadd.s32 $0x1, s6;
	v11 =	vadd.f32 v63, v11  }
0x2f1: {  	p0 =	sne.s32 s6, $0x19;
	[tilespmem:v61+s10+$0x0] =	vst.idx.msk vm2, v10  }
.Ltmp11:
0x2f2: {  	[tilespmem:v9+s10+$0x0] =	vst.idx.msk vm2, v11;
	(pc) =	sbr.rel @p0 .LBB2_20-.Ltmp11, $4  }
0x2f3: {  	[spmem:s4] =	stream.indirect.scatter.add.f32 [tilespmem:s18], [sflag:$0x5], $0x40, s7, s30, $0xb8;
	[tilespmem:$0x1FCF0] =	vst v63  }
0x2f4: {  	_ =	swait.ge [sflag:s11], $0x1900  }
0x2f5: {  	[sflag:s11] =	ssyncset.done $0x0  }
0x2f6: {  	s14 =	sadd.s32 $0xC8, s14;
	s20 =	sadd.s32 $0xC8, s20;
	[sflag:s11] =	ssyncadd.s32 $0xFFFFE700  }
0x2f7: {  	[bflag:$0x0] =	sbarrier.arrive $0xFFFF  }
0x2f8: {  	s7 =	sld [smem:$0x7FC]  }
0x2f9: {  	s14 =	sld [smem:$0x7FD];
	_ =	sdelay $0x1  }
0x2fa: {  	s6 =	rddreg [dreg:$0x1b]  }
0x2fb: {  	[hbm:s6], [sflag:s7] =	dma.local [spmem:s14], $0x1400  }
0x2fc: {  	_ =	swait.ge [sflag:s8], $0x1400  }
0x2fd: {  	[sflag:s8] =	ssyncset.done $0x0  }
0x2fe: {  	[sflag:s8] =	ssyncadd.s32 $0xFFFFEC00  }
0x2ff: {  	s7 =	simm.s32 $0x100;
	s6 =	simm.s32 $0x0;
	[bflag:$0x0] =	sbarrier.arrive $0xFFFF  }
.LBB2_26:
0x300: {  	p0 =	sne.s32 s7, $0x6300;
	[tilespmem:s6+$0x8CD0] =	vst v0;
	s14 =	smov.u32 s7;
	s7 =	sadd.s32 $0x100, s7  }
.Ltmp12:
0x301: {  	[tilespmem:s6+$0x8CC0] =	vst v0;
	(pc) =	sbr.rel @p0 .LBB2_26-.Ltmp12, $3  }
0x302: {  	[tilespmem:s6+$0x8CA0] =	vst v0  }
0x303: {  	[tilespmem:s6+$0x8CB0] =	vst v0;
	_ =	sdelay $0x1  }
0x304: {  	s6 =	sshra.s32 s14, $0x2  }
0x305: {  	[tilespmem:s6+$0x8CD0] =	vst v0  }
0x306: {  	[tilespmem:s6+$0x8CC0] =	vst v0  }
0x307: {  	[tilespmem:s6+$0x8CA0] =	vst v0  }
0x308: {  	[tilespmem:s6+$0x8CB0] =	vst v0;
	s19 =	rddreg [dreg:$0x12]  }
0x309: {  	[spmem:s19] =	stream.linear.scatter [tilespmem:s18], [sflag:$0x6], $0x1400, $0x38;
	[tilespmem:$0x1FCF0] =	vst v63  }
0x30a: {  	_ =	swait.ge [sflag:s8], $0x1400  }
0x30b: {  	[sflag:s8] =	ssyncset.done $0x0  }
0x30c: {  	s20 =	rddreg [dreg:$0x8];
	[sflag:s8] =	ssyncadd.s32 $0xFFFFEC00  }
0x30d: {  	[spmem:s20] =	stream.linear.scatter [tilespmem:s18], [sflag:$0x6], $0x1400, $0x38;
	[tilespmem:$0x1FCF0] =	vst v63  }
0x30e: {  	_ =	swait.ge [sflag:s8], $0x1400  }
0x30f: {  	[sflag:s8] =	ssyncset.done $0x0  }
0x310: {  	s21 =	rddreg [dreg:$0x15];
	[sflag:s8] =	ssyncadd.s32 $0xFFFFEC00  }
0x311: {  	[spmem:s21] =	stream.linear.scatter [tilespmem:s18], [sflag:$0x6], $0x1400, $0x38;
	[tilespmem:$0x1FCF0] =	vst v63  }
0x312: {  	_ =	swait.ge [sflag:s8], $0x1400  }
0x313: {  	[sflag:s8] =	ssyncset.done $0x0  }
0x314: {  	s22 =	rddreg [dreg:$0x9];
	[sflag:s8] =	ssyncadd.s32 $0xFFFFEC00  }
0x315: {  	[spmem:s22] =	stream.linear.scatter [tilespmem:s18], [sflag:$0x6], $0x1400, $0x38;
	[tilespmem:$0x1FCF0] =	vst v63  }
0x316: {  	_ =	swait.ge [sflag:s8], $0x1400  }
0x317: {  	[sflag:s8] =	ssyncset.done $0x0  }
0x318: {  	s23 =	rddreg [dreg:$0xa];
	[sflag:s8] =	ssyncadd.s32 $0xFFFFEC00  }
0x319: {  	[spmem:s23] =	stream.linear.scatter [tilespmem:s18], [sflag:$0x6], $0x1400, $0x38;
	[tilespmem:$0x1FCF0] =	vst v63  }
0x31a: {  	_ =	swait.ge [sflag:s8], $0x1400  }
0x31b: {  	[sflag:s8] =	ssyncset.done $0x0  }
0x31c: {  	s24 =	rddreg [dreg:$0xb];
	[sflag:s8] =	ssyncadd.s32 $0xFFFFEC00  }
0x31d: {  	[spmem:s24] =	stream.linear.scatter [tilespmem:s18], [sflag:$0x6], $0x1400, $0x38;
	[tilespmem:$0x1FCF0] =	vst v63  }
0x31e: {  	_ =	swait.ge [sflag:s8], $0x1400  }
0x31f: {  	[sflag:s8] =	ssyncset.done $0x0  }
0x320: {  	s25 =	rddreg [dreg:$0xc];
	[sflag:s8] =	ssyncadd.s32 $0xFFFFEC00  }
0x321: {  	[spmem:s25] =	stream.linear.scatter [tilespmem:s18], [sflag:$0x6], $0x1400, $0x38;
	[tilespmem:$0x1FCF0] =	vst v63  }
0x322: {  	_ =	swait.ge [sflag:s8], $0x1400  }
0x323: {  	[sflag:s8] =	ssyncset.done $0x0  }
0x324: {  	s26 =	rddreg [dreg:$0xd];
	[sflag:s8] =	ssyncadd.s32 $0xFFFFEC00  }
0x325: {  	[spmem:s26] =	stream.linear.scatter [tilespmem:s18], [sflag:$0x6], $0x1400, $0x38;
	[tilespmem:$0x1FCF0] =	vst v63  }
0x326: {  	_ =	swait.ge [sflag:s8], $0x1400  }
0x327: {  	[sflag:s8] =	ssyncset.done $0x0  }
0x328: {  	[sflag:s8] =	ssyncadd.s32 $0xFFFFEC00  }
0x329: {  	[bflag:$0x0] =	sbarrier.arrive $0xFFFF  }
0x32a: {  	v1 =	vld [tilespmem:$0x15C60]  }
0x32b: {  	v2 =	vld [tilespmem:$0x15C70]  }
0x32c: {  	v3 =	vld [tilespmem:$0x15C80]  }
0x32d: {  	v4 =	vld [tilespmem:$0x15C90]  }
0x32e: {  	v5 =	vld [tilespmem:$0x15CA0]  }
0x32f: {  	v6 =	vld [tilespmem:$0x15CB0]  }
0x330: {  	s14 =	simm.s32 $0x0;
	v7 =	vld [tilespmem:$0x15CC0]  }
0x331: {  	s6 =	simm.s32 $0x0;
	s20 =	simm.s32 $0x64;
	s23 =	simm.s32 $0x0;
	v8 =	vld [tilespmem:$0x15CD0]  }
.LBB2_28:
0x332: {  	s7 =	smul.u32 $0xD0, s6  }
0x333: {  	s19 =	rddreg [dreg:$0x17];
	s15 =	sshllo.u32 s6, $0x1  }
0x334: {  	[tilespmem:s31], [sflag:$0x1] =	stream.indirect.gather [hbm4b:s19+s30], $0x40, s7, s30, $0xb8;
	[tilespmem:$0x1FCF0] =	vst v63  }
0x335: {  	s25 =	smul.u32 $0x68, s15;
	s17 =	sadd.s32 $0x1450, s7  }
0x336: {  	[tilespmem:s2], [sflag:$0x3] =	stream.indirect.gather [hbm4b:s28+s30], $0x40, s17, s30, $0xb8;
	[tilespmem:$0x1FCF0] =	vst v63  }
0x337: {  	_ = 	snop  }
0x338: {  	[tilespmem:s1], [sflag:$0x2] =	stream.indirect.gather [hbm4b:s19+s30], $0x40, s25, s30, $0xb8;
	[tilespmem:$0x1FCF0] =	vst v63  }
0x339: {  	s7 =	sadd.s32 $0x1450, s25  }
0x33a: {  	[tilespmem:s3], [sflag:$0x4] =	stream.indirect.gather [hbm4b:s28+s30], $0x40, s7, s30, $0xb8;
	[tilespmem:$0x1FCF0] =	vst v63  }
0x33b: {  	_ =	swait.ge [sflag:s0], $0x1900  }
0x33c: {  	s26 =	sshll.u32 s6, $0x1;
	[sflag:s0] =	ssyncset.done $0x0  }
0x33d: {  	s19 =	sadd.s32 s16, s26;
	[sflag:s0] =	ssyncadd.s32 $0xFFFFE700  }
0x33e: {  	s19 =	smul.u32 $0x320, s19;
	_ =	swait.ge [sflag:s5], $0x1900  }
0x33f: {  	[sflag:s5] =	ssyncset.done $0x0  }
0x340: {  	s19 =	sadd.s32 s19, s29;
	[sflag:s5] =	ssyncadd.s32 $0xFFFFE700  }
0x341: {  	[tilespmem:s9], [sflag:$0x6] =	stream.linear.gather [hbm4b:s19+s23], $0x1900, $0x38;
	[tilespmem:$0x1FCF0] =	vst v63  }
0x342: {  	_ =	swait.ge [sflag:s8], $0x1900  }
0x343: {  	[sflag:s8] =	ssyncset.done $0x0  }
0x344: {  	s19 =	simm.s32 $0x0;
	[sflag:s8] =	ssyncadd.s32 $0xFFFFE700  }
0x345: {  	v10 =	vld [tilespmem:s19+$0xA5B0]  }
0x346: {  	v9 =	vld [tilespmem:s19+$0x5AA0]  }
0x347: {  	v11 =	vld [tilespmem:s19+$0x28A0]  }
0x348: {  	v12 =	vld [tilespmem:s19+$0x28C0]  }
0x349: {  	v13 =	vld [tilespmem:s19+$0x5AB0]  }
0x34a: {  	v14 =	vld [tilespmem:s19+$0xA5A0]  }
0x34b: {  	v15 =	vld [tilespmem:s19+$0x28B0]  }
0x34c: {  	v17 =	vld [tilespmem:s19+$0x5AD0]  }
0x34d: {  	v16 =	vld [tilespmem:s19+$0x5AC0]  }
0x34e: {  	v18 =	vld [tilespmem:s19+$0x28D0];
	v9 =	vadd.f32 v9, v11;
	_ =	sdelay $0x1  }
0x34f: {  	v13 =	vadd.f32 v13, v15;
	v11 =	vld [tilespmem:s19+$0xA5C0];
	v9 =	vadd.f32 v14, v9;
	_ =	sdelay $0x1  }
0x350: {  	v16 =	vadd.f32 v16, v12;
	v15 =	vadd.f32 v10, v13;
	v10 =	vld [tilespmem:s19+$0xA5D0];
	v9 =	vmax.f32 v9, $0.0e+00  }
0x351: {  	s22 =	simm.s32 $0x100;
	s21 =	sshll.u32 s14, $0x3;
	s24 =	smov.u32 s14;
	v12 =	vadd.f32 v17, v18;
	v14 =	vmul.f32 v9, v1;
	v13 =	vmul.f32 v9, v5  }
.LBB2_29:
0x352: {  	p0 =	sne.s32 s22, $0x6300  }
0x353: {  	v15 =	vmax.f32 v15, $0.0e+00;
	v11 =	vadd.f32 v11, v16;
	s24 =	sadd.s32 $0x1, s24;
	s25 =	smov.u32 s22;
	s22 =	sadd.s32 $0x100, s22  }
0x354: {  	s26 =	sshll.u32 s24, $0x3;
	v14 =	vadd.f32 $0.0e+00, v14;
	v16 =	vmul.f32 v15, v2;
	v17 =	vmul.f32 v15, v6  }
0x355: {  	v13 =	vadd.f32 $0.0e+00, v13;
	v11 =	vmax.f32 v11, $0.0e+00;
	v10 =	vadd.f32 v10, v12  }
0x356: {  	v12 =	vadd.f32 v16, v14;
	v14 =	vmul.f32 v11, v3  }
0x357: {  	v13 =	vadd.f32 v17, v13;
	v16 =	vmul.f32 v11, v7;
	v10 =	vmax.f32 v10, $0.0e+00  }
0x358: {  	v12 =	vadd.f32 v14, v12;
	v14 =	vmul.f32 v10, v4  }
0x359: {  	s25 =	sshra.s32 s25, $0x2;
	v13 =	vadd.f32 v16, v13;
	v16 =	vmul.f32 v10, v8  }
0x35a: {  	v12 =	vadd.f32 v14, v12  }
0x35b: {  	v13 =	vadd.f32 v16, v13  }
0x35c: {  	v14 =	vmov s21;
	s21 =	smov.u32 s26;
	(xrf2) =	vadd.scan.msk.f32 $0xffff, v12  }
0x35d: {  	[tilespmem:s19+$0x8CA0] =	vst v9  }
0x35e: {  	[tilespmem:s19+$0x8CB0] =	vst v15  }
0x35f: {  	v9 =	vor.u32 $0x1, v14;
	[tilespmem:s19+$0x8CC0] =	vst v11;
	(xrf2) =	vadd.scan.msk.f32 $0xffff, v13  }
0x360: {  	[tilespmem:s19+$0x8CD0] =	vst v10;
	s19 =	smov.u32 s25  }
0x361: {  	v10 =	vld.idx.msk [tilespmem:v14+s10+$0x0], vm2;
	_ =	sdelay $0x2  }
0x362: {  	v11 =	vld.idx.msk [tilespmem:v9+s10+$0x0], vm2;
	_ =	sdelay $0x1  }
0x363: {  	v12, _, _ =	vpop (xrf2)  }
0x364: {  	v12 =	vadd.f32 v12, v10;
	_ =	sdelay $0x1  }
0x365: {  	[tilespmem:v14+s10+$0x0] =	vst.idx.msk vm2, v12;
	v10, _, _ =	vpop (xrf2)  }
0x366: {  	v10 =	vadd.f32 v10, v11;
	_ =	sdelay $0x1  }
0x367: {  	[tilespmem:v9+s10+$0x0] =	vst.idx.msk vm2, v10  }
0x368: {  	v12 =	vld [tilespmem:s19+$0xA5B0]  }
0x369: {  	v9 =	vld [tilespmem:s19+$0x5AA0]  }
0x36a: {  	v10 =	vld [tilespmem:s19+$0x28A0]  }
0x36b: {  	v13 =	vld [tilespmem:s19+$0x28C0]  }
0x36c: {  	v14 =	vld [tilespmem:s19+$0x5AB0]  }
0x36d: {  	v15 =	vld [tilespmem:s19+$0xA5A0]  }
0x36e: {  	v16 =	vld [tilespmem:s19+$0x28B0]  }
0x36f: {  	v17 =	vld [tilespmem:s19+$0x5AD0]  }
0x370: {  	v18 =	vld [tilespmem:s19+$0x5AC0]  }
0x371: {  	v9 =	vadd.f32 v9, v10;
	v19 =	vld [tilespmem:s19+$0x28D0]  }
.Ltmp13:
0x372: {  	v11 =	vld [tilespmem:s19+$0xA5C0];
	(pc) =	sbr.rel @p0 .LBB2_29-.Ltmp13, $4  }
0x373: {  	v9 =	vadd.f32 v15, v9;
	v14 =	vadd.f32 v14, v16  }
0x374: {  	v10 =	vld [tilespmem:s19+$0xA5D0]  }
0x375: {  	v9 =	vmax.f32 v9, $0.0e+00;
	v15 =	vadd.f32 v12, v14;
	v16 =	vadd.f32 v18, v13  }
0x376: {  	v14 =	vmul.f32 v9, v1;
	v13 =	vmul.f32 v9, v5;
	v12 =	vadd.f32 v17, v19  }
0x377: {  	v15 =	vmax.f32 v15, $0.0e+00;
	v11 =	vadd.f32 v11, v16  }
0x378: {  	v14 =	vadd.f32 $0.0e+00, v14;
	v16 =	vmul.f32 v15, v2;
	v17 =	vmul.f32 v15, v6  }
0x379: {  	v13 =	vadd.f32 $0.0e+00, v13;
	v11 =	vmax.f32 v11, $0.0e+00;
	v10 =	vadd.f32 v10, v12  }
0x37a: {  	v12 =	vadd.f32 v16, v14;
	v14 =	vmul.f32 v11, v3  }
0x37b: {  	v13 =	vadd.f32 v17, v13;
	v16 =	vmul.f32 v11, v7;
	v10 =	vmax.f32 v10, $0.0e+00  }
0x37c: {  	v12 =	vadd.f32 v14, v12;
	v14 =	vmul.f32 v10, v4  }
0x37d: {  	v13 =	vadd.f32 v16, v13;
	v16 =	vmul.f32 v10, v8  }
0x37e: {  	v12 =	vadd.f32 v14, v12  }
0x37f: {  	v13 =	vadd.f32 v16, v13  }
0x380: {  	(xrf2) =	vadd.scan.msk.f32 $0xffff, v12  }
0x381: {  	v12 =	vmov s21;
	(xrf2) =	vadd.scan.msk.f32 $0xffff, v13  }
0x382: {  	[tilespmem:s19+$0x8CA0] =	vst v9;
	v9 =	vor.u32 $0x1, v12  }
0x383: {  	[tilespmem:s19+$0x8CB0] =	vst v15  }
0x384: {  	[tilespmem:s19+$0x8CC0] =	vst v11  }
0x385: {  	[tilespmem:s19+$0x8CD0] =	vst v10  }
0x386: {  	v10 =	vld.idx.msk [tilespmem:v12+s10+$0x0], vm2  }
0x387: {  	v11 =	vld.idx.msk [tilespmem:v9+s10+$0x0], vm2;
	_ =	sdelay $0x2  }
0x388: {  	v13, _, _ =	vpop (xrf2)  }
0x389: {  	v10 =	vadd.f32 v13, v10;
	v13, _, _ =	vpop (xrf2)  }
0x38a: {  	v11 =	vadd.f32 v13, v11  }
0x38b: {  	[tilespmem:v12+s10+$0x0] =	vst.idx.msk vm2, v10  }
0x38c: {  	[tilespmem:v9+s10+$0x0] =	vst.idx.msk vm2, v11  }
0x38d: {  	[spmem:s4] =	stream.indirect.scatter.add.f32 [tilespmem:s18], [sflag:$0x5], $0x40, s17, s30, $0xb8;
	[tilespmem:$0x1FCF0] =	vst v63  }
0x38e: {  	_ =	swait.ge [sflag:s11], $0x1900  }
0x38f: {  	[sflag:s11] =	ssyncset.done $0x0  }
0x390: {  	[sflag:s11] =	ssyncadd.s32 $0xFFFFE700  }
0x391: {  	_ =	swait.ge [sflag:s12], $0x1900  }
0x392: {  	[sflag:s12] =	ssyncset.done $0x0  }
0x393: {  	s15 =	sadd.s32 s16, s15;
	[sflag:s12] =	ssyncadd.s32 $0xFFFFE700  }
0x394: {  	s15 =	smul.u32 $0x320, s15;
	_ =	swait.ge [sflag:s13], $0x1900  }
0x395: {  	[sflag:s13] =	ssyncset.done $0x0  }
0x396: {  	s26 =	simm.s32 $0x0;
	s15 =	sadd.s32 s15, s29;
	[sflag:s13] =	ssyncadd.s32 $0xFFFFE700  }
0x397: {  	[tilespmem:s9], [sflag:$0x6] =	stream.linear.gather [hbm4b:s15+s26], $0x1900, $0x38;
	[tilespmem:$0x1FCF0] =	vst v63  }
0x398: {  	_ =	swait.ge [sflag:s8], $0x1900  }
0x399: {  	[sflag:s8] =	ssyncset.done $0x0  }
0x39a: {  	s15 =	simm.s32 $0x0;
	[sflag:s8] =	ssyncadd.s32 $0xFFFFE700  }
0x39b: {  	v10 =	vld [tilespmem:s15+$0xA5B0]  }
0x39c: {  	v9 =	vld [tilespmem:s15+$0x73A0]  }
0x39d: {  	v11 =	vld [tilespmem:s15+$0x41A0]  }
0x39e: {  	v12 =	vld [tilespmem:s15+$0x41C0]  }
0x39f: {  	v13 =	vld [tilespmem:s15+$0x73B0]  }
0x3a0: {  	v14 =	vld [tilespmem:s15+$0xA5A0]  }
0x3a1: {  	v15 =	vld [tilespmem:s15+$0x41B0]  }
0x3a2: {  	v17 =	vld [tilespmem:s15+$0x73D0]  }
0x3a3: {  	v16 =	vld [tilespmem:s15+$0x73C0]  }
0x3a4: {  	v18 =	vld [tilespmem:s15+$0x41D0];
	v9 =	vadd.f32 v9, v11;
	_ =	sdelay $0x1  }
0x3a5: {  	v13 =	vadd.f32 v13, v15;
	v11 =	vld [tilespmem:s15+$0xA5C0];
	v9 =	vadd.f32 v14, v9;
	_ =	sdelay $0x1  }
0x3a6: {  	v16 =	vadd.f32 v16, v12;
	v15 =	vadd.f32 v10, v13;
	v10 =	vld [tilespmem:s15+$0xA5D0];
	v9 =	vmax.f32 v9, $0.0e+00  }
0x3a7: {  	s19 =	simm.s32 $0x100;
	s21 =	smov.u32 s20;
	s17 =	sshll.u32 s20, $0x3;
	v12 =	vadd.f32 v17, v18;
	v14 =	vmul.f32 v9, v1;
	v13 =	vmul.f32 v9, v5  }
.LBB2_31:
0x3a8: {  	p0 =	sne.s32 s19, $0x6300  }
0x3a9: {  	v15 =	vmax.f32 v15, $0.0e+00;
	v11 =	vadd.f32 v11, v16;
	s21 =	sadd.s32 $0x1, s21;
	s22 =	smov.u32 s19;
	s19 =	sadd.s32 $0x100, s19  }
0x3aa: {  	s24 =	sshll.u32 s21, $0x3;
	v14 =	vadd.f32 $0.0e+00, v14;
	v16 =	vmul.f32 v15, v2;
	v17 =	vmul.f32 v15, v6  }
0x3ab: {  	v13 =	vadd.f32 $0.0e+00, v13;
	v11 =	vmax.f32 v11, $0.0e+00;
	v10 =	vadd.f32 v10, v12  }
0x3ac: {  	v12 =	vadd.f32 v16, v14;
	v14 =	vmul.f32 v11, v3  }
0x3ad: {  	v13 =	vadd.f32 v17, v13;
	v16 =	vmul.f32 v11, v7;
	v10 =	vmax.f32 v10, $0.0e+00  }
0x3ae: {  	v12 =	vadd.f32 v14, v12;
	v14 =	vmul.f32 v10, v4  }
0x3af: {  	s22 =	sshra.s32 s22, $0x2;
	v13 =	vadd.f32 v16, v13;
	v16 =	vmul.f32 v10, v8  }
0x3b0: {  	v12 =	vadd.f32 v14, v12  }
0x3b1: {  	v13 =	vadd.f32 v16, v13  }
0x3b2: {  	v14 =	vmov s17;
	s17 =	smov.u32 s24;
	(xrf2) =	vadd.scan.msk.f32 $0xffff, v12  }
0x3b3: {  	[tilespmem:s15+$0x8CA0] =	vst v9  }
0x3b4: {  	[tilespmem:s15+$0x8CB0] =	vst v15  }
0x3b5: {  	v9 =	vor.u32 $0x1, v14;
	[tilespmem:s15+$0x8CC0] =	vst v11;
	(xrf2) =	vadd.scan.msk.f32 $0xffff, v13  }
0x3b6: {  	[tilespmem:s15+$0x8CD0] =	vst v10;
	s15 =	smov.u32 s22  }
0x3b7: {  	v10 =	vld.idx.msk [tilespmem:v14+s10+$0x0], vm2;
	_ =	sdelay $0x2  }
0x3b8: {  	v11 =	vld.idx.msk [tilespmem:v9+s10+$0x0], vm2;
	_ =	sdelay $0x1  }
0x3b9: {  	v12, _, _ =	vpop (xrf2)  }
0x3ba: {  	v12 =	vadd.f32 v12, v10;
	_ =	sdelay $0x1  }
0x3bb: {  	[tilespmem:v14+s10+$0x0] =	vst.idx.msk vm2, v12;
	v10, _, _ =	vpop (xrf2)  }
0x3bc: {  	v10 =	vadd.f32 v10, v11;
	_ =	sdelay $0x1  }
0x3bd: {  	[tilespmem:v9+s10+$0x0] =	vst.idx.msk vm2, v10  }
0x3be: {  	v12 =	vld [tilespmem:s15+$0xA5B0]  }
0x3bf: {  	v9 =	vld [tilespmem:s15+$0x73A0]  }
0x3c0: {  	v10 =	vld [tilespmem:s15+$0x41A0]  }
0x3c1: {  	v13 =	vld [tilespmem:s15+$0x41C0]  }
0x3c2: {  	v14 =	vld [tilespmem:s15+$0x73B0]  }
0x3c3: {  	v15 =	vld [tilespmem:s15+$0xA5A0]  }
0x3c4: {  	v16 =	vld [tilespmem:s15+$0x41B0]  }
0x3c5: {  	v17 =	vld [tilespmem:s15+$0x73D0]  }
0x3c6: {  	v18 =	vld [tilespmem:s15+$0x73C0]  }
0x3c7: {  	v9 =	vadd.f32 v9, v10;
	v19 =	vld [tilespmem:s15+$0x41D0]  }
.Ltmp14:
0x3c8: {  	v11 =	vld [tilespmem:s15+$0xA5C0];
	(pc) =	sbr.rel @p0 .LBB2_31-.Ltmp14, $4  }
0x3c9: {  	v9 =	vadd.f32 v15, v9;
	v14 =	vadd.f32 v14, v16  }
0x3ca: {  	v10 =	vld [tilespmem:s15+$0xA5D0]  }
0x3cb: {  	v9 =	vmax.f32 v9, $0.0e+00;
	v15 =	vadd.f32 v12, v14;
	v16 =	vadd.f32 v18, v13  }
0x3cc: {  	v14 =	vmul.f32 v9, v1;
	v13 =	vmul.f32 v9, v5;
	v12 =	vadd.f32 v17, v19  }
0x3cd: {  	v15 =	vmax.f32 v15, $0.0e+00;
	v11 =	vadd.f32 v11, v16  }
0x3ce: {  	v14 =	vadd.f32 $0.0e+00, v14;
	v55 =	vmul.f32 v15, v2;
	v17 =	vmul.f32 v15, v6  }
0x3cf: {  	v13 =	vadd.f32 $0.0e+00, v13;
	v11 =	vmax.f32 v11, $0.0e+00;
	v10 =	vadd.f32 v10, v12  }
0x3d0: {  	v56 =	vadd.f32 v55, v14;
	v57 =	vmul.f32 v11, v3  }
0x3d1: {  	v13 =	vadd.f32 v17, v13;
	v58 =	vmul.f32 v11, v7;
	v10 =	vmax.f32 v10, $0.0e+00  }
0x3d2: {  	v12 =	vadd.f32 v57, v56;
	v59 =	vmul.f32 v10, v4  }
0x3d3: {  	v13 =	vadd.f32 v58, v13;
	v60 =	vmul.f32 v10, v8  }
0x3d4: {  	v12 =	vadd.f32 v59, v12  }
0x3d5: {  	v13 =	vadd.f32 v60, v13  }
0x3d6: {  	(xrf2) =	vadd.scan.msk.f32 $0xffff, v12  }
0x3d7: {  	v61 =	vmov s17;
	(xrf2) =	vadd.scan.msk.f32 $0xffff, v13  }
0x3d8: {  	[tilespmem:s15+$0x8CA0] =	vst v9;
	v9 =	vor.u32 $0x1, v61  }
0x3d9: {  	[tilespmem:s15+$0x8CB0] =	vst v15  }
0x3da: {  	[tilespmem:s15+$0x8CC0] =	vst v11  }
0x3db: {  	[tilespmem:s15+$0x8CD0] =	vst v10  }
0x3dc: {  	v10 =	vld.idx.msk [tilespmem:v61+s10+$0x0], vm2  }
0x3dd: {  	v11 =	vld.idx.msk [tilespmem:v9+s10+$0x0], vm2;
	_ =	sdelay $0x2  }
0x3de: {  	v62, _, _ =	vpop (xrf2)  }
0x3df: {  	v10 =	vadd.f32 v62, v10;
	v63, _, _ =	vpop (xrf2)  }
0x3e0: {  	s6 =	sadd.s32 $0x1, s6;
	v11 =	vadd.f32 v63, v11  }
0x3e1: {  	p0 =	sne.s32 s6, $0x19;
	[tilespmem:v61+s10+$0x0] =	vst.idx.msk vm2, v10  }
.Ltmp15:
0x3e2: {  	[tilespmem:v9+s10+$0x0] =	vst.idx.msk vm2, v11;
	(pc) =	sbr.rel @p0 .LBB2_28-.Ltmp15, $4  }
0x3e3: {  	[spmem:s4] =	stream.indirect.scatter.add.f32 [tilespmem:s18], [sflag:$0x5], $0x40, s7, s30, $0xb8;
	[tilespmem:$0x1FCF0] =	vst v63  }
0x3e4: {  	_ =	swait.ge [sflag:s11], $0x1900  }
0x3e5: {  	[sflag:s11] =	ssyncset.done $0x0  }
0x3e6: {  	s14 =	sadd.s32 $0xC8, s14;
	s20 =	sadd.s32 $0xC8, s20;
	[sflag:s11] =	ssyncadd.s32 $0xFFFFE700  }
0x3e7: {  	[bflag:$0x0] =	sbarrier.arrive $0xFFFF  }
0x3e8: {  	s7 =	sld [smem:$0x7FC]  }
0x3e9: {  	s14 =	sld [smem:$0x7FD];
	_ =	sdelay $0x1  }
0x3ea: {  	s6 =	rddreg [dreg:$0x1c]  }
0x3eb: {  	[hbm:s6], [sflag:s7] =	dma.local [spmem:s14], $0x1400  }
0x3ec: {  	_ =	swait.ge [sflag:s8], $0x1400  }
0x3ed: {  	[sflag:s8] =	ssyncset.done $0x0  }
0x3ee: {  	[sflag:s8] =	ssyncadd.s32 $0xFFFFEC00  }
0x3ef: {  	[bflag:$0x0] =	sbarrier.arrive $0xFFFF  }
0x3f0: {  	s14 =	simm.s32 $0x0;
	s24 =	rddreg [dreg:$0x1d]  }
0x3f1: {  	[hbm4b:s24+s14] =	stream.linear.scatter [tilespmem:s10], [sflag:$0x6], $0x9C40, $0x38;
	[tilespmem:$0x1FCF0] =	vst v63  }
0x3f2: {  	_ =	swait.ge [sflag:s8], $0x9C40  }
0x3f3: {  	s25 =	rddreg [dreg:$0x1f]  }
0x3f4: {  	s26 =	rddreg [dreg:$0x1e];
	s7 =	sadd.s32 $0x1, s25  }
0x3f5: {  	p0 =	sne.s32 s7, s26  }
.Ltmp16:
0x3f6: {  	_ = 	snop;
	(pc) =	sbr.rel @p0 .LBB2_1-.Ltmp16, $3  }
0x3f7: {  	_ =	sdelay $0x1  }
0x3f8: {  	[sflag:s8] =	ssyncset.done $0x0  }
0x3f9: {  	[sflag:s8] =	ssyncadd.s32 $0xFFFF63C0  }
0x3fa: {  	_ =	sfence.sel $0x180000  }
0x3fb: {  	[bflag:$0x0] =	sbarrier.arrive $0xFFFF  }
0x3fc: {  	_ =	strace $0x90000047  }
0x3fd: {  	s0 =	stileid.u32;
	[bflag:$0x2] =	sbarrier.arrive $0xFFFF  }
0x3fe: {  	p0 =	sne.s32 s0, $0x0;
	s0 =	rddreg [dreg:$0x4]  }
0x3ff: {  	s0 =	sadd.s32 @!p0 $0x100000, s0  }
0x400: {  	[sflag:s0] =	ssyncadd.tile.s32 @!p0 $0x1;
	_ =	shalt  }
.Lfunc_end2:
_tile_overlayer_lowered:
.L_overlay_start_2:
0x401: {  	(tag) =	ssettag $0x2  }
0x402: {  	s0 =	rddreg [dreg:$0x0];
	s2 =	stileid.u32  }
0x403: {  	s1 =	rddreg [dreg:$0x1];
	p0 =	sne.s32 s2, $0x0  }
0x404: {  	s3 =	rddreg [dreg:$0x2];
	[bflag:$0x3] =	sbarrier.arrive $0xFFFF;
	s2 =	simm.s32 @!p0 $0x1C06  }
0x405: {  	[timem:s3], [sflag:s2] =	dma.local @!p0 [hbm:s0], s1  }
0x406: {  	s0 =	simm.s32 @!p0 $0x6  }
0x407: {  	_ =	swait.ge @!p0 [sflag:s0], s1  }
0x408: {  	s1 =	ssub.s32 @!p0 $0x0, s1;
	[sflag:s0] =	ssyncset.done @!p0 $0x0  }
0x409: {  	[sflag:s0] =	ssyncadd.s32 @!p0 s1  }
0x40a: {  	[bflag:$0x3] =	sbarrier.arrive $0xFFFF  }
0x40b: {  	_ =	shalt  }

</sc_bundles>
